<compile_context>
chip_gen: v7x
topology: tpu7x:2x2x1
jax: 0.10.2.dev20260603
libtpu: 0.0.44.dev20260713+nightly
codegen_flags: <defaults>
</compile_context>

<pallas_src>
import functools

import jax
import jax.numpy as jnp
from jax import lax
from jax.experimental import pallas as pl
from jax.experimental.pallas import tpu as pltpu
from jax.experimental.pallas import tpu_sc as plsc

BATCH = 16384
EMBED_DIM = 64
TILE_ROWS = 8
LANES = 16
NUM_WORKERS = 32
B_PER_W = BATCH // NUM_WORKERS
CHUNK = 16
NCHUNK = B_PER_W // CHUNK


def _sc_body(users_hbm, items_hbm, utab_hbm, itab_hbm, out_hbm,
             idx_u, idx_i, u_a, i_a, u_b, i_b, out_v, sem_a, sem_b):
    c = lax.axis_index("c")
    s = lax.axis_index("s")
    wid = s * 2 + c
    base = wid * B_PER_W

    pltpu.sync_copy(users_hbm.at[pl.ds(base, B_PER_W)], idx_u)
    pltpu.sync_copy(items_hbm.at[pl.ds(base, B_PER_W)], idx_i)

    def fire(cn, u_buf, i_buf, sem):
        def fire_g(g, carry):
            vu = idx_u[pl.ds(cn * CHUNK + g * LANES, LANES)] >> 3
            vi = idx_i[pl.ds(cn * CHUNK + g * LANES, LANES)] >> 3
            for j in range(LANES):
                ublk = pl.multiple_of(vu[j] * TILE_ROWS, TILE_ROWS)
                iblk = pl.multiple_of(vi[j] * TILE_ROWS, TILE_ROWS)
                dst = pl.ds((g * LANES + j) * TILE_ROWS, TILE_ROWS)
                pltpu.make_async_copy(
                    utab_hbm.at[pl.ds(ublk, TILE_ROWS), :], u_buf.at[dst, :],
                    sem).start()
                pltpu.make_async_copy(
                    itab_hbm.at[pl.ds(iblk, TILE_ROWS), :], i_buf.at[dst, :],
                    sem).start()
            return carry

        lax.fori_loop(0, CHUNK // LANES, fire_g, 0)

    def drain(u_buf, i_buf, sem):
        def drain_j(j, carry):
            pltpu.make_async_copy(
                utab_hbm.at[pl.ds(0, TILE_ROWS), :],
                u_buf.at[pl.ds(0, TILE_ROWS), :], sem).wait()
            pltpu.make_async_copy(
                utab_hbm.at[pl.ds(0, TILE_ROWS), :],
                i_buf.at[pl.ds(0, TILE_ROWS), :], sem).wait()
            return carry

        lax.fori_loop(0, CHUNK, drain_j, 0)

    def compute(cn, u_buf, i_buf):
        def g_body(g, carry):
            bsl = pl.ds(cn * CHUNK + g * LANES, LANES)
            rows_u = (g * LANES + lax.iota(jnp.int32, LANES)) * TILE_ROWS \
                + (idx_u[bsl] & 7)
            rows_i = (g * LANES + lax.iota(jnp.int32, LANES)) * TILE_ROWS \
                + (idx_i[bsl] & 7)
            cols = jnp.zeros((LANES,), jnp.int32)
            acc0 = jnp.zeros((LANES,), jnp.float32)
            acc1 = jnp.zeros((LANES,), jnp.float32)
            for d in range(EMBED_DIM):
                u = plsc.load_gather(u_buf, [rows_u, cols])
                v = plsc.load_gather(i_buf, [rows_i, cols])
                if d % 2 == 0:
                    acc0 = acc0 + u * v
                else:
                    acc1 = acc1 + u * v
                if d != EMBED_DIM - 1:
                    cols = cols + 1
            out_v[pl.ds(cn * CHUNK + g * LANES, LANES)] = acc0 + acc1
            return carry

        lax.fori_loop(0, CHUNK // LANES, g_body, 0)

    fire(0, u_a, i_a, sem_a)

    def pair_body(p, carry):
        fire(2 * p + 1, u_b, i_b, sem_b)
        drain(u_a, i_a, sem_a)
        compute(2 * p, u_a, i_a)

        @pl.when(p < NCHUNK // 2 - 1)
        def _():
            fire(2 * p + 2, u_a, i_a, sem_a)

        drain(u_b, i_b, sem_b)
        compute(2 * p + 1, u_b, i_b)
        return carry

    lax.fori_loop(0, NCHUNK // 2, pair_body, 0)

    pltpu.sync_copy(out_v, out_hbm.at[pl.ds(base, B_PER_W)])


@functools.partial(
    pl.kernel,
    out_type=jax.ShapeDtypeStruct((BATCH,), jnp.float32),
    mesh=plsc.VectorSubcoreMesh(core_axis_name="c", subcore_axis_name="s"),
    compiler_params=pltpu.CompilerParams(needs_layout_passes=False),
    scratch_types=[
        pltpu.VMEM((B_PER_W,), jnp.int32),
        pltpu.VMEM((B_PER_W,), jnp.int32),
        pltpu.VMEM((CHUNK * TILE_ROWS, EMBED_DIM), jnp.float32),
        pltpu.VMEM((CHUNK * TILE_ROWS, EMBED_DIM), jnp.float32),
        pltpu.VMEM((CHUNK * TILE_ROWS, EMBED_DIM), jnp.float32),
        pltpu.VMEM((CHUNK * TILE_ROWS, EMBED_DIM), jnp.float32),
        pltpu.VMEM((B_PER_W,), jnp.float32),
        pltpu.SemaphoreType.DMA,
        pltpu.SemaphoreType.DMA,
    ],
)
def _sc_kernel(users, items, utab, itab, out, idx_u, idx_i, u_a, i_a, u_b,
               i_b, out_v, sem_a, sem_b):
    _sc_body(users, items, utab, itab, out, idx_u, idx_i, u_a, i_a, u_b, i_b,
             out_v, sem_a, sem_b)


def kernel(users, items, user_table, item_table):
    return _sc_kernel(users.astype(jnp.int32), items.astype(jnp.int32),
                      user_table, item_table)

# --- scband reference (transcript-rebuilt; emitter-appended) ---
"""Pipeline reference for scband-bprmf-11235634446939 (READ-ONLY COPY).

The authoritative reference and input builder live on the scoring server;
editing this copy changes nothing except your own understanding.
"""

import jax, jax.numpy as jnp
import numpy as np

NUM_USERS = 1000000
NUM_ITEMS = 1000000
EMBED_DIM = 64
BATCH = 16384


def setup_inputs(seed: int = 0) -> dict:
    key = jax.random.key(seed)
    k1, k2, k3, k4 = jax.random.split(key, 4)
    users = jax.random.randint(k1, (BATCH,), 0, NUM_USERS, dtype=jnp.int64 if jax.config.jax_enable_x64 else jnp.int32)
    items = jax.random.randint(k2, (BATCH,), 0, NUM_ITEMS, dtype=jnp.int64 if jax.config.jax_enable_x64 else jnp.int32)
    user_table = jax.random.normal(k3, (NUM_USERS, EMBED_DIM), dtype=jnp.float32) * 0.01
    item_table = jax.random.normal(k4, (NUM_ITEMS, EMBED_DIM), dtype=jnp.float32) * 0.01
    return {"users": users, "items": items, "user_table": user_table, "item_table": item_table}


def reference(users, items, user_table, item_table):
    # u = embedding_user(users); i = embedding_item(items); s = (u*i).sum(-1)
    u = jnp.take(user_table, users, axis=0)
    i = jnp.take(item_table, items, axis=0)
    s = jnp.sum(u * i, axis=-1)
    return s

if __name__ == "__main__":
    import jax
    _d = setup_inputs()
    print(jax.jit(kernel)(*tuple(_d.values())))

</pallas_src>

<mosaic_0001>
#map = affine_map<(d0, d1) -> (0)>
#map1 = affine_map<(d0, d1) -> (0, 0)>
module attributes {stable_mosaic.version = 14 : i64} {
  func.func @_sc_kernel(%arg0: i32, %arg1: i32, %arg2: memref<16384xi32, #tpu.memory_space<hbm>>, %arg3: memref<16384xi32, #tpu.memory_space<hbm>>, %arg4: memref<1000000x64xf32, #tpu.memory_space<hbm>>, %arg5: memref<1000000x64xf32, #tpu.memory_space<hbm>>, %arg6: memref<16384xf32, #tpu.memory_space<hbm>>, %arg7: memref<512xi32, #tpu.memory_space<vmem>>, %arg8: memref<512xi32, #tpu.memory_space<vmem>>, %arg9: memref<128x64xf32, #tpu.memory_space<vmem>>, %arg10: memref<128x64xf32, #tpu.memory_space<vmem>>, %arg11: memref<128x64xf32, #tpu.memory_space<vmem>>, %arg12: memref<128x64xf32, #tpu.memory_space<vmem>>, %arg13: memref<512xf32, #tpu.memory_space<vmem>>, %arg14: memref<!tpu.dma_semaphore, #tpu.memory_space<semaphore_mem>>, %arg15: memref<!tpu.dma_semaphore, #tpu.memory_space<semaphore_mem>>) attributes {dimension_semantics = [#tpu.dimension_semantics<core_parallel>, #tpu.dimension_semantics<subcore_parallel>], iteration_bounds = array<i64: 2, 16>, scalar_prefetch = 0 : i64, scratch_operands = 9 : i64, tpu.core_type = #tpu.core_type<sc_vector_subcore>, window_params = [{transform_indices = #map}, {transform_indices = #map}, {transform_indices = #map1}, {transform_indices = #map1}, {transform_indices = #map}]} {
    %mul3A = arith.constant 2 : i32
    %mul3A_0 = arith.muli %arg1, %mul3A : i32
    %add3A = arith.addi %mul3A_0, %arg0 : i32
    %mul3A_1 = arith.constant 512 : i32
    %mul3A_2 = arith.muli %add3A, %mul3A_1 : i32
    "tpu.region"() ({
      %run_scoped3A = tpu.sem_alloc : memref<!tpu.dma_semaphore, #tpu.memory_space<semaphore_mem>>
      %dma_start3A_535 = tpu.memref_slice %arg2[%mul3A_2] : memref<16384xi32, #tpu.memory_space<hbm>> -> memref<512xi32, #tpu.memory_space<hbm>>
      %dma_start3A_536 = tpu.memref_slice %arg2[%mul3A_2] : memref<16384xi32, #tpu.memory_space<hbm>> -> memref<512xi32, #tpu.memory_space<hbm>>
      tpu.enqueue_dma source(%dma_start3A_536 : memref<512xi32, #tpu.memory_space<hbm>>) target(%arg7 : memref<512xi32, #tpu.memory_space<vmem>>) target_semaphore(%run_scoped3A : memref<!tpu.dma_semaphore, #tpu.memory_space<semaphore_mem>>)
      %dma_wait3A = tpu.memref_slice %arg2[%mul3A_2] : memref<16384xi32, #tpu.memory_space<hbm>> -> memref<512xi32, #tpu.memory_space<hbm>>
      %dma_wait3A_537 = tpu.memref_slice %arg2[%mul3A_2] : memref<16384xi32, #tpu.memory_space<hbm>> -> memref<512xi32, #tpu.memory_space<hbm>>
      tpu.wait_dma2 semaphore(%run_scoped3A : memref<!tpu.dma_semaphore, #tpu.memory_space<semaphore_mem>>) src(%dma_wait3A_537 : memref<512xi32, #tpu.memory_space<hbm>>) dst(%arg7 : memref<512xi32, #tpu.memory_space<vmem>>)
      tpu.yield
    }) : () -> ()
    "tpu.region"() ({
      %run_scoped3A = tpu.sem_alloc : memref<!tpu.dma_semaphore, #tpu.memory_space<semaphore_mem>>
      %dma_start3A_535 = tpu.memref_slice %arg3[%mul3A_2] : memref<16384xi32, #tpu.memory_space<hbm>> -> memref<512xi32, #tpu.memory_space<hbm>>
      %dma_start3A_536 = tpu.memref_slice %arg3[%mul3A_2] : memref<16384xi32, #tpu.memory_space<hbm>> -> memref<512xi32, #tpu.memory_space<hbm>>
      tpu.enqueue_dma source(%dma_start3A_536 : memref<512xi32, #tpu.memory_space<hbm>>) target(%arg8 : memref<512xi32, #tpu.memory_space<vmem>>) target_semaphore(%run_scoped3A : memref<!tpu.dma_semaphore, #tpu.memory_space<semaphore_mem>>)
      %dma_wait3A = tpu.memref_slice %arg3[%mul3A_2] : memref<16384xi32, #tpu.memory_space<hbm>> -> memref<512xi32, #tpu.memory_space<hbm>>
      %dma_wait3A_537 = tpu.memref_slice %arg3[%mul3A_2] : memref<16384xi32, #tpu.memory_space<hbm>> -> memref<512xi32, #tpu.memory_space<hbm>>
      tpu.wait_dma2 semaphore(%run_scoped3A : memref<!tpu.dma_semaphore, #tpu.memory_space<semaphore_mem>>) src(%dma_wait3A_537 : memref<512xi32, #tpu.memory_space<hbm>>) dst(%arg8 : memref<512xi32, #tpu.memory_space<vmem>>)
      tpu.yield
    }) : () -> ()
    %scan3A = arith.constant 0 : i32
    %scan3A_3 = arith.constant 0 : i32
    %mul3A_4 = arith.constant 16 : i32
    %mul3A_5 = arith.muli %scan3A_3, %mul3A_4 : i32
    %add3A_6 = arith.constant 0 : i32
    %add3A_7 = arith.addi %add3A_6, %mul3A_5 : i32
    %get3A = arith.index_cast %add3A_7 : i32 to index
    %get3A_8 = tpu.vector_load %arg7[%get3A] {strides = array<i32>} : memref<512xi32, #tpu.memory_space<vmem>>, vector<16xi32>,
    %shift_right_arithmetic3A = arith.constant 3 : i32
    %shift_right_arithmetic3A_9 = vector.broadcast %shift_right_arithmetic3A : i32 to vector<16xi32>
    %shift_right_arithmetic3A_10 = arith.shrsi %get3A_8, %shift_right_arithmetic3A_9 : vector<16xi32>
    %mul3A_11 = arith.constant 16 : i32
    %mul3A_12 = arith.muli %scan3A_3, %mul3A_11 : i32
    %add3A_13 = arith.constant 0 : i32
    %add3A_14 = arith.addi %add3A_13, %mul3A_12 : i32
    %get3A_15 = arith.index_cast %add3A_14 : i32 to index
    %get3A_16 = tpu.vector_load %arg8[%get3A_15] {strides = array<i32>} : memref<512xi32, #tpu.memory_space<vmem>>, vector<16xi32>,
    %shift_right_arithmetic3A_17 = arith.constant 3 : i32
    %shift_right_arithmetic3A_18 = vector.broadcast %shift_right_arithmetic3A_17 : i32 to vector<16xi32>
    %shift_right_arithmetic3A_19 = arith.shrsi %get3A_16, %shift_right_arithmetic3A_18 : vector<16xi32>
    %slice3A = vector.extract_strided_slice %shift_right_arithmetic3A_10 {offsets = [0], sizes = [1], strides = [1]} : vector<16xi32> to vector<1xi32>
    %squeeze3A = vector.extract %slice3A[0] : i32 from vector<1xi32>
    %mul3A_20 = arith.constant 8 : i32
    %mul3A_21 = arith.muli %squeeze3A, %mul3A_20 : i32
    %multiple_of3A = tpu.assume_multiple %mul3A_21, 8 : i32
    %slice3A_22 = vector.extract_strided_slice %shift_right_arithmetic3A_19 {offsets = [0], sizes = [1], strides = [1]} : vector<16xi32> to vector<1xi32>
    %squeeze3A_23 = vector.extract %slice3A_22[0] : i32 from vector<1xi32>
    %mul3A_24 = arith.constant 8 : i32
    %mul3A_25 = arith.muli %squeeze3A_23, %mul3A_24 : i32
    %multiple_of3A_26 = tpu.assume_multiple %mul3A_25, 8 : i32
    %mul3A_27 = arith.constant 16 : i32
    %mul3A_28 = arith.muli %scan3A_3, %mul3A_27 : i32
    %add3A_29 = arith.constant 0 : i32
    %add3A_30 = arith.addi %mul3A_28, %add3A_29 : i32
    %mul3A_31 = arith.constant 8 : i32
    %mul3A_32 = arith.muli %add3A_30, %mul3A_31 : i32
    %dma_start3A = arith.constant 0 : i32
    %dma_start3A_33 = tpu.memref_slice %arg9[%mul3A_32, %dma_start3A] : memref<128x64xf32, #tpu.memory_space<vmem>> -> memref<8x64xf32, #tpu.memory_space<vmem>>
    %dma_start3A_34 = arith.constant 0 : i32
    %dma_start3A_35 = tpu.memref_slice %arg4[%multiple_of3A, %dma_start3A_34] : memref<1000000x64xf32, #tpu.memory_space<hbm>> -> memref<8x64xf32, #tpu.memory_space<hbm>>
    %dma_start3A_36 = arith.constant 0 : i32
    %dma_start3A_37 = tpu.memref_slice %arg9[%mul3A_32, %dma_start3A_36] : memref<128x64xf32, #tpu.memory_space<vmem>> -> memref<8x64xf32, #tpu.memory_space<vmem>>
    %dma_start3A_38 = arith.constant 0 : i32
    %dma_start3A_39 = tpu.memref_slice %arg4[%multiple_of3A, %dma_start3A_38] : memref<1000000x64xf32, #tpu.memory_space<hbm>> -> memref<8x64xf32, #tpu.memory_space<hbm>>
    tpu.enqueue_dma source(%dma_start3A_39 : memref<8x64xf32, #tpu.memory_space<hbm>>) target(%dma_start3A_37 : memref<8x64xf32, #tpu.memory_space<vmem>>) target_semaphore(%arg14 : memref<!tpu.dma_semaphore, #tpu.memory_space<semaphore_mem>>)
    %dma_start3A_40 = arith.constant 0 : i32
    %dma_start3A_41 = tpu.memref_slice %arg10[%mul3A_32, %dma_start3A_40] : memref<128x64xf32, #tpu.memory_space<vmem>> -> memref<8x64xf32, #tpu.memory_space<vmem>>
    %dma_start3A_42 = arith.constant 0 : i32
    %dma_start3A_43 = tpu.memref_slice %arg5[%multiple_of3A_26, %dma_start3A_42] : memref<1000000x64xf32, #tpu.memory_space<hbm>> -> memref<8x64xf32, #tpu.memory_space<hbm>>
    %dma_start3A_44 = arith.constant 0 : i32
    %dma_start3A_45 = tpu.memref_slice %arg10[%mul3A_32, %dma_start3A_44] : memref<128x64xf32, #tpu.memory_space<vmem>> -> memref<8x64xf32, #tpu.memory_space<vmem>>
    %dma_start3A_46 = arith.constant 0 : i32
    %dma_start3A_47 = tpu.memref_slice %arg5[%multiple_of3A_26, %dma_start3A_46] : memref<1000000x64xf32, #tpu.memory_space<hbm>> -> memref<8x64xf32, #tpu.memory_space<hbm>>
    tpu.enqueue_dma source(%dma_start3A_47 : memref<8x64xf32, #tpu.memory_space<hbm>>) target(%dma_start3A_45 : memref<8x64xf32, #tpu.memory_space<vmem>>) target_semaphore(%arg14 : memref<!tpu.dma_semaphore, #tpu.memory_space<semaphore_mem>>)
    %slice3A_48 = vector.extract_strided_slice %shift_right_arithmetic3A_10 {offsets = [1], sizes = [1], strides = [1]} : vector<16xi32> to vector<1xi32>
    %squeeze3A_49 = vector.extract %slice3A_48[0] : i32 from vector<1xi32>
    %mul3A_50 = arith.constant 8 : i32
    %mul3A_51 = arith.muli %squeeze3A_49, %mul3A_50 : i32
    %multiple_of3A_52 = tpu.assume_multiple %mul3A_51, 8 : i32
    %slice3A_53 = vector.extract_strided_slice %shift_right_arithmetic3A_19 {offsets = [1], sizes = [1], strides = [1]} : vector<16xi32> to vector<1xi32>
    %squeeze3A_54 = vector.extract %slice3A_53[0] : i32 from vector<1xi32>
    %mul3A_55 = arith.constant 8 : i32
    %mul3A_56 = arith.muli %squeeze3A_54, %mul3A_55 : i32
    %multiple_of3A_57 = tpu.assume_multiple %mul3A_56, 8 : i32
    %mul3A_58 = arith.constant 16 : i32
    %mul3A_59 = arith.muli %scan3A_3, %mul3A_58 : i32
    %add3A_60 = arith.constant 1 : i32
    %add3A_61 = arith.addi %mul3A_59, %add3A_60 : i32
    %mul3A_62 = arith.constant 8 : i32
    %mul3A_63 = arith.muli %add3A_61, %mul3A_62 : i32
    %dma_start3A_64 = arith.constant 0 : i32
    %dma_start3A_65 = tpu.memref_slice %arg9[%mul3A_63, %dma_start3A_64] : memref<128x64xf32, #tpu.memory_space<vmem>> -> memref<8x64xf32, #tpu.memory_space<vmem>>
    %dma_start3A_66 = arith.constant 0 : i32
    %dma_start3A_67 = tpu.memref_slice %arg4[%multiple_of3A_52, %dma_start3A_66] : memref<1000000x64xf32, #tpu.memory_space<hbm>> -> memref<8x64xf32, #tpu.memory_space<hbm>>
    %dma_start3A_68 = arith.constant 0 : i32
    %dma_start3A_69 = tpu.memref_slice %arg9[%mul3A_63, %dma_start3A_68] : memref<128x64xf32, #tpu.memory_space<vmem>> -> memref<8x64xf32, #tpu.memory_space<vmem>>
    %dma_start3A_70 = arith.constant 0 : i32
    %dma_start3A_71 = tpu.memref_slice %arg4[%multiple_of3A_52, %dma_start3A_70] : memref<1000000x64xf32, #tpu.memory_space<hbm>> -> memref<8x64xf32, #tpu.memory_space<hbm>>
    tpu.enqueue_dma source(%dma_start3A_71 : memref<8x64xf32, #tpu.memory_space<hbm>>) target(%dma_start3A_69 : memref<8x64xf32, #tpu.memory_space<vmem>>) target_semaphore(%arg14 : memref<!tpu.dma_semaphore, #tpu.memory_space<semaphore_mem>>)
    %dma_start3A_72 = arith.constant 0 : i32
    %dma_start3A_73 = tpu.memref_slice %arg10[%mul3A_63, %dma_start3A_72] : memref<128x64xf32, #tpu.memory_space<vmem>> -> memref<8x64xf32, #tpu.memory_space<vmem>>
    %dma_start3A_74 = arith.constant 0 : i32
    %dma_start3A_75 = tpu.memref_slice %arg5[%multiple_of3A_57, %dma_start3A_74] : memref<1000000x64xf32, #tpu.memory_space<hbm>> -> memref<8x64xf32, #tpu.memory_space<hbm>>
    %dma_start3A_76 = arith.constant 0 : i32
    %dma_start3A_77 = tpu.memref_slice %arg10[%mul3A_63, %dma_start3A_76] : memref<128x64xf32, #tpu.memory_space<vmem>> -> memref<8x64xf32, #tpu.memory_space<vmem>>
    %dma_start3A_78 = arith.constant 0 : i32
    %dma_start3A_79 = tpu.memref_slice %arg5[%multiple_of3A_57, %dma_start3A_78] : memref<1000000x64xf32, #tpu.memory_space<hbm>> -> memref<8x64xf32, #tpu.memory_space<hbm>>
    tpu.enqueue_dma source(%dma_start3A_79 : memref<8x64xf32, #tpu.memory_space<hbm>>) target(%dma_start3A_77 : memref<8x64xf32, #tpu.memory_space<vmem>>) target_semaphore(%arg14 : memref<!tpu.dma_semaphore, #tpu.memory_space<semaphore_mem>>)
    %slice3A_80 = vector.extract_strided_slice %shift_right_arithmetic3A_10 {offsets = [2], sizes = [1], strides = [1]} : vector<16xi32> to vector<1xi32>
    %squeeze3A_81 = vector.extract %slice3A_80[0] : i32 from vector<1xi32>
    %mul3A_82 = arith.constant 8 : i32
    %mul3A_83 = arith.muli %squeeze3A_81, %mul3A_82 : i32
    %multiple_of3A_84 = tpu.assume_multiple %mul3A_83, 8 : i32
    %slice3A_85 = vector.extract_strided_slice %shift_right_arithmetic3A_19 {offsets = [2], sizes = [1], strides = [1]} : vector<16xi32> to vector<1xi32>
    %squeeze3A_86 = vector.extract %slice3A_85[0] : i32 from vector<1xi32>
    %mul3A_87 = arith.constant 8 : i32
    %mul3A_88 = arith.muli %squeeze3A_86, %mul3A_87 : i32
    %multiple_of3A_89 = tpu.assume_multiple %mul3A_88, 8 : i32
    %mul3A_90 = arith.constant 16 : i32
    %mul3A_91 = arith.muli %scan3A_3, %mul3A_90 : i32
    %add3A_92 = arith.constant 2 : i32
    %add3A_93 = arith.addi %mul3A_91, %add3A_92 : i32
    %mul3A_94 = arith.constant 8 : i32
    %mul3A_95 = arith.muli %add3A_93, %mul3A_94 : i32
    %dma_start3A_96 = arith.constant 0 : i32
    %dma_start3A_97 = tpu.memref_slice %arg9[%mul3A_95, %dma_start3A_96] : memref<128x64xf32, #tpu.memory_space<vmem>> -> memref<8x64xf32, #tpu.memory_space<vmem>>
    %dma_start3A_98 = arith.constant 0 : i32
    %dma_start3A_99 = tpu.memref_slice %arg4[%multiple_of3A_84, %dma_start3A_98] : memref<1000000x64xf32, #tpu.memory_space<hbm>> -> memref<8x64xf32, #tpu.memory_space<hbm>>
    %dma_start3A_100 = arith.constant 0 : i32
    %dma_start3A_101 = tpu.memref_slice %arg9[%mul3A_95, %dma_start3A_100] : memref<128x64xf32, #tpu.memory_space<vmem>> -> memref<8x64xf32, #tpu.memory_space<vmem>>
    %dma_start3A_102 = arith.constant 0 : i32
    %dma_start3A_103 = tpu.memref_slice %arg4[%multiple_of3A_84, %dma_start3A_102] : memref<1000000x64xf32, #tpu.memory_space<hbm>> -> memref<8x64xf32, #tpu.memory_space<hbm>>
    tpu.enqueue_dma source(%dma_start3A_103 : memref<8x64xf32, #tpu.memory_space<hbm>>) target(%dma_start3A_101 : memref<8x64xf32, #tpu.memory_space<vmem>>) target_semaphore(%arg14 : memref<!tpu.dma_semaphore, #tpu.memory_space<semaphore_mem>>)
    %dma_start3A_104 = arith.constant 0 : i32
    %dma_start3A_105 = tpu.memref_slice %arg10[%mul3A_95, %dma_start3A_104] : memref<128x64xf32, #tpu.memory_space<vmem>> -> memref<8x64xf32, #tpu.memory_space<vmem>>
    %dma_start3A_106 = arith.constant 0 : i32
    %dma_start3A_107 = tpu.memref_slice %arg5[%multiple_of3A_89, %dma_start3A_106] : memref<1000000x64xf32, #tpu.memory_space<hbm>> -> memref<8x64xf32, #tpu.memory_space<hbm>>
    %dma_start3A_108 = arith.constant 0 : i32
    %dma_start3A_109 = tpu.memref_slice %arg10[%mul3A_95, %dma_start3A_108] : memref<128x64xf32, #tpu.memory_space<vmem>> -> memref<8x64xf32, #tpu.memory_space<vmem>>
    %dma_start3A_110 = arith.constant 0 : i32
    %dma_start3A_111 = tpu.memref_slice %arg5[%multiple_of3A_89, %dma_start3A_110] : memref<1000000x64xf32, #tpu.memory_space<hbm>> -> memref<8x64xf32, #tpu.memory_space<hbm>>
    tpu.enqueue_dma source(%dma_start3A_111 : memref<8x64xf32, #tpu.memory_space<hbm>>) target(%dma_start3A_109 : memref<8x64xf32, #tpu.memory_space<vmem>>) target_semaphore(%arg14 : memref<!tpu.dma_semaphore, #tpu.memory_space<semaphore_mem>>)
    %slice3A_112 = vector.extract_strided_slice %shift_right_arithmetic3A_10 {offsets = [3], sizes = [1], strides = [1]} : vector<16xi32> to vector<1xi32>
    %squeeze3A_113 = vector.extract %slice3A_112[0] : i32 from vector<1xi32>
    %mul3A_114 = arith.constant 8 : i32
    %mul3A_115 = arith.muli %squeeze3A_113, %mul3A_114 : i32
    %multiple_of3A_116 = tpu.assume_multiple %mul3A_115, 8 : i32
    %slice3A_117 = vector.extract_strided_slice %shift_right_arithmetic3A_19 {offsets = [3], sizes = [1], strides = [1]} : vector<16xi32> to vector<1xi32>
    %squeeze3A_118 = vector.extract %slice3A_117[0] : i32 from vector<1xi32>
    %mul3A_119 = arith.constant 8 : i32
    %mul3A_120 = arith.muli %squeeze3A_118, %mul3A_119 : i32
    %multiple_of3A_121 = tpu.assume_multiple %mul3A_120, 8 : i32
    %mul3A_122 = arith.constant 16 : i32
    %mul3A_123 = arith.muli %scan3A_3, %mul3A_122 : i32
    %add3A_124 = arith.constant 3 : i32
    %add3A_125 = arith.addi %mul3A_123, %add3A_124 : i32
    %mul3A_126 = arith.constant 8 : i32
    %mul3A_127 = arith.muli %add3A_125, %mul3A_126 : i32
    %dma_start3A_128 = arith.constant 0 : i32
    %dma_start3A_129 = tpu.memref_slice %arg9[%mul3A_127, %dma_start3A_128] : memref<128x64xf32, #tpu.memory_space<vmem>> -> memref<8x64xf32, #tpu.memory_space<vmem>>
    %dma_start3A_130 = arith.constant 0 : i32
    %dma_start3A_131 = tpu.memref_slice %arg4[%multiple_of3A_116, %dma_start3A_130] : memref<1000000x64xf32, #tpu.memory_space<hbm>> -> memref<8x64xf32, #tpu.memory_space<hbm>>
    %dma_start3A_132 = arith.constant 0 : i32
    %dma_start3A_133 = tpu.memref_slice %arg9[%mul3A_127, %dma_start3A_132] : memref<128x64xf32, #tpu.memory_space<vmem>> -> memref<8x64xf32, #tpu.memory_space<vmem>>
    %dma_start3A_134 = arith.constant 0 : i32
    %dma_start3A_135 = tpu.memref_slice %arg4[%multiple_of3A_116, %dma_start3A_134] : memref<1000000x64xf32, #tpu.memory_space<hbm>> -> memref<8x64xf32, #tpu.memory_space<hbm>>
    tpu.enqueue_dma source(%dma_start3A_135 : memref<8x64xf32, #tpu.memory_space<hbm>>) target(%dma_start3A_133 : memref<8x64xf32, #tpu.memory_space<vmem>>) target_semaphore(%arg14 : memref<!tpu.dma_semaphore, #tpu.memory_space<semaphore_mem>>)
    %dma_start3A_136 = arith.constant 0 : i32
    %dma_start3A_137 = tpu.memref_slice %arg10[%mul3A_127, %dma_start3A_136] : memref<128x64xf32, #tpu.memory_space<vmem>> -> memref<8x64xf32, #tpu.memory_space<vmem>>
    %dma_start3A_138 = arith.constant 0 : i32
    %dma_start3A_139 = tpu.memref_slice %arg5[%multiple_of3A_121, %dma_start3A_138] : memref<1000000x64xf32, #tpu.memory_space<hbm>> -> memref<8x64xf32, #tpu.memory_space<hbm>>
    %dma_start3A_140 = arith.constant 0 : i32
    %dma_start3A_141 = tpu.memref_slice %arg10[%mul3A_127, %dma_start3A_140] : memref<128x64xf32, #tpu.memory_space<vmem>> -> memref<8x64xf32, #tpu.memory_space<vmem>>
    %dma_start3A_142 = arith.constant 0 : i32
    %dma_start3A_143 = tpu.memref_slice %arg5[%multiple_of3A_121, %dma_start3A_142] : memref<1000000x64xf32, #tpu.memory_space<hbm>> -> memref<8x64xf32, #tpu.memory_space<hbm>>
    tpu.enqueue_dma source(%dma_start3A_143 : memref<8x64xf32, #tpu.memory_space<hbm>>) target(%dma_start3A_141 : memref<8x64xf32, #tpu.memory_space<vmem>>) target_semaphore(%arg14 : memref<!tpu.dma_semaphore, #tpu.memory_space<semaphore_mem>>)
    %slice3A_144 = vector.extract_strided_slice %shift_right_arithmetic3A_10 {offsets = [4], sizes = [1], strides = [1]} : vector<16xi32> to vector<1xi32>
    %squeeze3A_145 = vector.extract %slice3A_144[0] : i32 from vector<1xi32>
    %mul3A_146 = arith.constant 8 : i32
    %mul3A_147 = arith.muli %squeeze3A_145, %mul3A_146 : i32
    %multiple_of3A_148 = tpu.assume_multiple %mul3A_147, 8 : i32
    %slice3A_149 = vector.extract_strided_slice %shift_right_arithmetic3A_19 {offsets = [4], sizes = [1], strides = [1]} : vector<16xi32> to vector<1xi32>
    %squeeze3A_150 = vector.extract %slice3A_149[0] : i32 from vector<1xi32>
    %mul3A_151 = arith.constant 8 : i32
    %mul3A_152 = arith.muli %squeeze3A_150, %mul3A_151 : i32
    %multiple_of3A_153 = tpu.assume_multiple %mul3A_152, 8 : i32
    %mul3A_154 = arith.constant 16 : i32
    %mul3A_155 = arith.muli %scan3A_3, %mul3A_154 : i32
    %add3A_156 = arith.constant 4 : i32
    %add3A_157 = arith.addi %mul3A_155, %add3A_156 : i32
    %mul3A_158 = arith.constant 8 : i32
    %mul3A_159 = arith.muli %add3A_157, %mul3A_158 : i32
    %dma_start3A_160 = arith.constant 0 : i32
    %dma_start3A_161 = tpu.memref_slice %arg9[%mul3A_159, %dma_start3A_160] : memref<128x64xf32, #tpu.memory_space<vmem>> -> memref<8x64xf32, #tpu.memory_space<vmem>>
    %dma_start3A_162 = arith.constant 0 : i32
    %dma_start3A_163 = tpu.memref_slice %arg4[%multiple_of3A_148, %dma_start3A_162] : memref<1000000x64xf32, #tpu.memory_space<hbm>> -> memref<8x64xf32, #tpu.memory_space<hbm>>
    %dma_start3A_164 = arith.constant 0 : i32
    %dma_start3A_165 = tpu.memref_slice %arg9[%mul3A_159, %dma_start3A_164] : memref<128x64xf32, #tpu.memory_space<vmem>> -> memref<8x64xf32, #tpu.memory_space<vmem>>
    %dma_start3A_166 = arith.constant 0 : i32
    %dma_start3A_167 = tpu.memref_slice %arg4[%multiple_of3A_148, %dma_start3A_166] : memref<1000000x64xf32, #tpu.memory_space<hbm>> -> memref<8x64xf32, #tpu.memory_space<hbm>>
    tpu.enqueue_dma source(%dma_start3A_167 : memref<8x64xf32, #tpu.memory_space<hbm>>) target(%dma_start3A_165 : memref<8x64xf32, #tpu.memory_space<vmem>>) target_semaphore(%arg14 : memref<!tpu.dma_semaphore, #tpu.memory_space<semaphore_mem>>)
    %dma_start3A_168 = arith.constant 0 : i32
    %dma_start3A_169 = tpu.memref_slice %arg10[%mul3A_159, %dma_start3A_168] : memref<128x64xf32, #tpu.memory_space<vmem>> -> memref<8x64xf32, #tpu.memory_space<vmem>>
    %dma_start3A_170 = arith.constant 0 : i32
    %dma_start3A_171 = tpu.memref_slice %arg5[%multiple_of3A_153, %dma_start3A_170] : memref<1000000x64xf32, #tpu.memory_space<hbm>> -> memref<8x64xf32, #tpu.memory_space<hbm>>
    %dma_start3A_172 = arith.constant 0 : i32
    %dma_start3A_173 = tpu.memref_slice %arg10[%mul3A_159, %dma_start3A_172] : memref<128x64xf32, #tpu.memory_space<vmem>> -> memref<8x64xf32, #tpu.memory_space<vmem>>
    %dma_start3A_174 = arith.constant 0 : i32
    %dma_start3A_175 = tpu.memref_slice %arg5[%multiple_of3A_153, %dma_start3A_174] : memref<1000000x64xf32, #tpu.memory_space<hbm>> -> memref<8x64xf32, #tpu.memory_space<hbm>>
    tpu.enqueue_dma source(%dma_start3A_175 : memref<8x64xf32, #tpu.memory_space<hbm>>) target(%dma_start3A_173 : memref<8x64xf32, #tpu.memory_space<vmem>>) target_semaphore(%arg14 : memref<!tpu.dma_semaphore, #tpu.memory_space<semaphore_mem>>)
    %slice3A_176 = vector.extract_strided_slice %shift_right_arithmetic3A_10 {offsets = [5], sizes = [1], strides = [1]} : vector<16xi32> to vector<1xi32>
    %squeeze3A_177 = vector.extract %slice3A_176[0] : i32 from vector<1xi32>
    %mul3A_178 = arith.constant 8 : i32
    %mul3A_179 = arith.muli %squeeze3A_177, %mul3A_178 : i32
    %multiple_of3A_180 = tpu.assume_multiple %mul3A_179, 8 : i32
    %slice3A_181 = vector.extract_strided_slice %shift_right_arithmetic3A_19 {offsets = [5], sizes = [1], strides = [1]} : vector<16xi32> to vector<1xi32>
    %squeeze3A_182 = vector.extract %slice3A_181[0] : i32 from vector<1xi32>
    %mul3A_183 = arith.constant 8 : i32
    %mul3A_184 = arith.muli %squeeze3A_182, %mul3A_183 : i32
    %multiple_of3A_185 = tpu.assume_multiple %mul3A_184, 8 : i32
    %mul3A_186 = arith.constant 16 : i32
    %mul3A_187 = arith.muli %scan3A_3, %mul3A_186 : i32
    %add3A_188 = arith.constant 5 : i32
    %add3A_189 = arith.addi %mul3A_187, %add3A_188 : i32
    %mul3A_190 = arith.constant 8 : i32
    %mul3A_191 = arith.muli %add3A_189, %mul3A_190 : i32
    %dma_start3A_192 = arith.constant 0 : i32
    %dma_start3A_193 = tpu.memref_slice %arg9[%mul3A_191, %dma_start3A_192] : memref<128x64xf32, #tpu.memory_space<vmem>> -> memref<8x64xf32, #tpu.memory_space<vmem>>
    %dma_start3A_194 = arith.constant 0 : i32
    %dma_start3A_195 = tpu.memref_slice %arg4[%multiple_of3A_180, %dma_start3A_194] : memref<1000000x64xf32, #tpu.memory_space<hbm>> -> memref<8x64xf32, #tpu.memory_space<hbm>>
    %dma_start3A_196 = arith.constant 0 : i32
    %dma_start3A_197 = tpu.memref_slice %arg9[%mul3A_191, %dma_start3A_196] : memref<128x64xf32, #tpu.memory_space<vmem>> -> memref<8x64xf32, #tpu.memory_space<vmem>>
    %dma_start3A_198 = arith.constant 0 : i32
    %dma_start3A_199 = tpu.memref_slice %arg4[%multiple_of3A_180, %dma_start3A_198] : memref<1000000x64xf32, #tpu.memory_space<hbm>> -> memref<8x64xf32, #tpu.memory_space<hbm>>
    tpu.enqueue_dma source(%dma_start3A_199 : memref<8x64xf32, #tpu.memory_space<hbm>>) target(%dma_start3A_197 : memref<8x64xf32, #tpu.memory_space<vmem>>) target_semaphore(%arg14 : memref<!tpu.dma_semaphore, #tpu.memory_space<semaphore_mem>>)
    %dma_start3A_200 = arith.constant 0 : i32
    %dma_start3A_201 = tpu.memref_slice %arg10[%mul3A_191, %dma_start3A_200] : memref<128x64xf32, #tpu.memory_space<vmem>> -> memref<8x64xf32, #tpu.memory_space<vmem>>
    %dma_start3A_202 = arith.constant 0 : i32
    %dma_start3A_203 = tpu.memref_slice %arg5[%multiple_of3A_185, %dma_start3A_202] : memref<1000000x64xf32, #tpu.memory_space<hbm>> -> memref<8x64xf32, #tpu.memory_space<hbm>>
    %dma_start3A_204 = arith.constant 0 : i32
    %dma_start3A_205 = tpu.memref_slice %arg10[%mul3A_191, %dma_start3A_204] : memref<128x64xf32, #tpu.memory_space<vmem>> -> memref<8x64xf32, #tpu.memory_space<vmem>>
    %dma_start3A_206 = arith.constant 0 : i32
    %dma_start3A_207 = tpu.memref_slice %arg5[%multiple_of3A_185, %dma_start3A_206] : memref<1000000x64xf32, #tpu.memory_space<hbm>> -> memref<8x64xf32, #tpu.memory_space<hbm>>
    tpu.enqueue_dma source(%dma_start3A_207 : memref<8x64xf32, #tpu.memory_space<hbm>>) target(%dma_start3A_205 : memref<8x64xf32, #tpu.memory_space<vmem>>) target_semaphore(%arg14 : memref<!tpu.dma_semaphore, #tpu.memory_space<semaphore_mem>>)
    %slice3A_208 = vector.extract_strided_slice %shift_right_arithmetic3A_10 {offsets = [6], sizes = [1], strides = [1]} : vector<16xi32> to vector<1xi32>
    %squeeze3A_209 = vector.extract %slice3A_208[0] : i32 from vector<1xi32>
    %mul3A_210 = arith.constant 8 : i32
    %mul3A_211 = arith.muli %squeeze3A_209, %mul3A_210 : i32
    %multiple_of3A_212 = tpu.assume_multiple %mul3A_211, 8 : i32
    %slice3A_213 = vector.extract_strided_slice %shift_right_arithmetic3A_19 {offsets = [6], sizes = [1], strides = [1]} : vector<16xi32> to vector<1xi32>
    %squeeze3A_214 = vector.extract %slice3A_213[0] : i32 from vector<1xi32>
    %mul3A_215 = arith.constant 8 : i32
    %mul3A_216 = arith.muli %squeeze3A_214, %mul3A_215 : i32
    %multiple_of3A_217 = tpu.assume_multiple %mul3A_216, 8 : i32
    %mul3A_218 = arith.constant 16 : i32
    %mul3A_219 = arith.muli %scan3A_3, %mul3A_218 : i32
    %add3A_220 = arith.constant 6 : i32
    %add3A_221 = arith.addi %mul3A_219, %add3A_220 : i32
    %mul3A_222 = arith.constant 8 : i32
    %mul3A_223 = arith.muli %add3A_221, %mul3A_222 : i32
    %dma_start3A_224 = arith.constant 0 : i32
    %dma_start3A_225 = tpu.memref_slice %arg9[%mul3A_223, %dma_start3A_224] : memref<128x64xf32, #tpu.memory_space<vmem>> -> memref<8x64xf32, #tpu.memory_space<vmem>>
    %dma_start3A_226 = arith.constant 0 : i32
    %dma_start3A_227 = tpu.memref_slice %arg4[%multiple_of3A_212, %dma_start3A_226] : memref<1000000x64xf32, #tpu.memory_space<hbm>> -> memref<8x64xf32, #tpu.memory_space<hbm>>
    %dma_start3A_228 = arith.constant 0 : i32
    %dma_start3A_229 = tpu.memref_slice %arg9[%mul3A_223, %dma_start3A_228] : memref<128x64xf32, #tpu.memory_space<vmem>> -> memref<8x64xf32, #tpu.memory_space<vmem>>
    %dma_start3A_230 = arith.constant 0 : i32
    %dma_start3A_231 = tpu.memref_slice %arg4[%multiple_of3A_212, %dma_start3A_230] : memref<1000000x64xf32, #tpu.memory_space<hbm>> -> memref<8x64xf32, #tpu.memory_space<hbm>>
    tpu.enqueue_dma source(%dma_start3A_231 : memref<8x64xf32, #tpu.memory_space<hbm>>) target(%dma_start3A_229 : memref<8x64xf32, #tpu.memory_space<vmem>>) target_semaphore(%arg14 : memref<!tpu.dma_semaphore, #tpu.memory_space<semaphore_mem>>)
    %dma_start3A_232 = arith.constant 0 : i32
    %dma_start3A_233 = tpu.memref_slice %arg10[%mul3A_223, %dma_start3A_232] : memref<128x64xf32, #tpu.memory_space<vmem>> -> memref<8x64xf32, #tpu.memory_space<vmem>>
    %dma_start3A_234 = arith.constant 0 : i32
    %dma_start3A_235 = tpu.memref_slice %arg5[%multiple_of3A_217, %dma_start3A_234] : memref<1000000x64xf32, #tpu.memory_space<hbm>> -> memref<8x64xf32, #tpu.memory_space<hbm>>
    %dma_start3A_236 = arith.constant 0 : i32
    %dma_start3A_237 = tpu.memref_slice %arg10[%mul3A_223, %dma_start3A_236] : memref<128x64xf32, #tpu.memory_space<vmem>> -> memref<8x64xf32, #tpu.memory_space<vmem>>
    %dma_start3A_238 = arith.constant 0 : i32
    %dma_start3A_239 = tpu.memref_slice %arg5[%multiple_of3A_217, %dma_start3A_238] : memref<1000000x64xf32, #tpu.memory_space<hbm>> -> memref<8x64xf32, #tpu.memory_space<hbm>>
    tpu.enqueue_dma source(%dma_start3A_239 : memref<8x64xf32, #tpu.memory_space<hbm>>) target(%dma_start3A_237 : memref<8x64xf32, #tpu.memory_space<vmem>>) target_semaphore(%arg14 : memref<!tpu.dma_semaphore, #tpu.memory_space<semaphore_mem>>)
    %slice3A_240 = vector.extract_strided_slice %shift_right_arithmetic3A_10 {offsets = [7], sizes = [1], strides = [1]} : vector<16xi32> to vector<1xi32>
    %squeeze3A_241 = vector.extract %slice3A_240[0] : i32 from vector<1xi32>
    %mul3A_242 = arith.constant 8 : i32
    %mul3A_243 = arith.muli %squeeze3A_241, %mul3A_242 : i32
    %multiple_of3A_244 = tpu.assume_multiple %mul3A_243, 8 : i32
    %slice3A_245 = vector.extract_strided_slice %shift_right_arithmetic3A_19 {offsets = [7], sizes = [1], strides = [1]} : vector<16xi32> to vector<1xi32>
    %squeeze3A_246 = vector.extract %slice3A_245[0] : i32 from vector<1xi32>
    %mul3A_247 = arith.constant 8 : i32
    %mul3A_248 = arith.muli %squeeze3A_246, %mul3A_247 : i32
    %multiple_of3A_249 = tpu.assume_multiple %mul3A_248, 8 : i32
    %mul3A_250 = arith.constant 16 : i32
    %mul3A_251 = arith.muli %scan3A_3, %mul3A_250 : i32
    %add3A_252 = arith.constant 7 : i32
    %add3A_253 = arith.addi %mul3A_251, %add3A_252 : i32
    %mul3A_254 = arith.constant 8 : i32
    %mul3A_255 = arith.muli %add3A_253, %mul3A_254 : i32
    %dma_start3A_256 = arith.constant 0 : i32
    %dma_start3A_257 = tpu.memref_slice %arg9[%mul3A_255, %dma_start3A_256] : memref<128x64xf32, #tpu.memory_space<vmem>> -> memref<8x64xf32, #tpu.memory_space<vmem>>
    %dma_start3A_258 = arith.constant 0 : i32
    %dma_start3A_259 = tpu.memref_slice %arg4[%multiple_of3A_244, %dma_start3A_258] : memref<1000000x64xf32, #tpu.memory_space<hbm>> -> memref<8x64xf32, #tpu.memory_space<hbm>>
    %dma_start3A_260 = arith.constant 0 : i32
    %dma_start3A_261 = tpu.memref_slice %arg9[%mul3A_255, %dma_start3A_260] : memref<128x64xf32, #tpu.memory_space<vmem>> -> memref<8x64xf32, #tpu.memory_space<vmem>>
    %dma_start3A_262 = arith.constant 0 : i32
    %dma_start3A_263 = tpu.memref_slice %arg4[%multiple_of3A_244, %dma_start3A_262] : memref<1000000x64xf32, #tpu.memory_space<hbm>> -> memref<8x64xf32, #tpu.memory_space<hbm>>
    tpu.enqueue_dma source(%dma_start3A_263 : memref<8x64xf32, #tpu.memory_space<hbm>>) target(%dma_start3A_261 : memref<8x64xf32, #tpu.memory_space<vmem>>) target_semaphore(%arg14 : memref<!tpu.dma_semaphore, #tpu.memory_space<semaphore_mem>>)
    %dma_start3A_264 = arith.constant 0 : i32
    %dma_start3A_265 = tpu.memref_slice %arg10[%mul3A_255, %dma_start3A_264] : memref<128x64xf32, #tpu.memory_space<vmem>> -> memref<8x64xf32, #tpu.memory_space<vmem>>
    %dma_start3A_266 = arith.constant 0 : i32
    %dma_start3A_267 = tpu.memref_slice %arg5[%multiple_of3A_249, %dma_start3A_266] : memref<1000000x64xf32, #tpu.memory_space<hbm>> -> memref<8x64xf32, #tpu.memory_space<hbm>>
    %dma_start3A_268 = arith.constant 0 : i32
    %dma_start3A_269 = tpu.memref_slice %arg10[%mul3A_255, %dma_start3A_268] : memref<128x64xf32, #tpu.memory_space<vmem>> -> memref<8x64xf32, #tpu.memory_space<vmem>>
    %dma_start3A_270 = arith.constant 0 : i32
    %dma_start3A_271 = tpu.memref_slice %arg5[%multiple_of3A_249, %dma_start3A_270] : memref<1000000x64xf32, #tpu.memory_space<hbm>> -> memref<8x64xf32, #tpu.memory_space<hbm>>
    tpu.enqueue_dma source(%dma_start3A_271 : memref<8x64xf32, #tpu.memory_space<hbm>>) target(%dma_start3A_269 : memref<8x64xf32, #tpu.memory_space<vmem>>) target_semaphore(%arg14 : memref<!tpu.dma_semaphore, #tpu.memory_space<semaphore_mem>>)
    %slice3A_272 = vector.extract_strided_slice %shift_right_arithmetic3A_10 {offsets = [8], sizes = [1], strides = [1]} : vector<16xi32> to vector<1xi32>
    %squeeze3A_273 = vector.extract %slice3A_272[0] : i32 from vector<1xi32>
    %mul3A_274 = arith.constant 8 : i32
    %mul3A_275 = arith.muli %squeeze3A_273, %mul3A_274 : i32
    %multiple_of3A_276 = tpu.assume_multiple %mul3A_275, 8 : i32
    %slice3A_277 = vector.extract_strided_slice %shift_right_arithmetic3A_19 {offsets = [8], sizes = [1], strides = [1]} : vector<16xi32> to vector<1xi32>
    %squeeze3A_278 = vector.extract %slice3A_277[0] : i32 from vector<1xi32>
    %mul3A_279 = arith.constant 8 : i32
    %mul3A_280 = arith.muli %squeeze3A_278, %mul3A_279 : i32
    %multiple_of3A_281 = tpu.assume_multiple %mul3A_280, 8 : i32
    %mul3A_282 = arith.constant 16 : i32
    %mul3A_283 = arith.muli %scan3A_3, %mul3A_282 : i32
    %add3A_284 = arith.constant 8 : i32
    %add3A_285 = arith.addi %mul3A_283, %add3A_284 : i32
    %mul3A_286 = arith.constant 8 : i32
    %mul3A_287 = arith.muli %add3A_285, %mul3A_286 : i32
    %dma_start3A_288 = arith.constant 0 : i32
    %dma_start3A_289 = tpu.memref_slice %arg9[%mul3A_287, %dma_start3A_288] : memref<128x64xf32, #tpu.memory_space<vmem>> -> memref<8x64xf32, #tpu.memory_space<vmem>>
    %dma_start3A_290 = arith.constant 0 : i32
    %dma_start3A_291 = tpu.memref_slice %arg4[%multiple_of3A_276, %dma_start3A_290] : memref<1000000x64xf32, #tpu.memory_space<hbm>> -> memref<8x64xf32, #tpu.memory_space<hbm>>
    %dma_start3A_292 = arith.constant 0 : i32
    %dma_start3A_293 = tpu.memref_slice %arg9[%mul3A_287, %dma_start3A_292] : memref<128x64xf32, #tpu.memory_space<vmem>> -> memref<8x64xf32, #tpu.memory_space<vmem>>
    %dma_start3A_294 = arith.constant 0 : i32
    %dma_start3A_295 = tpu.memref_slice %arg4[%multiple_of3A_276, %dma_start3A_294] : memref<1000000x64xf32, #tpu.memory_space<hbm>> -> memref<8x64xf32, #tpu.memory_space<hbm>>
    tpu.enqueue_dma source(%dma_start3A_295 : memref<8x64xf32, #tpu.memory_space<hbm>>) target(%dma_start3A_293 : memref<8x64xf32, #tpu.memory_space<vmem>>) target_semaphore(%arg14 : memref<!tpu.dma_semaphore, #tpu.memory_space<semaphore_mem>>)
    %dma_start3A_296 = arith.constant 0 : i32
    %dma_start3A_297 = tpu.memref_slice %arg10[%mul3A_287, %dma_start3A_296] : memref<128x64xf32, #tpu.memory_space<vmem>> -> memref<8x64xf32, #tpu.memory_space<vmem>>
    %dma_start3A_298 = arith.constant 0 : i32
    %dma_start3A_299 = tpu.memref_slice %arg5[%multiple_of3A_281, %dma_start3A_298] : memref<1000000x64xf32, #tpu.memory_space<hbm>> -> memref<8x64xf32, #tpu.memory_space<hbm>>
    %dma_start3A_300 = arith.constant 0 : i32
    %dma_start3A_301 = tpu.memref_slice %arg10[%mul3A_287, %dma_start3A_300] : memref<128x64xf32, #tpu.memory_space<vmem>> -> memref<8x64xf32, #tpu.memory_space<vmem>>
    %dma_start3A_302 = arith.constant 0 : i32
    %dma_start3A_303 = tpu.memref_slice %arg5[%multiple_of3A_281, %dma_start3A_302] : memref<1000000x64xf32, #tpu.memory_space<hbm>> -> memref<8x64xf32, #tpu.memory_space<hbm>>
    tpu.enqueue_dma source(%dma_start3A_303 : memref<8x64xf32, #tpu.memory_space<hbm>>) target(%dma_start3A_301 : memref<8x64xf32, #tpu.memory_space<vmem>>) target_semaphore(%arg14 : memref<!tpu.dma_semaphore, #tpu.memory_space<semaphore_mem>>)
    %slice3A_304 = vector.extract_strided_slice %shift_right_arithmetic3A_10 {offsets = [9], sizes = [1], strides = [1]} : vector<16xi32> to vector<1xi32>
    %squeeze3A_305 = vector.extract %slice3A_304[0] : i32 from vector<1xi32>
    %mul3A_306 = arith.constant 8 : i32
    %mul3A_307 = arith.muli %squeeze3A_305, %mul3A_306 : i32
    %multiple_of3A_308 = tpu.assume_multiple %mul3A_307, 8 : i32
    %slice3A_309 = vector.extract_strided_slice %shift_right_arithmetic3A_19 {offsets = [9], sizes = [1], strides = [1]} : vector<16xi32> to vector<1xi32>
    %squeeze3A_310 = vector.extract %slice3A_309[0] : i32 from vector<1xi32>
    %mul3A_311 = arith.constant 8 : i32
    %mul3A_312 = arith.muli %squeeze3A_310, %mul3A_311 : i32
    %multiple_of3A_313 = tpu.assume_multiple %mul3A_312, 8 : i32
    %mul3A_314 = arith.constant 16 : i32
    %mul3A_315 = arith.muli %scan3A_3, %mul3A_314 : i32
    %add3A_316 = arith.constant 9 : i32
    %add3A_317 = arith.addi %mul3A_315, %add3A_316 : i32
    %mul3A_318 = arith.constant 8 : i32
    %mul3A_319 = arith.muli %add3A_317, %mul3A_318 : i32
    %dma_start3A_320 = arith.constant 0 : i32
    %dma_start3A_321 = tpu.memref_slice %arg9[%mul3A_319, %dma_start3A_320] : memref<128x64xf32, #tpu.memory_space<vmem>> -> memref<8x64xf32, #tpu.memory_space<vmem>>
    %dma_start3A_322 = arith.constant 0 : i32
    %dma_start3A_323 = tpu.memref_slice %arg4[%multiple_of3A_308, %dma_start3A_322] : memref<1000000x64xf32, #tpu.memory_space<hbm>> -> memref<8x64xf32, #tpu.memory_space<hbm>>
    %dma_start3A_324 = arith.constant 0 : i32
    %dma_start3A_325 = tpu.memref_slice %arg9[%mul3A_319, %dma_start3A_324] : memref<128x64xf32, #tpu.memory_space<vmem>> -> memref<8x64xf32, #tpu.memory_space<vmem>>
    %dma_start3A_326 = arith.constant 0 : i32
    %dma_start3A_327 = tpu.memref_slice %arg4[%multiple_of3A_308, %dma_start3A_326] : memref<1000000x64xf32, #tpu.memory_space<hbm>> -> memref<8x64xf32, #tpu.memory_space<hbm>>
    tpu.enqueue_dma source(%dma_start3A_327 : memref<8x64xf32, #tpu.memory_space<hbm>>) target(%dma_start3A_325 : memref<8x64xf32, #tpu.memory_space<vmem>>) target_semaphore(%arg14 : memref<!tpu.dma_semaphore, #tpu.memory_space<semaphore_mem>>)
    %dma_start3A_328 = arith.constant 0 : i32
    %dma_start3A_329 = tpu.memref_slice %arg10[%mul3A_319, %dma_start3A_328] : memref<128x64xf32, #tpu.memory_space<vmem>> -> memref<8x64xf32, #tpu.memory_space<vmem>>
    %dma_start3A_330 = arith.constant 0 : i32
    %dma_start3A_331 = tpu.memref_slice %arg5[%multiple_of3A_313, %dma_start3A_330] : memref<1000000x64xf32, #tpu.memory_space<hbm>> -> memref<8x64xf32, #tpu.memory_space<hbm>>
    %dma_start3A_332 = arith.constant 0 : i32
    %dma_start3A_333 = tpu.memref_slice %arg10[%mul3A_319, %dma_start3A_332] : memref<128x64xf32, #tpu.memory_space<vmem>> -> memref<8x64xf32, #tpu.memory_space<vmem>>
    %dma_start3A_334 = arith.constant 0 : i32
    %dma_start3A_335 = tpu.memref_slice %arg5[%multiple_of3A_313, %dma_start3A_334] : memref<1000000x64xf32, #tpu.memory_space<hbm>> -> memref<8x64xf32, #tpu.memory_space<hbm>>
    tpu.enqueue_dma source(%dma_start3A_335 : memref<8x64xf32, #tpu.memory_space<hbm>>) target(%dma_start3A_333 : memref<8x64xf32, #tpu.memory_space<vmem>>) target_semaphore(%arg14 : memref<!tpu.dma_semaphore, #tpu.memory_space<semaphore_mem>>)
    %slice3A_336 = vector.extract_strided_slice %shift_right_arithmetic3A_10 {offsets = [10], sizes = [1], strides = [1]} : vector<16xi32> to vector<1xi32>
    %squeeze3A_337 = vector.extract %slice3A_336[0] : i32 from vector<1xi32>
    %mul3A_338 = arith.constant 8 : i32
    %mul3A_339 = arith.muli %squeeze3A_337, %mul3A_338 : i32
    %multiple_of3A_340 = tpu.assume_multiple %mul3A_339, 8 : i32
    %slice3A_341 = vector.extract_strided_slice %shift_right_arithmetic3A_19 {offsets = [10], sizes = [1], strides = [1]} : vector<16xi32> to vector<1xi32>
    %squeeze3A_342 = vector.extract %slice3A_341[0] : i32 from vector<1xi32>
    %mul3A_343 = arith.constant 8 : i32
    %mul3A_344 = arith.muli %squeeze3A_342, %mul3A_343 : i32
    %multiple_of3A_345 = tpu.assume_multiple %mul3A_344, 8 : i32
    %mul3A_346 = arith.constant 16 : i32
    %mul3A_347 = arith.muli %scan3A_3, %mul3A_346 : i32
    %add3A_348 = arith.constant 10 : i32
    %add3A_349 = arith.addi %mul3A_347, %add3A_348 : i32
    %mul3A_350 = arith.constant 8 : i32
    %mul3A_351 = arith.muli %add3A_349, %mul3A_350 : i32
    %dma_start3A_352 = arith.constant 0 : i32
    %dma_start3A_353 = tpu.memref_slice %arg9[%mul3A_351, %dma_start3A_352] : memref<128x64xf32, #tpu.memory_space<vmem>> -> memref<8x64xf32, #tpu.memory_space<vmem>>
    %dma_start3A_354 = arith.constant 0 : i32
    %dma_start3A_355 = tpu.memref_slice %arg4[%multiple_of3A_340, %dma_start3A_354] : memref<1000000x64xf32, #tpu.memory_space<hbm>> -> memref<8x64xf32, #tpu.memory_space<hbm>>
    %dma_start3A_356 = arith.constant 0 : i32
    %dma_start3A_357 = tpu.memref_slice %arg9[%mul3A_351, %dma_start3A_356] : memref<128x64xf32, #tpu.memory_space<vmem>> -> memref<8x64xf32, #tpu.memory_space<vmem>>
    %dma_start3A_358 = arith.constant 0 : i32
    %dma_start3A_359 = tpu.memref_slice %arg4[%multiple_of3A_340, %dma_start3A_358] : memref<1000000x64xf32, #tpu.memory_space<hbm>> -> memref<8x64xf32, #tpu.memory_space<hbm>>
    tpu.enqueue_dma source(%dma_start3A_359 : memref<8x64xf32, #tpu.memory_space<hbm>>) target(%dma_start3A_357 : memref<8x64xf32, #tpu.memory_space<vmem>>) target_semaphore(%arg14 : memref<!tpu.dma_semaphore, #tpu.memory_space<semaphore_mem>>)
    %dma_start3A_360 = arith.constant 0 : i32
    %dma_start3A_361 = tpu.memref_slice %arg10[%mul3A_351, %dma_start3A_360] : memref<128x64xf32, #tpu.memory_space<vmem>> -> memref<8x64xf32, #tpu.memory_space<vmem>>
    %dma_start3A_362 = arith.constant 0 : i32
    %dma_start3A_363 = tpu.memref_slice %arg5[%multiple_of3A_345, %dma_start3A_362] : memref<1000000x64xf32, #tpu.memory_space<hbm>> -> memref<8x64xf32, #tpu.memory_space<hbm>>
    %dma_start3A_364 = arith.constant 0 : i32
    %dma_start3A_365 = tpu.memref_slice %arg10[%mul3A_351, %dma_start3A_364] : memref<128x64xf32, #tpu.memory_space<vmem>> -> memref<8x64xf32, #tpu.memory_space<vmem>>
    %dma_start3A_366 = arith.constant 0 : i32
    %dma_start3A_367 = tpu.memref_slice %arg5[%multiple_of3A_345, %dma_start3A_366] : memref<1000000x64xf32, #tpu.memory_space<hbm>> -> memref<8x64xf32, #tpu.memory_space<hbm>>
    tpu.enqueue_dma source(%dma_start3A_367 : memref<8x64xf32, #tpu.memory_space<hbm>>) target(%dma_start3A_365 : memref<8x64xf32, #tpu.memory_space<vmem>>) target_semaphore(%arg14 : memref<!tpu.dma_semaphore, #tpu.memory_space<semaphore_mem>>)
    %slice3A_368 = vector.extract_strided_slice %shift_right_arithmetic3A_10 {offsets = [11], sizes = [1], strides = [1]} : vector<16xi32> to vector<1xi32>
    %squeeze3A_369 = vector.extract %slice3A_368[0] : i32 from vector<1xi32>
    %mul3A_370 = arith.constant 8 : i32
    %mul3A_371 = arith.muli %squeeze3A_369, %mul3A_370 : i32
    %multiple_of3A_372 = tpu.assume_multiple %mul3A_371, 8 : i32
    %slice3A_373 = vector.extract_strided_slice %shift_right_arithmetic3A_19 {offsets = [11], sizes = [1], strides = [1]} : vector<16xi32> to vector<1xi32>
    %squeeze3A_374 = vector.extract %slice3A_373[0] : i32 from vector<1xi32>
    %mul3A_375 = arith.constant 8 : i32
    %mul3A_376 = arith.muli %squeeze3A_374, %mul3A_375 : i32
    %multiple_of3A_377 = tpu.assume_multiple %mul3A_376, 8 : i32
    %mul3A_378 = arith.constant 16 : i32
    %mul3A_379 = arith.muli %scan3A_3, %mul3A_378 : i32
    %add3A_380 = arith.constant 11 : i32
    %add3A_381 = arith.addi %mul3A_379, %add3A_380 : i32
    %mul3A_382 = arith.constant 8 : i32
    %mul3A_383 = arith.muli %add3A_381, %mul3A_382 : i32
    %dma_start3A_384 = arith.constant 0 : i32
    %dma_start3A_385 = tpu.memref_slice %arg9[%mul3A_383, %dma_start3A_384] : memref<128x64xf32, #tpu.memory_space<vmem>> -> memref<8x64xf32, #tpu.memory_space<vmem>>
    %dma_start3A_386 = arith.constant 0 : i32
    %dma_start3A_387 = tpu.memref_slice %arg4[%multiple_of3A_372, %dma_start3A_386] : memref<1000000x64xf32, #tpu.memory_space<hbm>> -> memref<8x64xf32, #tpu.memory_space<hbm>>
    %dma_start3A_388 = arith.constant 0 : i32
    %dma_start3A_389 = tpu.memref_slice %arg9[%mul3A_383, %dma_start3A_388] : memref<128x64xf32, #tpu.memory_space<vmem>> -> memref<8x64xf32, #tpu.memory_space<vmem>>
    %dma_start3A_390 = arith.constant 0 : i32
    %dma_start3A_391 = tpu.memref_slice %arg4[%multiple_of3A_372, %dma_start3A_390] : memref<1000000x64xf32, #tpu.memory_space<hbm>> -> memref<8x64xf32, #tpu.memory_space<hbm>>
    tpu.enqueue_dma source(%dma_start3A_391 : memref<8x64xf32, #tpu.memory_space<hbm>>) target(%dma_start3A_389 : memref<8x64xf32, #tpu.memory_space<vmem>>) target_semaphore(%arg14 : memref<!tpu.dma_semaphore, #tpu.memory_space<semaphore_mem>>)
    %dma_start3A_392 = arith.constant 0 : i32
    %dma_start3A_393 = tpu.memref_slice %arg10[%mul3A_383, %dma_start3A_392] : memref<128x64xf32, #tpu.memory_space<vmem>> -> memref<8x64xf32, #tpu.memory_space<vmem>>
    %dma_start3A_394 = arith.constant 0 : i32
    %dma_start3A_395 = tpu.memref_slice %arg5[%multiple_of3A_377, %dma_start3A_394] : memref<1000000x64xf32, #tpu.memory_space<hbm>> -> memref<8x64xf32, #tpu.memory_space<hbm>>
    %dma_start3A_396 = arith.constant 0 : i32
    %dma_start3A_397 = tpu.memref_slice %arg10[%mul3A_383, %dma_start3A_396] : memref<128x64xf32, #tpu.memory_space<vmem>> -> memref<8x64xf32, #tpu.memory_space<vmem>>
    %dma_start3A_398 = arith.constant 0 : i32
    %dma_start3A_399 = tpu.memref_slice %arg5[%multiple_of3A_377, %dma_start3A_398] : memref<1000000x64xf32, #tpu.memory_space<hbm>> -> memref<8x64xf32, #tpu.memory_space<hbm>>
    tpu.enqueue_dma source(%dma_start3A_399 : memref<8x64xf32, #tpu.memory_space<hbm>>) target(%dma_start3A_397 : memref<8x64xf32, #tpu.memory_space<vmem>>) target_semaphore(%arg14 : memref<!tpu.dma_semaphore, #tpu.memory_space<semaphore_mem>>)
    %slice3A_400 = vector.extract_strided_slice %shift_right_arithmetic3A_10 {offsets = [12], sizes = [1], strides = [1]} : vector<16xi32> to vector<1xi32>
    %squeeze3A_401 = vector.extract %slice3A_400[0] : i32 from vector<1xi32>
    %mul3A_402 = arith.constant 8 : i32
    %mul3A_403 = arith.muli %squeeze3A_401, %mul3A_402 : i32
    %multiple_of3A_404 = tpu.assume_multiple %mul3A_403, 8 : i32
    %slice3A_405 = vector.extract_strided_slice %shift_right_arithmetic3A_19 {offsets = [12], sizes = [1], strides = [1]} : vector<16xi32> to vector<1xi32>
    %squeeze3A_406 = vector.extract %slice3A_405[0] : i32 from vector<1xi32>
    %mul3A_407 = arith.constant 8 : i32
    %mul3A_408 = arith.muli %squeeze3A_406, %mul3A_407 : i32
    %multiple_of3A_409 = tpu.assume_multiple %mul3A_408, 8 : i32
    %mul3A_410 = arith.constant 16 : i32
    %mul3A_411 = arith.muli %scan3A_3, %mul3A_410 : i32
    %add3A_412 = arith.constant 12 : i32
    %add3A_413 = arith.addi %mul3A_411, %add3A_412 : i32
    %mul3A_414 = arith.constant 8 : i32
    %mul3A_415 = arith.muli %add3A_413, %mul3A_414 : i32
    %dma_start3A_416 = arith.constant 0 : i32
    %dma_start3A_417 = tpu.memref_slice %arg9[%mul3A_415, %dma_start3A_416] : memref<128x64xf32, #tpu.memory_space<vmem>> -> memref<8x64xf32, #tpu.memory_space<vmem>>
    %dma_start3A_418 = arith.constant 0 : i32
    %dma_start3A_419 = tpu.memref_slice %arg4[%multiple_of3A_404, %dma_start3A_418] : memref<1000000x64xf32, #tpu.memory_space<hbm>> -> memref<8x64xf32, #tpu.memory_space<hbm>>
    %dma_start3A_420 = arith.constant 0 : i32
    %dma_start3A_421 = tpu.memref_slice %arg9[%mul3A_415, %dma_start3A_420] : memref<128x64xf32, #tpu.memory_space<vmem>> -> memref<8x64xf32, #tpu.memory_space<vmem>>
    %dma_start3A_422 = arith.constant 0 : i32
    %dma_start3A_423 = tpu.memref_slice %arg4[%multiple_of3A_404, %dma_start3A_422] : memref<1000000x64xf32, #tpu.memory_space<hbm>> -> memref<8x64xf32, #tpu.memory_space<hbm>>
    tpu.enqueue_dma source(%dma_start3A_423 : memref<8x64xf32, #tpu.memory_space<hbm>>) target(%dma_start3A_421 : memref<8x64xf32, #tpu.memory_space<vmem>>) target_semaphore(%arg14 : memref<!tpu.dma_semaphore, #tpu.memory_space<semaphore_mem>>)
    %dma_start3A_424 = arith.constant 0 : i32
    %dma_start3A_425 = tpu.memref_slice %arg10[%mul3A_415, %dma_start3A_424] : memref<128x64xf32, #tpu.memory_space<vmem>> -> memref<8x64xf32, #tpu.memory_space<vmem>>
    %dma_start3A_426 = arith.constant 0 : i32
    %dma_start3A_427 = tpu.memref_slice %arg5[%multiple_of3A_409, %dma_start3A_426] : memref<1000000x64xf32, #tpu.memory_space<hbm>> -> memref<8x64xf32, #tpu.memory_space<hbm>>
    %dma_start3A_428 = arith.constant 0 : i32
    %dma_start3A_429 = tpu.memref_slice %arg10[%mul3A_415, %dma_start3A_428] : memref<128x64xf32, #tpu.memory_space<vmem>> -> memref<8x64xf32, #tpu.memory_space<vmem>>
    %dma_start3A_430 = arith.constant 0 : i32
    %dma_start3A_431 = tpu.memref_slice %arg5[%multiple_of3A_409, %dma_start3A_430] : memref<1000000x64xf32, #tpu.memory_space<hbm>> -> memref<8x64xf32, #tpu.memory_space<hbm>>
    tpu.enqueue_dma source(%dma_start3A_431 : memref<8x64xf32, #tpu.memory_space<hbm>>) target(%dma_start3A_429 : memref<8x64xf32, #tpu.memory_space<vmem>>) target_semaphore(%arg14 : memref<!tpu.dma_semaphore, #tpu.memory_space<semaphore_mem>>)
    %slice3A_432 = vector.extract_strided_slice %shift_right_arithmetic3A_10 {offsets = [13], sizes = [1], strides = [1]} : vector<16xi32> to vector<1xi32>
    %squeeze3A_433 = vector.extract %slice3A_432[0] : i32 from vector<1xi32>
    %mul3A_434 = arith.constant 8 : i32
    %mul3A_435 = arith.muli %squeeze3A_433, %mul3A_434 : i32
    %multiple_of3A_436 = tpu.assume_multiple %mul3A_435, 8 : i32
    %slice3A_437 = vector.extract_strided_slice %shift_right_arithmetic3A_19 {offsets = [13], sizes = [1], strides = [1]} : vector<16xi32> to vector<1xi32>
    %squeeze3A_438 = vector.extract %slice3A_437[0] : i32 from vector<1xi32>
    %mul3A_439 = arith.constant 8 : i32
    %mul3A_440 = arith.muli %squeeze3A_438, %mul3A_439 : i32
    %multiple_of3A_441 = tpu.assume_multiple %mul3A_440, 8 : i32
    %mul3A_442 = arith.constant 16 : i32
    %mul3A_443 = arith.muli %scan3A_3, %mul3A_442 : i32
    %add3A_444 = arith.constant 13 : i32
    %add3A_445 = arith.addi %mul3A_443, %add3A_444 : i32
    %mul3A_446 = arith.constant 8 : i32
    %mul3A_447 = arith.muli %add3A_445, %mul3A_446 : i32
    %dma_start3A_448 = arith.constant 0 : i32
    %dma_start3A_449 = tpu.memref_slice %arg9[%mul3A_447, %dma_start3A_448] : memref<128x64xf32, #tpu.memory_space<vmem>> -> memref<8x64xf32, #tpu.memory_space<vmem>>
    %dma_start3A_450 = arith.constant 0 : i32
    %dma_start3A_451 = tpu.memref_slice %arg4[%multiple_of3A_436, %dma_start3A_450] : memref<1000000x64xf32, #tpu.memory_space<hbm>> -> memref<8x64xf32, #tpu.memory_space<hbm>>
    %dma_start3A_452 = arith.constant 0 : i32
    %dma_start3A_453 = tpu.memref_slice %arg9[%mul3A_447, %dma_start3A_452] : memref<128x64xf32, #tpu.memory_space<vmem>> -> memref<8x64xf32, #tpu.memory_space<vmem>>
    %dma_start3A_454 = arith.constant 0 : i32
    %dma_start3A_455 = tpu.memref_slice %arg4[%multiple_of3A_436, %dma_start3A_454] : memref<1000000x64xf32, #tpu.memory_space<hbm>> -> memref<8x64xf32, #tpu.memory_space<hbm>>
    tpu.enqueue_dma source(%dma_start3A_455 : memref<8x64xf32, #tpu.memory_space<hbm>>) target(%dma_start3A_453 : memref<8x64xf32, #tpu.memory_space<vmem>>) target_semaphore(%arg14 : memref<!tpu.dma_semaphore, #tpu.memory_space<semaphore_mem>>)
    %dma_start3A_456 = arith.constant 0 : i32
    %dma_start3A_457 = tpu.memref_slice %arg10[%mul3A_447, %dma_start3A_456] : memref<128x64xf32, #tpu.memory_space<vmem>> -> memref<8x64xf32, #tpu.memory_space<vmem>>
    %dma_start3A_458 = arith.constant 0 : i32
    %dma_start3A_459 = tpu.memref_slice %arg5[%multiple_of3A_441, %dma_start3A_458] : memref<1000000x64xf32, #tpu.memory_space<hbm>> -> memref<8x64xf32, #tpu.memory_space<hbm>>
    %dma_start3A_460 = arith.constant 0 : i32
    %dma_start3A_461 = tpu.memref_slice %arg10[%mul3A_447, %dma_start3A_460] : memref<128x64xf32, #tpu.memory_space<vmem>> -> memref<8x64xf32, #tpu.memory_space<vmem>>
    %dma_start3A_462 = arith.constant 0 : i32
    %dma_start3A_463 = tpu.memref_slice %arg5[%multiple_of3A_441, %dma_start3A_462] : memref<1000000x64xf32, #tpu.memory_space<hbm>> -> memref<8x64xf32, #tpu.memory_space<hbm>>
    tpu.enqueue_dma source(%dma_start3A_463 : memref<8x64xf32, #tpu.memory_space<hbm>>) target(%dma_start3A_461 : memref<8x64xf32, #tpu.memory_space<vmem>>) target_semaphore(%arg14 : memref<!tpu.dma_semaphore, #tpu.memory_space<semaphore_mem>>)
    %slice3A_464 = vector.extract_strided_slice %shift_right_arithmetic3A_10 {offsets = [14], sizes = [1], strides = [1]} : vector<16xi32> to vector<1xi32>
    %squeeze3A_465 = vector.extract %slice3A_464[0] : i32 from vector<1xi32>
    %mul3A_466 = arith.constant 8 : i32
    %mul3A_467 = arith.muli %squeeze3A_465, %mul3A_466 : i32
    %multiple_of3A_468 = tpu.assume_multiple %mul3A_467, 8 : i32
    %slice3A_469 = vector.extract_strided_slice %shift_right_arithmetic3A_19 {offsets = [14], sizes = [1], strides = [1]} : vector<16xi32> to vector<1xi32>
    %squeeze3A_470 = vector.extract %slice3A_469[0] : i32 from vector<1xi32>
    %mul3A_471 = arith.constant 8 : i32
    %mul3A_472 = arith.muli %squeeze3A_470, %mul3A_471 : i32
    %multiple_of3A_473 = tpu.assume_multiple %mul3A_472, 8 : i32
    %mul3A_474 = arith.constant 16 : i32
    %mul3A_475 = arith.muli %scan3A_3, %mul3A_474 : i32
    %add3A_476 = arith.constant 14 : i32
    %add3A_477 = arith.addi %mul3A_475, %add3A_476 : i32
    %mul3A_478 = arith.constant 8 : i32
    %mul3A_479 = arith.muli %add3A_477, %mul3A_478 : i32
    %dma_start3A_480 = arith.constant 0 : i32
    %dma_start3A_481 = tpu.memref_slice %arg9[%mul3A_479, %dma_start3A_480] : memref<128x64xf32, #tpu.memory_space<vmem>> -> memref<8x64xf32, #tpu.memory_space<vmem>>
    %dma_start3A_482 = arith.constant 0 : i32
    %dma_start3A_483 = tpu.memref_slice %arg4[%multiple_of3A_468, %dma_start3A_482] : memref<1000000x64xf32, #tpu.memory_space<hbm>> -> memref<8x64xf32, #tpu.memory_space<hbm>>
    %dma_start3A_484 = arith.constant 0 : i32
    %dma_start3A_485 = tpu.memref_slice %arg9[%mul3A_479, %dma_start3A_484] : memref<128x64xf32, #tpu.memory_space<vmem>> -> memref<8x64xf32, #tpu.memory_space<vmem>>
    %dma_start3A_486 = arith.constant 0 : i32
    %dma_start3A_487 = tpu.memref_slice %arg4[%multiple_of3A_468, %dma_start3A_486] : memref<1000000x64xf32, #tpu.memory_space<hbm>> -> memref<8x64xf32, #tpu.memory_space<hbm>>
    tpu.enqueue_dma source(%dma_start3A_487 : memref<8x64xf32, #tpu.memory_space<hbm>>) target(%dma_start3A_485 : memref<8x64xf32, #tpu.memory_space<vmem>>) target_semaphore(%arg14 : memref<!tpu.dma_semaphore, #tpu.memory_space<semaphore_mem>>)
    %dma_start3A_488 = arith.constant 0 : i32
    %dma_start3A_489 = tpu.memref_slice %arg10[%mul3A_479, %dma_start3A_488] : memref<128x64xf32, #tpu.memory_space<vmem>> -> memref<8x64xf32, #tpu.memory_space<vmem>>
    %dma_start3A_490 = arith.constant 0 : i32
    %dma_start3A_491 = tpu.memref_slice %arg5[%multiple_of3A_473, %dma_start3A_490] : memref<1000000x64xf32, #tpu.memory_space<hbm>> -> memref<8x64xf32, #tpu.memory_space<hbm>>
    %dma_start3A_492 = arith.constant 0 : i32
    %dma_start3A_493 = tpu.memref_slice %arg10[%mul3A_479, %dma_start3A_492] : memref<128x64xf32, #tpu.memory_space<vmem>> -> memref<8x64xf32, #tpu.memory_space<vmem>>
    %dma_start3A_494 = arith.constant 0 : i32
    %dma_start3A_495 = tpu.memref_slice %arg5[%multiple_of3A_473, %dma_start3A_494] : memref<1000000x64xf32, #tpu.memory_space<hbm>> -> memref<8x64xf32, #tpu.memory_space<hbm>>
    tpu.enqueue_dma source(%dma_start3A_495 : memref<8x64xf32, #tpu.memory_space<hbm>>) target(%dma_start3A_493 : memref<8x64xf32, #tpu.memory_space<vmem>>) target_semaphore(%arg14 : memref<!tpu.dma_semaphore, #tpu.memory_space<semaphore_mem>>)
    %slice3A_496 = vector.extract_strided_slice %shift_right_arithmetic3A_10 {offsets = [15], sizes = [1], strides = [1]} : vector<16xi32> to vector<1xi32>
    %squeeze3A_497 = vector.extract %slice3A_496[0] : i32 from vector<1xi32>
    %mul3A_498 = arith.constant 8 : i32
    %mul3A_499 = arith.muli %squeeze3A_497, %mul3A_498 : i32
    %multiple_of3A_500 = tpu.assume_multiple %mul3A_499, 8 : i32
    %slice3A_501 = vector.extract_strided_slice %shift_right_arithmetic3A_19 {offsets = [15], sizes = [1], strides = [1]} : vector<16xi32> to vector<1xi32>
    %squeeze3A_502 = vector.extract %slice3A_501[0] : i32 from vector<1xi32>
    %mul3A_503 = arith.constant 8 : i32
    %mul3A_504 = arith.muli %squeeze3A_502, %mul3A_503 : i32
    %multiple_of3A_505 = tpu.assume_multiple %mul3A_504, 8 : i32
    %mul3A_506 = arith.constant 16 : i32
    %mul3A_507 = arith.muli %scan3A_3, %mul3A_506 : i32
    %add3A_508 = arith.constant 15 : i32
    %add3A_509 = arith.addi %mul3A_507, %add3A_508 : i32
    %mul3A_510 = arith.constant 8 : i32
    %mul3A_511 = arith.muli %add3A_509, %mul3A_510 : i32
    %dma_start3A_512 = arith.constant 0 : i32
    %dma_start3A_513 = tpu.memref_slice %arg9[%mul3A_511, %dma_start3A_512] : memref<128x64xf32, #tpu.memory_space<vmem>> -> memref<8x64xf32, #tpu.memory_space<vmem>>
    %dma_start3A_514 = arith.constant 0 : i32
    %dma_start3A_515 = tpu.memref_slice %arg4[%multiple_of3A_500, %dma_start3A_514] : memref<1000000x64xf32, #tpu.memory_space<hbm>> -> memref<8x64xf32, #tpu.memory_space<hbm>>
    %dma_start3A_516 = arith.constant 0 : i32
    %dma_start3A_517 = tpu.memref_slice %arg9[%mul3A_511, %dma_start3A_516] : memref<128x64xf32, #tpu.memory_space<vmem>> -> memref<8x64xf32, #tpu.memory_space<vmem>>
    %dma_start3A_518 = arith.constant 0 : i32
    %dma_start3A_519 = tpu.memref_slice %arg4[%multiple_of3A_500, %dma_start3A_518] : memref<1000000x64xf32, #tpu.memory_space<hbm>> -> memref<8x64xf32, #tpu.memory_space<hbm>>
    tpu.enqueue_dma source(%dma_start3A_519 : memref<8x64xf32, #tpu.memory_space<hbm>>) target(%dma_start3A_517 : memref<8x64xf32, #tpu.memory_space<vmem>>) target_semaphore(%arg14 : memref<!tpu.dma_semaphore, #tpu.memory_space<semaphore_mem>>)
    %dma_start3A_520 = arith.constant 0 : i32
    %dma_start3A_521 = tpu.memref_slice %arg10[%mul3A_511, %dma_start3A_520] : memref<128x64xf32, #tpu.memory_space<vmem>> -> memref<8x64xf32, #tpu.memory_space<vmem>>
    %dma_start3A_522 = arith.constant 0 : i32
    %dma_start3A_523 = tpu.memref_slice %arg5[%multiple_of3A_505, %dma_start3A_522] : memref<1000000x64xf32, #tpu.memory_space<hbm>> -> memref<8x64xf32, #tpu.memory_space<hbm>>
    %dma_start3A_524 = arith.constant 0 : i32
    %dma_start3A_525 = tpu.memref_slice %arg10[%mul3A_511, %dma_start3A_524] : memref<128x64xf32, #tpu.memory_space<vmem>> -> memref<8x64xf32, #tpu.memory_space<vmem>>
    %dma_start3A_526 = arith.constant 0 : i32
    %dma_start3A_527 = tpu.memref_slice %arg5[%multiple_of3A_505, %dma_start3A_526] : memref<1000000x64xf32, #tpu.memory_space<hbm>> -> memref<8x64xf32, #tpu.memory_space<hbm>>
    tpu.enqueue_dma source(%dma_start3A_527 : memref<8x64xf32, #tpu.memory_space<hbm>>) target(%dma_start3A_525 : memref<8x64xf32, #tpu.memory_space<vmem>>) target_semaphore(%arg14 : memref<!tpu.dma_semaphore, #tpu.memory_space<semaphore_mem>>)
    %scan3A_528 = arith.constant 1 : i32
    %scan3A_529 = arith.constant 0 : i32
    %scan3A_530 = arith.constant 0 : i32
    %scan3A_531 = arith.constant 16 : i32
    %scan3A_532 = arith.addi %scan3A_530, %scan3A_531 : i32
    %scan3A_533 = arith.constant 1 : i32
    scf.for %scan3A_535 = %scan3A_530 to %scan3A_532 step %scan3A_533  : i32 {
      %mul3A_536 = arith.constant 2 : i32
      %mul3A_537 = arith.muli %mul3A_536, %scan3A_535 : i32
      %add3A_538 = arith.constant 1 : i32
      %add3A_539 = arith.addi %mul3A_537, %add3A_538 : i32
      %scan3A_540 = arith.constant 0 : i32
      %scan3A_541 = arith.constant 0 : i32
      %mul3A_542 = arith.constant 16 : i32
      %mul3A_543 = arith.muli %add3A_539, %mul3A_542 : i32
      %mul3A_544 = arith.constant 16 : i32
      %mul3A_545 = arith.muli %scan3A_541, %mul3A_544 : i32
      %add3A_546 = arith.addi %mul3A_543, %mul3A_545 : i32
      %get3A_547 = arith.index_cast %add3A_546 : i32 to index
      %get3A_548 = tpu.vector_load %arg7[%get3A_547] {strides = array<i32>} : memref<512xi32, #tpu.memory_space<vmem>>, vector<16xi32>,
      %shift_right_arithmetic3A_549 = arith.constant 3 : i32
      %shift_right_arithmetic3A_550 = vector.broadcast %shift_right_arithmetic3A_549 : i32 to vector<16xi32>
      %shift_right_arithmetic3A_551 = arith.shrsi %get3A_548, %shift_right_arithmetic3A_550 : vector<16xi32>
      %mul3A_552 = arith.constant 16 : i32
      %mul3A_553 = arith.muli %add3A_539, %mul3A_552 : i32
      %mul3A_554 = arith.constant 16 : i32
      %mul3A_555 = arith.muli %scan3A_541, %mul3A_554 : i32
      %add3A_556 = arith.addi %mul3A_553, %mul3A_555 : i32
      %get3A_557 = arith.index_cast %add3A_556 : i32 to index
      %get3A_558 = tpu.vector_load %arg8[%get3A_557] {strides = array<i32>} : memref<512xi32, #tpu.memory_space<vmem>>, vector<16xi32>,
      %shift_right_arithmetic3A_559 = arith.constant 3 : i32
      %shift_right_arithmetic3A_560 = vector.broadcast %shift_right_arithmetic3A_559 : i32 to vector<16xi32>
      %shift_right_arithmetic3A_561 = arith.shrsi %get3A_558, %shift_right_arithmetic3A_560 : vector<16xi32>
      %slice3A_562 = vector.extract_strided_slice %shift_right_arithmetic3A_551 {offsets = [0], sizes = [1], strides = [1]} : vector<16xi32> to vector<1xi32>
      %squeeze3A_563 = vector.extract %slice3A_562[0] : i32 from vector<1xi32>
      %mul3A_564 = arith.constant 8 : i32
      %mul3A_565 = arith.muli %squeeze3A_563, %mul3A_564 : i32
      %multiple_of3A_566 = tpu.assume_multiple %mul3A_565, 8 : i32
      %slice3A_567 = vector.extract_strided_slice %shift_right_arithmetic3A_561 {offsets = [0], sizes = [1], strides = [1]} : vector<16xi32> to vector<1xi32>
      %squeeze3A_568 = vector.extract %slice3A_567[0] : i32 from vector<1xi32>
      %mul3A_569 = arith.constant 8 : i32
      %mul3A_570 = arith.muli %squeeze3A_568, %mul3A_569 : i32
      %multiple_of3A_571 = tpu.assume_multiple %mul3A_570, 8 : i32
      %mul3A_572 = arith.constant 16 : i32
      %mul3A_573 = arith.muli %scan3A_541, %mul3A_572 : i32
      %add3A_574 = arith.constant 0 : i32
      %add3A_575 = arith.addi %mul3A_573, %add3A_574 : i32
      %mul3A_576 = arith.constant 8 : i32
      %mul3A_577 = arith.muli %add3A_575, %mul3A_576 : i32
      %dma_start3A_578 = arith.constant 0 : i32
      %dma_start3A_579 = tpu.memref_slice %arg11[%mul3A_577, %dma_start3A_578] : memref<128x64xf32, #tpu.memory_space<vmem>> -> memref<8x64xf32, #tpu.memory_space<vmem>>
      %dma_start3A_580 = arith.constant 0 : i32
      %dma_start3A_581 = tpu.memref_slice %arg4[%multiple_of3A_566, %dma_start3A_580] : memref<1000000x64xf32, #tpu.memory_space<hbm>> -> memref<8x64xf32, #tpu.memory_space<hbm>>
      %dma_start3A_582 = arith.constant 0 : i32
      %dma_start3A_583 = tpu.memref_slice %arg11[%mul3A_577, %dma_start3A_582] : memref<128x64xf32, #tpu.memory_space<vmem>> -> memref<8x64xf32, #tpu.memory_space<vmem>>
      %dma_start3A_584 = arith.constant 0 : i32
      %dma_start3A_585 = tpu.memref_slice %arg4[%multiple_of3A_566, %dma_start3A_584] : memref<1000000x64xf32, #tpu.memory_space<hbm>> -> memref<8x64xf32, #tpu.memory_space<hbm>>
      tpu.enqueue_dma source(%dma_start3A_585 : memref<8x64xf32, #tpu.memory_space<hbm>>) target(%dma_start3A_583 : memref<8x64xf32, #tpu.memory_space<vmem>>) target_semaphore(%arg15 : memref<!tpu.dma_semaphore, #tpu.memory_space<semaphore_mem>>)
      %dma_start3A_586 = arith.constant 0 : i32
      %dma_start3A_587 = tpu.memref_slice %arg12[%mul3A_577, %dma_start3A_586] : memref<128x64xf32, #tpu.memory_space<vmem>> -> memref<8x64xf32, #tpu.memory_space<vmem>>
      %dma_start3A_588 = arith.constant 0 : i32
      %dma_start3A_589 = tpu.memref_slice %arg5[%multiple_of3A_571, %dma_start3A_588] : memref<1000000x64xf32, #tpu.memory_space<hbm>> -> memref<8x64xf32, #tpu.memory_space<hbm>>
      %dma_start3A_590 = arith.constant 0 : i32
      %dma_start3A_591 = tpu.memref_slice %arg12[%mul3A_577, %dma_start3A_590] : memref<128x64xf32, #tpu.memory_space<vmem>> -> memref<8x64xf32, #tpu.memory_space<vmem>>
      %dma_start3A_592 = arith.constant 0 : i32
      %dma_start3A_593 = tpu.memref_slice %arg5[%multiple_of3A_571, %dma_start3A_592] : memref<1000000x64xf32, #tpu.memory_space<hbm>> -> memref<8x64xf32, #tpu.memory_space<hbm>>
      tpu.enqueue_dma source(%dma_start3A_593 : memref<8x64xf32, #tpu.memory_space<hbm>>) target(%dma_start3A_591 : memref<8x64xf32, #tpu.memory_space<vmem>>) target_semaphore(%arg15 : memref<!tpu.dma_semaphore, #tpu.memory_space<semaphore_mem>>)
      %slice3A_594 = vector.extract_strided_slice %shift_right_arithmetic3A_551 {offsets = [1], sizes = [1], strides = [1]} : vector<16xi32> to vector<1xi32>
      %squeeze3A_595 = vector.extract %slice3A_594[0] : i32 from vector<1xi32>
      %mul3A_596 = arith.constant 8 : i32
      %mul3A_597 = arith.muli %squeeze3A_595, %mul3A_596 : i32
      %multiple_of3A_598 = tpu.assume_multiple %mul3A_597, 8 : i32
      %slice3A_599 = vector.extract_strided_slice %shift_right_arithmetic3A_561 {offsets = [1], sizes = [1], strides = [1]} : vector<16xi32> to vector<1xi32>
      %squeeze3A_600 = vector.extract %slice3A_599[0] : i32 from vector<1xi32>
      %mul3A_601 = arith.constant 8 : i32
      %mul3A_602 = arith.muli %squeeze3A_600, %mul3A_601 : i32
      %multiple_of3A_603 = tpu.assume_multiple %mul3A_602, 8 : i32
      %mul3A_604 = arith.constant 16 : i32
      %mul3A_605 = arith.muli %scan3A_541, %mul3A_604 : i32
      %add3A_606 = arith.constant 1 : i32
      %add3A_607 = arith.addi %mul3A_605, %add3A_606 : i32
      %mul3A_608 = arith.constant 8 : i32
      %mul3A_609 = arith.muli %add3A_607, %mul3A_608 : i32
      %dma_start3A_610 = arith.constant 0 : i32
      %dma_start3A_611 = tpu.memref_slice %arg11[%mul3A_609, %dma_start3A_610] : memref<128x64xf32, #tpu.memory_space<vmem>> -> memref<8x64xf32, #tpu.memory_space<vmem>>
      %dma_start3A_612 = arith.constant 0 : i32
      %dma_start3A_613 = tpu.memref_slice %arg4[%multiple_of3A_598, %dma_start3A_612] : memref<1000000x64xf32, #tpu.memory_space<hbm>> -> memref<8x64xf32, #tpu.memory_space<hbm>>
      %dma_start3A_614 = arith.constant 0 : i32
      %dma_start3A_615 = tpu.memref_slice %arg11[%mul3A_609, %dma_start3A_614] : memref<128x64xf32, #tpu.memory_space<vmem>> -> memref<8x64xf32, #tpu.memory_space<vmem>>
      %dma_start3A_616 = arith.constant 0 : i32
      %dma_start3A_617 = tpu.memref_slice %arg4[%multiple_of3A_598, %dma_start3A_616] : memref<1000000x64xf32, #tpu.memory_space<hbm>> -> memref<8x64xf32, #tpu.memory_space<hbm>>
      tpu.enqueue_dma source(%dma_start3A_617 : memref<8x64xf32, #tpu.memory_space<hbm>>) target(%dma_start3A_615 : memref<8x64xf32, #tpu.memory_space<vmem>>) target_semaphore(%arg15 : memref<!tpu.dma_semaphore, #tpu.memory_space<semaphore_mem>>)
      %dma_start3A_618 = arith.constant 0 : i32
      %dma_start3A_619 = tpu.memref_slice %arg12[%mul3A_609, %dma_start3A_618] : memref<128x64xf32, #tpu.memory_space<vmem>> -> memref<8x64xf32, #tpu.memory_space<vmem>>
      %dma_start3A_620 = arith.constant 0 : i32
      %dma_start3A_621 = tpu.memref_slice %arg5[%multiple_of3A_603, %dma_start3A_620] : memref<1000000x64xf32, #tpu.memory_space<hbm>> -> memref<8x64xf32, #tpu.memory_space<hbm>>
      %dma_start3A_622 = arith.constant 0 : i32
      %dma_start3A_623 = tpu.memref_slice %arg12[%mul3A_609, %dma_start3A_622] : memref<128x64xf32, #tpu.memory_space<vmem>> -> memref<8x64xf32, #tpu.memory_space<vmem>>
      %dma_start3A_624 = arith.constant 0 : i32
      %dma_start3A_625 = tpu.memref_slice %arg5[%multiple_of3A_603, %dma_start3A_624] : memref<1000000x64xf32, #tpu.memory_space<hbm>> -> memref<8x64xf32, #tpu.memory_space<hbm>>
      tpu.enqueue_dma source(%dma_start3A_625 : memref<8x64xf32, #tpu.memory_space<hbm>>) target(%dma_start3A_623 : memref<8x64xf32, #tpu.memory_space<vmem>>) target_semaphore(%arg15 : memref<!tpu.dma_semaphore, #tpu.memory_space<semaphore_mem>>)
      %slice3A_626 = vector.extract_strided_slice %shift_right_arithmetic3A_551 {offsets = [2], sizes = [1], strides = [1]} : vector<16xi32> to vector<1xi32>
      %squeeze3A_627 = vector.extract %slice3A_626[0] : i32 from vector<1xi32>
      %mul3A_628 = arith.constant 8 : i32
      %mul3A_629 = arith.muli %squeeze3A_627, %mul3A_628 : i32
      %multiple_of3A_630 = tpu.assume_multiple %mul3A_629, 8 : i32
      %slice3A_631 = vector.extract_strided_slice %shift_right_arithmetic3A_561 {offsets = [2], sizes = [1], strides = [1]} : vector<16xi32> to vector<1xi32>
      %squeeze3A_632 = vector.extract %slice3A_631[0] : i32 from vector<1xi32>
      %mul3A_633 = arith.constant 8 : i32
      %mul3A_634 = arith.muli %squeeze3A_632, %mul3A_633 : i32
      %multiple_of3A_635 = tpu.assume_multiple %mul3A_634, 8 : i32
      %mul3A_636 = arith.constant 16 : i32
      %mul3A_637 = arith.muli %scan3A_541, %mul3A_636 : i32
      %add3A_638 = arith.constant 2 : i32
      %add3A_639 = arith.addi %mul3A_637, %add3A_638 : i32
      %mul3A_640 = arith.constant 8 : i32
      %mul3A_641 = arith.muli %add3A_639, %mul3A_640 : i32
      %dma_start3A_642 = arith.constant 0 : i32
      %dma_start3A_643 = tpu.memref_slice %arg11[%mul3A_641, %dma_start3A_642] : memref<128x64xf32, #tpu.memory_space<vmem>> -> memref<8x64xf32, #tpu.memory_space<vmem>>
      %dma_start3A_644 = arith.constant 0 : i32
      %dma_start3A_645 = tpu.memref_slice %arg4[%multiple_of3A_630, %dma_start3A_644] : memref<1000000x64xf32, #tpu.memory_space<hbm>> -> memref<8x64xf32, #tpu.memory_space<hbm>>
      %dma_start3A_646 = arith.constant 0 : i32
      %dma_start3A_647 = tpu.memref_slice %arg11[%mul3A_641, %dma_start3A_646] : memref<128x64xf32, #tpu.memory_space<vmem>> -> memref<8x64xf32, #tpu.memory_space<vmem>>
      %dma_start3A_648 = arith.constant 0 : i32
      %dma_start3A_649 = tpu.memref_slice %arg4[%multiple_of3A_630, %dma_start3A_648] : memref<1000000x64xf32, #tpu.memory_space<hbm>> -> memref<8x64xf32, #tpu.memory_space<hbm>>
      tpu.enqueue_dma source(%dma_start3A_649 : memref<8x64xf32, #tpu.memory_space<hbm>>) target(%dma_start3A_647 : memref<8x64xf32, #tpu.memory_space<vmem>>) target_semaphore(%arg15 : memref<!tpu.dma_semaphore, #tpu.memory_space<semaphore_mem>>)
      %dma_start3A_650 = arith.constant 0 : i32
      %dma_start3A_651 = tpu.memref_slice %arg12[%mul3A_641, %dma_start3A_650] : memref<128x64xf32, #tpu.memory_space<vmem>> -> memref<8x64xf32, #tpu.memory_space<vmem>>
      %dma_start3A_652 = arith.constant 0 : i32
      %dma_start3A_653 = tpu.memref_slice %arg5[%multiple_of3A_635, %dma_start3A_652] : memref<1000000x64xf32, #tpu.memory_space<hbm>> -> memref<8x64xf32, #tpu.memory_space<hbm>>
      %dma_start3A_654 = arith.constant 0 : i32
      %dma_start3A_655 = tpu.memref_slice %arg12[%mul3A_641, %dma_start3A_654] : memref<128x64xf32, #tpu.memory_space<vmem>> -> memref<8x64xf32, #tpu.memory_space<vmem>>
      %dma_start3A_656 = arith.constant 0 : i32
      %dma_start3A_657 = tpu.memref_slice %arg5[%multiple_of3A_635, %dma_start3A_656] : memref<1000000x64xf32, #tpu.memory_space<hbm>> -> memref<8x64xf32, #tpu.memory_space<hbm>>
      tpu.enqueue_dma source(%dma_start3A_657 : memref<8x64xf32, #tpu.memory_space<hbm>>) target(%dma_start3A_655 : memref<8x64xf32, #tpu.memory_space<vmem>>) target_semaphore(%arg15 : memref<!tpu.dma_semaphore, #tpu.memory_space<semaphore_mem>>)
      %slice3A_658 = vector.extract_strided_slice %shift_right_arithmetic3A_551 {offsets = [3], sizes = [1], strides = [1]} : vector<16xi32> to vector<1xi32>
      %squeeze3A_659 = vector.extract %slice3A_658[0] : i32 from vector<1xi32>
      %mul3A_660 = arith.constant 8 : i32
      %mul3A_661 = arith.muli %squeeze3A_659, %mul3A_660 : i32
      %multiple_of3A_662 = tpu.assume_multiple %mul3A_661, 8 : i32
      %slice3A_663 = vector.extract_strided_slice %shift_right_arithmetic3A_561 {offsets = [3], sizes = [1], strides = [1]} : vector<16xi32> to vector<1xi32>
      %squeeze3A_664 = vector.extract %slice3A_663[0] : i32 from vector<1xi32>
      %mul3A_665 = arith.constant 8 : i32
      %mul3A_666 = arith.muli %squeeze3A_664, %mul3A_665 : i32
      %multiple_of3A_667 = tpu.assume_multiple %mul3A_666, 8 : i32
      %mul3A_668 = arith.constant 16 : i32
      %mul3A_669 = arith.muli %scan3A_541, %mul3A_668 : i32
      %add3A_670 = arith.constant 3 : i32
      %add3A_671 = arith.addi %mul3A_669, %add3A_670 : i32
      %mul3A_672 = arith.constant 8 : i32
      %mul3A_673 = arith.muli %add3A_671, %mul3A_672 : i32
      %dma_start3A_674 = arith.constant 0 : i32
      %dma_start3A_675 = tpu.memref_slice %arg11[%mul3A_673, %dma_start3A_674] : memref<128x64xf32, #tpu.memory_space<vmem>> -> memref<8x64xf32, #tpu.memory_space<vmem>>
      %dma_start3A_676 = arith.constant 0 : i32
      %dma_start3A_677 = tpu.memref_slice %arg4[%multiple_of3A_662, %dma_start3A_676] : memref<1000000x64xf32, #tpu.memory_space<hbm>> -> memref<8x64xf32, #tpu.memory_space<hbm>>
      %dma_start3A_678 = arith.constant 0 : i32
      %dma_start3A_679 = tpu.memref_slice %arg11[%mul3A_673, %dma_start3A_678] : memref<128x64xf32, #tpu.memory_space<vmem>> -> memref<8x64xf32, #tpu.memory_space<vmem>>
      %dma_start3A_680 = arith.constant 0 : i32
      %dma_start3A_681 = tpu.memref_slice %arg4[%multiple_of3A_662, %dma_start3A_680] : memref<1000000x64xf32, #tpu.memory_space<hbm>> -> memref<8x64xf32, #tpu.memory_space<hbm>>
      tpu.enqueue_dma source(%dma_start3A_681 : memref<8x64xf32, #tpu.memory_space<hbm>>) target(%dma_start3A_679 : memref<8x64xf32, #tpu.memory_space<vmem>>) target_semaphore(%arg15 : memref<!tpu.dma_semaphore, #tpu.memory_space<semaphore_mem>>)
      %dma_start3A_682 = arith.constant 0 : i32
      %dma_start3A_683 = tpu.memref_slice %arg12[%mul3A_673, %dma_start3A_682] : memref<128x64xf32, #tpu.memory_space<vmem>> -> memref<8x64xf32, #tpu.memory_space<vmem>>
      %dma_start3A_684 = arith.constant 0 : i32
      %dma_start3A_685 = tpu.memref_slice %arg5[%multiple_of3A_667, %dma_start3A_684] : memref<1000000x64xf32, #tpu.memory_space<hbm>> -> memref<8x64xf32, #tpu.memory_space<hbm>>
      %dma_start3A_686 = arith.constant 0 : i32
      %dma_start3A_687 = tpu.memref_slice %arg12[%mul3A_673, %dma_start3A_686] : memref<128x64xf32, #tpu.memory_space<vmem>> -> memref<8x64xf32, #tpu.memory_space<vmem>>
      %dma_start3A_688 = arith.constant 0 : i32
      %dma_start3A_689 = tpu.memref_slice %arg5[%multiple_of3A_667, %dma_start3A_688] : memref<1000000x64xf32, #tpu.memory_space<hbm>> -> memref<8x64xf32, #tpu.memory_space<hbm>>
      tpu.enqueue_dma source(%dma_start3A_689 : memref<8x64xf32, #tpu.memory_space<hbm>>) target(%dma_start3A_687 : memref<8x64xf32, #tpu.memory_space<vmem>>) target_semaphore(%arg15 : memref<!tpu.dma_semaphore, #tpu.memory_space<semaphore_mem>>)
      %slice3A_690 = vector.extract_strided_slice %shift_right_arithmetic3A_551 {offsets = [4], sizes = [1], strides = [1]} : vector<16xi32> to vector<1xi32>
      %squeeze3A_691 = vector.extract %slice3A_690[0] : i32 from vector<1xi32>
      %mul3A_692 = arith.constant 8 : i32
      %mul3A_693 = arith.muli %squeeze3A_691, %mul3A_692 : i32
      %multiple_of3A_694 = tpu.assume_multiple %mul3A_693, 8 : i32
      %slice3A_695 = vector.extract_strided_slice %shift_right_arithmetic3A_561 {offsets = [4], sizes = [1], strides = [1]} : vector<16xi32> to vector<1xi32>
      %squeeze3A_696 = vector.extract %slice3A_695[0] : i32 from vector<1xi32>
      %mul3A_697 = arith.constant 8 : i32
      %mul3A_698 = arith.muli %squeeze3A_696, %mul3A_697 : i32
      %multiple_of3A_699 = tpu.assume_multiple %mul3A_698, 8 : i32
      %mul3A_700 = arith.constant 16 : i32
      %mul3A_701 = arith.muli %scan3A_541, %mul3A_700 : i32
      %add3A_702 = arith.constant 4 : i32
      %add3A_703 = arith.addi %mul3A_701, %add3A_702 : i32
      %mul3A_704 = arith.constant 8 : i32
      %mul3A_705 = arith.muli %add3A_703, %mul3A_704 : i32
      %dma_start3A_706 = arith.constant 0 : i32
      %dma_start3A_707 = tpu.memref_slice %arg11[%mul3A_705, %dma_start3A_706] : memref<128x64xf32, #tpu.memory_space<vmem>> -> memref<8x64xf32, #tpu.memory_space<vmem>>
      %dma_start3A_708 = arith.constant 0 : i32
      %dma_start3A_709 = tpu.memref_slice %arg4[%multiple_of3A_694, %dma_start3A_708] : memref<1000000x64xf32, #tpu.memory_space<hbm>> -> memref<8x64xf32, #tpu.memory_space<hbm>>
      %dma_start3A_710 = arith.constant 0 : i32
      %dma_start3A_711 = tpu.memref_slice %arg11[%mul3A_705, %dma_start3A_710] : memref<128x64xf32, #tpu.memory_space<vmem>> -> memref<8x64xf32, #tpu.memory_space<vmem>>
      %dma_start3A_712 = arith.constant 0 : i32
      %dma_start3A_713 = tpu.memref_slice %arg4[%multiple_of3A_694, %dma_start3A_712] : memref<1000000x64xf32, #tpu.memory_space<hbm>> -> memref<8x64xf32, #tpu.memory_space<hbm>>
      tpu.enqueue_dma source(%dma_start3A_713 : memref<8x64xf32, #tpu.memory_space<hbm>>) target(%dma_start3A_711 : memref<8x64xf32, #tpu.memory_space<vmem>>) target_semaphore(%arg15 : memref<!tpu.dma_semaphore, #tpu.memory_space<semaphore_mem>>)
      %dma_start3A_714 = arith.constant 0 : i32
      %dma_start3A_715 = tpu.memref_slice %arg12[%mul3A_705, %dma_start3A_714] : memref<128x64xf32, #tpu.memory_space<vmem>> -> memref<8x64xf32, #tpu.memory_space<vmem>>
      %dma_start3A_716 = arith.constant 0 : i32
      %dma_start3A_717 = tpu.memref_slice %arg5[%multiple_of3A_699, %dma_start3A_716] : memref<1000000x64xf32, #tpu.memory_space<hbm>> -> memref<8x64xf32, #tpu.memory_space<hbm>>
      %dma_start3A_718 = arith.constant 0 : i32
      %dma_start3A_719 = tpu.memref_slice %arg12[%mul3A_705, %dma_start3A_718] : memref<128x64xf32, #tpu.memory_space<vmem>> -> memref<8x64xf32, #tpu.memory_space<vmem>>
      %dma_start3A_720 = arith.constant 0 : i32
      %dma_start3A_721 = tpu.memref_slice %arg5[%multiple_of3A_699, %dma_start3A_720] : memref<1000000x64xf32, #tpu.memory_space<hbm>> -> memref<8x64xf32, #tpu.memory_space<hbm>>
      tpu.enqueue_dma source(%dma_start3A_721 : memref<8x64xf32, #tpu.memory_space<hbm>>) target(%dma_start3A_719 : memref<8x64xf32, #tpu.memory_space<vmem>>) target_semaphore(%arg15 : memref<!tpu.dma_semaphore, #tpu.memory_space<semaphore_mem>>)
      %slice3A_722 = vector.extract_strided_slice %shift_right_arithmetic3A_551 {offsets = [5], sizes = [1], strides = [1]} : vector<16xi32> to vector<1xi32>
      %squeeze3A_723 = vector.extract %slice3A_722[0] : i32 from vector<1xi32>
      %mul3A_724 = arith.constant 8 : i32
      %mul3A_725 = arith.muli %squeeze3A_723, %mul3A_724 : i32
      %multiple_of3A_726 = tpu.assume_multiple %mul3A_725, 8 : i32
      %slice3A_727 = vector.extract_strided_slice %shift_right_arithmetic3A_561 {offsets = [5], sizes = [1], strides = [1]} : vector<16xi32> to vector<1xi32>
      %squeeze3A_728 = vector.extract %slice3A_727[0] : i32 from vector<1xi32>
      %mul3A_729 = arith.constant 8 : i32
      %mul3A_730 = arith.muli %squeeze3A_728, %mul3A_729 : i32
      %multiple_of3A_731 = tpu.assume_multiple %mul3A_730, 8 : i32
      %mul3A_732 = arith.constant 16 : i32
      %mul3A_733 = arith.muli %scan3A_541, %mul3A_732 : i32
      %add3A_734 = arith.constant 5 : i32
      %add3A_735 = arith.addi %mul3A_733, %add3A_734 : i32
      %mul3A_736 = arith.constant 8 : i32
      %mul3A_737 = arith.muli %add3A_735, %mul3A_736 : i32
      %dma_start3A_738 = arith.constant 0 : i32
      %dma_start3A_739 = tpu.memref_slice %arg11[%mul3A_737, %dma_start3A_738] : memref<128x64xf32, #tpu.memory_space<vmem>> -> memref<8x64xf32, #tpu.memory_space<vmem>>
      %dma_start3A_740 = arith.constant 0 : i32
      %dma_start3A_741 = tpu.memref_slice %arg4[%multiple_of3A_726, %dma_start3A_740] : memref<1000000x64xf32, #tpu.memory_space<hbm>> -> memref<8x64xf32, #tpu.memory_space<hbm>>
      %dma_start3A_742 = arith.constant 0 : i32
      %dma_start3A_743 = tpu.memref_slice %arg11[%mul3A_737, %dma_start3A_742] : memref<128x64xf32, #tpu.memory_space<vmem>> -> memref<8x64xf32, #tpu.memory_space<vmem>>
      %dma_start3A_744 = arith.constant 0 : i32
      %dma_start3A_745 = tpu.memref_slice %arg4[%multiple_of3A_726, %dma_start3A_744] : memref<1000000x64xf32, #tpu.memory_space<hbm>> -> memref<8x64xf32, #tpu.memory_space<hbm>>
      tpu.enqueue_dma source(%dma_start3A_745 : memref<8x64xf32, #tpu.memory_space<hbm>>) target(%dma_start3A_743 : memref<8x64xf32, #tpu.memory_space<vmem>>) target_semaphore(%arg15 : memref<!tpu.dma_semaphore, #tpu.memory_space<semaphore_mem>>)
      %dma_start3A_746 = arith.constant 0 : i32
      %dma_start3A_747 = tpu.memref_slice %arg12[%mul3A_737, %dma_start3A_746] : memref<128x64xf32, #tpu.memory_space<vmem>> -> memref<8x64xf32, #tpu.memory_space<vmem>>
      %dma_start3A_748 = arith.constant 0 : i32
      %dma_start3A_749 = tpu.memref_slice %arg5[%multiple_of3A_731, %dma_start3A_748] : memref<1000000x64xf32, #tpu.memory_space<hbm>> -> memref<8x64xf32, #tpu.memory_space<hbm>>
      %dma_start3A_750 = arith.constant 0 : i32
      %dma_start3A_751 = tpu.memref_slice %arg12[%mul3A_737, %dma_start3A_750] : memref<128x64xf32, #tpu.memory_space<vmem>> -> memref<8x64xf32, #tpu.memory_space<vmem>>
      %dma_start3A_752 = arith.constant 0 : i32
      %dma_start3A_753 = tpu.memref_slice %arg5[%multiple_of3A_731, %dma_start3A_752] : memref<1000000x64xf32, #tpu.memory_space<hbm>> -> memref<8x64xf32, #tpu.memory_space<hbm>>
      tpu.enqueue_dma source(%dma_start3A_753 : memref<8x64xf32, #tpu.memory_space<hbm>>) target(%dma_start3A_751 : memref<8x64xf32, #tpu.memory_space<vmem>>) target_semaphore(%arg15 : memref<!tpu.dma_semaphore, #tpu.memory_space<semaphore_mem>>)
      %slice3A_754 = vector.extract_strided_slice %shift_right_arithmetic3A_551 {offsets = [6], sizes = [1], strides = [1]} : vector<16xi32> to vector<1xi32>
      %squeeze3A_755 = vector.extract %slice3A_754[0] : i32 from vector<1xi32>
      %mul3A_756 = arith.constant 8 : i32
      %mul3A_757 = arith.muli %squeeze3A_755, %mul3A_756 : i32
      %multiple_of3A_758 = tpu.assume_multiple %mul3A_757, 8 : i32
      %slice3A_759 = vector.extract_strided_slice %shift_right_arithmetic3A_561 {offsets = [6], sizes = [1], strides = [1]} : vector<16xi32> to vector<1xi32>
      %squeeze3A_760 = vector.extract %slice3A_759[0] : i32 from vector<1xi32>
      %mul3A_761 = arith.constant 8 : i32
      %mul3A_762 = arith.muli %squeeze3A_760, %mul3A_761 : i32
      %multiple_of3A_763 = tpu.assume_multiple %mul3A_762, 8 : i32
      %mul3A_764 = arith.constant 16 : i32
      %mul3A_765 = arith.muli %scan3A_541, %mul3A_764 : i32
      %add3A_766 = arith.constant 6 : i32
      %add3A_767 = arith.addi %mul3A_765, %add3A_766 : i32
      %mul3A_768 = arith.constant 8 : i32
      %mul3A_769 = arith.muli %add3A_767, %mul3A_768 : i32
      %dma_start3A_770 = arith.constant 0 : i32
      %dma_start3A_771 = tpu.memref_slice %arg11[%mul3A_769, %dma_start3A_770] : memref<128x64xf32, #tpu.memory_space<vmem>> -> memref<8x64xf32, #tpu.memory_space<vmem>>
      %dma_start3A_772 = arith.constant 0 : i32
      %dma_start3A_773 = tpu.memref_slice %arg4[%multiple_of3A_758, %dma_start3A_772] : memref<1000000x64xf32, #tpu.memory_space<hbm>> -> memref<8x64xf32, #tpu.memory_space<hbm>>
      %dma_start3A_774 = arith.constant 0 : i32
      %dma_start3A_775 = tpu.memref_slice %arg11[%mul3A_769, %dma_start3A_774] : memref<128x64xf32, #tpu.memory_space<vmem>> -> memref<8x64xf32, #tpu.memory_space<vmem>>
      %dma_start3A_776 = arith.constant 0 : i32
      %dma_start3A_777 = tpu.memref_slice %arg4[%multiple_of3A_758, %dma_start3A_776] : memref<1000000x64xf32, #tpu.memory_space<hbm>> -> memref<8x64xf32, #tpu.memory_space<hbm>>
      tpu.enqueue_dma source(%dma_start3A_777 : memref<8x64xf32, #tpu.memory_space<hbm>>) target(%dma_start3A_775 : memref<8x64xf32, #tpu.memory_space<vmem>>) target_semaphore(%arg15 : memref<!tpu.dma_semaphore, #tpu.memory_space<semaphore_mem>>)
      %dma_start3A_778 = arith.constant 0 : i32
      %dma_start3A_779 = tpu.memref_slice %arg12[%mul3A_769, %dma_start3A_778] : memref<128x64xf32, #tpu.memory_space<vmem>> -> memref<8x64xf32, #tpu.memory_space<vmem>>
      %dma_start3A_780 = arith.constant 0 : i32
      %dma_start3A_781 = tpu.memref_slice %arg5[%multiple_of3A_763, %dma_start3A_780] : memref<1000000x64xf32, #tpu.memory_space<hbm>> -> memref<8x64xf32, #tpu.memory_space<hbm>>
      %dma_start3A_782 = arith.constant 0 : i32
      %dma_start3A_783 = tpu.memref_slice %arg12[%mul3A_769, %dma_start3A_782] : memref<128x64xf32, #tpu.memory_space<vmem>> -> memref<8x64xf32, #tpu.memory_space<vmem>>
      %dma_start3A_784 = arith.constant 0 : i32
      %dma_start3A_785 = tpu.memref_slice %arg5[%multiple_of3A_763, %dma_start3A_784] : memref<1000000x64xf32, #tpu.memory_space<hbm>> -> memref<8x64xf32, #tpu.memory_space<hbm>>
      tpu.enqueue_dma source(%dma_start3A_785 : memref<8x64xf32, #tpu.memory_space<hbm>>) target(%dma_start3A_783 : memref<8x64xf32, #tpu.memory_space<vmem>>) target_semaphore(%arg15 : memref<!tpu.dma_semaphore, #tpu.memory_space<semaphore_mem>>)
      %slice3A_786 = vector.extract_strided_slice %shift_right_arithmetic3A_551 {offsets = [7], sizes = [1], strides = [1]} : vector<16xi32> to vector<1xi32>
      %squeeze3A_787 = vector.extract %slice3A_786[0] : i32 from vector<1xi32>
      %mul3A_788 = arith.constant 8 : i32
      %mul3A_789 = arith.muli %squeeze3A_787, %mul3A_788 : i32
      %multiple_of3A_790 = tpu.assume_multiple %mul3A_789, 8 : i32
      %slice3A_791 = vector.extract_strided_slice %shift_right_arithmetic3A_561 {offsets = [7], sizes = [1], strides = [1]} : vector<16xi32> to vector<1xi32>
      %squeeze3A_792 = vector.extract %slice3A_791[0] : i32 from vector<1xi32>
      %mul3A_793 = arith.constant 8 : i32
      %mul3A_794 = arith.muli %squeeze3A_792, %mul3A_793 : i32
      %multiple_of3A_795 = tpu.assume_multiple %mul3A_794, 8 : i32
      %mul3A_796 = arith.constant 16 : i32
      %mul3A_797 = arith.muli %scan3A_541, %mul3A_796 : i32
      %add3A_798 = arith.constant 7 : i32
      %add3A_799 = arith.addi %mul3A_797, %add3A_798 : i32
      %mul3A_800 = arith.constant 8 : i32
      %mul3A_801 = arith.muli %add3A_799, %mul3A_800 : i32
      %dma_start3A_802 = arith.constant 0 : i32
      %dma_start3A_803 = tpu.memref_slice %arg11[%mul3A_801, %dma_start3A_802] : memref<128x64xf32, #tpu.memory_space<vmem>> -> memref<8x64xf32, #tpu.memory_space<vmem>>
      %dma_start3A_804 = arith.constant 0 : i32
      %dma_start3A_805 = tpu.memref_slice %arg4[%multiple_of3A_790, %dma_start3A_804] : memref<1000000x64xf32, #tpu.memory_space<hbm>> -> memref<8x64xf32, #tpu.memory_space<hbm>>
      %dma_start3A_806 = arith.constant 0 : i32
      %dma_start3A_807 = tpu.memref_slice %arg11[%mul3A_801, %dma_start3A_806] : memref<128x64xf32, #tpu.memory_space<vmem>> -> memref<8x64xf32, #tpu.memory_space<vmem>>
      %dma_start3A_808 = arith.constant 0 : i32
      %dma_start3A_809 = tpu.memref_slice %arg4[%multiple_of3A_790, %dma_start3A_808] : memref<1000000x64xf32, #tpu.memory_space<hbm>> -> memref<8x64xf32, #tpu.memory_space<hbm>>
      tpu.enqueue_dma source(%dma_start3A_809 : memref<8x64xf32, #tpu.memory_space<hbm>>) target(%dma_start3A_807 : memref<8x64xf32, #tpu.memory_space<vmem>>) target_semaphore(%arg15 : memref<!tpu.dma_semaphore, #tpu.memory_space<semaphore_mem>>)
      %dma_start3A_810 = arith.constant 0 : i32
      %dma_start3A_811 = tpu.memref_slice %arg12[%mul3A_801, %dma_start3A_810] : memref<128x64xf32, #tpu.memory_space<vmem>> -> memref<8x64xf32, #tpu.memory_space<vmem>>
      %dma_start3A_812 = arith.constant 0 : i32
      %dma_start3A_813 = tpu.memref_slice %arg5[%multiple_of3A_795, %dma_start3A_812] : memref<1000000x64xf32, #tpu.memory_space<hbm>> -> memref<8x64xf32, #tpu.memory_space<hbm>>
      %dma_start3A_814 = arith.constant 0 : i32
      %dma_start3A_815 = tpu.memref_slice %arg12[%mul3A_801, %dma_start3A_814] : memref<128x64xf32, #tpu.memory_space<vmem>> -> memref<8x64xf32, #tpu.memory_space<vmem>>
      %dma_start3A_816 = arith.constant 0 : i32
      %dma_start3A_817 = tpu.memref_slice %arg5[%multiple_of3A_795, %dma_start3A_816] : memref<1000000x64xf32, #tpu.memory_space<hbm>> -> memref<8x64xf32, #tpu.memory_space<hbm>>
      tpu.enqueue_dma source(%dma_start3A_817 : memref<8x64xf32, #tpu.memory_space<hbm>>) target(%dma_start3A_815 : memref<8x64xf32, #tpu.memory_space<vmem>>) target_semaphore(%arg15 : memref<!tpu.dma_semaphore, #tpu.memory_space<semaphore_mem>>)
      %slice3A_818 = vector.extract_strided_slice %shift_right_arithmetic3A_551 {offsets = [8], sizes = [1], strides = [1]} : vector<16xi32> to vector<1xi32>
      %squeeze3A_819 = vector.extract %slice3A_818[0] : i32 from vector<1xi32>
      %mul3A_820 = arith.constant 8 : i32
      %mul3A_821 = arith.muli %squeeze3A_819, %mul3A_820 : i32
      %multiple_of3A_822 = tpu.assume_multiple %mul3A_821, 8 : i32
      %slice3A_823 = vector.extract_strided_slice %shift_right_arithmetic3A_561 {offsets = [8], sizes = [1], strides = [1]} : vector<16xi32> to vector<1xi32>
      %squeeze3A_824 = vector.extract %slice3A_823[0] : i32 from vector<1xi32>
      %mul3A_825 = arith.constant 8 : i32
      %mul3A_826 = arith.muli %squeeze3A_824, %mul3A_825 : i32
      %multiple_of3A_827 = tpu.assume_multiple %mul3A_826, 8 : i32
      %mul3A_828 = arith.constant 16 : i32
      %mul3A_829 = arith.muli %scan3A_541, %mul3A_828 : i32
      %add3A_830 = arith.constant 8 : i32
      %add3A_831 = arith.addi %mul3A_829, %add3A_830 : i32
      %mul3A_832 = arith.constant 8 : i32
      %mul3A_833 = arith.muli %add3A_831, %mul3A_832 : i32
      %dma_start3A_834 = arith.constant 0 : i32
      %dma_start3A_835 = tpu.memref_slice %arg11[%mul3A_833, %dma_start3A_834] : memref<128x64xf32, #tpu.memory_space<vmem>> -> memref<8x64xf32, #tpu.memory_space<vmem>>
      %dma_start3A_836 = arith.constant 0 : i32
      %dma_start3A_837 = tpu.memref_slice %arg4[%multiple_of3A_822, %dma_start3A_836] : memref<1000000x64xf32, #tpu.memory_space<hbm>> -> memref<8x64xf32, #tpu.memory_space<hbm>>
      %dma_start3A_838 = arith.constant 0 : i32
      %dma_start3A_839 = tpu.memref_slice %arg11[%mul3A_833, %dma_start3A_838] : memref<128x64xf32, #tpu.memory_space<vmem>> -> memref<8x64xf32, #tpu.memory_space<vmem>>
      %dma_start3A_840 = arith.constant 0 : i32
      %dma_start3A_841 = tpu.memref_slice %arg4[%multiple_of3A_822, %dma_start3A_840] : memref<1000000x64xf32, #tpu.memory_space<hbm>> -> memref<8x64xf32, #tpu.memory_space<hbm>>
      tpu.enqueue_dma source(%dma_start3A_841 : memref<8x64xf32, #tpu.memory_space<hbm>>) target(%dma_start3A_839 : memref<8x64xf32, #tpu.memory_space<vmem>>) target_semaphore(%arg15 : memref<!tpu.dma_semaphore, #tpu.memory_space<semaphore_mem>>)
      %dma_start3A_842 = arith.constant 0 : i32
      %dma_start3A_843 = tpu.memref_slice %arg12[%mul3A_833, %dma_start3A_842] : memref<128x64xf32, #tpu.memory_space<vmem>> -> memref<8x64xf32, #tpu.memory_space<vmem>>
      %dma_start3A_844 = arith.constant 0 : i32
      %dma_start3A_845 = tpu.memref_slice %arg5[%multiple_of3A_827, %dma_start3A_844] : memref<1000000x64xf32, #tpu.memory_space<hbm>> -> memref<8x64xf32, #tpu.memory_space<hbm>>
      %dma_start3A_846 = arith.constant 0 : i32
      %dma_start3A_847 = tpu.memref_slice %arg12[%mul3A_833, %dma_start3A_846] : memref<128x64xf32, #tpu.memory_space<vmem>> -> memref<8x64xf32, #tpu.memory_space<vmem>>
      %dma_start3A_848 = arith.constant 0 : i32
      %dma_start3A_849 = tpu.memref_slice %arg5[%multiple_of3A_827, %dma_start3A_848] : memref<1000000x64xf32, #tpu.memory_space<hbm>> -> memref<8x64xf32, #tpu.memory_space<hbm>>
      tpu.enqueue_dma source(%dma_start3A_849 : memref<8x64xf32, #tpu.memory_space<hbm>>) target(%dma_start3A_847 : memref<8x64xf32, #tpu.memory_space<vmem>>) target_semaphore(%arg15 : memref<!tpu.dma_semaphore, #tpu.memory_space<semaphore_mem>>)
      %slice3A_850 = vector.extract_strided_slice %shift_right_arithmetic3A_551 {offsets = [9], sizes = [1], strides = [1]} : vector<16xi32> to vector<1xi32>
      %squeeze3A_851 = vector.extract %slice3A_850[0] : i32 from vector<1xi32>
      %mul3A_852 = arith.constant 8 : i32
      %mul3A_853 = arith.muli %squeeze3A_851, %mul3A_852 : i32
      %multiple_of3A_854 = tpu.assume_multiple %mul3A_853, 8 : i32
      %slice3A_855 = vector.extract_strided_slice %shift_right_arithmetic3A_561 {offsets = [9], sizes = [1], strides = [1]} : vector<16xi32> to vector<1xi32>
      %squeeze3A_856 = vector.extract %slice3A_855[0] : i32 from vector<1xi32>
      %mul3A_857 = arith.constant 8 : i32
      %mul3A_858 = arith.muli %squeeze3A_856, %mul3A_857 : i32
      %multiple_of3A_859 = tpu.assume_multiple %mul3A_858, 8 : i32
      %mul3A_860 = arith.constant 16 : i32
      %mul3A_861 = arith.muli %scan3A_541, %mul3A_860 : i32
      %add3A_862 = arith.constant 9 : i32
      %add3A_863 = arith.addi %mul3A_861, %add3A_862 : i32
      %mul3A_864 = arith.constant 8 : i32
      %mul3A_865 = arith.muli %add3A_863, %mul3A_864 : i32
      %dma_start3A_866 = arith.constant 0 : i32
      %dma_start3A_867 = tpu.memref_slice %arg11[%mul3A_865, %dma_start3A_866] : memref<128x64xf32, #tpu.memory_space<vmem>> -> memref<8x64xf32, #tpu.memory_space<vmem>>
      %dma_start3A_868 = arith.constant 0 : i32
      %dma_start3A_869 = tpu.memref_slice %arg4[%multiple_of3A_854, %dma_start3A_868] : memref<1000000x64xf32, #tpu.memory_space<hbm>> -> memref<8x64xf32, #tpu.memory_space<hbm>>
      %dma_start3A_870 = arith.constant 0 : i32
      %dma_start3A_871 = tpu.memref_slice %arg11[%mul3A_865, %dma_start3A_870] : memref<128x64xf32, #tpu.memory_space<vmem>> -> memref<8x64xf32, #tpu.memory_space<vmem>>
      %dma_start3A_872 = arith.constant 0 : i32
      %dma_start3A_873 = tpu.memref_slice %arg4[%multiple_of3A_854, %dma_start3A_872] : memref<1000000x64xf32, #tpu.memory_space<hbm>> -> memref<8x64xf32, #tpu.memory_space<hbm>>
      tpu.enqueue_dma source(%dma_start3A_873 : memref<8x64xf32, #tpu.memory_space<hbm>>) target(%dma_start3A_871 : memref<8x64xf32, #tpu.memory_space<vmem>>) target_semaphore(%arg15 : memref<!tpu.dma_semaphore, #tpu.memory_space<semaphore_mem>>)
      %dma_start3A_874 = arith.constant 0 : i32
      %dma_start3A_875 = tpu.memref_slice %arg12[%mul3A_865, %dma_start3A_874] : memref<128x64xf32, #tpu.memory_space<vmem>> -> memref<8x64xf32, #tpu.memory_space<vmem>>
      %dma_start3A_876 = arith.constant 0 : i32
      %dma_start3A_877 = tpu.memref_slice %arg5[%multiple_of3A_859, %dma_start3A_876] : memref<1000000x64xf32, #tpu.memory_space<hbm>> -> memref<8x64xf32, #tpu.memory_space<hbm>>
      %dma_start3A_878 = arith.constant 0 : i32
      %dma_start3A_879 = tpu.memref_slice %arg12[%mul3A_865, %dma_start3A_878] : memref<128x64xf32, #tpu.memory_space<vmem>> -> memref<8x64xf32, #tpu.memory_space<vmem>>
      %dma_start3A_880 = arith.constant 0 : i32
      %dma_start3A_881 = tpu.memref_slice %arg5[%multiple_of3A_859, %dma_start3A_880] : memref<1000000x64xf32, #tpu.memory_space<hbm>> -> memref<8x64xf32, #tpu.memory_space<hbm>>
      tpu.enqueue_dma source(%dma_start3A_881 : memref<8x64xf32, #tpu.memory_space<hbm>>) target(%dma_start3A_879 : memref<8x64xf32, #tpu.memory_space<vmem>>) target_semaphore(%arg15 : memref<!tpu.dma_semaphore, #tpu.memory_space<semaphore_mem>>)
      %slice3A_882 = vector.extract_strided_slice %shift_right_arithmetic3A_551 {offsets = [10], sizes = [1], strides = [1]} : vector<16xi32> to vector<1xi32>
      %squeeze3A_883 = vector.extract %slice3A_882[0] : i32 from vector<1xi32>
      %mul3A_884 = arith.constant 8 : i32
      %mul3A_885 = arith.muli %squeeze3A_883, %mul3A_884 : i32
      %multiple_of3A_886 = tpu.assume_multiple %mul3A_885, 8 : i32
      %slice3A_887 = vector.extract_strided_slice %shift_right_arithmetic3A_561 {offsets = [10], sizes = [1], strides = [1]} : vector<16xi32> to vector<1xi32>
      %squeeze3A_888 = vector.extract %slice3A_887[0] : i32 from vector<1xi32>
      %mul3A_889 = arith.constant 8 : i32
      %mul3A_890 = arith.muli %squeeze3A_888, %mul3A_889 : i32
      %multiple_of3A_891 = tpu.assume_multiple %mul3A_890, 8 : i32
      %mul3A_892 = arith.constant 16 : i32
      %mul3A_893 = arith.muli %scan3A_541, %mul3A_892 : i32
      %add3A_894 = arith.constant 10 : i32
      %add3A_895 = arith.addi %mul3A_893, %add3A_894 : i32
      %mul3A_896 = arith.constant 8 : i32
      %mul3A_897 = arith.muli %add3A_895, %mul3A_896 : i32
      %dma_start3A_898 = arith.constant 0 : i32
      %dma_start3A_899 = tpu.memref_slice %arg11[%mul3A_897, %dma_start3A_898] : memref<128x64xf32, #tpu.memory_space<vmem>> -> memref<8x64xf32, #tpu.memory_space<vmem>>
      %dma_start3A_900 = arith.constant 0 : i32
      %dma_start3A_901 = tpu.memref_slice %arg4[%multiple_of3A_886, %dma_start3A_900] : memref<1000000x64xf32, #tpu.memory_space<hbm>> -> memref<8x64xf32, #tpu.memory_space<hbm>>
      %dma_start3A_902 = arith.constant 0 : i32
      %dma_start3A_903 = tpu.memref_slice %arg11[%mul3A_897, %dma_start3A_902] : memref<128x64xf32, #tpu.memory_space<vmem>> -> memref<8x64xf32, #tpu.memory_space<vmem>>
      %dma_start3A_904 = arith.constant 0 : i32
      %dma_start3A_905 = tpu.memref_slice %arg4[%multiple_of3A_886, %dma_start3A_904] : memref<1000000x64xf32, #tpu.memory_space<hbm>> -> memref<8x64xf32, #tpu.memory_space<hbm>>
      tpu.enqueue_dma source(%dma_start3A_905 : memref<8x64xf32, #tpu.memory_space<hbm>>) target(%dma_start3A_903 : memref<8x64xf32, #tpu.memory_space<vmem>>) target_semaphore(%arg15 : memref<!tpu.dma_semaphore, #tpu.memory_space<semaphore_mem>>)
      %dma_start3A_906 = arith.constant 0 : i32
      %dma_start3A_907 = tpu.memref_slice %arg12[%mul3A_897, %dma_start3A_906] : memref<128x64xf32, #tpu.memory_space<vmem>> -> memref<8x64xf32, #tpu.memory_space<vmem>>
      %dma_start3A_908 = arith.constant 0 : i32
      %dma_start3A_909 = tpu.memref_slice %arg5[%multiple_of3A_891, %dma_start3A_908] : memref<1000000x64xf32, #tpu.memory_space<hbm>> -> memref<8x64xf32, #tpu.memory_space<hbm>>
      %dma_start3A_910 = arith.constant 0 : i32
      %dma_start3A_911 = tpu.memref_slice %arg12[%mul3A_897, %dma_start3A_910] : memref<128x64xf32, #tpu.memory_space<vmem>> -> memref<8x64xf32, #tpu.memory_space<vmem>>
      %dma_start3A_912 = arith.constant 0 : i32
      %dma_start3A_913 = tpu.memref_slice %arg5[%multiple_of3A_891, %dma_start3A_912] : memref<1000000x64xf32, #tpu.memory_space<hbm>> -> memref<8x64xf32, #tpu.memory_space<hbm>>
      tpu.enqueue_dma source(%dma_start3A_913 : memref<8x64xf32, #tpu.memory_space<hbm>>) target(%dma_start3A_911 : memref<8x64xf32, #tpu.memory_space<vmem>>) target_semaphore(%arg15 : memref<!tpu.dma_semaphore, #tpu.memory_space<semaphore_mem>>)
      %slice3A_914 = vector.extract_strided_slice %shift_right_arithmetic3A_551 {offsets = [11], sizes = [1], strides = [1]} : vector<16xi32> to vector<1xi32>
      %squeeze3A_915 = vector.extract %slice3A_914[0] : i32 from vector<1xi32>
      %mul3A_916 = arith.constant 8 : i32
      %mul3A_917 = arith.muli %squeeze3A_915, %mul3A_916 : i32
      %multiple_of3A_918 = tpu.assume_multiple %mul3A_917, 8 : i32
      %slice3A_919 = vector.extract_strided_slice %shift_right_arithmetic3A_561 {offsets = [11], sizes = [1], strides = [1]} : vector<16xi32> to vector<1xi32>
      %squeeze3A_920 = vector.extract %slice3A_919[0] : i32 from vector<1xi32>
      %mul3A_921 = arith.constant 8 : i32
      %mul3A_922 = arith.muli %squeeze3A_920, %mul3A_921 : i32
      %multiple_of3A_923 = tpu.assume_multiple %mul3A_922, 8 : i32
      %mul3A_924 = arith.constant 16 : i32
      %mul3A_925 = arith.muli %scan3A_541, %mul3A_924 : i32
      %add3A_926 = arith.constant 11 : i32
      %add3A_927 = arith.addi %mul3A_925, %add3A_926 : i32
      %mul3A_928 = arith.constant 8 : i32
      %mul3A_929 = arith.muli %add3A_927, %mul3A_928 : i32
      %dma_start3A_930 = arith.constant 0 : i32
      %dma_start3A_931 = tpu.memref_slice %arg11[%mul3A_929, %dma_start3A_930] : memref<128x64xf32, #tpu.memory_space<vmem>> -> memref<8x64xf32, #tpu.memory_space<vmem>>
      %dma_start3A_932 = arith.constant 0 : i32
      %dma_start3A_933 = tpu.memref_slice %arg4[%multiple_of3A_918, %dma_start3A_932] : memref<1000000x64xf32, #tpu.memory_space<hbm>> -> memref<8x64xf32, #tpu.memory_space<hbm>>
      %dma_start3A_934 = arith.constant 0 : i32
      %dma_start3A_935 = tpu.memref_slice %arg11[%mul3A_929, %dma_start3A_934] : memref<128x64xf32, #tpu.memory_space<vmem>> -> memref<8x64xf32, #tpu.memory_space<vmem>>
      %dma_start3A_936 = arith.constant 0 : i32
      %dma_start3A_937 = tpu.memref_slice %arg4[%multiple_of3A_918, %dma_start3A_936] : memref<1000000x64xf32, #tpu.memory_space<hbm>> -> memref<8x64xf32, #tpu.memory_space<hbm>>
      tpu.enqueue_dma source(%dma_start3A_937 : memref<8x64xf32, #tpu.memory_space<hbm>>) target(%dma_start3A_935 : memref<8x64xf32, #tpu.memory_space<vmem>>) target_semaphore(%arg15 : memref<!tpu.dma_semaphore, #tpu.memory_space<semaphore_mem>>)
      %dma_start3A_938 = arith.constant 0 : i32
      %dma_start3A_939 = tpu.memref_slice %arg12[%mul3A_929, %dma_start3A_938] : memref<128x64xf32, #tpu.memory_space<vmem>> -> memref<8x64xf32, #tpu.memory_space<vmem>>
      %dma_start3A_940 = arith.constant 0 : i32
      %dma_start3A_941 = tpu.memref_slice %arg5[%multiple_of3A_923, %dma_start3A_940] : memref<1000000x64xf32, #tpu.memory_space<hbm>> -> memref<8x64xf32, #tpu.memory_space<hbm>>
      %dma_start3A_942 = arith.constant 0 : i32
      %dma_start3A_943 = tpu.memref_slice %arg12[%mul3A_929, %dma_start3A_942] : memref<128x64xf32, #tpu.memory_space<vmem>> -> memref<8x64xf32, #tpu.memory_space<vmem>>
      %dma_start3A_944 = arith.constant 0 : i32
      %dma_start3A_945 = tpu.memref_slice %arg5[%multiple_of3A_923, %dma_start3A_944] : memref<1000000x64xf32, #tpu.memory_space<hbm>> -> memref<8x64xf32, #tpu.memory_space<hbm>>
      tpu.enqueue_dma source(%dma_start3A_945 : memref<8x64xf32, #tpu.memory_space<hbm>>) target(%dma_start3A_943 : memref<8x64xf32, #tpu.memory_space<vmem>>) target_semaphore(%arg15 : memref<!tpu.dma_semaphore, #tpu.memory_space<semaphore_mem>>)
      %slice3A_946 = vector.extract_strided_slice %shift_right_arithmetic3A_551 {offsets = [12], sizes = [1], strides = [1]} : vector<16xi32> to vector<1xi32>
      %squeeze3A_947 = vector.extract %slice3A_946[0] : i32 from vector<1xi32>
      %mul3A_948 = arith.constant 8 : i32
      %mul3A_949 = arith.muli %squeeze3A_947, %mul3A_948 : i32
      %multiple_of3A_950 = tpu.assume_multiple %mul3A_949, 8 : i32
      %slice3A_951 = vector.extract_strided_slice %shift_right_arithmetic3A_561 {offsets = [12], sizes = [1], strides = [1]} : vector<16xi32> to vector<1xi32>
      %squeeze3A_952 = vector.extract %slice3A_951[0] : i32 from vector<1xi32>
      %mul3A_953 = arith.constant 8 : i32
      %mul3A_954 = arith.muli %squeeze3A_952, %mul3A_953 : i32
      %multiple_of3A_955 = tpu.assume_multiple %mul3A_954, 8 : i32
      %mul3A_956 = arith.constant 16 : i32
      %mul3A_957 = arith.muli %scan3A_541, %mul3A_956 : i32
      %add3A_958 = arith.constant 12 : i32
      %add3A_959 = arith.addi %mul3A_957, %add3A_958 : i32
      %mul3A_960 = arith.constant 8 : i32
      %mul3A_961 = arith.muli %add3A_959, %mul3A_960 : i32
      %dma_start3A_962 = arith.constant 0 : i32
      %dma_start3A_963 = tpu.memref_slice %arg11[%mul3A_961, %dma_start3A_962] : memref<128x64xf32, #tpu.memory_space<vmem>> -> memref<8x64xf32, #tpu.memory_space<vmem>>
      %dma_start3A_964 = arith.constant 0 : i32
      %dma_start3A_965 = tpu.memref_slice %arg4[%multiple_of3A_950, %dma_start3A_964] : memref<1000000x64xf32, #tpu.memory_space<hbm>> -> memref<8x64xf32, #tpu.memory_space<hbm>>
      %dma_start3A_966 = arith.constant 0 : i32
      %dma_start3A_967 = tpu.memref_slice %arg11[%mul3A_961, %dma_start3A_966] : memref<128x64xf32, #tpu.memory_space<vmem>> -> memref<8x64xf32, #tpu.memory_space<vmem>>
      %dma_start3A_968 = arith.constant 0 : i32
      %dma_start3A_969 = tpu.memref_slice %arg4[%multiple_of3A_950, %dma_start3A_968] : memref<1000000x64xf32, #tpu.memory_space<hbm>> -> memref<8x64xf32, #tpu.memory_space<hbm>>
      tpu.enqueue_dma source(%dma_start3A_969 : memref<8x64xf32, #tpu.memory_space<hbm>>) target(%dma_start3A_967 : memref<8x64xf32, #tpu.memory_space<vmem>>) target_semaphore(%arg15 : memref<!tpu.dma_semaphore, #tpu.memory_space<semaphore_mem>>)
      %dma_start3A_970 = arith.constant 0 : i32
      %dma_start3A_971 = tpu.memref_slice %arg12[%mul3A_961, %dma_start3A_970] : memref<128x64xf32, #tpu.memory_space<vmem>> -> memref<8x64xf32, #tpu.memory_space<vmem>>
      %dma_start3A_972 = arith.constant 0 : i32
      %dma_start3A_973 = tpu.memref_slice %arg5[%multiple_of3A_955, %dma_start3A_972] : memref<1000000x64xf32, #tpu.memory_space<hbm>> -> memref<8x64xf32, #tpu.memory_space<hbm>>
      %dma_start3A_974 = arith.constant 0 : i32
      %dma_start3A_975 = tpu.memref_slice %arg12[%mul3A_961, %dma_start3A_974] : memref<128x64xf32, #tpu.memory_space<vmem>> -> memref<8x64xf32, #tpu.memory_space<vmem>>
      %dma_start3A_976 = arith.constant 0 : i32
      %dma_start3A_977 = tpu.memref_slice %arg5[%multiple_of3A_955, %dma_start3A_976] : memref<1000000x64xf32, #tpu.memory_space<hbm>> -> memref<8x64xf32, #tpu.memory_space<hbm>>
      tpu.enqueue_dma source(%dma_start3A_977 : memref<8x64xf32, #tpu.memory_space<hbm>>) target(%dma_start3A_975 : memref<8x64xf32, #tpu.memory_space<vmem>>) target_semaphore(%arg15 : memref<!tpu.dma_semaphore, #tpu.memory_space<semaphore_mem>>)
      %slice3A_978 = vector.extract_strided_slice %shift_right_arithmetic3A_551 {offsets = [13], sizes = [1], strides = [1]} : vector<16xi32> to vector<1xi32>
      %squeeze3A_979 = vector.extract %slice3A_978[0] : i32 from vector<1xi32>
      %mul3A_980 = arith.constant 8 : i32
      %mul3A_981 = arith.muli %squeeze3A_979, %mul3A_980 : i32
      %multiple_of3A_982 = tpu.assume_multiple %mul3A_981, 8 : i32
      %slice3A_983 = vector.extract_strided_slice %shift_right_arithmetic3A_561 {offsets = [13], sizes = [1], strides = [1]} : vector<16xi32> to vector<1xi32>
      %squeeze3A_984 = vector.extract %slice3A_983[0] : i32 from vector<1xi32>
      %mul3A_985 = arith.constant 8 : i32
      %mul3A_986 = arith.muli %squeeze3A_984, %mul3A_985 : i32
      %multiple_of3A_987 = tpu.assume_multiple %mul3A_986, 8 : i32
      %mul3A_988 = arith.constant 16 : i32
      %mul3A_989 = arith.muli %scan3A_541, %mul3A_988 : i32
      %add3A_990 = arith.constant 13 : i32
      %add3A_991 = arith.addi %mul3A_989, %add3A_990 : i32
      %mul3A_992 = arith.constant 8 : i32
      %mul3A_993 = arith.muli %add3A_991, %mul3A_992 : i32
      %dma_start3A_994 = arith.constant 0 : i32
      %dma_start3A_995 = tpu.memref_slice %arg11[%mul3A_993, %dma_start3A_994] : memref<128x64xf32, #tpu.memory_space<vmem>> -> memref<8x64xf32, #tpu.memory_space<vmem>>
      %dma_start3A_996 = arith.constant 0 : i32
      %dma_start3A_997 = tpu.memref_slice %arg4[%multiple_of3A_982, %dma_start3A_996] : memref<1000000x64xf32, #tpu.memory_space<hbm>> -> memref<8x64xf32, #tpu.memory_space<hbm>>
      %dma_start3A_998 = arith.constant 0 : i32
      %dma_start3A_999 = tpu.memref_slice %arg11[%mul3A_993, %dma_start3A_998] : memref<128x64xf32, #tpu.memory_space<vmem>> -> memref<8x64xf32, #tpu.memory_space<vmem>>
      %dma_start3A_1000 = arith.constant 0 : i32
      %dma_start3A_1001 = tpu.memref_slice %arg4[%multiple_of3A_982, %dma_start3A_1000] : memref<1000000x64xf32, #tpu.memory_space<hbm>> -> memref<8x64xf32, #tpu.memory_space<hbm>>
      tpu.enqueue_dma source(%dma_start3A_1001 : memref<8x64xf32, #tpu.memory_space<hbm>>) target(%dma_start3A_999 : memref<8x64xf32, #tpu.memory_space<vmem>>) target_semaphore(%arg15 : memref<!tpu.dma_semaphore, #tpu.memory_space<semaphore_mem>>)
      %dma_start3A_1002 = arith.constant 0 : i32
      %dma_start3A_1003 = tpu.memref_slice %arg12[%mul3A_993, %dma_start3A_1002] : memref<128x64xf32, #tpu.memory_space<vmem>> -> memref<8x64xf32, #tpu.memory_space<vmem>>
      %dma_start3A_1004 = arith.constant 0 : i32
      %dma_start3A_1005 = tpu.memref_slice %arg5[%multiple_of3A_987, %dma_start3A_1004] : memref<1000000x64xf32, #tpu.memory_space<hbm>> -> memref<8x64xf32, #tpu.memory_space<hbm>>
      %dma_start3A_1006 = arith.constant 0 : i32
      %dma_start3A_1007 = tpu.memref_slice %arg12[%mul3A_993, %dma_start3A_1006] : memref<128x64xf32, #tpu.memory_space<vmem>> -> memref<8x64xf32, #tpu.memory_space<vmem>>
      %dma_start3A_1008 = arith.constant 0 : i32
      %dma_start3A_1009 = tpu.memref_slice %arg5[%multiple_of3A_987, %dma_start3A_1008] : memref<1000000x64xf32, #tpu.memory_space<hbm>> -> memref<8x64xf32, #tpu.memory_space<hbm>>
      tpu.enqueue_dma source(%dma_start3A_1009 : memref<8x64xf32, #tpu.memory_space<hbm>>) target(%dma_start3A_1007 : memref<8x64xf32, #tpu.memory_space<vmem>>) target_semaphore(%arg15 : memref<!tpu.dma_semaphore, #tpu.memory_space<semaphore_mem>>)
      %slice3A_1010 = vector.extract_strided_slice %shift_right_arithmetic3A_551 {offsets = [14], sizes = [1], strides = [1]} : vector<16xi32> to vector<1xi32>
      %squeeze3A_1011 = vector.extract %slice3A_1010[0] : i32 from vector<1xi32>
      %mul3A_1012 = arith.constant 8 : i32
      %mul3A_1013 = arith.muli %squeeze3A_1011, %mul3A_1012 : i32
      %multiple_of3A_1014 = tpu.assume_multiple %mul3A_1013, 8 : i32
      %slice3A_1015 = vector.extract_strided_slice %shift_right_arithmetic3A_561 {offsets = [14], sizes = [1], strides = [1]} : vector<16xi32> to vector<1xi32>
      %squeeze3A_1016 = vector.extract %slice3A_1015[0] : i32 from vector<1xi32>
      %mul3A_1017 = arith.constant 8 : i32
      %mul3A_1018 = arith.muli %squeeze3A_1016, %mul3A_1017 : i32
      %multiple_of3A_1019 = tpu.assume_multiple %mul3A_1018, 8 : i32
      %mul3A_1020 = arith.constant 16 : i32
      %mul3A_1021 = arith.muli %scan3A_541, %mul3A_1020 : i32
      %add3A_1022 = arith.constant 14 : i32
      %add3A_1023 = arith.addi %mul3A_1021, %add3A_1022 : i32
      %mul3A_1024 = arith.constant 8 : i32
      %mul3A_1025 = arith.muli %add3A_1023, %mul3A_1024 : i32
      %dma_start3A_1026 = arith.constant 0 : i32
      %dma_start3A_1027 = tpu.memref_slice %arg11[%mul3A_1025, %dma_start3A_1026] : memref<128x64xf32, #tpu.memory_space<vmem>> -> memref<8x64xf32, #tpu.memory_space<vmem>>
      %dma_start3A_1028 = arith.constant 0 : i32
      %dma_start3A_1029 = tpu.memref_slice %arg4[%multiple_of3A_1014, %dma_start3A_1028] : memref<1000000x64xf32, #tpu.memory_space<hbm>> -> memref<8x64xf32, #tpu.memory_space<hbm>>
      %dma_start3A_1030 = arith.constant 0 : i32
      %dma_start3A_1031 = tpu.memref_slice %arg11[%mul3A_1025, %dma_start3A_1030] : memref<128x64xf32, #tpu.memory_space<vmem>> -> memref<8x64xf32, #tpu.memory_space<vmem>>
      %dma_start3A_1032 = arith.constant 0 : i32
      %dma_start3A_1033 = tpu.memref_slice %arg4[%multiple_of3A_1014, %dma_start3A_1032] : memref<1000000x64xf32, #tpu.memory_space<hbm>> -> memref<8x64xf32, #tpu.memory_space<hbm>>
      tpu.enqueue_dma source(%dma_start3A_1033 : memref<8x64xf32, #tpu.memory_space<hbm>>) target(%dma_start3A_1031 : memref<8x64xf32, #tpu.memory_space<vmem>>) target_semaphore(%arg15 : memref<!tpu.dma_semaphore, #tpu.memory_space<semaphore_mem>>)
      %dma_start3A_1034 = arith.constant 0 : i32
      %dma_start3A_1035 = tpu.memref_slice %arg12[%mul3A_1025, %dma_start3A_1034] : memref<128x64xf32, #tpu.memory_space<vmem>> -> memref<8x64xf32, #tpu.memory_space<vmem>>
      %dma_start3A_1036 = arith.constant 0 : i32
      %dma_start3A_1037 = tpu.memref_slice %arg5[%multiple_of3A_1019, %dma_start3A_1036] : memref<1000000x64xf32, #tpu.memory_space<hbm>> -> memref<8x64xf32, #tpu.memory_space<hbm>>
      %dma_start3A_1038 = arith.constant 0 : i32
      %dma_start3A_1039 = tpu.memref_slice %arg12[%mul3A_1025, %dma_start3A_1038] : memref<128x64xf32, #tpu.memory_space<vmem>> -> memref<8x64xf32, #tpu.memory_space<vmem>>
      %dma_start3A_1040 = arith.constant 0 : i32
      %dma_start3A_1041 = tpu.memref_slice %arg5[%multiple_of3A_1019, %dma_start3A_1040] : memref<1000000x64xf32, #tpu.memory_space<hbm>> -> memref<8x64xf32, #tpu.memory_space<hbm>>
      tpu.enqueue_dma source(%dma_start3A_1041 : memref<8x64xf32, #tpu.memory_space<hbm>>) target(%dma_start3A_1039 : memref<8x64xf32, #tpu.memory_space<vmem>>) target_semaphore(%arg15 : memref<!tpu.dma_semaphore, #tpu.memory_space<semaphore_mem>>)
      %slice3A_1042 = vector.extract_strided_slice %shift_right_arithmetic3A_551 {offsets = [15], sizes = [1], strides = [1]} : vector<16xi32> to vector<1xi32>
      %squeeze3A_1043 = vector.extract %slice3A_1042[0] : i32 from vector<1xi32>
      %mul3A_1044 = arith.constant 8 : i32
      %mul3A_1045 = arith.muli %squeeze3A_1043, %mul3A_1044 : i32
      %multiple_of3A_1046 = tpu.assume_multiple %mul3A_1045, 8 : i32
      %slice3A_1047 = vector.extract_strided_slice %shift_right_arithmetic3A_561 {offsets = [15], sizes = [1], strides = [1]} : vector<16xi32> to vector<1xi32>
      %squeeze3A_1048 = vector.extract %slice3A_1047[0] : i32 from vector<1xi32>
      %mul3A_1049 = arith.constant 8 : i32
      %mul3A_1050 = arith.muli %squeeze3A_1048, %mul3A_1049 : i32
      %multiple_of3A_1051 = tpu.assume_multiple %mul3A_1050, 8 : i32
      %mul3A_1052 = arith.constant 16 : i32
      %mul3A_1053 = arith.muli %scan3A_541, %mul3A_1052 : i32
      %add3A_1054 = arith.constant 15 : i32
      %add3A_1055 = arith.addi %mul3A_1053, %add3A_1054 : i32
      %mul3A_1056 = arith.constant 8 : i32
      %mul3A_1057 = arith.muli %add3A_1055, %mul3A_1056 : i32
      %dma_start3A_1058 = arith.constant 0 : i32
      %dma_start3A_1059 = tpu.memref_slice %arg11[%mul3A_1057, %dma_start3A_1058] : memref<128x64xf32, #tpu.memory_space<vmem>> -> memref<8x64xf32, #tpu.memory_space<vmem>>
      %dma_start3A_1060 = arith.constant 0 : i32
      %dma_start3A_1061 = tpu.memref_slice %arg4[%multiple_of3A_1046, %dma_start3A_1060] : memref<1000000x64xf32, #tpu.memory_space<hbm>> -> memref<8x64xf32, #tpu.memory_space<hbm>>
      %dma_start3A_1062 = arith.constant 0 : i32
      %dma_start3A_1063 = tpu.memref_slice %arg11[%mul3A_1057, %dma_start3A_1062] : memref<128x64xf32, #tpu.memory_space<vmem>> -> memref<8x64xf32, #tpu.memory_space<vmem>>
      %dma_start3A_1064 = arith.constant 0 : i32
      %dma_start3A_1065 = tpu.memref_slice %arg4[%multiple_of3A_1046, %dma_start3A_1064] : memref<1000000x64xf32, #tpu.memory_space<hbm>> -> memref<8x64xf32, #tpu.memory_space<hbm>>
      tpu.enqueue_dma source(%dma_start3A_1065 : memref<8x64xf32, #tpu.memory_space<hbm>>) target(%dma_start3A_1063 : memref<8x64xf32, #tpu.memory_space<vmem>>) target_semaphore(%arg15 : memref<!tpu.dma_semaphore, #tpu.memory_space<semaphore_mem>>)
      %dma_start3A_1066 = arith.constant 0 : i32
      %dma_start3A_1067 = tpu.memref_slice %arg12[%mul3A_1057, %dma_start3A_1066] : memref<128x64xf32, #tpu.memory_space<vmem>> -> memref<8x64xf32, #tpu.memory_space<vmem>>
      %dma_start3A_1068 = arith.constant 0 : i32
      %dma_start3A_1069 = tpu.memref_slice %arg5[%multiple_of3A_1051, %dma_start3A_1068] : memref<1000000x64xf32, #tpu.memory_space<hbm>> -> memref<8x64xf32, #tpu.memory_space<hbm>>
      %dma_start3A_1070 = arith.constant 0 : i32
      %dma_start3A_1071 = tpu.memref_slice %arg12[%mul3A_1057, %dma_start3A_1070] : memref<128x64xf32, #tpu.memory_space<vmem>> -> memref<8x64xf32, #tpu.memory_space<vmem>>
      %dma_start3A_1072 = arith.constant 0 : i32
      %dma_start3A_1073 = tpu.memref_slice %arg5[%multiple_of3A_1051, %dma_start3A_1072] : memref<1000000x64xf32, #tpu.memory_space<hbm>> -> memref<8x64xf32, #tpu.memory_space<hbm>>
      tpu.enqueue_dma source(%dma_start3A_1073 : memref<8x64xf32, #tpu.memory_space<hbm>>) target(%dma_start3A_1071 : memref<8x64xf32, #tpu.memory_space<vmem>>) target_semaphore(%arg15 : memref<!tpu.dma_semaphore, #tpu.memory_space<semaphore_mem>>)
      %scan3A_1074 = arith.constant 1 : i32
      %scan3A_1075 = arith.constant 0 : i32
      %scan3A_1076 = arith.constant 0 : i32
      %scan3A_1077 = arith.constant 16 : i32
      %scan3A_1078 = arith.addi %scan3A_1076, %scan3A_1077 : i32
      %scan3A_1079 = arith.constant 1 : i32
      scf.for %scan3A_2080 = %scan3A_1076 to %scan3A_1078 step %scan3A_1079  : i32 {
        %dma_wait3A = arith.constant 0 : i32
        %dma_wait3A_2081 = arith.constant 0 : i32
        %dma_wait3A_2082 = tpu.memref_slice %arg9[%dma_wait3A, %dma_wait3A_2081] : memref<128x64xf32, #tpu.memory_space<vmem>> -> memref<8x64xf32, #tpu.memory_space<vmem>>
        %dma_wait3A_2083 = arith.constant 0 : i32
        %dma_wait3A_2084 = arith.constant 0 : i32
        %dma_wait3A_2085 = tpu.memref_slice %arg4[%dma_wait3A_2083, %dma_wait3A_2084] : memref<1000000x64xf32, #tpu.memory_space<hbm>> -> memref<8x64xf32, #tpu.memory_space<hbm>>
        %dma_wait3A_2086 = arith.constant 0 : i32
        %dma_wait3A_2087 = arith.constant 0 : i32
        %dma_wait3A_2088 = tpu.memref_slice %arg9[%dma_wait3A_2086, %dma_wait3A_2087] : memref<128x64xf32, #tpu.memory_space<vmem>> -> memref<8x64xf32, #tpu.memory_space<vmem>>
        %dma_wait3A_2089 = arith.constant 0 : i32
        %dma_wait3A_2090 = arith.constant 0 : i32
        %dma_wait3A_2091 = tpu.memref_slice %arg4[%dma_wait3A_2089, %dma_wait3A_2090] : memref<1000000x64xf32, #tpu.memory_space<hbm>> -> memref<8x64xf32, #tpu.memory_space<hbm>>
        tpu.wait_dma2 semaphore(%arg14 : memref<!tpu.dma_semaphore, #tpu.memory_space<semaphore_mem>>) src(%dma_wait3A_2091 : memref<8x64xf32, #tpu.memory_space<hbm>>) dst(%dma_wait3A_2088 : memref<8x64xf32, #tpu.memory_space<vmem>>)
        %dma_wait3A_2092 = arith.constant 0 : i32
        %dma_wait3A_2093 = arith.constant 0 : i32
        %dma_wait3A_2094 = tpu.memref_slice %arg10[%dma_wait3A_2092, %dma_wait3A_2093] : memref<128x64xf32, #tpu.memory_space<vmem>> -> memref<8x64xf32, #tpu.memory_space<vmem>>
        %dma_wait3A_2095 = arith.constant 0 : i32
        %dma_wait3A_2096 = arith.constant 0 : i32
        %dma_wait3A_2097 = tpu.memref_slice %arg4[%dma_wait3A_2095, %dma_wait3A_2096] : memref<1000000x64xf32, #tpu.memory_space<hbm>> -> memref<8x64xf32, #tpu.memory_space<hbm>>
        %dma_wait3A_2098 = arith.constant 0 : i32
        %dma_wait3A_2099 = arith.constant 0 : i32
        %dma_wait3A_2100 = tpu.memref_slice %arg10[%dma_wait3A_2098, %dma_wait3A_2099] : memref<128x64xf32, #tpu.memory_space<vmem>> -> memref<8x64xf32, #tpu.memory_space<vmem>>
        %dma_wait3A_2101 = arith.constant 0 : i32
        %dma_wait3A_2102 = arith.constant 0 : i32
        %dma_wait3A_2103 = tpu.memref_slice %arg4[%dma_wait3A_2101, %dma_wait3A_2102] : memref<1000000x64xf32, #tpu.memory_space<hbm>> -> memref<8x64xf32, #tpu.memory_space<hbm>>
        tpu.wait_dma2 semaphore(%arg14 : memref<!tpu.dma_semaphore, #tpu.memory_space<semaphore_mem>>) src(%dma_wait3A_2103 : memref<8x64xf32, #tpu.memory_space<hbm>>) dst(%dma_wait3A_2100 : memref<8x64xf32, #tpu.memory_space<vmem>>)
      }
      %scan3A_1080 = arith.constant 16 : i32
      %mul3A_1081 = arith.constant 2 : i32
      %mul3A_1082 = arith.muli %mul3A_1081, %scan3A_535 : i32
      %scan3A_1083 = arith.constant 0 : i32
      %scan3A_1084 = arith.constant 0 : i32
      %mul3A_1085 = arith.constant 16 : i32
      %mul3A_1086 = arith.muli %mul3A_1082, %mul3A_1085 : i32
      %mul3A_1087 = arith.constant 16 : i32
      %mul3A_1088 = arith.muli %scan3A_1084, %mul3A_1087 : i32
      %add3A_1089 = arith.addi %mul3A_1086, %mul3A_1088 : i32
      %mul3A_1090 = arith.constant 16 : i32
      %mul3A_1091 = arith.muli %scan3A_1084, %mul3A_1090 : i32
      %iota3A = tpu.iota {dimensions = array<i32: 0>} : vector<16xi32>
      %add3A_1092 = vector.broadcast %mul3A_1091 : i32 to vector<16xi32>
      %add3A_1093 = arith.addi %add3A_1092, %iota3A : vector<16xi32>
      %mul3A_1094 = arith.constant 8 : i32
      %mul3A_1095 = vector.broadcast %mul3A_1094 : i32 to vector<16xi32>
      %mul3A_1096 = arith.muli %add3A_1093, %mul3A_1095 : vector<16xi32>
      %get3A_1097 = arith.index_cast %add3A_1089 : i32 to index
      %get3A_1098 = tpu.vector_load %arg7[%get3A_1097] {strides = array<i32>} : memref<512xi32, #tpu.memory_space<vmem>>, vector<16xi32>,
      %and3A = arith.constant 7 : i32
      %and3A_1099 = vector.broadcast %and3A : i32 to vector<16xi32>
      %and3A_1100 = arith.andi %get3A_1098, %and3A_1099 : vector<16xi32>
      %add3A_1101 = arith.addi %mul3A_1096, %and3A_1100 : vector<16xi32>
      %mul3A_1102 = arith.constant 16 : i32
      %mul3A_1103 = arith.muli %scan3A_1084, %mul3A_1102 : i32
      %iota3A_1104 = tpu.iota {dimensions = array<i32: 0>} : vector<16xi32>
      %add3A_1105 = vector.broadcast %mul3A_1103 : i32 to vector<16xi32>
      %add3A_1106 = arith.addi %add3A_1105, %iota3A_1104 : vector<16xi32>
      %mul3A_1107 = arith.constant 8 : i32
      %mul3A_1108 = vector.broadcast %mul3A_1107 : i32 to vector<16xi32>
      %mul3A_1109 = arith.muli %add3A_1106, %mul3A_1108 : vector<16xi32>
      %get3A_1110 = arith.index_cast %add3A_1089 : i32 to index
      %get3A_1111 = tpu.vector_load %arg8[%get3A_1110] {strides = array<i32>} : memref<512xi32, #tpu.memory_space<vmem>>, vector<16xi32>,
      %and3A_1112 = arith.constant 7 : i32
      %and3A_1113 = vector.broadcast %and3A_1112 : i32 to vector<16xi32>
      %and3A_1114 = arith.andi %get3A_1111, %and3A_1113 : vector<16xi32>
      %add3A_1115 = arith.addi %mul3A_1109, %and3A_1114 : vector<16xi32>
      %broadcast_in_dim3A = arith.constant 0 : i32
      %broadcast_in_dim3A_1116 = vector.broadcast %broadcast_in_dim3A : i32 to vector<16xi32>
      %broadcast_in_dim3A_1117 = arith.constant 0.000000e+00 : f32
      %broadcast_in_dim3A_1118 = vector.broadcast %broadcast_in_dim3A_1117 : f32 to vector<16xf32>
      %broadcast_in_dim3A_1119 = arith.constant 0.000000e+00 : f32
      %broadcast_in_dim3A_1120 = vector.broadcast %broadcast_in_dim3A_1119 : f32 to vector<16xf32>
      %gather3A = tpu.vector_load_idx %arg9[%add3A_1101, %broadcast_in_dim3A_1116] : memref<128x64xf32, #tpu.memory_space<vmem>>[vector<16xi32>, vector<16xi32>], vector<16xf32>,
      %gather3A_1121 = tpu.vector_load_idx %arg10[%add3A_1115, %broadcast_in_dim3A_1116] : memref<128x64xf32, #tpu.memory_space<vmem>>[vector<16xi32>, vector<16xi32>], vector<16xf32>,
      %mul3A_1122 = arith.mulf %gather3A, %gather3A_1121 : vector<16xf32>
      %add3A_1123 = arith.addf %broadcast_in_dim3A_1118, %mul3A_1122 : vector<16xf32>
      %add3A_1124 = arith.constant 1 : i32
      %add3A_1125 = vector.broadcast %add3A_1124 : i32 to vector<16xi32>
      %add3A_1126 = arith.addi %broadcast_in_dim3A_1116, %add3A_1125 : vector<16xi32>
      %gather3A_1127 = tpu.vector_load_idx %arg9[%add3A_1101, %add3A_1126] : memref<128x64xf32, #tpu.memory_space<vmem>>[vector<16xi32>, vector<16xi32>], vector<16xf32>,
      %gather3A_1128 = tpu.vector_load_idx %arg10[%add3A_1115, %add3A_1126] : memref<128x64xf32, #tpu.memory_space<vmem>>[vector<16xi32>, vector<16xi32>], vector<16xf32>,
      %mul3A_1129 = arith.mulf %gather3A_1127, %gather3A_1128 : vector<16xf32>
      %add3A_1130 = arith.addf %broadcast_in_dim3A_1120, %mul3A_1129 : vector<16xf32>
      %add3A_1131 = arith.constant 1 : i32
      %add3A_1132 = vector.broadcast %add3A_1131 : i32 to vector<16xi32>
      %add3A_1133 = arith.addi %add3A_1126, %add3A_1132 : vector<16xi32>
      %gather3A_1134 = tpu.vector_load_idx %arg9[%add3A_1101, %add3A_1133] : memref<128x64xf32, #tpu.memory_space<vmem>>[vector<16xi32>, vector<16xi32>], vector<16xf32>,
      %gather3A_1135 = tpu.vector_load_idx %arg10[%add3A_1115, %add3A_1133] : memref<128x64xf32, #tpu.memory_space<vmem>>[vector<16xi32>, vector<16xi32>], vector<16xf32>,
      %mul3A_1136 = arith.mulf %gather3A_1134, %gather3A_1135 : vector<16xf32>
      %add3A_1137 = arith.addf %add3A_1123, %mul3A_1136 : vector<16xf32>
      %add3A_1138 = arith.constant 1 : i32
      %add3A_1139 = vector.broadcast %add3A_1138 : i32 to vector<16xi32>
      %add3A_1140 = arith.addi %add3A_1133, %add3A_1139 : vector<16xi32>
      %gather3A_1141 = tpu.vector_load_idx %arg9[%add3A_1101, %add3A_1140] : memref<128x64xf32, #tpu.memory_space<vmem>>[vector<16xi32>, vector<16xi32>], vector<16xf32>,
      %gather3A_1142 = tpu.vector_load_idx %arg10[%add3A_1115, %add3A_1140] : memref<128x64xf32, #tpu.memory_space<vmem>>[vector<16xi32>, vector<16xi32>], vector<16xf32>,
      %mul3A_1143 = arith.mulf %gather3A_1141, %gather3A_1142 : vector<16xf32>
      %add3A_1144 = arith.addf %add3A_1130, %mul3A_1143 : vector<16xf32>
      %add3A_1145 = arith.constant 1 : i32
      %add3A_1146 = vector.broadcast %add3A_1145 : i32 to vector<16xi32>
      %add3A_1147 = arith.addi %add3A_1140, %add3A_1146 : vector<16xi32>
      %gather3A_1148 = tpu.vector_load_idx %arg9[%add3A_1101, %add3A_1147] : memref<128x64xf32, #tpu.memory_space<vmem>>[vector<16xi32>, vector<16xi32>], vector<16xf32>,
      %gather3A_1149 = tpu.vector_load_idx %arg10[%add3A_1115, %add3A_1147] : memref<128x64xf32, #tpu.memory_space<vmem>>[vector<16xi32>, vector<16xi32>], vector<16xf32>,
      %mul3A_1150 = arith.mulf %gather3A_1148, %gather3A_1149 : vector<16xf32>
      %add3A_1151 = arith.addf %add3A_1137, %mul3A_1150 : vector<16xf32>
      %add3A_1152 = arith.constant 1 : i32
      %add3A_1153 = vector.broadcast %add3A_1152 : i32 to vector<16xi32>
      %add3A_1154 = arith.addi %add3A_1147, %add3A_1153 : vector<16xi32>
      %gather3A_1155 = tpu.vector_load_idx %arg9[%add3A_1101, %add3A_1154] : memref<128x64xf32, #tpu.memory_space<vmem>>[vector<16xi32>, vector<16xi32>], vector<16xf32>,
      %gather3A_1156 = tpu.vector_load_idx %arg10[%add3A_1115, %add3A_1154] : memref<128x64xf32, #tpu.memory_space<vmem>>[vector<16xi32>, vector<16xi32>], vector<16xf32>,
      %mul3A_1157 = arith.mulf %gather3A_1155, %gather3A_1156 : vector<16xf32>
      %add3A_1158 = arith.addf %add3A_1144, %mul3A_1157 : vector<16xf32>
      %add3A_1159 = arith.constant 1 : i32
      %add3A_1160 = vector.broadcast %add3A_1159 : i32 to vector<16xi32>
      %add3A_1161 = arith.addi %add3A_1154, %add3A_1160 : vector<16xi32>
      %gather3A_1162 = tpu.vector_load_idx %arg9[%add3A_1101, %add3A_1161] : memref<128x64xf32, #tpu.memory_space<vmem>>[vector<16xi32>, vector<16xi32>], vector<16xf32>,
      %gather3A_1163 = tpu.vector_load_idx %arg10[%add3A_1115, %add3A_1161] : memref<128x64xf32, #tpu.memory_space<vmem>>[vector<16xi32>, vector<16xi32>], vector<16xf32>,
      %mul3A_1164 = arith.mulf %gather3A_1162, %gather3A_1163 : vector<16xf32>
      %add3A_1165 = arith.addf %add3A_1151, %mul3A_1164 : vector<16xf32>
      %add3A_1166 = arith.constant 1 : i32
      %add3A_1167 = vector.broadcast %add3A_1166 : i32 to vector<16xi32>
      %add3A_1168 = arith.addi %add3A_1161, %add3A_1167 : vector<16xi32>
      %gather3A_1169 = tpu.vector_load_idx %arg9[%add3A_1101, %add3A_1168] : memref<128x64xf32, #tpu.memory_space<vmem>>[vector<16xi32>, vector<16xi32>], vector<16xf32>,
      %gather3A_1170 = tpu.vector_load_idx %arg10[%add3A_1115, %add3A_1168] : memref<128x64xf32, #tpu.memory_space<vmem>>[vector<16xi32>, vector<16xi32>], vector<16xf32>,
      %mul3A_1171 = arith.mulf %gather3A_1169, %gather3A_1170 : vector<16xf32>
      %add3A_1172 = arith.addf %add3A_1158, %mul3A_1171 : vector<16xf32>
      %add3A_1173 = arith.constant 1 : i32
      %add3A_1174 = vector.broadcast %add3A_1173 : i32 to vector<16xi32>
      %add3A_1175 = arith.addi %add3A_1168, %add3A_1174 : vector<16xi32>
      %gather3A_1176 = tpu.vector_load_idx %arg9[%add3A_1101, %add3A_1175] : memref<128x64xf32, #tpu.memory_space<vmem>>[vector<16xi32>, vector<16xi32>], vector<16xf32>,
      %gather3A_1177 = tpu.vector_load_idx %arg10[%add3A_1115, %add3A_1175] : memref<128x64xf32, #tpu.memory_space<vmem>>[vector<16xi32>, vector<16xi32>], vector<16xf32>,
      %mul3A_1178 = arith.mulf %gather3A_1176, %gather3A_1177 : vector<16xf32>
      %add3A_1179 = arith.addf %add3A_1165, %mul3A_1178 : vector<16xf32>
      %add3A_1180 = arith.constant 1 : i32
      %add3A_1181 = vector.broadcast %add3A_1180 : i32 to vector<16xi32>
      %add3A_1182 = arith.addi %add3A_1175, %add3A_1181 : vector<16xi32>
      %gather3A_1183 = tpu.vector_load_idx %arg9[%add3A_1101, %add3A_1182] : memref<128x64xf32, #tpu.memory_space<vmem>>[vector<16xi32>, vector<16xi32>], vector<16xf32>,
      %gather3A_1184 = tpu.vector_load_idx %arg10[%add3A_1115, %add3A_1182] : memref<128x64xf32, #tpu.memory_space<vmem>>[vector<16xi32>, vector<16xi32>], vector<16xf32>,
      %mul3A_1185 = arith.mulf %gather3A_1183, %gather3A_1184 : vector<16xf32>
      %add3A_1186 = arith.addf %add3A_1172, %mul3A_1185 : vector<16xf32>
      %add3A_1187 = arith.constant 1 : i32
      %add3A_1188 = vector.broadcast %add3A_1187 : i32 to vector<16xi32>
      %add3A_1189 = arith.addi %add3A_1182, %add3A_1188 : vector<16xi32>
      %gather3A_1190 = tpu.vector_load_idx %arg9[%add3A_1101, %add3A_1189] : memref<128x64xf32, #tpu.memory_space<vmem>>[vector<16xi32>, vector<16xi32>], vector<16xf32>,
      %gather3A_1191 = tpu.vector_load_idx %arg10[%add3A_1115, %add3A_1189] : memref<128x64xf32, #tpu.memory_space<vmem>>[vector<16xi32>, vector<16xi32>], vector<16xf32>,
      %mul3A_1192 = arith.mulf %gather3A_1190, %gather3A_1191 : vector<16xf32>
      %add3A_1193 = arith.addf %add3A_1179, %mul3A_1192 : vector<16xf32>
      %add3A_1194 = arith.constant 1 : i32
      %add3A_1195 = vector.broadcast %add3A_1194 : i32 to vector<16xi32>
      %add3A_1196 = arith.addi %add3A_1189, %add3A_1195 : vector<16xi32>
      %gather3A_1197 = tpu.vector_load_idx %arg9[%add3A_1101, %add3A_1196] : memref<128x64xf32, #tpu.memory_space<vmem>>[vector<16xi32>, vector<16xi32>], vector<16xf32>,
      %gather3A_1198 = tpu.vector_load_idx %arg10[%add3A_1115, %add3A_1196] : memref<128x64xf32, #tpu.memory_space<vmem>>[vector<16xi32>, vector<16xi32>], vector<16xf32>,
      %mul3A_1199 = arith.mulf %gather3A_1197, %gather3A_1198 : vector<16xf32>
      %add3A_1200 = arith.addf %add3A_1186, %mul3A_1199 : vector<16xf32>
      %add3A_1201 = arith.constant 1 : i32
      %add3A_1202 = vector.broadcast %add3A_1201 : i32 to vector<16xi32>
      %add3A_1203 = arith.addi %add3A_1196, %add3A_1202 : vector<16xi32>
      %gather3A_1204 = tpu.vector_load_idx %arg9[%add3A_1101, %add3A_1203] : memref<128x64xf32, #tpu.memory_space<vmem>>[vector<16xi32>, vector<16xi32>], vector<16xf32>,
      %gather3A_1205 = tpu.vector_load_idx %arg10[%add3A_1115, %add3A_1203] : memref<128x64xf32, #tpu.memory_space<vmem>>[vector<16xi32>, vector<16xi32>], vector<16xf32>,
      %mul3A_1206 = arith.mulf %gather3A_1204, %gather3A_1205 : vector<16xf32>
      %add3A_1207 = arith.addf %add3A_1193, %mul3A_1206 : vector<16xf32>
      %add3A_1208 = arith.constant 1 : i32
      %add3A_1209 = vector.broadcast %add3A_1208 : i32 to vector<16xi32>
      %add3A_1210 = arith.addi %add3A_1203, %add3A_1209 : vector<16xi32>
      %gather3A_1211 = tpu.vector_load_idx %arg9[%add3A_1101, %add3A_1210] : memref<128x64xf32, #tpu.memory_space<vmem>>[vector<16xi32>, vector<16xi32>], vector<16xf32>,
      %gather3A_1212 = tpu.vector_load_idx %arg10[%add3A_1115, %add3A_1210] : memref<128x64xf32, #tpu.memory_space<vmem>>[vector<16xi32>, vector<16xi32>], vector<16xf32>,
      %mul3A_1213 = arith.mulf %gather3A_1211, %gather3A_1212 : vector<16xf32>
      %add3A_1214 = arith.addf %add3A_1200, %mul3A_1213 : vector<16xf32>
      %add3A_1215 = arith.constant 1 : i32
      %add3A_1216 = vector.broadcast %add3A_1215 : i32 to vector<16xi32>
      %add3A_1217 = arith.addi %add3A_1210, %add3A_1216 : vector<16xi32>
      %gather3A_1218 = tpu.vector_load_idx %arg9[%add3A_1101, %add3A_1217] : memref<128x64xf32, #tpu.memory_space<vmem>>[vector<16xi32>, vector<16xi32>], vector<16xf32>,
      %gather3A_1219 = tpu.vector_load_idx %arg10[%add3A_1115, %add3A_1217] : memref<128x64xf32, #tpu.memory_space<vmem>>[vector<16xi32>, vector<16xi32>], vector<16xf32>,
      %mul3A_1220 = arith.mulf %gather3A_1218, %gather3A_1219 : vector<16xf32>
      %add3A_1221 = arith.addf %add3A_1207, %mul3A_1220 : vector<16xf32>
      %add3A_1222 = arith.constant 1 : i32
      %add3A_1223 = vector.broadcast %add3A_1222 : i32 to vector<16xi32>
      %add3A_1224 = arith.addi %add3A_1217, %add3A_1223 : vector<16xi32>
      %gather3A_1225 = tpu.vector_load_idx %arg9[%add3A_1101, %add3A_1224] : memref<128x64xf32, #tpu.memory_space<vmem>>[vector<16xi32>, vector<16xi32>], vector<16xf32>,
      %gather3A_1226 = tpu.vector_load_idx %arg10[%add3A_1115, %add3A_1224] : memref<128x64xf32, #tpu.memory_space<vmem>>[vector<16xi32>, vector<16xi32>], vector<16xf32>,
      %mul3A_1227 = arith.mulf %gather3A_1225, %gather3A_1226 : vector<16xf32>
      %add3A_1228 = arith.addf %add3A_1214, %mul3A_1227 : vector<16xf32>
      %add3A_1229 = arith.constant 1 : i32
      %add3A_1230 = vector.broadcast %add3A_1229 : i32 to vector<16xi32>
      %add3A_1231 = arith.addi %add3A_1224, %add3A_1230 : vector<16xi32>
      %gather3A_1232 = tpu.vector_load_idx %arg9[%add3A_1101, %add3A_1231] : memref<128x64xf32, #tpu.memory_space<vmem>>[vector<16xi32>, vector<16xi32>], vector<16xf32>,
      %gather3A_1233 = tpu.vector_load_idx %arg10[%add3A_1115, %add3A_1231] : memref<128x64xf32, #tpu.memory_space<vmem>>[vector<16xi32>, vector<16xi32>], vector<16xf32>,
      %mul3A_1234 = arith.mulf %gather3A_1232, %gather3A_1233 : vector<16xf32>
      %add3A_1235 = arith.addf %add3A_1221, %mul3A_1234 : vector<16xf32>
      %add3A_1236 = arith.constant 1 : i32
      %add3A_1237 = vector.broadcast %add3A_1236 : i32 to vector<16xi32>
      %add3A_1238 = arith.addi %add3A_1231, %add3A_1237 : vector<16xi32>
      %gather3A_1239 = tpu.vector_load_idx %arg9[%add3A_1101, %add3A_1238] : memref<128x64xf32, #tpu.memory_space<vmem>>[vector<16xi32>, vector<16xi32>], vector<16xf32>,
      %gather3A_1240 = tpu.vector_load_idx %arg10[%add3A_1115, %add3A_1238] : memref<128x64xf32, #tpu.memory_space<vmem>>[vector<16xi32>, vector<16xi32>], vector<16xf32>,
      %mul3A_1241 = arith.mulf %gather3A_1239, %gather3A_1240 : vector<16xf32>
      %add3A_1242 = arith.addf %add3A_1228, %mul3A_1241 : vector<16xf32>
      %add3A_1243 = arith.constant 1 : i32
      %add3A_1244 = vector.broadcast %add3A_1243 : i32 to vector<16xi32>
      %add3A_1245 = arith.addi %add3A_1238, %add3A_1244 : vector<16xi32>
      %gather3A_1246 = tpu.vector_load_idx %arg9[%add3A_1101, %add3A_1245] : memref<128x64xf32, #tpu.memory_space<vmem>>[vector<16xi32>, vector<16xi32>], vector<16xf32>,
      %gather3A_1247 = tpu.vector_load_idx %arg10[%add3A_1115, %add3A_1245] : memref<128x64xf32, #tpu.memory_space<vmem>>[vector<16xi32>, vector<16xi32>], vector<16xf32>,
      %mul3A_1248 = arith.mulf %gather3A_1246, %gather3A_1247 : vector<16xf32>
      %add3A_1249 = arith.addf %add3A_1235, %mul3A_1248 : vector<16xf32>
      %add3A_1250 = arith.constant 1 : i32
      %add3A_1251 = vector.broadcast %add3A_1250 : i32 to vector<16xi32>
      %add3A_1252 = arith.addi %add3A_1245, %add3A_1251 : vector<16xi32>
      %gather3A_1253 = tpu.vector_load_idx %arg9[%add3A_1101, %add3A_1252] : memref<128x64xf32, #tpu.memory_space<vmem>>[vector<16xi32>, vector<16xi32>], vector<16xf32>,
      %gather3A_1254 = tpu.vector_load_idx %arg10[%add3A_1115, %add3A_1252] : memref<128x64xf32, #tpu.memory_space<vmem>>[vector<16xi32>, vector<16xi32>], vector<16xf32>,
      %mul3A_1255 = arith.mulf %gather3A_1253, %gather3A_1254 : vector<16xf32>
      %add3A_1256 = arith.addf %add3A_1242, %mul3A_1255 : vector<16xf32>
      %add3A_1257 = arith.constant 1 : i32
      %add3A_1258 = vector.broadcast %add3A_1257 : i32 to vector<16xi32>
      %add3A_1259 = arith.addi %add3A_1252, %add3A_1258 : vector<16xi32>
      %gather3A_1260 = tpu.vector_load_idx %arg9[%add3A_1101, %add3A_1259] : memref<128x64xf32, #tpu.memory_space<vmem>>[vector<16xi32>, vector<16xi32>], vector<16xf32>,
      %gather3A_1261 = tpu.vector_load_idx %arg10[%add3A_1115, %add3A_1259] : memref<128x64xf32, #tpu.memory_space<vmem>>[vector<16xi32>, vector<16xi32>], vector<16xf32>,
      %mul3A_1262 = arith.mulf %gather3A_1260, %gather3A_1261 : vector<16xf32>
      %add3A_1263 = arith.addf %add3A_1249, %mul3A_1262 : vector<16xf32>
      %add3A_1264 = arith.constant 1 : i32
      %add3A_1265 = vector.broadcast %add3A_1264 : i32 to vector<16xi32>
      %add3A_1266 = arith.addi %add3A_1259, %add3A_1265 : vector<16xi32>
      %gather3A_1267 = tpu.vector_load_idx %arg9[%add3A_1101, %add3A_1266] : memref<128x64xf32, #tpu.memory_space<vmem>>[vector<16xi32>, vector<16xi32>], vector<16xf32>,
      %gather3A_1268 = tpu.vector_load_idx %arg10[%add3A_1115, %add3A_1266] : memref<128x64xf32, #tpu.memory_space<vmem>>[vector<16xi32>, vector<16xi32>], vector<16xf32>,
      %mul3A_1269 = arith.mulf %gather3A_1267, %gather3A_1268 : vector<16xf32>
      %add3A_1270 = arith.addf %add3A_1256, %mul3A_1269 : vector<16xf32>
      %add3A_1271 = arith.constant 1 : i32
      %add3A_1272 = vector.broadcast %add3A_1271 : i32 to vector<16xi32>
      %add3A_1273 = arith.addi %add3A_1266, %add3A_1272 : vector<16xi32>
      %gather3A_1274 = tpu.vector_load_idx %arg9[%add3A_1101, %add3A_1273] : memref<128x64xf32, #tpu.memory_space<vmem>>[vector<16xi32>, vector<16xi32>], vector<16xf32>,
      %gather3A_1275 = tpu.vector_load_idx %arg10[%add3A_1115, %add3A_1273] : memref<128x64xf32, #tpu.memory_space<vmem>>[vector<16xi32>, vector<16xi32>], vector<16xf32>,
      %mul3A_1276 = arith.mulf %gather3A_1274, %gather3A_1275 : vector<16xf32>
      %add3A_1277 = arith.addf %add3A_1263, %mul3A_1276 : vector<16xf32>
      %add3A_1278 = arith.constant 1 : i32
      %add3A_1279 = vector.broadcast %add3A_1278 : i32 to vector<16xi32>
      %add3A_1280 = arith.addi %add3A_1273, %add3A_1279 : vector<16xi32>
      %gather3A_1281 = tpu.vector_load_idx %arg9[%add3A_1101, %add3A_1280] : memref<128x64xf32, #tpu.memory_space<vmem>>[vector<16xi32>, vector<16xi32>], vector<16xf32>,
      %gather3A_1282 = tpu.vector_load_idx %arg10[%add3A_1115, %add3A_1280] : memref<128x64xf32, #tpu.memory_space<vmem>>[vector<16xi32>, vector<16xi32>], vector<16xf32>,
      %mul3A_1283 = arith.mulf %gather3A_1281, %gather3A_1282 : vector<16xf32>
      %add3A_1284 = arith.addf %add3A_1270, %mul3A_1283 : vector<16xf32>
      %add3A_1285 = arith.constant 1 : i32
      %add3A_1286 = vector.broadcast %add3A_1285 : i32 to vector<16xi32>
      %add3A_1287 = arith.addi %add3A_1280, %add3A_1286 : vector<16xi32>
      %gather3A_1288 = tpu.vector_load_idx %arg9[%add3A_1101, %add3A_1287] : memref<128x64xf32, #tpu.memory_space<vmem>>[vector<16xi32>, vector<16xi32>], vector<16xf32>,
      %gather3A_1289 = tpu.vector_load_idx %arg10[%add3A_1115, %add3A_1287] : memref<128x64xf32, #tpu.memory_space<vmem>>[vector<16xi32>, vector<16xi32>], vector<16xf32>,
      %mul3A_1290 = arith.mulf %gather3A_1288, %gather3A_1289 : vector<16xf32>
      %add3A_1291 = arith.addf %add3A_1277, %mul3A_1290 : vector<16xf32>
      %add3A_1292 = arith.constant 1 : i32
      %add3A_1293 = vector.broadcast %add3A_1292 : i32 to vector<16xi32>
      %add3A_1294 = arith.addi %add3A_1287, %add3A_1293 : vector<16xi32>
      %gather3A_1295 = tpu.vector_load_idx %arg9[%add3A_1101, %add3A_1294] : memref<128x64xf32, #tpu.memory_space<vmem>>[vector<16xi32>, vector<16xi32>], vector<16xf32>,
      %gather3A_1296 = tpu.vector_load_idx %arg10[%add3A_1115, %add3A_1294] : memref<128x64xf32, #tpu.memory_space<vmem>>[vector<16xi32>, vector<16xi32>], vector<16xf32>,
      %mul3A_1297 = arith.mulf %gather3A_1295, %gather3A_1296 : vector<16xf32>
      %add3A_1298 = arith.addf %add3A_1284, %mul3A_1297 : vector<16xf32>
      %add3A_1299 = arith.constant 1 : i32
      %add3A_1300 = vector.broadcast %add3A_1299 : i32 to vector<16xi32>
      %add3A_1301 = arith.addi %add3A_1294, %add3A_1300 : vector<16xi32>
      %gather3A_1302 = tpu.vector_load_idx %arg9[%add3A_1101, %add3A_1301] : memref<128x64xf32, #tpu.memory_space<vmem>>[vector<16xi32>, vector<16xi32>], vector<16xf32>,
      %gather3A_1303 = tpu.vector_load_idx %arg10[%add3A_1115, %add3A_1301] : memref<128x64xf32, #tpu.memory_space<vmem>>[vector<16xi32>, vector<16xi32>], vector<16xf32>,
      %mul3A_1304 = arith.mulf %gather3A_1302, %gather3A_1303 : vector<16xf32>
      %add3A_1305 = arith.addf %add3A_1291, %mul3A_1304 : vector<16xf32>
      %add3A_1306 = arith.constant 1 : i32
      %add3A_1307 = vector.broadcast %add3A_1306 : i32 to vector<16xi32>
      %add3A_1308 = arith.addi %add3A_1301, %add3A_1307 : vector<16xi32>
      %gather3A_1309 = tpu.vector_load_idx %arg9[%add3A_1101, %add3A_1308] : memref<128x64xf32, #tpu.memory_space<vmem>>[vector<16xi32>, vector<16xi32>], vector<16xf32>,
      %gather3A_1310 = tpu.vector_load_idx %arg10[%add3A_1115, %add3A_1308] : memref<128x64xf32, #tpu.memory_space<vmem>>[vector<16xi32>, vector<16xi32>], vector<16xf32>,
      %mul3A_1311 = arith.mulf %gather3A_1309, %gather3A_1310 : vector<16xf32>
      %add3A_1312 = arith.addf %add3A_1298, %mul3A_1311 : vector<16xf32>
      %add3A_1313 = arith.constant 1 : i32
      %add3A_1314 = vector.broadcast %add3A_1313 : i32 to vector<16xi32>
      %add3A_1315 = arith.addi %add3A_1308, %add3A_1314 : vector<16xi32>
      %gather3A_1316 = tpu.vector_load_idx %arg9[%add3A_1101, %add3A_1315] : memref<128x64xf32, #tpu.memory_space<vmem>>[vector<16xi32>, vector<16xi32>], vector<16xf32>,
      %gather3A_1317 = tpu.vector_load_idx %arg10[%add3A_1115, %add3A_1315] : memref<128x64xf32, #tpu.memory_space<vmem>>[vector<16xi32>, vector<16xi32>], vector<16xf32>,
      %mul3A_1318 = arith.mulf %gather3A_1316, %gather3A_1317 : vector<16xf32>
      %add3A_1319 = arith.addf %add3A_1305, %mul3A_1318 : vector<16xf32>
      %add3A_1320 = arith.constant 1 : i32
      %add3A_1321 = vector.broadcast %add3A_1320 : i32 to vector<16xi32>
      %add3A_1322 = arith.addi %add3A_1315, %add3A_1321 : vector<16xi32>
      %gather3A_1323 = tpu.vector_load_idx %arg9[%add3A_1101, %add3A_1322] : memref<128x64xf32, #tpu.memory_space<vmem>>[vector<16xi32>, vector<16xi32>], vector<16xf32>,
      %gather3A_1324 = tpu.vector_load_idx %arg10[%add3A_1115, %add3A_1322] : memref<128x64xf32, #tpu.memory_space<vmem>>[vector<16xi32>, vector<16xi32>], vector<16xf32>,
      %mul3A_1325 = arith.mulf %gather3A_1323, %gather3A_1324 : vector<16xf32>
      %add3A_1326 = arith.addf %add3A_1312, %mul3A_1325 : vector<16xf32>
      %add3A_1327 = arith.constant 1 : i32
      %add3A_1328 = vector.broadcast %add3A_1327 : i32 to vector<16xi32>
      %add3A_1329 = arith.addi %add3A_1322, %add3A_1328 : vector<16xi32>
      %gather3A_1330 = tpu.vector_load_idx %arg9[%add3A_1101, %add3A_1329] : memref<128x64xf32, #tpu.memory_space<vmem>>[vector<16xi32>, vector<16xi32>], vector<16xf32>,
      %gather3A_1331 = tpu.vector_load_idx %arg10[%add3A_1115, %add3A_1329] : memref<128x64xf32, #tpu.memory_space<vmem>>[vector<16xi32>, vector<16xi32>], vector<16xf32>,
      %mul3A_1332 = arith.mulf %gather3A_1330, %gather3A_1331 : vector<16xf32>
      %add3A_1333 = arith.addf %add3A_1319, %mul3A_1332 : vector<16xf32>
      %add3A_1334 = arith.constant 1 : i32
      %add3A_1335 = vector.broadcast %add3A_1334 : i32 to vector<16xi32>
      %add3A_1336 = arith.addi %add3A_1329, %add3A_1335 : vector<16xi32>
      %gather3A_1337 = tpu.vector_load_idx %arg9[%add3A_1101, %add3A_1336] : memref<128x64xf32, #tpu.memory_space<vmem>>[vector<16xi32>, vector<16xi32>], vector<16xf32>,
      %gather3A_1338 = tpu.vector_load_idx %arg10[%add3A_1115, %add3A_1336] : memref<128x64xf32, #tpu.memory_space<vmem>>[vector<16xi32>, vector<16xi32>], vector<16xf32>,
      %mul3A_1339 = arith.mulf %gather3A_1337, %gather3A_1338 : vector<16xf32>
      %add3A_1340 = arith.addf %add3A_1326, %mul3A_1339 : vector<16xf32>
      %add3A_1341 = arith.constant 1 : i32
      %add3A_1342 = vector.broadcast %add3A_1341 : i32 to vector<16xi32>
      %add3A_1343 = arith.addi %add3A_1336, %add3A_1342 : vector<16xi32>
      %gather3A_1344 = tpu.vector_load_idx %arg9[%add3A_1101, %add3A_1343] : memref<128x64xf32, #tpu.memory_space<vmem>>[vector<16xi32>, vector<16xi32>], vector<16xf32>,
      %gather3A_1345 = tpu.vector_load_idx %arg10[%add3A_1115, %add3A_1343] : memref<128x64xf32, #tpu.memory_space<vmem>>[vector<16xi32>, vector<16xi32>], vector<16xf32>,
      %mul3A_1346 = arith.mulf %gather3A_1344, %gather3A_1345 : vector<16xf32>
      %add3A_1347 = arith.addf %add3A_1333, %mul3A_1346 : vector<16xf32>
      %add3A_1348 = arith.constant 1 : i32
      %add3A_1349 = vector.broadcast %add3A_1348 : i32 to vector<16xi32>
      %add3A_1350 = arith.addi %add3A_1343, %add3A_1349 : vector<16xi32>
      %gather3A_1351 = tpu.vector_load_idx %arg9[%add3A_1101, %add3A_1350] : memref<128x64xf32, #tpu.memory_space<vmem>>[vector<16xi32>, vector<16xi32>], vector<16xf32>,
      %gather3A_1352 = tpu.vector_load_idx %arg10[%add3A_1115, %add3A_1350] : memref<128x64xf32, #tpu.memory_space<vmem>>[vector<16xi32>, vector<16xi32>], vector<16xf32>,
      %mul3A_1353 = arith.mulf %gather3A_1351, %gather3A_1352 : vector<16xf32>
      %add3A_1354 = arith.addf %add3A_1340, %mul3A_1353 : vector<16xf32>
      %add3A_1355 = arith.constant 1 : i32
      %add3A_1356 = vector.broadcast %add3A_1355 : i32 to vector<16xi32>
      %add3A_1357 = arith.addi %add3A_1350, %add3A_1356 : vector<16xi32>
      %gather3A_1358 = tpu.vector_load_idx %arg9[%add3A_1101, %add3A_1357] : memref<128x64xf32, #tpu.memory_space<vmem>>[vector<16xi32>, vector<16xi32>], vector<16xf32>,
      %gather3A_1359 = tpu.vector_load_idx %arg10[%add3A_1115, %add3A_1357] : memref<128x64xf32, #tpu.memory_space<vmem>>[vector<16xi32>, vector<16xi32>], vector<16xf32>,
      %mul3A_1360 = arith.mulf %gather3A_1358, %gather3A_1359 : vector<16xf32>
      %add3A_1361 = arith.addf %add3A_1347, %mul3A_1360 : vector<16xf32>
      %add3A_1362 = arith.constant 1 : i32
      %add3A_1363 = vector.broadcast %add3A_1362 : i32 to vector<16xi32>
      %add3A_1364 = arith.addi %add3A_1357, %add3A_1363 : vector<16xi32>
      %gather3A_1365 = tpu.vector_load_idx %arg9[%add3A_1101, %add3A_1364] : memref<128x64xf32, #tpu.memory_space<vmem>>[vector<16xi32>, vector<16xi32>], vector<16xf32>,
      %gather3A_1366 = tpu.vector_load_idx %arg10[%add3A_1115, %add3A_1364] : memref<128x64xf32, #tpu.memory_space<vmem>>[vector<16xi32>, vector<16xi32>], vector<16xf32>,
      %mul3A_1367 = arith.mulf %gather3A_1365, %gather3A_1366 : vector<16xf32>
      %add3A_1368 = arith.addf %add3A_1354, %mul3A_1367 : vector<16xf32>
      %add3A_1369 = arith.constant 1 : i32
      %add3A_1370 = vector.broadcast %add3A_1369 : i32 to vector<16xi32>
      %add3A_1371 = arith.addi %add3A_1364, %add3A_1370 : vector<16xi32>
      %gather3A_1372 = tpu.vector_load_idx %arg9[%add3A_1101, %add3A_1371] : memref<128x64xf32, #tpu.memory_space<vmem>>[vector<16xi32>, vector<16xi32>], vector<16xf32>,
      %gather3A_1373 = tpu.vector_load_idx %arg10[%add3A_1115, %add3A_1371] : memref<128x64xf32, #tpu.memory_space<vmem>>[vector<16xi32>, vector<16xi32>], vector<16xf32>,
      %mul3A_1374 = arith.mulf %gather3A_1372, %gather3A_1373 : vector<16xf32>
      %add3A_1375 = arith.addf %add3A_1361, %mul3A_1374 : vector<16xf32>
      %add3A_1376 = arith.constant 1 : i32
      %add3A_1377 = vector.broadcast %add3A_1376 : i32 to vector<16xi32>
      %add3A_1378 = arith.addi %add3A_1371, %add3A_1377 : vector<16xi32>
      %gather3A_1379 = tpu.vector_load_idx %arg9[%add3A_1101, %add3A_1378] : memref<128x64xf32, #tpu.memory_space<vmem>>[vector<16xi32>, vector<16xi32>], vector<16xf32>,
      %gather3A_1380 = tpu.vector_load_idx %arg10[%add3A_1115, %add3A_1378] : memref<128x64xf32, #tpu.memory_space<vmem>>[vector<16xi32>, vector<16xi32>], vector<16xf32>,
      %mul3A_1381 = arith.mulf %gather3A_1379, %gather3A_1380 : vector<16xf32>
      %add3A_1382 = arith.addf %add3A_1368, %mul3A_1381 : vector<16xf32>
      %add3A_1383 = arith.constant 1 : i32
      %add3A_1384 = vector.broadcast %add3A_1383 : i32 to vector<16xi32>
      %add3A_1385 = arith.addi %add3A_1378, %add3A_1384 : vector<16xi32>
      %gather3A_1386 = tpu.vector_load_idx %arg9[%add3A_1101, %add3A_1385] : memref<128x64xf32, #tpu.memory_space<vmem>>[vector<16xi32>, vector<16xi32>], vector<16xf32>,
      %gather3A_1387 = tpu.vector_load_idx %arg10[%add3A_1115, %add3A_1385] : memref<128x64xf32, #tpu.memory_space<vmem>>[vector<16xi32>, vector<16xi32>], vector<16xf32>,
      %mul3A_1388 = arith.mulf %gather3A_1386, %gather3A_1387 : vector<16xf32>
      %add3A_1389 = arith.addf %add3A_1375, %mul3A_1388 : vector<16xf32>
      %add3A_1390 = arith.constant 1 : i32
      %add3A_1391 = vector.broadcast %add3A_1390 : i32 to vector<16xi32>
      %add3A_1392 = arith.addi %add3A_1385, %add3A_1391 : vector<16xi32>
      %gather3A_1393 = tpu.vector_load_idx %arg9[%add3A_1101, %add3A_1392] : memref<128x64xf32, #tpu.memory_space<vmem>>[vector<16xi32>, vector<16xi32>], vector<16xf32>,
      %gather3A_1394 = tpu.vector_load_idx %arg10[%add3A_1115, %add3A_1392] : memref<128x64xf32, #tpu.memory_space<vmem>>[vector<16xi32>, vector<16xi32>], vector<16xf32>,
      %mul3A_1395 = arith.mulf %gather3A_1393, %gather3A_1394 : vector<16xf32>
      %add3A_1396 = arith.addf %add3A_1382, %mul3A_1395 : vector<16xf32>
      %add3A_1397 = arith.constant 1 : i32
      %add3A_1398 = vector.broadcast %add3A_1397 : i32 to vector<16xi32>
      %add3A_1399 = arith.addi %add3A_1392, %add3A_1398 : vector<16xi32>
      %gather3A_1400 = tpu.vector_load_idx %arg9[%add3A_1101, %add3A_1399] : memref<128x64xf32, #tpu.memory_space<vmem>>[vector<16xi32>, vector<16xi32>], vector<16xf32>,
      %gather3A_1401 = tpu.vector_load_idx %arg10[%add3A_1115, %add3A_1399] : memref<128x64xf32, #tpu.memory_space<vmem>>[vector<16xi32>, vector<16xi32>], vector<16xf32>,
      %mul3A_1402 = arith.mulf %gather3A_1400, %gather3A_1401 : vector<16xf32>
      %add3A_1403 = arith.addf %add3A_1389, %mul3A_1402 : vector<16xf32>
      %add3A_1404 = arith.constant 1 : i32
      %add3A_1405 = vector.broadcast %add3A_1404 : i32 to vector<16xi32>
      %add3A_1406 = arith.addi %add3A_1399, %add3A_1405 : vector<16xi32>
      %gather3A_1407 = tpu.vector_load_idx %arg9[%add3A_1101, %add3A_1406] : memref<128x64xf32, #tpu.memory_space<vmem>>[vector<16xi32>, vector<16xi32>], vector<16xf32>,
      %gather3A_1408 = tpu.vector_load_idx %arg10[%add3A_1115, %add3A_1406] : memref<128x64xf32, #tpu.memory_space<vmem>>[vector<16xi32>, vector<16xi32>], vector<16xf32>,
      %mul3A_1409 = arith.mulf %gather3A_1407, %gather3A_1408 : vector<16xf32>
      %add3A_1410 = arith.addf %add3A_1396, %mul3A_1409 : vector<16xf32>
      %add3A_1411 = arith.constant 1 : i32
      %add3A_1412 = vector.broadcast %add3A_1411 : i32 to vector<16xi32>
      %add3A_1413 = arith.addi %add3A_1406, %add3A_1412 : vector<16xi32>
      %gather3A_1414 = tpu.vector_load_idx %arg9[%add3A_1101, %add3A_1413] : memref<128x64xf32, #tpu.memory_space<vmem>>[vector<16xi32>, vector<16xi32>], vector<16xf32>,
      %gather3A_1415 = tpu.vector_load_idx %arg10[%add3A_1115, %add3A_1413] : memref<128x64xf32, #tpu.memory_space<vmem>>[vector<16xi32>, vector<16xi32>], vector<16xf32>,
      %mul3A_1416 = arith.mulf %gather3A_1414, %gather3A_1415 : vector<16xf32>
      %add3A_1417 = arith.addf %add3A_1403, %mul3A_1416 : vector<16xf32>
      %add3A_1418 = arith.constant 1 : i32
      %add3A_1419 = vector.broadcast %add3A_1418 : i32 to vector<16xi32>
      %add3A_1420 = arith.addi %add3A_1413, %add3A_1419 : vector<16xi32>
      %gather3A_1421 = tpu.vector_load_idx %arg9[%add3A_1101, %add3A_1420] : memref<128x64xf32, #tpu.memory_space<vmem>>[vector<16xi32>, vector<16xi32>], vector<16xf32>,
      %gather3A_1422 = tpu.vector_load_idx %arg10[%add3A_1115, %add3A_1420] : memref<128x64xf32, #tpu.memory_space<vmem>>[vector<16xi32>, vector<16xi32>], vector<16xf32>,
      %mul3A_1423 = arith.mulf %gather3A_1421, %gather3A_1422 : vector<16xf32>
      %add3A_1424 = arith.addf %add3A_1410, %mul3A_1423 : vector<16xf32>
      %add3A_1425 = arith.constant 1 : i32
      %add3A_1426 = vector.broadcast %add3A_1425 : i32 to vector<16xi32>
      %add3A_1427 = arith.addi %add3A_1420, %add3A_1426 : vector<16xi32>
      %gather3A_1428 = tpu.vector_load_idx %arg9[%add3A_1101, %add3A_1427] : memref<128x64xf32, #tpu.memory_space<vmem>>[vector<16xi32>, vector<16xi32>], vector<16xf32>,
      %gather3A_1429 = tpu.vector_load_idx %arg10[%add3A_1115, %add3A_1427] : memref<128x64xf32, #tpu.memory_space<vmem>>[vector<16xi32>, vector<16xi32>], vector<16xf32>,
      %mul3A_1430 = arith.mulf %gather3A_1428, %gather3A_1429 : vector<16xf32>
      %add3A_1431 = arith.addf %add3A_1417, %mul3A_1430 : vector<16xf32>
      %add3A_1432 = arith.constant 1 : i32
      %add3A_1433 = vector.broadcast %add3A_1432 : i32 to vector<16xi32>
      %add3A_1434 = arith.addi %add3A_1427, %add3A_1433 : vector<16xi32>
      %gather3A_1435 = tpu.vector_load_idx %arg9[%add3A_1101, %add3A_1434] : memref<128x64xf32, #tpu.memory_space<vmem>>[vector<16xi32>, vector<16xi32>], vector<16xf32>,
      %gather3A_1436 = tpu.vector_load_idx %arg10[%add3A_1115, %add3A_1434] : memref<128x64xf32, #tpu.memory_space<vmem>>[vector<16xi32>, vector<16xi32>], vector<16xf32>,
      %mul3A_1437 = arith.mulf %gather3A_1435, %gather3A_1436 : vector<16xf32>
      %add3A_1438 = arith.addf %add3A_1424, %mul3A_1437 : vector<16xf32>
      %add3A_1439 = arith.constant 1 : i32
      %add3A_1440 = vector.broadcast %add3A_1439 : i32 to vector<16xi32>
      %add3A_1441 = arith.addi %add3A_1434, %add3A_1440 : vector<16xi32>
      %gather3A_1442 = tpu.vector_load_idx %arg9[%add3A_1101, %add3A_1441] : memref<128x64xf32, #tpu.memory_space<vmem>>[vector<16xi32>, vector<16xi32>], vector<16xf32>,
      %gather3A_1443 = tpu.vector_load_idx %arg10[%add3A_1115, %add3A_1441] : memref<128x64xf32, #tpu.memory_space<vmem>>[vector<16xi32>, vector<16xi32>], vector<16xf32>,
      %mul3A_1444 = arith.mulf %gather3A_1442, %gather3A_1443 : vector<16xf32>
      %add3A_1445 = arith.addf %add3A_1431, %mul3A_1444 : vector<16xf32>
      %add3A_1446 = arith.constant 1 : i32
      %add3A_1447 = vector.broadcast %add3A_1446 : i32 to vector<16xi32>
      %add3A_1448 = arith.addi %add3A_1441, %add3A_1447 : vector<16xi32>
      %gather3A_1449 = tpu.vector_load_idx %arg9[%add3A_1101, %add3A_1448] : memref<128x64xf32, #tpu.memory_space<vmem>>[vector<16xi32>, vector<16xi32>], vector<16xf32>,
      %gather3A_1450 = tpu.vector_load_idx %arg10[%add3A_1115, %add3A_1448] : memref<128x64xf32, #tpu.memory_space<vmem>>[vector<16xi32>, vector<16xi32>], vector<16xf32>,
      %mul3A_1451 = arith.mulf %gather3A_1449, %gather3A_1450 : vector<16xf32>
      %add3A_1452 = arith.addf %add3A_1438, %mul3A_1451 : vector<16xf32>
      %add3A_1453 = arith.constant 1 : i32
      %add3A_1454 = vector.broadcast %add3A_1453 : i32 to vector<16xi32>
      %add3A_1455 = arith.addi %add3A_1448, %add3A_1454 : vector<16xi32>
      %gather3A_1456 = tpu.vector_load_idx %arg9[%add3A_1101, %add3A_1455] : memref<128x64xf32, #tpu.memory_space<vmem>>[vector<16xi32>, vector<16xi32>], vector<16xf32>,
      %gather3A_1457 = tpu.vector_load_idx %arg10[%add3A_1115, %add3A_1455] : memref<128x64xf32, #tpu.memory_space<vmem>>[vector<16xi32>, vector<16xi32>], vector<16xf32>,
      %mul3A_1458 = arith.mulf %gather3A_1456, %gather3A_1457 : vector<16xf32>
      %add3A_1459 = arith.addf %add3A_1445, %mul3A_1458 : vector<16xf32>
      %add3A_1460 = arith.constant 1 : i32
      %add3A_1461 = vector.broadcast %add3A_1460 : i32 to vector<16xi32>
      %add3A_1462 = arith.addi %add3A_1455, %add3A_1461 : vector<16xi32>
      %gather3A_1463 = tpu.vector_load_idx %arg9[%add3A_1101, %add3A_1462] : memref<128x64xf32, #tpu.memory_space<vmem>>[vector<16xi32>, vector<16xi32>], vector<16xf32>,
      %gather3A_1464 = tpu.vector_load_idx %arg10[%add3A_1115, %add3A_1462] : memref<128x64xf32, #tpu.memory_space<vmem>>[vector<16xi32>, vector<16xi32>], vector<16xf32>,
      %mul3A_1465 = arith.mulf %gather3A_1463, %gather3A_1464 : vector<16xf32>
      %add3A_1466 = arith.addf %add3A_1452, %mul3A_1465 : vector<16xf32>
      %add3A_1467 = arith.constant 1 : i32
      %add3A_1468 = vector.broadcast %add3A_1467 : i32 to vector<16xi32>
      %add3A_1469 = arith.addi %add3A_1462, %add3A_1468 : vector<16xi32>
      %gather3A_1470 = tpu.vector_load_idx %arg9[%add3A_1101, %add3A_1469] : memref<128x64xf32, #tpu.memory_space<vmem>>[vector<16xi32>, vector<16xi32>], vector<16xf32>,
      %gather3A_1471 = tpu.vector_load_idx %arg10[%add3A_1115, %add3A_1469] : memref<128x64xf32, #tpu.memory_space<vmem>>[vector<16xi32>, vector<16xi32>], vector<16xf32>,
      %mul3A_1472 = arith.mulf %gather3A_1470, %gather3A_1471 : vector<16xf32>
      %add3A_1473 = arith.addf %add3A_1459, %mul3A_1472 : vector<16xf32>
      %add3A_1474 = arith.constant 1 : i32
      %add3A_1475 = vector.broadcast %add3A_1474 : i32 to vector<16xi32>
      %add3A_1476 = arith.addi %add3A_1469, %add3A_1475 : vector<16xi32>
      %gather3A_1477 = tpu.vector_load_idx %arg9[%add3A_1101, %add3A_1476] : memref<128x64xf32, #tpu.memory_space<vmem>>[vector<16xi32>, vector<16xi32>], vector<16xf32>,
      %gather3A_1478 = tpu.vector_load_idx %arg10[%add3A_1115, %add3A_1476] : memref<128x64xf32, #tpu.memory_space<vmem>>[vector<16xi32>, vector<16xi32>], vector<16xf32>,
      %mul3A_1479 = arith.mulf %gather3A_1477, %gather3A_1478 : vector<16xf32>
      %add3A_1480 = arith.addf %add3A_1466, %mul3A_1479 : vector<16xf32>
      %add3A_1481 = arith.constant 1 : i32
      %add3A_1482 = vector.broadcast %add3A_1481 : i32 to vector<16xi32>
      %add3A_1483 = arith.addi %add3A_1476, %add3A_1482 : vector<16xi32>
      %gather3A_1484 = tpu.vector_load_idx %arg9[%add3A_1101, %add3A_1483] : memref<128x64xf32, #tpu.memory_space<vmem>>[vector<16xi32>, vector<16xi32>], vector<16xf32>,
      %gather3A_1485 = tpu.vector_load_idx %arg10[%add3A_1115, %add3A_1483] : memref<128x64xf32, #tpu.memory_space<vmem>>[vector<16xi32>, vector<16xi32>], vector<16xf32>,
      %mul3A_1486 = arith.mulf %gather3A_1484, %gather3A_1485 : vector<16xf32>
      %add3A_1487 = arith.addf %add3A_1473, %mul3A_1486 : vector<16xf32>
      %add3A_1488 = arith.constant 1 : i32
      %add3A_1489 = vector.broadcast %add3A_1488 : i32 to vector<16xi32>
      %add3A_1490 = arith.addi %add3A_1483, %add3A_1489 : vector<16xi32>
      %gather3A_1491 = tpu.vector_load_idx %arg9[%add3A_1101, %add3A_1490] : memref<128x64xf32, #tpu.memory_space<vmem>>[vector<16xi32>, vector<16xi32>], vector<16xf32>,
      %gather3A_1492 = tpu.vector_load_idx %arg10[%add3A_1115, %add3A_1490] : memref<128x64xf32, #tpu.memory_space<vmem>>[vector<16xi32>, vector<16xi32>], vector<16xf32>,
      %mul3A_1493 = arith.mulf %gather3A_1491, %gather3A_1492 : vector<16xf32>
      %add3A_1494 = arith.addf %add3A_1480, %mul3A_1493 : vector<16xf32>
      %add3A_1495 = arith.constant 1 : i32
      %add3A_1496 = vector.broadcast %add3A_1495 : i32 to vector<16xi32>
      %add3A_1497 = arith.addi %add3A_1490, %add3A_1496 : vector<16xi32>
      %gather3A_1498 = tpu.vector_load_idx %arg9[%add3A_1101, %add3A_1497] : memref<128x64xf32, #tpu.memory_space<vmem>>[vector<16xi32>, vector<16xi32>], vector<16xf32>,
      %gather3A_1499 = tpu.vector_load_idx %arg10[%add3A_1115, %add3A_1497] : memref<128x64xf32, #tpu.memory_space<vmem>>[vector<16xi32>, vector<16xi32>], vector<16xf32>,
      %mul3A_1500 = arith.mulf %gather3A_1498, %gather3A_1499 : vector<16xf32>
      %add3A_1501 = arith.addf %add3A_1487, %mul3A_1500 : vector<16xf32>
      %add3A_1502 = arith.constant 1 : i32
      %add3A_1503 = vector.broadcast %add3A_1502 : i32 to vector<16xi32>
      %add3A_1504 = arith.addi %add3A_1497, %add3A_1503 : vector<16xi32>
      %gather3A_1505 = tpu.vector_load_idx %arg9[%add3A_1101, %add3A_1504] : memref<128x64xf32, #tpu.memory_space<vmem>>[vector<16xi32>, vector<16xi32>], vector<16xf32>,
      %gather3A_1506 = tpu.vector_load_idx %arg10[%add3A_1115, %add3A_1504] : memref<128x64xf32, #tpu.memory_space<vmem>>[vector<16xi32>, vector<16xi32>], vector<16xf32>,
      %mul3A_1507 = arith.mulf %gather3A_1505, %gather3A_1506 : vector<16xf32>
      %add3A_1508 = arith.addf %add3A_1494, %mul3A_1507 : vector<16xf32>
      %add3A_1509 = arith.constant 1 : i32
      %add3A_1510 = vector.broadcast %add3A_1509 : i32 to vector<16xi32>
      %add3A_1511 = arith.addi %add3A_1504, %add3A_1510 : vector<16xi32>
      %gather3A_1512 = tpu.vector_load_idx %arg9[%add3A_1101, %add3A_1511] : memref<128x64xf32, #tpu.memory_space<vmem>>[vector<16xi32>, vector<16xi32>], vector<16xf32>,
      %gather3A_1513 = tpu.vector_load_idx %arg10[%add3A_1115, %add3A_1511] : memref<128x64xf32, #tpu.memory_space<vmem>>[vector<16xi32>, vector<16xi32>], vector<16xf32>,
      %mul3A_1514 = arith.mulf %gather3A_1512, %gather3A_1513 : vector<16xf32>
      %add3A_1515 = arith.addf %add3A_1501, %mul3A_1514 : vector<16xf32>
      %add3A_1516 = arith.constant 1 : i32
      %add3A_1517 = vector.broadcast %add3A_1516 : i32 to vector<16xi32>
      %add3A_1518 = arith.addi %add3A_1511, %add3A_1517 : vector<16xi32>
      %gather3A_1519 = tpu.vector_load_idx %arg9[%add3A_1101, %add3A_1518] : memref<128x64xf32, #tpu.memory_space<vmem>>[vector<16xi32>, vector<16xi32>], vector<16xf32>,
      %gather3A_1520 = tpu.vector_load_idx %arg10[%add3A_1115, %add3A_1518] : memref<128x64xf32, #tpu.memory_space<vmem>>[vector<16xi32>, vector<16xi32>], vector<16xf32>,
      %mul3A_1521 = arith.mulf %gather3A_1519, %gather3A_1520 : vector<16xf32>
      %add3A_1522 = arith.addf %add3A_1508, %mul3A_1521 : vector<16xf32>
      %add3A_1523 = arith.constant 1 : i32
      %add3A_1524 = vector.broadcast %add3A_1523 : i32 to vector<16xi32>
      %add3A_1525 = arith.addi %add3A_1518, %add3A_1524 : vector<16xi32>
      %gather3A_1526 = tpu.vector_load_idx %arg9[%add3A_1101, %add3A_1525] : memref<128x64xf32, #tpu.memory_space<vmem>>[vector<16xi32>, vector<16xi32>], vector<16xf32>,
      %gather3A_1527 = tpu.vector_load_idx %arg10[%add3A_1115, %add3A_1525] : memref<128x64xf32, #tpu.memory_space<vmem>>[vector<16xi32>, vector<16xi32>], vector<16xf32>,
      %mul3A_1528 = arith.mulf %gather3A_1526, %gather3A_1527 : vector<16xf32>
      %add3A_1529 = arith.addf %add3A_1515, %mul3A_1528 : vector<16xf32>
      %add3A_1530 = arith.constant 1 : i32
      %add3A_1531 = vector.broadcast %add3A_1530 : i32 to vector<16xi32>
      %add3A_1532 = arith.addi %add3A_1525, %add3A_1531 : vector<16xi32>
      %gather3A_1533 = tpu.vector_load_idx %arg9[%add3A_1101, %add3A_1532] : memref<128x64xf32, #tpu.memory_space<vmem>>[vector<16xi32>, vector<16xi32>], vector<16xf32>,
      %gather3A_1534 = tpu.vector_load_idx %arg10[%add3A_1115, %add3A_1532] : memref<128x64xf32, #tpu.memory_space<vmem>>[vector<16xi32>, vector<16xi32>], vector<16xf32>,
      %mul3A_1535 = arith.mulf %gather3A_1533, %gather3A_1534 : vector<16xf32>
      %add3A_1536 = arith.addf %add3A_1522, %mul3A_1535 : vector<16xf32>
      %add3A_1537 = arith.constant 1 : i32
      %add3A_1538 = vector.broadcast %add3A_1537 : i32 to vector<16xi32>
      %add3A_1539 = arith.addi %add3A_1532, %add3A_1538 : vector<16xi32>
      %gather3A_1540 = tpu.vector_load_idx %arg9[%add3A_1101, %add3A_1539] : memref<128x64xf32, #tpu.memory_space<vmem>>[vector<16xi32>, vector<16xi32>], vector<16xf32>,
      %gather3A_1541 = tpu.vector_load_idx %arg10[%add3A_1115, %add3A_1539] : memref<128x64xf32, #tpu.memory_space<vmem>>[vector<16xi32>, vector<16xi32>], vector<16xf32>,
      %mul3A_1542 = arith.mulf %gather3A_1540, %gather3A_1541 : vector<16xf32>
      %add3A_1543 = arith.addf %add3A_1529, %mul3A_1542 : vector<16xf32>
      %add3A_1544 = arith.constant 1 : i32
      %add3A_1545 = vector.broadcast %add3A_1544 : i32 to vector<16xi32>
      %add3A_1546 = arith.addi %add3A_1539, %add3A_1545 : vector<16xi32>
      %gather3A_1547 = tpu.vector_load_idx %arg9[%add3A_1101, %add3A_1546] : memref<128x64xf32, #tpu.memory_space<vmem>>[vector<16xi32>, vector<16xi32>], vector<16xf32>,
      %gather3A_1548 = tpu.vector_load_idx %arg10[%add3A_1115, %add3A_1546] : memref<128x64xf32, #tpu.memory_space<vmem>>[vector<16xi32>, vector<16xi32>], vector<16xf32>,
      %mul3A_1549 = arith.mulf %gather3A_1547, %gather3A_1548 : vector<16xf32>
      %add3A_1550 = arith.addf %add3A_1536, %mul3A_1549 : vector<16xf32>
      %add3A_1551 = arith.constant 1 : i32
      %add3A_1552 = vector.broadcast %add3A_1551 : i32 to vector<16xi32>
      %add3A_1553 = arith.addi %add3A_1546, %add3A_1552 : vector<16xi32>
      %gather3A_1554 = tpu.vector_load_idx %arg9[%add3A_1101, %add3A_1553] : memref<128x64xf32, #tpu.memory_space<vmem>>[vector<16xi32>, vector<16xi32>], vector<16xf32>,
      %gather3A_1555 = tpu.vector_load_idx %arg10[%add3A_1115, %add3A_1553] : memref<128x64xf32, #tpu.memory_space<vmem>>[vector<16xi32>, vector<16xi32>], vector<16xf32>,
      %mul3A_1556 = arith.mulf %gather3A_1554, %gather3A_1555 : vector<16xf32>
      %add3A_1557 = arith.addf %add3A_1543, %mul3A_1556 : vector<16xf32>
      %add3A_1558 = arith.constant 1 : i32
      %add3A_1559 = vector.broadcast %add3A_1558 : i32 to vector<16xi32>
      %add3A_1560 = arith.addi %add3A_1553, %add3A_1559 : vector<16xi32>
      %gather3A_1561 = tpu.vector_load_idx %arg9[%add3A_1101, %add3A_1560] : memref<128x64xf32, #tpu.memory_space<vmem>>[vector<16xi32>, vector<16xi32>], vector<16xf32>,
      %gather3A_1562 = tpu.vector_load_idx %arg10[%add3A_1115, %add3A_1560] : memref<128x64xf32, #tpu.memory_space<vmem>>[vector<16xi32>, vector<16xi32>], vector<16xf32>,
      %mul3A_1563 = arith.mulf %gather3A_1561, %gather3A_1562 : vector<16xf32>
      %add3A_1564 = arith.addf %add3A_1550, %mul3A_1563 : vector<16xf32>
      %add3A_1565 = arith.addf %add3A_1557, %add3A_1564 : vector<16xf32>
      %mul3A_1566 = arith.constant 16 : i32
      %mul3A_1567 = arith.muli %mul3A_1082, %mul3A_1566 : i32
      %mul3A_1568 = arith.constant 16 : i32
      %mul3A_1569 = arith.muli %scan3A_1084, %mul3A_1568 : i32
      %add3A_1570 = arith.addi %mul3A_1567, %mul3A_1569 : i32
      %swap3A = arith.index_cast %add3A_1570 : i32 to index
      %swap3A_1571 = tpu.vector_load %arg13[%swap3A] {strides = array<i32>} : memref<512xf32, #tpu.memory_space<vmem>>, vector<16xf32>,
      tpu.vector_store %arg13[%swap3A], %add3A_1565 {strides = array<i32>} : memref<512xf32, #tpu.memory_space<vmem>>, vector<16xf32>,
      %scan3A_1572 = arith.constant 1 : i32
      %lt3A = arith.constant 15 : i32
      %lt3A_1573 = arith.cmpi slt, %scan3A_535, %lt3A : i32
      %convert_element_type3A = arith.extui %lt3A_1573 : i1 to i32
      %cond3A = arith.constant 0 : i32
      %cond3A_1574 = arith.cmpi ne, %convert_element_type3A, %cond3A : i32
      scf.if %cond3A_1574 {
        %mul3A_2080 = arith.constant 2 : i32
        %mul3A_2081 = arith.muli %mul3A_2080, %scan3A_535 : i32
        %add3A_2082 = arith.constant 2 : i32
        %add3A_2083 = arith.addi %mul3A_2081, %add3A_2082 : i32
        %scan3A_2084 = arith.constant 0 : i32
        %scan3A_2085 = arith.constant 0 : i32
        %mul3A_2086 = arith.constant 16 : i32
        %mul3A_2087 = arith.muli %add3A_2083, %mul3A_2086 : i32
        %mul3A_2088 = arith.constant 16 : i32
        %mul3A_2089 = arith.muli %scan3A_2085, %mul3A_2088 : i32
        %add3A_2090 = arith.addi %mul3A_2087, %mul3A_2089 : i32
        %get3A_2091 = arith.index_cast %add3A_2090 : i32 to index
        %get3A_2092 = tpu.vector_load %arg7[%get3A_2091] {strides = array<i32>} : memref<512xi32, #tpu.memory_space<vmem>>, vector<16xi32>,
        %shift_right_arithmetic3A_2093 = arith.constant 3 : i32
        %shift_right_arithmetic3A_2094 = vector.broadcast %shift_right_arithmetic3A_2093 : i32 to vector<16xi32>
        %shift_right_arithmetic3A_2095 = arith.shrsi %get3A_2092, %shift_right_arithmetic3A_2094 : vector<16xi32>
        %mul3A_2096 = arith.constant 16 : i32
        %mul3A_2097 = arith.muli %add3A_2083, %mul3A_2096 : i32
        %mul3A_2098 = arith.constant 16 : i32
        %mul3A_2099 = arith.muli %scan3A_2085, %mul3A_2098 : i32
        %add3A_2100 = arith.addi %mul3A_2097, %mul3A_2099 : i32
        %get3A_2101 = arith.index_cast %add3A_2100 : i32 to index
        %get3A_2102 = tpu.vector_load %arg8[%get3A_2101] {strides = array<i32>} : memref<512xi32, #tpu.memory_space<vmem>>, vector<16xi32>,
        %shift_right_arithmetic3A_2103 = arith.constant 3 : i32
        %shift_right_arithmetic3A_2104 = vector.broadcast %shift_right_arithmetic3A_2103 : i32 to vector<16xi32>
        %shift_right_arithmetic3A_2105 = arith.shrsi %get3A_2102, %shift_right_arithmetic3A_2104 : vector<16xi32>
        %slice3A_2106 = vector.extract_strided_slice %shift_right_arithmetic3A_2095 {offsets = [0], sizes = [1], strides = [1]} : vector<16xi32> to vector<1xi32>
        %squeeze3A_2107 = vector.extract %slice3A_2106[0] : i32 from vector<1xi32>
        %mul3A_2108 = arith.constant 8 : i32
        %mul3A_2109 = arith.muli %squeeze3A_2107, %mul3A_2108 : i32
        %multiple_of3A_2110 = tpu.assume_multiple %mul3A_2109, 8 : i32
        %slice3A_2111 = vector.extract_strided_slice %shift_right_arithmetic3A_2105 {offsets = [0], sizes = [1], strides = [1]} : vector<16xi32> to vector<1xi32>
        %squeeze3A_2112 = vector.extract %slice3A_2111[0] : i32 from vector<1xi32>
        %mul3A_2113 = arith.constant 8 : i32
        %mul3A_2114 = arith.muli %squeeze3A_2112, %mul3A_2113 : i32
        %multiple_of3A_2115 = tpu.assume_multiple %mul3A_2114, 8 : i32
        %mul3A_2116 = arith.constant 16 : i32
        %mul3A_2117 = arith.muli %scan3A_2085, %mul3A_2116 : i32
        %add3A_2118 = arith.constant 0 : i32
        %add3A_2119 = arith.addi %mul3A_2117, %add3A_2118 : i32
        %mul3A_2120 = arith.constant 8 : i32
        %mul3A_2121 = arith.muli %add3A_2119, %mul3A_2120 : i32
        %dma_start3A_2122 = arith.constant 0 : i32
        %dma_start3A_2123 = tpu.memref_slice %arg9[%mul3A_2121, %dma_start3A_2122] : memref<128x64xf32, #tpu.memory_space<vmem>> -> memref<8x64xf32, #tpu.memory_space<vmem>>
        %dma_start3A_2124 = arith.constant 0 : i32
        %dma_start3A_2125 = tpu.memref_slice %arg4[%multiple_of3A_2110, %dma_start3A_2124] : memref<1000000x64xf32, #tpu.memory_space<hbm>> -> memref<8x64xf32, #tpu.memory_space<hbm>>
        %dma_start3A_2126 = arith.constant 0 : i32
        %dma_start3A_2127 = tpu.memref_slice %arg9[%mul3A_2121, %dma_start3A_2126] : memref<128x64xf32, #tpu.memory_space<vmem>> -> memref<8x64xf32, #tpu.memory_space<vmem>>
        %dma_start3A_2128 = arith.constant 0 : i32
        %dma_start3A_2129 = tpu.memref_slice %arg4[%multiple_of3A_2110, %dma_start3A_2128] : memref<1000000x64xf32, #tpu.memory_space<hbm>> -> memref<8x64xf32, #tpu.memory_space<hbm>>
        tpu.enqueue_dma source(%dma_start3A_2129 : memref<8x64xf32, #tpu.memory_space<hbm>>) target(%dma_start3A_2127 : memref<8x64xf32, #tpu.memory_space<vmem>>) target_semaphore(%arg14 : memref<!tpu.dma_semaphore, #tpu.memory_space<semaphore_mem>>)
        %dma_start3A_2130 = arith.constant 0 : i32
        %dma_start3A_2131 = tpu.memref_slice %arg10[%mul3A_2121, %dma_start3A_2130] : memref<128x64xf32, #tpu.memory_space<vmem>> -> memref<8x64xf32, #tpu.memory_space<vmem>>
        %dma_start3A_2132 = arith.constant 0 : i32
        %dma_start3A_2133 = tpu.memref_slice %arg5[%multiple_of3A_2115, %dma_start3A_2132] : memref<1000000x64xf32, #tpu.memory_space<hbm>> -> memref<8x64xf32, #tpu.memory_space<hbm>>
        %dma_start3A_2134 = arith.constant 0 : i32
        %dma_start3A_2135 = tpu.memref_slice %arg10[%mul3A_2121, %dma_start3A_2134] : memref<128x64xf32, #tpu.memory_space<vmem>> -> memref<8x64xf32, #tpu.memory_space<vmem>>
        %dma_start3A_2136 = arith.constant 0 : i32
        %dma_start3A_2137 = tpu.memref_slice %arg5[%multiple_of3A_2115, %dma_start3A_2136] : memref<1000000x64xf32, #tpu.memory_space<hbm>> -> memref<8x64xf32, #tpu.memory_space<hbm>>
        tpu.enqueue_dma source(%dma_start3A_2137 : memref<8x64xf32, #tpu.memory_space<hbm>>) target(%dma_start3A_2135 : memref<8x64xf32, #tpu.memory_space<vmem>>) target_semaphore(%arg14 : memref<!tpu.dma_semaphore, #tpu.memory_space<semaphore_mem>>)
        %slice3A_2138 = vector.extract_strided_slice %shift_right_arithmetic3A_2095 {offsets = [1], sizes = [1], strides = [1]} : vector<16xi32> to vector<1xi32>
        %squeeze3A_2139 = vector.extract %slice3A_2138[0] : i32 from vector<1xi32>
        %mul3A_2140 = arith.constant 8 : i32
        %mul3A_2141 = arith.muli %squeeze3A_2139, %mul3A_2140 : i32
        %multiple_of3A_2142 = tpu.assume_multiple %mul3A_2141, 8 : i32
        %slice3A_2143 = vector.extract_strided_slice %shift_right_arithmetic3A_2105 {offsets = [1], sizes = [1], strides = [1]} : vector<16xi32> to vector<1xi32>
        %squeeze3A_2144 = vector.extract %slice3A_2143[0] : i32 from vector<1xi32>
        %mul3A_2145 = arith.constant 8 : i32
        %mul3A_2146 = arith.muli %squeeze3A_2144, %mul3A_2145 : i32
        %multiple_of3A_2147 = tpu.assume_multiple %mul3A_2146, 8 : i32
        %mul3A_2148 = arith.constant 16 : i32
        %mul3A_2149 = arith.muli %scan3A_2085, %mul3A_2148 : i32
        %add3A_2150 = arith.constant 1 : i32
        %add3A_2151 = arith.addi %mul3A_2149, %add3A_2150 : i32
        %mul3A_2152 = arith.constant 8 : i32
        %mul3A_2153 = arith.muli %add3A_2151, %mul3A_2152 : i32
        %dma_start3A_2154 = arith.constant 0 : i32
        %dma_start3A_2155 = tpu.memref_slice %arg9[%mul3A_2153, %dma_start3A_2154] : memref<128x64xf32, #tpu.memory_space<vmem>> -> memref<8x64xf32, #tpu.memory_space<vmem>>
        %dma_start3A_2156 = arith.constant 0 : i32
        %dma_start3A_2157 = tpu.memref_slice %arg4[%multiple_of3A_2142, %dma_start3A_2156] : memref<1000000x64xf32, #tpu.memory_space<hbm>> -> memref<8x64xf32, #tpu.memory_space<hbm>>
        %dma_start3A_2158 = arith.constant 0 : i32
        %dma_start3A_2159 = tpu.memref_slice %arg9[%mul3A_2153, %dma_start3A_2158] : memref<128x64xf32, #tpu.memory_space<vmem>> -> memref<8x64xf32, #tpu.memory_space<vmem>>
        %dma_start3A_2160 = arith.constant 0 : i32
        %dma_start3A_2161 = tpu.memref_slice %arg4[%multiple_of3A_2142, %dma_start3A_2160] : memref<1000000x64xf32, #tpu.memory_space<hbm>> -> memref<8x64xf32, #tpu.memory_space<hbm>>
        tpu.enqueue_dma source(%dma_start3A_2161 : memref<8x64xf32, #tpu.memory_space<hbm>>) target(%dma_start3A_2159 : memref<8x64xf32, #tpu.memory_space<vmem>>) target_semaphore(%arg14 : memref<!tpu.dma_semaphore, #tpu.memory_space<semaphore_mem>>)
        %dma_start3A_2162 = arith.constant 0 : i32
        %dma_start3A_2163 = tpu.memref_slice %arg10[%mul3A_2153, %dma_start3A_2162] : memref<128x64xf32, #tpu.memory_space<vmem>> -> memref<8x64xf32, #tpu.memory_space<vmem>>
        %dma_start3A_2164 = arith.constant 0 : i32
        %dma_start3A_2165 = tpu.memref_slice %arg5[%multiple_of3A_2147, %dma_start3A_2164] : memref<1000000x64xf32, #tpu.memory_space<hbm>> -> memref<8x64xf32, #tpu.memory_space<hbm>>
        %dma_start3A_2166 = arith.constant 0 : i32
        %dma_start3A_2167 = tpu.memref_slice %arg10[%mul3A_2153, %dma_start3A_2166] : memref<128x64xf32, #tpu.memory_space<vmem>> -> memref<8x64xf32, #tpu.memory_space<vmem>>
        %dma_start3A_2168 = arith.constant 0 : i32
        %dma_start3A_2169 = tpu.memref_slice %arg5[%multiple_of3A_2147, %dma_start3A_2168] : memref<1000000x64xf32, #tpu.memory_space<hbm>> -> memref<8x64xf32, #tpu.memory_space<hbm>>
        tpu.enqueue_dma source(%dma_start3A_2169 : memref<8x64xf32, #tpu.memory_space<hbm>>) target(%dma_start3A_2167 : memref<8x64xf32, #tpu.memory_space<vmem>>) target_semaphore(%arg14 : memref<!tpu.dma_semaphore, #tpu.memory_space<semaphore_mem>>)
        %slice3A_2170 = vector.extract_strided_slice %shift_right_arithmetic3A_2095 {offsets = [2], sizes = [1], strides = [1]} : vector<16xi32> to vector<1xi32>
        %squeeze3A_2171 = vector.extract %slice3A_2170[0] : i32 from vector<1xi32>
        %mul3A_2172 = arith.constant 8 : i32
        %mul3A_2173 = arith.muli %squeeze3A_2171, %mul3A_2172 : i32
        %multiple_of3A_2174 = tpu.assume_multiple %mul3A_2173, 8 : i32
        %slice3A_2175 = vector.extract_strided_slice %shift_right_arithmetic3A_2105 {offsets = [2], sizes = [1], strides = [1]} : vector<16xi32> to vector<1xi32>
        %squeeze3A_2176 = vector.extract %slice3A_2175[0] : i32 from vector<1xi32>
        %mul3A_2177 = arith.constant 8 : i32
        %mul3A_2178 = arith.muli %squeeze3A_2176, %mul3A_2177 : i32
        %multiple_of3A_2179 = tpu.assume_multiple %mul3A_2178, 8 : i32
        %mul3A_2180 = arith.constant 16 : i32
        %mul3A_2181 = arith.muli %scan3A_2085, %mul3A_2180 : i32
        %add3A_2182 = arith.constant 2 : i32
        %add3A_2183 = arith.addi %mul3A_2181, %add3A_2182 : i32
        %mul3A_2184 = arith.constant 8 : i32
        %mul3A_2185 = arith.muli %add3A_2183, %mul3A_2184 : i32
        %dma_start3A_2186 = arith.constant 0 : i32
        %dma_start3A_2187 = tpu.memref_slice %arg9[%mul3A_2185, %dma_start3A_2186] : memref<128x64xf32, #tpu.memory_space<vmem>> -> memref<8x64xf32, #tpu.memory_space<vmem>>
        %dma_start3A_2188 = arith.constant 0 : i32
        %dma_start3A_2189 = tpu.memref_slice %arg4[%multiple_of3A_2174, %dma_start3A_2188] : memref<1000000x64xf32, #tpu.memory_space<hbm>> -> memref<8x64xf32, #tpu.memory_space<hbm>>
        %dma_start3A_2190 = arith.constant 0 : i32
        %dma_start3A_2191 = tpu.memref_slice %arg9[%mul3A_2185, %dma_start3A_2190] : memref<128x64xf32, #tpu.memory_space<vmem>> -> memref<8x64xf32, #tpu.memory_space<vmem>>
        %dma_start3A_2192 = arith.constant 0 : i32
        %dma_start3A_2193 = tpu.memref_slice %arg4[%multiple_of3A_2174, %dma_start3A_2192] : memref<1000000x64xf32, #tpu.memory_space<hbm>> -> memref<8x64xf32, #tpu.memory_space<hbm>>
        tpu.enqueue_dma source(%dma_start3A_2193 : memref<8x64xf32, #tpu.memory_space<hbm>>) target(%dma_start3A_2191 : memref<8x64xf32, #tpu.memory_space<vmem>>) target_semaphore(%arg14 : memref<!tpu.dma_semaphore, #tpu.memory_space<semaphore_mem>>)
        %dma_start3A_2194 = arith.constant 0 : i32
        %dma_start3A_2195 = tpu.memref_slice %arg10[%mul3A_2185, %dma_start3A_2194] : memref<128x64xf32, #tpu.memory_space<vmem>> -> memref<8x64xf32, #tpu.memory_space<vmem>>
        %dma_start3A_2196 = arith.constant 0 : i32
        %dma_start3A_2197 = tpu.memref_slice %arg5[%multiple_of3A_2179, %dma_start3A_2196] : memref<1000000x64xf32, #tpu.memory_space<hbm>> -> memref<8x64xf32, #tpu.memory_space<hbm>>
        %dma_start3A_2198 = arith.constant 0 : i32
        %dma_start3A_2199 = tpu.memref_slice %arg10[%mul3A_2185, %dma_start3A_2198] : memref<128x64xf32, #tpu.memory_space<vmem>> -> memref<8x64xf32, #tpu.memory_space<vmem>>
        %dma_start3A_2200 = arith.constant 0 : i32
        %dma_start3A_2201 = tpu.memref_slice %arg5[%multiple_of3A_2179, %dma_start3A_2200] : memref<1000000x64xf32, #tpu.memory_space<hbm>> -> memref<8x64xf32, #tpu.memory_space<hbm>>
        tpu.enqueue_dma source(%dma_start3A_2201 : memref<8x64xf32, #tpu.memory_space<hbm>>) target(%dma_start3A_2199 : memref<8x64xf32, #tpu.memory_space<vmem>>) target_semaphore(%arg14 : memref<!tpu.dma_semaphore, #tpu.memory_space<semaphore_mem>>)
        %slice3A_2202 = vector.extract_strided_slice %shift_right_arithmetic3A_2095 {offsets = [3], sizes = [1], strides = [1]} : vector<16xi32> to vector<1xi32>
        %squeeze3A_2203 = vector.extract %slice3A_2202[0] : i32 from vector<1xi32>
        %mul3A_2204 = arith.constant 8 : i32
        %mul3A_2205 = arith.muli %squeeze3A_2203, %mul3A_2204 : i32
        %multiple_of3A_2206 = tpu.assume_multiple %mul3A_2205, 8 : i32
        %slice3A_2207 = vector.extract_strided_slice %shift_right_arithmetic3A_2105 {offsets = [3], sizes = [1], strides = [1]} : vector<16xi32> to vector<1xi32>
        %squeeze3A_2208 = vector.extract %slice3A_2207[0] : i32 from vector<1xi32>
        %mul3A_2209 = arith.constant 8 : i32
        %mul3A_2210 = arith.muli %squeeze3A_2208, %mul3A_2209 : i32
        %multiple_of3A_2211 = tpu.assume_multiple %mul3A_2210, 8 : i32
        %mul3A_2212 = arith.constant 16 : i32
        %mul3A_2213 = arith.muli %scan3A_2085, %mul3A_2212 : i32
        %add3A_2214 = arith.constant 3 : i32
        %add3A_2215 = arith.addi %mul3A_2213, %add3A_2214 : i32
        %mul3A_2216 = arith.constant 8 : i32
        %mul3A_2217 = arith.muli %add3A_2215, %mul3A_2216 : i32
        %dma_start3A_2218 = arith.constant 0 : i32
        %dma_start3A_2219 = tpu.memref_slice %arg9[%mul3A_2217, %dma_start3A_2218] : memref<128x64xf32, #tpu.memory_space<vmem>> -> memref<8x64xf32, #tpu.memory_space<vmem>>
        %dma_start3A_2220 = arith.constant 0 : i32
        %dma_start3A_2221 = tpu.memref_slice %arg4[%multiple_of3A_2206, %dma_start3A_2220] : memref<1000000x64xf32, #tpu.memory_space<hbm>> -> memref<8x64xf32, #tpu.memory_space<hbm>>
        %dma_start3A_2222 = arith.constant 0 : i32
        %dma_start3A_2223 = tpu.memref_slice %arg9[%mul3A_2217, %dma_start3A_2222] : memref<128x64xf32, #tpu.memory_space<vmem>> -> memref<8x64xf32, #tpu.memory_space<vmem>>
        %dma_start3A_2224 = arith.constant 0 : i32
        %dma_start3A_2225 = tpu.memref_slice %arg4[%multiple_of3A_2206, %dma_start3A_2224] : memref<1000000x64xf32, #tpu.memory_space<hbm>> -> memref<8x64xf32, #tpu.memory_space<hbm>>
        tpu.enqueue_dma source(%dma_start3A_2225 : memref<8x64xf32, #tpu.memory_space<hbm>>) target(%dma_start3A_2223 : memref<8x64xf32, #tpu.memory_space<vmem>>) target_semaphore(%arg14 : memref<!tpu.dma_semaphore, #tpu.memory_space<semaphore_mem>>)
        %dma_start3A_2226 = arith.constant 0 : i32
        %dma_start3A_2227 = tpu.memref_slice %arg10[%mul3A_2217, %dma_start3A_2226] : memref<128x64xf32, #tpu.memory_space<vmem>> -> memref<8x64xf32, #tpu.memory_space<vmem>>
        %dma_start3A_2228 = arith.constant 0 : i32
        %dma_start3A_2229 = tpu.memref_slice %arg5[%multiple_of3A_2211, %dma_start3A_2228] : memref<1000000x64xf32, #tpu.memory_space<hbm>> -> memref<8x64xf32, #tpu.memory_space<hbm>>
        %dma_start3A_2230 = arith.constant 0 : i32
        %dma_start3A_2231 = tpu.memref_slice %arg10[%mul3A_2217, %dma_start3A_2230] : memref<128x64xf32, #tpu.memory_space<vmem>> -> memref<8x64xf32, #tpu.memory_space<vmem>>
        %dma_start3A_2232 = arith.constant 0 : i32
        %dma_start3A_2233 = tpu.memref_slice %arg5[%multiple_of3A_2211, %dma_start3A_2232] : memref<1000000x64xf32, #tpu.memory_space<hbm>> -> memref<8x64xf32, #tpu.memory_space<hbm>>
        tpu.enqueue_dma source(%dma_start3A_2233 : memref<8x64xf32, #tpu.memory_space<hbm>>) target(%dma_start3A_2231 : memref<8x64xf32, #tpu.memory_space<vmem>>) target_semaphore(%arg14 : memref<!tpu.dma_semaphore, #tpu.memory_space<semaphore_mem>>)
        %slice3A_2234 = vector.extract_strided_slice %shift_right_arithmetic3A_2095 {offsets = [4], sizes = [1], strides = [1]} : vector<16xi32> to vector<1xi32>
        %squeeze3A_2235 = vector.extract %slice3A_2234[0] : i32 from vector<1xi32>
        %mul3A_2236 = arith.constant 8 : i32
        %mul3A_2237 = arith.muli %squeeze3A_2235, %mul3A_2236 : i32
        %multiple_of3A_2238 = tpu.assume_multiple %mul3A_2237, 8 : i32
        %slice3A_2239 = vector.extract_strided_slice %shift_right_arithmetic3A_2105 {offsets = [4], sizes = [1], strides = [1]} : vector<16xi32> to vector<1xi32>
        %squeeze3A_2240 = vector.extract %slice3A_2239[0] : i32 from vector<1xi32>
        %mul3A_2241 = arith.constant 8 : i32
        %mul3A_2242 = arith.muli %squeeze3A_2240, %mul3A_2241 : i32
        %multiple_of3A_2243 = tpu.assume_multiple %mul3A_2242, 8 : i32
        %mul3A_2244 = arith.constant 16 : i32
        %mul3A_2245 = arith.muli %scan3A_2085, %mul3A_2244 : i32
        %add3A_2246 = arith.constant 4 : i32
        %add3A_2247 = arith.addi %mul3A_2245, %add3A_2246 : i32
        %mul3A_2248 = arith.constant 8 : i32
        %mul3A_2249 = arith.muli %add3A_2247, %mul3A_2248 : i32
        %dma_start3A_2250 = arith.constant 0 : i32
        %dma_start3A_2251 = tpu.memref_slice %arg9[%mul3A_2249, %dma_start3A_2250] : memref<128x64xf32, #tpu.memory_space<vmem>> -> memref<8x64xf32, #tpu.memory_space<vmem>>
        %dma_start3A_2252 = arith.constant 0 : i32
        %dma_start3A_2253 = tpu.memref_slice %arg4[%multiple_of3A_2238, %dma_start3A_2252] : memref<1000000x64xf32, #tpu.memory_space<hbm>> -> memref<8x64xf32, #tpu.memory_space<hbm>>
        %dma_start3A_2254 = arith.constant 0 : i32
        %dma_start3A_2255 = tpu.memref_slice %arg9[%mul3A_2249, %dma_start3A_2254] : memref<128x64xf32, #tpu.memory_space<vmem>> -> memref<8x64xf32, #tpu.memory_space<vmem>>
        %dma_start3A_2256 = arith.constant 0 : i32
        %dma_start3A_2257 = tpu.memref_slice %arg4[%multiple_of3A_2238, %dma_start3A_2256] : memref<1000000x64xf32, #tpu.memory_space<hbm>> -> memref<8x64xf32, #tpu.memory_space<hbm>>
        tpu.enqueue_dma source(%dma_start3A_2257 : memref<8x64xf32, #tpu.memory_space<hbm>>) target(%dma_start3A_2255 : memref<8x64xf32, #tpu.memory_space<vmem>>) target_semaphore(%arg14 : memref<!tpu.dma_semaphore, #tpu.memory_space<semaphore_mem>>)
        %dma_start3A_2258 = arith.constant 0 : i32
        %dma_start3A_2259 = tpu.memref_slice %arg10[%mul3A_2249, %dma_start3A_2258] : memref<128x64xf32, #tpu.memory_space<vmem>> -> memref<8x64xf32, #tpu.memory_space<vmem>>
        %dma_start3A_2260 = arith.constant 0 : i32
        %dma_start3A_2261 = tpu.memref_slice %arg5[%multiple_of3A_2243, %dma_start3A_2260] : memref<1000000x64xf32, #tpu.memory_space<hbm>> -> memref<8x64xf32, #tpu.memory_space<hbm>>
        %dma_start3A_2262 = arith.constant 0 : i32
        %dma_start3A_2263 = tpu.memref_slice %arg10[%mul3A_2249, %dma_start3A_2262] : memref<128x64xf32, #tpu.memory_space<vmem>> -> memref<8x64xf32, #tpu.memory_space<vmem>>
        %dma_start3A_2264 = arith.constant 0 : i32
        %dma_start3A_2265 = tpu.memref_slice %arg5[%multiple_of3A_2243, %dma_start3A_2264] : memref<1000000x64xf32, #tpu.memory_space<hbm>> -> memref<8x64xf32, #tpu.memory_space<hbm>>
        tpu.enqueue_dma source(%dma_start3A_2265 : memref<8x64xf32, #tpu.memory_space<hbm>>) target(%dma_start3A_2263 : memref<8x64xf32, #tpu.memory_space<vmem>>) target_semaphore(%arg14 : memref<!tpu.dma_semaphore, #tpu.memory_space<semaphore_mem>>)
        %slice3A_2266 = vector.extract_strided_slice %shift_right_arithmetic3A_2095 {offsets = [5], sizes = [1], strides = [1]} : vector<16xi32> to vector<1xi32>
        %squeeze3A_2267 = vector.extract %slice3A_2266[0] : i32 from vector<1xi32>
        %mul3A_2268 = arith.constant 8 : i32
        %mul3A_2269 = arith.muli %squeeze3A_2267, %mul3A_2268 : i32
        %multiple_of3A_2270 = tpu.assume_multiple %mul3A_2269, 8 : i32
        %slice3A_2271 = vector.extract_strided_slice %shift_right_arithmetic3A_2105 {offsets = [5], sizes = [1], strides = [1]} : vector<16xi32> to vector<1xi32>
        %squeeze3A_2272 = vector.extract %slice3A_2271[0] : i32 from vector<1xi32>
        %mul3A_2273 = arith.constant 8 : i32
        %mul3A_2274 = arith.muli %squeeze3A_2272, %mul3A_2273 : i32
        %multiple_of3A_2275 = tpu.assume_multiple %mul3A_2274, 8 : i32
        %mul3A_2276 = arith.constant 16 : i32
        %mul3A_2277 = arith.muli %scan3A_2085, %mul3A_2276 : i32
        %add3A_2278 = arith.constant 5 : i32
        %add3A_2279 = arith.addi %mul3A_2277, %add3A_2278 : i32
        %mul3A_2280 = arith.constant 8 : i32
        %mul3A_2281 = arith.muli %add3A_2279, %mul3A_2280 : i32
        %dma_start3A_2282 = arith.constant 0 : i32
        %dma_start3A_2283 = tpu.memref_slice %arg9[%mul3A_2281, %dma_start3A_2282] : memref<128x64xf32, #tpu.memory_space<vmem>> -> memref<8x64xf32, #tpu.memory_space<vmem>>
        %dma_start3A_2284 = arith.constant 0 : i32
        %dma_start3A_2285 = tpu.memref_slice %arg4[%multiple_of3A_2270, %dma_start3A_2284] : memref<1000000x64xf32, #tpu.memory_space<hbm>> -> memref<8x64xf32, #tpu.memory_space<hbm>>
        %dma_start3A_2286 = arith.constant 0 : i32
        %dma_start3A_2287 = tpu.memref_slice %arg9[%mul3A_2281, %dma_start3A_2286] : memref<128x64xf32, #tpu.memory_space<vmem>> -> memref<8x64xf32, #tpu.memory_space<vmem>>
        %dma_start3A_2288 = arith.constant 0 : i32
        %dma_start3A_2289 = tpu.memref_slice %arg4[%multiple_of3A_2270, %dma_start3A_2288] : memref<1000000x64xf32, #tpu.memory_space<hbm>> -> memref<8x64xf32, #tpu.memory_space<hbm>>
        tpu.enqueue_dma source(%dma_start3A_2289 : memref<8x64xf32, #tpu.memory_space<hbm>>) target(%dma_start3A_2287 : memref<8x64xf32, #tpu.memory_space<vmem>>) target_semaphore(%arg14 : memref<!tpu.dma_semaphore, #tpu.memory_space<semaphore_mem>>)
        %dma_start3A_2290 = arith.constant 0 : i32
        %dma_start3A_2291 = tpu.memref_slice %arg10[%mul3A_2281, %dma_start3A_2290] : memref<128x64xf32, #tpu.memory_space<vmem>> -> memref<8x64xf32, #tpu.memory_space<vmem>>
        %dma_start3A_2292 = arith.constant 0 : i32
        %dma_start3A_2293 = tpu.memref_slice %arg5[%multiple_of3A_2275, %dma_start3A_2292] : memref<1000000x64xf32, #tpu.memory_space<hbm>> -> memref<8x64xf32, #tpu.memory_space<hbm>>
        %dma_start3A_2294 = arith.constant 0 : i32
        %dma_start3A_2295 = tpu.memref_slice %arg10[%mul3A_2281, %dma_start3A_2294] : memref<128x64xf32, #tpu.memory_space<vmem>> -> memref<8x64xf32, #tpu.memory_space<vmem>>
        %dma_start3A_2296 = arith.constant 0 : i32
        %dma_start3A_2297 = tpu.memref_slice %arg5[%multiple_of3A_2275, %dma_start3A_2296] : memref<1000000x64xf32, #tpu.memory_space<hbm>> -> memref<8x64xf32, #tpu.memory_space<hbm>>
        tpu.enqueue_dma source(%dma_start3A_2297 : memref<8x64xf32, #tpu.memory_space<hbm>>) target(%dma_start3A_2295 : memref<8x64xf32, #tpu.memory_space<vmem>>) target_semaphore(%arg14 : memref<!tpu.dma_semaphore, #tpu.memory_space<semaphore_mem>>)
        %slice3A_2298 = vector.extract_strided_slice %shift_right_arithmetic3A_2095 {offsets = [6], sizes = [1], strides = [1]} : vector<16xi32> to vector<1xi32>
        %squeeze3A_2299 = vector.extract %slice3A_2298[0] : i32 from vector<1xi32>
        %mul3A_2300 = arith.constant 8 : i32
        %mul3A_2301 = arith.muli %squeeze3A_2299, %mul3A_2300 : i32
        %multiple_of3A_2302 = tpu.assume_multiple %mul3A_2301, 8 : i32
        %slice3A_2303 = vector.extract_strided_slice %shift_right_arithmetic3A_2105 {offsets = [6], sizes = [1], strides = [1]} : vector<16xi32> to vector<1xi32>
        %squeeze3A_2304 = vector.extract %slice3A_2303[0] : i32 from vector<1xi32>
        %mul3A_2305 = arith.constant 8 : i32
        %mul3A_2306 = arith.muli %squeeze3A_2304, %mul3A_2305 : i32
        %multiple_of3A_2307 = tpu.assume_multiple %mul3A_2306, 8 : i32
        %mul3A_2308 = arith.constant 16 : i32
        %mul3A_2309 = arith.muli %scan3A_2085, %mul3A_2308 : i32
        %add3A_2310 = arith.constant 6 : i32
        %add3A_2311 = arith.addi %mul3A_2309, %add3A_2310 : i32
        %mul3A_2312 = arith.constant 8 : i32
        %mul3A_2313 = arith.muli %add3A_2311, %mul3A_2312 : i32
        %dma_start3A_2314 = arith.constant 0 : i32
        %dma_start3A_2315 = tpu.memref_slice %arg9[%mul3A_2313, %dma_start3A_2314] : memref<128x64xf32, #tpu.memory_space<vmem>> -> memref<8x64xf32, #tpu.memory_space<vmem>>
        %dma_start3A_2316 = arith.constant 0 : i32
        %dma_start3A_2317 = tpu.memref_slice %arg4[%multiple_of3A_2302, %dma_start3A_2316] : memref<1000000x64xf32, #tpu.memory_space<hbm>> -> memref<8x64xf32, #tpu.memory_space<hbm>>
        %dma_start3A_2318 = arith.constant 0 : i32
        %dma_start3A_2319 = tpu.memref_slice %arg9[%mul3A_2313, %dma_start3A_2318] : memref<128x64xf32, #tpu.memory_space<vmem>> -> memref<8x64xf32, #tpu.memory_space<vmem>>
        %dma_start3A_2320 = arith.constant 0 : i32
        %dma_start3A_2321 = tpu.memref_slice %arg4[%multiple_of3A_2302, %dma_start3A_2320] : memref<1000000x64xf32, #tpu.memory_space<hbm>> -> memref<8x64xf32, #tpu.memory_space<hbm>>
        tpu.enqueue_dma source(%dma_start3A_2321 : memref<8x64xf32, #tpu.memory_space<hbm>>) target(%dma_start3A_2319 : memref<8x64xf32, #tpu.memory_space<vmem>>) target_semaphore(%arg14 : memref<!tpu.dma_semaphore, #tpu.memory_space<semaphore_mem>>)
        %dma_start3A_2322 = arith.constant 0 : i32
        %dma_start3A_2323 = tpu.memref_slice %arg10[%mul3A_2313, %dma_start3A_2322] : memref<128x64xf32, #tpu.memory_space<vmem>> -> memref<8x64xf32, #tpu.memory_space<vmem>>
        %dma_start3A_2324 = arith.constant 0 : i32
        %dma_start3A_2325 = tpu.memref_slice %arg5[%multiple_of3A_2307, %dma_start3A_2324] : memref<1000000x64xf32, #tpu.memory_space<hbm>> -> memref<8x64xf32, #tpu.memory_space<hbm>>
        %dma_start3A_2326 = arith.constant 0 : i32
        %dma_start3A_2327 = tpu.memref_slice %arg10[%mul3A_2313, %dma_start3A_2326] : memref<128x64xf32, #tpu.memory_space<vmem>> -> memref<8x64xf32, #tpu.memory_space<vmem>>
        %dma_start3A_2328 = arith.constant 0 : i32
        %dma_start3A_2329 = tpu.memref_slice %arg5[%multiple_of3A_2307, %dma_start3A_2328] : memref<1000000x64xf32, #tpu.memory_space<hbm>> -> memref<8x64xf32, #tpu.memory_space<hbm>>
        tpu.enqueue_dma source(%dma_start3A_2329 : memref<8x64xf32, #tpu.memory_space<hbm>>) target(%dma_start3A_2327 : memref<8x64xf32, #tpu.memory_space<vmem>>) target_semaphore(%arg14 : memref<!tpu.dma_semaphore, #tpu.memory_space<semaphore_mem>>)
        %slice3A_2330 = vector.extract_strided_slice %shift_right_arithmetic3A_2095 {offsets = [7], sizes = [1], strides = [1]} : vector<16xi32> to vector<1xi32>
        %squeeze3A_2331 = vector.extract %slice3A_2330[0] : i32 from vector<1xi32>
        %mul3A_2332 = arith.constant 8 : i32
        %mul3A_2333 = arith.muli %squeeze3A_2331, %mul3A_2332 : i32
        %multiple_of3A_2334 = tpu.assume_multiple %mul3A_2333, 8 : i32
        %slice3A_2335 = vector.extract_strided_slice %shift_right_arithmetic3A_2105 {offsets = [7], sizes = [1], strides = [1]} : vector<16xi32> to vector<1xi32>
        %squeeze3A_2336 = vector.extract %slice3A_2335[0] : i32 from vector<1xi32>
        %mul3A_2337 = arith.constant 8 : i32
        %mul3A_2338 = arith.muli %squeeze3A_2336, %mul3A_2337 : i32
        %multiple_of3A_2339 = tpu.assume_multiple %mul3A_2338, 8 : i32
        %mul3A_2340 = arith.constant 16 : i32
        %mul3A_2341 = arith.muli %scan3A_2085, %mul3A_2340 : i32
        %add3A_2342 = arith.constant 7 : i32
        %add3A_2343 = arith.addi %mul3A_2341, %add3A_2342 : i32
        %mul3A_2344 = arith.constant 8 : i32
        %mul3A_2345 = arith.muli %add3A_2343, %mul3A_2344 : i32
        %dma_start3A_2346 = arith.constant 0 : i32
        %dma_start3A_2347 = tpu.memref_slice %arg9[%mul3A_2345, %dma_start3A_2346] : memref<128x64xf32, #tpu.memory_space<vmem>> -> memref<8x64xf32, #tpu.memory_space<vmem>>
        %dma_start3A_2348 = arith.constant 0 : i32
        %dma_start3A_2349 = tpu.memref_slice %arg4[%multiple_of3A_2334, %dma_start3A_2348] : memref<1000000x64xf32, #tpu.memory_space<hbm>> -> memref<8x64xf32, #tpu.memory_space<hbm>>
        %dma_start3A_2350 = arith.constant 0 : i32
        %dma_start3A_2351 = tpu.memref_slice %arg9[%mul3A_2345, %dma_start3A_2350] : memref<128x64xf32, #tpu.memory_space<vmem>> -> memref<8x64xf32, #tpu.memory_space<vmem>>
        %dma_start3A_2352 = arith.constant 0 : i32
        %dma_start3A_2353 = tpu.memref_slice %arg4[%multiple_of3A_2334, %dma_start3A_2352] : memref<1000000x64xf32, #tpu.memory_space<hbm>> -> memref<8x64xf32, #tpu.memory_space<hbm>>
        tpu.enqueue_dma source(%dma_start3A_2353 : memref<8x64xf32, #tpu.memory_space<hbm>>) target(%dma_start3A_2351 : memref<8x64xf32, #tpu.memory_space<vmem>>) target_semaphore(%arg14 : memref<!tpu.dma_semaphore, #tpu.memory_space<semaphore_mem>>)
        %dma_start3A_2354 = arith.constant 0 : i32
        %dma_start3A_2355 = tpu.memref_slice %arg10[%mul3A_2345, %dma_start3A_2354] : memref<128x64xf32, #tpu.memory_space<vmem>> -> memref<8x64xf32, #tpu.memory_space<vmem>>
        %dma_start3A_2356 = arith.constant 0 : i32
        %dma_start3A_2357 = tpu.memref_slice %arg5[%multiple_of3A_2339, %dma_start3A_2356] : memref<1000000x64xf32, #tpu.memory_space<hbm>> -> memref<8x64xf32, #tpu.memory_space<hbm>>
        %dma_start3A_2358 = arith.constant 0 : i32
        %dma_start3A_2359 = tpu.memref_slice %arg10[%mul3A_2345, %dma_start3A_2358] : memref<128x64xf32, #tpu.memory_space<vmem>> -> memref<8x64xf32, #tpu.memory_space<vmem>>
        %dma_start3A_2360 = arith.constant 0 : i32
        %dma_start3A_2361 = tpu.memref_slice %arg5[%multiple_of3A_2339, %dma_start3A_2360] : memref<1000000x64xf32, #tpu.memory_space<hbm>> -> memref<8x64xf32, #tpu.memory_space<hbm>>
        tpu.enqueue_dma source(%dma_start3A_2361 : memref<8x64xf32, #tpu.memory_space<hbm>>) target(%dma_start3A_2359 : memref<8x64xf32, #tpu.memory_space<vmem>>) target_semaphore(%arg14 : memref<!tpu.dma_semaphore, #tpu.memory_space<semaphore_mem>>)
        %slice3A_2362 = vector.extract_strided_slice %shift_right_arithmetic3A_2095 {offsets = [8], sizes = [1], strides = [1]} : vector<16xi32> to vector<1xi32>
        %squeeze3A_2363 = vector.extract %slice3A_2362[0] : i32 from vector<1xi32>
        %mul3A_2364 = arith.constant 8 : i32
        %mul3A_2365 = arith.muli %squeeze3A_2363, %mul3A_2364 : i32
        %multiple_of3A_2366 = tpu.assume_multiple %mul3A_2365, 8 : i32
        %slice3A_2367 = vector.extract_strided_slice %shift_right_arithmetic3A_2105 {offsets = [8], sizes = [1], strides = [1]} : vector<16xi32> to vector<1xi32>
        %squeeze3A_2368 = vector.extract %slice3A_2367[0] : i32 from vector<1xi32>
        %mul3A_2369 = arith.constant 8 : i32
        %mul3A_2370 = arith.muli %squeeze3A_2368, %mul3A_2369 : i32
        %multiple_of3A_2371 = tpu.assume_multiple %mul3A_2370, 8 : i32
        %mul3A_2372 = arith.constant 16 : i32
        %mul3A_2373 = arith.muli %scan3A_2085, %mul3A_2372 : i32
        %add3A_2374 = arith.constant 8 : i32
        %add3A_2375 = arith.addi %mul3A_2373, %add3A_2374 : i32
        %mul3A_2376 = arith.constant 8 : i32
        %mul3A_2377 = arith.muli %add3A_2375, %mul3A_2376 : i32
        %dma_start3A_2378 = arith.constant 0 : i32
        %dma_start3A_2379 = tpu.memref_slice %arg9[%mul3A_2377, %dma_start3A_2378] : memref<128x64xf32, #tpu.memory_space<vmem>> -> memref<8x64xf32, #tpu.memory_space<vmem>>
        %dma_start3A_2380 = arith.constant 0 : i32
        %dma_start3A_2381 = tpu.memref_slice %arg4[%multiple_of3A_2366, %dma_start3A_2380] : memref<1000000x64xf32, #tpu.memory_space<hbm>> -> memref<8x64xf32, #tpu.memory_space<hbm>>
        %dma_start3A_2382 = arith.constant 0 : i32
        %dma_start3A_2383 = tpu.memref_slice %arg9[%mul3A_2377, %dma_start3A_2382] : memref<128x64xf32, #tpu.memory_space<vmem>> -> memref<8x64xf32, #tpu.memory_space<vmem>>
        %dma_start3A_2384 = arith.constant 0 : i32
        %dma_start3A_2385 = tpu.memref_slice %arg4[%multiple_of3A_2366, %dma_start3A_2384] : memref<1000000x64xf32, #tpu.memory_space<hbm>> -> memref<8x64xf32, #tpu.memory_space<hbm>>
        tpu.enqueue_dma source(%dma_start3A_2385 : memref<8x64xf32, #tpu.memory_space<hbm>>) target(%dma_start3A_2383 : memref<8x64xf32, #tpu.memory_space<vmem>>) target_semaphore(%arg14 : memref<!tpu.dma_semaphore, #tpu.memory_space<semaphore_mem>>)
        %dma_start3A_2386 = arith.constant 0 : i32
        %dma_start3A_2387 = tpu.memref_slice %arg10[%mul3A_2377, %dma_start3A_2386] : memref<128x64xf32, #tpu.memory_space<vmem>> -> memref<8x64xf32, #tpu.memory_space<vmem>>
        %dma_start3A_2388 = arith.constant 0 : i32
        %dma_start3A_2389 = tpu.memref_slice %arg5[%multiple_of3A_2371, %dma_start3A_2388] : memref<1000000x64xf32, #tpu.memory_space<hbm>> -> memref<8x64xf32, #tpu.memory_space<hbm>>
        %dma_start3A_2390 = arith.constant 0 : i32
        %dma_start3A_2391 = tpu.memref_slice %arg10[%mul3A_2377, %dma_start3A_2390] : memref<128x64xf32, #tpu.memory_space<vmem>> -> memref<8x64xf32, #tpu.memory_space<vmem>>
        %dma_start3A_2392 = arith.constant 0 : i32
        %dma_start3A_2393 = tpu.memref_slice %arg5[%multiple_of3A_2371, %dma_start3A_2392] : memref<1000000x64xf32, #tpu.memory_space<hbm>> -> memref<8x64xf32, #tpu.memory_space<hbm>>
        tpu.enqueue_dma source(%dma_start3A_2393 : memref<8x64xf32, #tpu.memory_space<hbm>>) target(%dma_start3A_2391 : memref<8x64xf32, #tpu.memory_space<vmem>>) target_semaphore(%arg14 : memref<!tpu.dma_semaphore, #tpu.memory_space<semaphore_mem>>)
        %slice3A_2394 = vector.extract_strided_slice %shift_right_arithmetic3A_2095 {offsets = [9], sizes = [1], strides = [1]} : vector<16xi32> to vector<1xi32>
        %squeeze3A_2395 = vector.extract %slice3A_2394[0] : i32 from vector<1xi32>
        %mul3A_2396 = arith.constant 8 : i32
        %mul3A_2397 = arith.muli %squeeze3A_2395, %mul3A_2396 : i32
        %multiple_of3A_2398 = tpu.assume_multiple %mul3A_2397, 8 : i32
        %slice3A_2399 = vector.extract_strided_slice %shift_right_arithmetic3A_2105 {offsets = [9], sizes = [1], strides = [1]} : vector<16xi32> to vector<1xi32>
        %squeeze3A_2400 = vector.extract %slice3A_2399[0] : i32 from vector<1xi32>
        %mul3A_2401 = arith.constant 8 : i32
        %mul3A_2402 = arith.muli %squeeze3A_2400, %mul3A_2401 : i32
        %multiple_of3A_2403 = tpu.assume_multiple %mul3A_2402, 8 : i32
        %mul3A_2404 = arith.constant 16 : i32
        %mul3A_2405 = arith.muli %scan3A_2085, %mul3A_2404 : i32
        %add3A_2406 = arith.constant 9 : i32
        %add3A_2407 = arith.addi %mul3A_2405, %add3A_2406 : i32
        %mul3A_2408 = arith.constant 8 : i32
        %mul3A_2409 = arith.muli %add3A_2407, %mul3A_2408 : i32
        %dma_start3A_2410 = arith.constant 0 : i32
        %dma_start3A_2411 = tpu.memref_slice %arg9[%mul3A_2409, %dma_start3A_2410] : memref<128x64xf32, #tpu.memory_space<vmem>> -> memref<8x64xf32, #tpu.memory_space<vmem>>
        %dma_start3A_2412 = arith.constant 0 : i32
        %dma_start3A_2413 = tpu.memref_slice %arg4[%multiple_of3A_2398, %dma_start3A_2412] : memref<1000000x64xf32, #tpu.memory_space<hbm>> -> memref<8x64xf32, #tpu.memory_space<hbm>>
        %dma_start3A_2414 = arith.constant 0 : i32
        %dma_start3A_2415 = tpu.memref_slice %arg9[%mul3A_2409, %dma_start3A_2414] : memref<128x64xf32, #tpu.memory_space<vmem>> -> memref<8x64xf32, #tpu.memory_space<vmem>>
        %dma_start3A_2416 = arith.constant 0 : i32
        %dma_start3A_2417 = tpu.memref_slice %arg4[%multiple_of3A_2398, %dma_start3A_2416] : memref<1000000x64xf32, #tpu.memory_space<hbm>> -> memref<8x64xf32, #tpu.memory_space<hbm>>
        tpu.enqueue_dma source(%dma_start3A_2417 : memref<8x64xf32, #tpu.memory_space<hbm>>) target(%dma_start3A_2415 : memref<8x64xf32, #tpu.memory_space<vmem>>) target_semaphore(%arg14 : memref<!tpu.dma_semaphore, #tpu.memory_space<semaphore_mem>>)
        %dma_start3A_2418 = arith.constant 0 : i32
        %dma_start3A_2419 = tpu.memref_slice %arg10[%mul3A_2409, %dma_start3A_2418] : memref<128x64xf32, #tpu.memory_space<vmem>> -> memref<8x64xf32, #tpu.memory_space<vmem>>
        %dma_start3A_2420 = arith.constant 0 : i32
        %dma_start3A_2421 = tpu.memref_slice %arg5[%multiple_of3A_2403, %dma_start3A_2420] : memref<1000000x64xf32, #tpu.memory_space<hbm>> -> memref<8x64xf32, #tpu.memory_space<hbm>>
        %dma_start3A_2422 = arith.constant 0 : i32
        %dma_start3A_2423 = tpu.memref_slice %arg10[%mul3A_2409, %dma_start3A_2422] : memref<128x64xf32, #tpu.memory_space<vmem>> -> memref<8x64xf32, #tpu.memory_space<vmem>>
        %dma_start3A_2424 = arith.constant 0 : i32
        %dma_start3A_2425 = tpu.memref_slice %arg5[%multiple_of3A_2403, %dma_start3A_2424] : memref<1000000x64xf32, #tpu.memory_space<hbm>> -> memref<8x64xf32, #tpu.memory_space<hbm>>
        tpu.enqueue_dma source(%dma_start3A_2425 : memref<8x64xf32, #tpu.memory_space<hbm>>) target(%dma_start3A_2423 : memref<8x64xf32, #tpu.memory_space<vmem>>) target_semaphore(%arg14 : memref<!tpu.dma_semaphore, #tpu.memory_space<semaphore_mem>>)
        %slice3A_2426 = vector.extract_strided_slice %shift_right_arithmetic3A_2095 {offsets = [10], sizes = [1], strides = [1]} : vector<16xi32> to vector<1xi32>
        %squeeze3A_2427 = vector.extract %slice3A_2426[0] : i32 from vector<1xi32>
        %mul3A_2428 = arith.constant 8 : i32
        %mul3A_2429 = arith.muli %squeeze3A_2427, %mul3A_2428 : i32
        %multiple_of3A_2430 = tpu.assume_multiple %mul3A_2429, 8 : i32
        %slice3A_2431 = vector.extract_strided_slice %shift_right_arithmetic3A_2105 {offsets = [10], sizes = [1], strides = [1]} : vector<16xi32> to vector<1xi32>
        %squeeze3A_2432 = vector.extract %slice3A_2431[0] : i32 from vector<1xi32>
        %mul3A_2433 = arith.constant 8 : i32
        %mul3A_2434 = arith.muli %squeeze3A_2432, %mul3A_2433 : i32
        %multiple_of3A_2435 = tpu.assume_multiple %mul3A_2434, 8 : i32
        %mul3A_2436 = arith.constant 16 : i32
        %mul3A_2437 = arith.muli %scan3A_2085, %mul3A_2436 : i32
        %add3A_2438 = arith.constant 10 : i32
        %add3A_2439 = arith.addi %mul3A_2437, %add3A_2438 : i32
        %mul3A_2440 = arith.constant 8 : i32
        %mul3A_2441 = arith.muli %add3A_2439, %mul3A_2440 : i32
        %dma_start3A_2442 = arith.constant 0 : i32
        %dma_start3A_2443 = tpu.memref_slice %arg9[%mul3A_2441, %dma_start3A_2442] : memref<128x64xf32, #tpu.memory_space<vmem>> -> memref<8x64xf32, #tpu.memory_space<vmem>>
        %dma_start3A_2444 = arith.constant 0 : i32
        %dma_start3A_2445 = tpu.memref_slice %arg4[%multiple_of3A_2430, %dma_start3A_2444] : memref<1000000x64xf32, #tpu.memory_space<hbm>> -> memref<8x64xf32, #tpu.memory_space<hbm>>
        %dma_start3A_2446 = arith.constant 0 : i32
        %dma_start3A_2447 = tpu.memref_slice %arg9[%mul3A_2441, %dma_start3A_2446] : memref<128x64xf32, #tpu.memory_space<vmem>> -> memref<8x64xf32, #tpu.memory_space<vmem>>
        %dma_start3A_2448 = arith.constant 0 : i32
        %dma_start3A_2449 = tpu.memref_slice %arg4[%multiple_of3A_2430, %dma_start3A_2448] : memref<1000000x64xf32, #tpu.memory_space<hbm>> -> memref<8x64xf32, #tpu.memory_space<hbm>>
        tpu.enqueue_dma source(%dma_start3A_2449 : memref<8x64xf32, #tpu.memory_space<hbm>>) target(%dma_start3A_2447 : memref<8x64xf32, #tpu.memory_space<vmem>>) target_semaphore(%arg14 : memref<!tpu.dma_semaphore, #tpu.memory_space<semaphore_mem>>)
        %dma_start3A_2450 = arith.constant 0 : i32
        %dma_start3A_2451 = tpu.memref_slice %arg10[%mul3A_2441, %dma_start3A_2450] : memref<128x64xf32, #tpu.memory_space<vmem>> -> memref<8x64xf32, #tpu.memory_space<vmem>>
        %dma_start3A_2452 = arith.constant 0 : i32
        %dma_start3A_2453 = tpu.memref_slice %arg5[%multiple_of3A_2435, %dma_start3A_2452] : memref<1000000x64xf32, #tpu.memory_space<hbm>> -> memref<8x64xf32, #tpu.memory_space<hbm>>
        %dma_start3A_2454 = arith.constant 0 : i32
        %dma_start3A_2455 = tpu.memref_slice %arg10[%mul3A_2441, %dma_start3A_2454] : memref<128x64xf32, #tpu.memory_space<vmem>> -> memref<8x64xf32, #tpu.memory_space<vmem>>
        %dma_start3A_2456 = arith.constant 0 : i32
        %dma_start3A_2457 = tpu.memref_slice %arg5[%multiple_of3A_2435, %dma_start3A_2456] : memref<1000000x64xf32, #tpu.memory_space<hbm>> -> memref<8x64xf32, #tpu.memory_space<hbm>>
        tpu.enqueue_dma source(%dma_start3A_2457 : memref<8x64xf32, #tpu.memory_space<hbm>>) target(%dma_start3A_2455 : memref<8x64xf32, #tpu.memory_space<vmem>>) target_semaphore(%arg14 : memref<!tpu.dma_semaphore, #tpu.memory_space<semaphore_mem>>)
        %slice3A_2458 = vector.extract_strided_slice %shift_right_arithmetic3A_2095 {offsets = [11], sizes = [1], strides = [1]} : vector<16xi32> to vector<1xi32>
        %squeeze3A_2459 = vector.extract %slice3A_2458[0] : i32 from vector<1xi32>
        %mul3A_2460 = arith.constant 8 : i32
        %mul3A_2461 = arith.muli %squeeze3A_2459, %mul3A_2460 : i32
        %multiple_of3A_2462 = tpu.assume_multiple %mul3A_2461, 8 : i32
        %slice3A_2463 = vector.extract_strided_slice %shift_right_arithmetic3A_2105 {offsets = [11], sizes = [1], strides = [1]} : vector<16xi32> to vector<1xi32>
        %squeeze3A_2464 = vector.extract %slice3A_2463[0] : i32 from vector<1xi32>
        %mul3A_2465 = arith.constant 8 : i32
        %mul3A_2466 = arith.muli %squeeze3A_2464, %mul3A_2465 : i32
        %multiple_of3A_2467 = tpu.assume_multiple %mul3A_2466, 8 : i32
        %mul3A_2468 = arith.constant 16 : i32
        %mul3A_2469 = arith.muli %scan3A_2085, %mul3A_2468 : i32
        %add3A_2470 = arith.constant 11 : i32
        %add3A_2471 = arith.addi %mul3A_2469, %add3A_2470 : i32
        %mul3A_2472 = arith.constant 8 : i32
        %mul3A_2473 = arith.muli %add3A_2471, %mul3A_2472 : i32
        %dma_start3A_2474 = arith.constant 0 : i32
        %dma_start3A_2475 = tpu.memref_slice %arg9[%mul3A_2473, %dma_start3A_2474] : memref<128x64xf32, #tpu.memory_space<vmem>> -> memref<8x64xf32, #tpu.memory_space<vmem>>
        %dma_start3A_2476 = arith.constant 0 : i32
        %dma_start3A_2477 = tpu.memref_slice %arg4[%multiple_of3A_2462, %dma_start3A_2476] : memref<1000000x64xf32, #tpu.memory_space<hbm>> -> memref<8x64xf32, #tpu.memory_space<hbm>>
        %dma_start3A_2478 = arith.constant 0 : i32
        %dma_start3A_2479 = tpu.memref_slice %arg9[%mul3A_2473, %dma_start3A_2478] : memref<128x64xf32, #tpu.memory_space<vmem>> -> memref<8x64xf32, #tpu.memory_space<vmem>>
        %dma_start3A_2480 = arith.constant 0 : i32
        %dma_start3A_2481 = tpu.memref_slice %arg4[%multiple_of3A_2462, %dma_start3A_2480] : memref<1000000x64xf32, #tpu.memory_space<hbm>> -> memref<8x64xf32, #tpu.memory_space<hbm>>
        tpu.enqueue_dma source(%dma_start3A_2481 : memref<8x64xf32, #tpu.memory_space<hbm>>) target(%dma_start3A_2479 : memref<8x64xf32, #tpu.memory_space<vmem>>) target_semaphore(%arg14 : memref<!tpu.dma_semaphore, #tpu.memory_space<semaphore_mem>>)
        %dma_start3A_2482 = arith.constant 0 : i32
        %dma_start3A_2483 = tpu.memref_slice %arg10[%mul3A_2473, %dma_start3A_2482] : memref<128x64xf32, #tpu.memory_space<vmem>> -> memref<8x64xf32, #tpu.memory_space<vmem>>
        %dma_start3A_2484 = arith.constant 0 : i32
        %dma_start3A_2485 = tpu.memref_slice %arg5[%multiple_of3A_2467, %dma_start3A_2484] : memref<1000000x64xf32, #tpu.memory_space<hbm>> -> memref<8x64xf32, #tpu.memory_space<hbm>>
        %dma_start3A_2486 = arith.constant 0 : i32
        %dma_start3A_2487 = tpu.memref_slice %arg10[%mul3A_2473, %dma_start3A_2486] : memref<128x64xf32, #tpu.memory_space<vmem>> -> memref<8x64xf32, #tpu.memory_space<vmem>>
        %dma_start3A_2488 = arith.constant 0 : i32
        %dma_start3A_2489 = tpu.memref_slice %arg5[%multiple_of3A_2467, %dma_start3A_2488] : memref<1000000x64xf32, #tpu.memory_space<hbm>> -> memref<8x64xf32, #tpu.memory_space<hbm>>
        tpu.enqueue_dma source(%dma_start3A_2489 : memref<8x64xf32, #tpu.memory_space<hbm>>) target(%dma_start3A_2487 : memref<8x64xf32, #tpu.memory_space<vmem>>) target_semaphore(%arg14 : memref<!tpu.dma_semaphore, #tpu.memory_space<semaphore_mem>>)
        %slice3A_2490 = vector.extract_strided_slice %shift_right_arithmetic3A_2095 {offsets = [12], sizes = [1], strides = [1]} : vector<16xi32> to vector<1xi32>
        %squeeze3A_2491 = vector.extract %slice3A_2490[0] : i32 from vector<1xi32>
        %mul3A_2492 = arith.constant 8 : i32
        %mul3A_2493 = arith.muli %squeeze3A_2491, %mul3A_2492 : i32
        %multiple_of3A_2494 = tpu.assume_multiple %mul3A_2493, 8 : i32
        %slice3A_2495 = vector.extract_strided_slice %shift_right_arithmetic3A_2105 {offsets = [12], sizes = [1], strides = [1]} : vector<16xi32> to vector<1xi32>
        %squeeze3A_2496 = vector.extract %slice3A_2495[0] : i32 from vector<1xi32>
        %mul3A_2497 = arith.constant 8 : i32
        %mul3A_2498 = arith.muli %squeeze3A_2496, %mul3A_2497 : i32
        %multiple_of3A_2499 = tpu.assume_multiple %mul3A_2498, 8 : i32
        %mul3A_2500 = arith.constant 16 : i32
        %mul3A_2501 = arith.muli %scan3A_2085, %mul3A_2500 : i32
        %add3A_2502 = arith.constant 12 : i32
        %add3A_2503 = arith.addi %mul3A_2501, %add3A_2502 : i32
        %mul3A_2504 = arith.constant 8 : i32
        %mul3A_2505 = arith.muli %add3A_2503, %mul3A_2504 : i32
        %dma_start3A_2506 = arith.constant 0 : i32
        %dma_start3A_2507 = tpu.memref_slice %arg9[%mul3A_2505, %dma_start3A_2506] : memref<128x64xf32, #tpu.memory_space<vmem>> -> memref<8x64xf32, #tpu.memory_space<vmem>>
        %dma_start3A_2508 = arith.constant 0 : i32
        %dma_start3A_2509 = tpu.memref_slice %arg4[%multiple_of3A_2494, %dma_start3A_2508] : memref<1000000x64xf32, #tpu.memory_space<hbm>> -> memref<8x64xf32, #tpu.memory_space<hbm>>
        %dma_start3A_2510 = arith.constant 0 : i32
        %dma_start3A_2511 = tpu.memref_slice %arg9[%mul3A_2505, %dma_start3A_2510] : memref<128x64xf32, #tpu.memory_space<vmem>> -> memref<8x64xf32, #tpu.memory_space<vmem>>
        %dma_start3A_2512 = arith.constant 0 : i32
        %dma_start3A_2513 = tpu.memref_slice %arg4[%multiple_of3A_2494, %dma_start3A_2512] : memref<1000000x64xf32, #tpu.memory_space<hbm>> -> memref<8x64xf32, #tpu.memory_space<hbm>>
        tpu.enqueue_dma source(%dma_start3A_2513 : memref<8x64xf32, #tpu.memory_space<hbm>>) target(%dma_start3A_2511 : memref<8x64xf32, #tpu.memory_space<vmem>>) target_semaphore(%arg14 : memref<!tpu.dma_semaphore, #tpu.memory_space<semaphore_mem>>)
        %dma_start3A_2514 = arith.constant 0 : i32
        %dma_start3A_2515 = tpu.memref_slice %arg10[%mul3A_2505, %dma_start3A_2514] : memref<128x64xf32, #tpu.memory_space<vmem>> -> memref<8x64xf32, #tpu.memory_space<vmem>>
        %dma_start3A_2516 = arith.constant 0 : i32
        %dma_start3A_2517 = tpu.memref_slice %arg5[%multiple_of3A_2499, %dma_start3A_2516] : memref<1000000x64xf32, #tpu.memory_space<hbm>> -> memref<8x64xf32, #tpu.memory_space<hbm>>
        %dma_start3A_2518 = arith.constant 0 : i32
        %dma_start3A_2519 = tpu.memref_slice %arg10[%mul3A_2505, %dma_start3A_2518] : memref<128x64xf32, #tpu.memory_space<vmem>> -> memref<8x64xf32, #tpu.memory_space<vmem>>
        %dma_start3A_2520 = arith.constant 0 : i32
        %dma_start3A_2521 = tpu.memref_slice %arg5[%multiple_of3A_2499, %dma_start3A_2520] : memref<1000000x64xf32, #tpu.memory_space<hbm>> -> memref<8x64xf32, #tpu.memory_space<hbm>>
        tpu.enqueue_dma source(%dma_start3A_2521 : memref<8x64xf32, #tpu.memory_space<hbm>>) target(%dma_start3A_2519 : memref<8x64xf32, #tpu.memory_space<vmem>>) target_semaphore(%arg14 : memref<!tpu.dma_semaphore, #tpu.memory_space<semaphore_mem>>)
        %slice3A_2522 = vector.extract_strided_slice %shift_right_arithmetic3A_2095 {offsets = [13], sizes = [1], strides = [1]} : vector<16xi32> to vector<1xi32>
        %squeeze3A_2523 = vector.extract %slice3A_2522[0] : i32 from vector<1xi32>
        %mul3A_2524 = arith.constant 8 : i32
        %mul3A_2525 = arith.muli %squeeze3A_2523, %mul3A_2524 : i32
        %multiple_of3A_2526 = tpu.assume_multiple %mul3A_2525, 8 : i32
        %slice3A_2527 = vector.extract_strided_slice %shift_right_arithmetic3A_2105 {offsets = [13], sizes = [1], strides = [1]} : vector<16xi32> to vector<1xi32>
        %squeeze3A_2528 = vector.extract %slice3A_2527[0] : i32 from vector<1xi32>
        %mul3A_2529 = arith.constant 8 : i32
        %mul3A_2530 = arith.muli %squeeze3A_2528, %mul3A_2529 : i32
        %multiple_of3A_2531 = tpu.assume_multiple %mul3A_2530, 8 : i32
        %mul3A_2532 = arith.constant 16 : i32
        %mul3A_2533 = arith.muli %scan3A_2085, %mul3A_2532 : i32
        %add3A_2534 = arith.constant 13 : i32
        %add3A_2535 = arith.addi %mul3A_2533, %add3A_2534 : i32
        %mul3A_2536 = arith.constant 8 : i32
        %mul3A_2537 = arith.muli %add3A_2535, %mul3A_2536 : i32
        %dma_start3A_2538 = arith.constant 0 : i32
        %dma_start3A_2539 = tpu.memref_slice %arg9[%mul3A_2537, %dma_start3A_2538] : memref<128x64xf32, #tpu.memory_space<vmem>> -> memref<8x64xf32, #tpu.memory_space<vmem>>
        %dma_start3A_2540 = arith.constant 0 : i32
        %dma_start3A_2541 = tpu.memref_slice %arg4[%multiple_of3A_2526, %dma_start3A_2540] : memref<1000000x64xf32, #tpu.memory_space<hbm>> -> memref<8x64xf32, #tpu.memory_space<hbm>>
        %dma_start3A_2542 = arith.constant 0 : i32
        %dma_start3A_2543 = tpu.memref_slice %arg9[%mul3A_2537, %dma_start3A_2542] : memref<128x64xf32, #tpu.memory_space<vmem>> -> memref<8x64xf32, #tpu.memory_space<vmem>>
        %dma_start3A_2544 = arith.constant 0 : i32
        %dma_start3A_2545 = tpu.memref_slice %arg4[%multiple_of3A_2526, %dma_start3A_2544] : memref<1000000x64xf32, #tpu.memory_space<hbm>> -> memref<8x64xf32, #tpu.memory_space<hbm>>
        tpu.enqueue_dma source(%dma_start3A_2545 : memref<8x64xf32, #tpu.memory_space<hbm>>) target(%dma_start3A_2543 : memref<8x64xf32, #tpu.memory_space<vmem>>) target_semaphore(%arg14 : memref<!tpu.dma_semaphore, #tpu.memory_space<semaphore_mem>>)
        %dma_start3A_2546 = arith.constant 0 : i32
        %dma_start3A_2547 = tpu.memref_slice %arg10[%mul3A_2537, %dma_start3A_2546] : memref<128x64xf32, #tpu.memory_space<vmem>> -> memref<8x64xf32, #tpu.memory_space<vmem>>
        %dma_start3A_2548 = arith.constant 0 : i32
        %dma_start3A_2549 = tpu.memref_slice %arg5[%multiple_of3A_2531, %dma_start3A_2548] : memref<1000000x64xf32, #tpu.memory_space<hbm>> -> memref<8x64xf32, #tpu.memory_space<hbm>>
        %dma_start3A_2550 = arith.constant 0 : i32
        %dma_start3A_2551 = tpu.memref_slice %arg10[%mul3A_2537, %dma_start3A_2550] : memref<128x64xf32, #tpu.memory_space<vmem>> -> memref<8x64xf32, #tpu.memory_space<vmem>>
        %dma_start3A_2552 = arith.constant 0 : i32
        %dma_start3A_2553 = tpu.memref_slice %arg5[%multiple_of3A_2531, %dma_start3A_2552] : memref<1000000x64xf32, #tpu.memory_space<hbm>> -> memref<8x64xf32, #tpu.memory_space<hbm>>
        tpu.enqueue_dma source(%dma_start3A_2553 : memref<8x64xf32, #tpu.memory_space<hbm>>) target(%dma_start3A_2551 : memref<8x64xf32, #tpu.memory_space<vmem>>) target_semaphore(%arg14 : memref<!tpu.dma_semaphore, #tpu.memory_space<semaphore_mem>>)
        %slice3A_2554 = vector.extract_strided_slice %shift_right_arithmetic3A_2095 {offsets = [14], sizes = [1], strides = [1]} : vector<16xi32> to vector<1xi32>
        %squeeze3A_2555 = vector.extract %slice3A_2554[0] : i32 from vector<1xi32>
        %mul3A_2556 = arith.constant 8 : i32
        %mul3A_2557 = arith.muli %squeeze3A_2555, %mul3A_2556 : i32
        %multiple_of3A_2558 = tpu.assume_multiple %mul3A_2557, 8 : i32
        %slice3A_2559 = vector.extract_strided_slice %shift_right_arithmetic3A_2105 {offsets = [14], sizes = [1], strides = [1]} : vector<16xi32> to vector<1xi32>
        %squeeze3A_2560 = vector.extract %slice3A_2559[0] : i32 from vector<1xi32>
        %mul3A_2561 = arith.constant 8 : i32
        %mul3A_2562 = arith.muli %squeeze3A_2560, %mul3A_2561 : i32
        %multiple_of3A_2563 = tpu.assume_multiple %mul3A_2562, 8 : i32
        %mul3A_2564 = arith.constant 16 : i32
        %mul3A_2565 = arith.muli %scan3A_2085, %mul3A_2564 : i32
        %add3A_2566 = arith.constant 14 : i32
        %add3A_2567 = arith.addi %mul3A_2565, %add3A_2566 : i32
        %mul3A_2568 = arith.constant 8 : i32
        %mul3A_2569 = arith.muli %add3A_2567, %mul3A_2568 : i32
        %dma_start3A_2570 = arith.constant 0 : i32
        %dma_start3A_2571 = tpu.memref_slice %arg9[%mul3A_2569, %dma_start3A_2570] : memref<128x64xf32, #tpu.memory_space<vmem>> -> memref<8x64xf32, #tpu.memory_space<vmem>>
        %dma_start3A_2572 = arith.constant 0 : i32
        %dma_start3A_2573 = tpu.memref_slice %arg4[%multiple_of3A_2558, %dma_start3A_2572] : memref<1000000x64xf32, #tpu.memory_space<hbm>> -> memref<8x64xf32, #tpu.memory_space<hbm>>
        %dma_start3A_2574 = arith.constant 0 : i32
        %dma_start3A_2575 = tpu.memref_slice %arg9[%mul3A_2569, %dma_start3A_2574] : memref<128x64xf32, #tpu.memory_space<vmem>> -> memref<8x64xf32, #tpu.memory_space<vmem>>
        %dma_start3A_2576 = arith.constant 0 : i32
        %dma_start3A_2577 = tpu.memref_slice %arg4[%multiple_of3A_2558, %dma_start3A_2576] : memref<1000000x64xf32, #tpu.memory_space<hbm>> -> memref<8x64xf32, #tpu.memory_space<hbm>>
        tpu.enqueue_dma source(%dma_start3A_2577 : memref<8x64xf32, #tpu.memory_space<hbm>>) target(%dma_start3A_2575 : memref<8x64xf32, #tpu.memory_space<vmem>>) target_semaphore(%arg14 : memref<!tpu.dma_semaphore, #tpu.memory_space<semaphore_mem>>)
        %dma_start3A_2578 = arith.constant 0 : i32
        %dma_start3A_2579 = tpu.memref_slice %arg10[%mul3A_2569, %dma_start3A_2578] : memref<128x64xf32, #tpu.memory_space<vmem>> -> memref<8x64xf32, #tpu.memory_space<vmem>>
        %dma_start3A_2580 = arith.constant 0 : i32
        %dma_start3A_2581 = tpu.memref_slice %arg5[%multiple_of3A_2563, %dma_start3A_2580] : memref<1000000x64xf32, #tpu.memory_space<hbm>> -> memref<8x64xf32, #tpu.memory_space<hbm>>
        %dma_start3A_2582 = arith.constant 0 : i32
        %dma_start3A_2583 = tpu.memref_slice %arg10[%mul3A_2569, %dma_start3A_2582] : memref<128x64xf32, #tpu.memory_space<vmem>> -> memref<8x64xf32, #tpu.memory_space<vmem>>
        %dma_start3A_2584 = arith.constant 0 : i32
        %dma_start3A_2585 = tpu.memref_slice %arg5[%multiple_of3A_2563, %dma_start3A_2584] : memref<1000000x64xf32, #tpu.memory_space<hbm>> -> memref<8x64xf32, #tpu.memory_space<hbm>>
        tpu.enqueue_dma source(%dma_start3A_2585 : memref<8x64xf32, #tpu.memory_space<hbm>>) target(%dma_start3A_2583 : memref<8x64xf32, #tpu.memory_space<vmem>>) target_semaphore(%arg14 : memref<!tpu.dma_semaphore, #tpu.memory_space<semaphore_mem>>)
        %slice3A_2586 = vector.extract_strided_slice %shift_right_arithmetic3A_2095 {offsets = [15], sizes = [1], strides = [1]} : vector<16xi32> to vector<1xi32>
        %squeeze3A_2587 = vector.extract %slice3A_2586[0] : i32 from vector<1xi32>
        %mul3A_2588 = arith.constant 8 : i32
        %mul3A_2589 = arith.muli %squeeze3A_2587, %mul3A_2588 : i32
        %multiple_of3A_2590 = tpu.assume_multiple %mul3A_2589, 8 : i32
        %slice3A_2591 = vector.extract_strided_slice %shift_right_arithmetic3A_2105 {offsets = [15], sizes = [1], strides = [1]} : vector<16xi32> to vector<1xi32>
        %squeeze3A_2592 = vector.extract %slice3A_2591[0] : i32 from vector<1xi32>
        %mul3A_2593 = arith.constant 8 : i32
        %mul3A_2594 = arith.muli %squeeze3A_2592, %mul3A_2593 : i32
        %multiple_of3A_2595 = tpu.assume_multiple %mul3A_2594, 8 : i32
        %mul3A_2596 = arith.constant 16 : i32
        %mul3A_2597 = arith.muli %scan3A_2085, %mul3A_2596 : i32
        %add3A_2598 = arith.constant 15 : i32
        %add3A_2599 = arith.addi %mul3A_2597, %add3A_2598 : i32
        %mul3A_2600 = arith.constant 8 : i32
        %mul3A_2601 = arith.muli %add3A_2599, %mul3A_2600 : i32
        %dma_start3A_2602 = arith.constant 0 : i32
        %dma_start3A_2603 = tpu.memref_slice %arg9[%mul3A_2601, %dma_start3A_2602] : memref<128x64xf32, #tpu.memory_space<vmem>> -> memref<8x64xf32, #tpu.memory_space<vmem>>
        %dma_start3A_2604 = arith.constant 0 : i32
        %dma_start3A_2605 = tpu.memref_slice %arg4[%multiple_of3A_2590, %dma_start3A_2604] : memref<1000000x64xf32, #tpu.memory_space<hbm>> -> memref<8x64xf32, #tpu.memory_space<hbm>>
        %dma_start3A_2606 = arith.constant 0 : i32
        %dma_start3A_2607 = tpu.memref_slice %arg9[%mul3A_2601, %dma_start3A_2606] : memref<128x64xf32, #tpu.memory_space<vmem>> -> memref<8x64xf32, #tpu.memory_space<vmem>>
        %dma_start3A_2608 = arith.constant 0 : i32
        %dma_start3A_2609 = tpu.memref_slice %arg4[%multiple_of3A_2590, %dma_start3A_2608] : memref<1000000x64xf32, #tpu.memory_space<hbm>> -> memref<8x64xf32, #tpu.memory_space<hbm>>
        tpu.enqueue_dma source(%dma_start3A_2609 : memref<8x64xf32, #tpu.memory_space<hbm>>) target(%dma_start3A_2607 : memref<8x64xf32, #tpu.memory_space<vmem>>) target_semaphore(%arg14 : memref<!tpu.dma_semaphore, #tpu.memory_space<semaphore_mem>>)
        %dma_start3A_2610 = arith.constant 0 : i32
        %dma_start3A_2611 = tpu.memref_slice %arg10[%mul3A_2601, %dma_start3A_2610] : memref<128x64xf32, #tpu.memory_space<vmem>> -> memref<8x64xf32, #tpu.memory_space<vmem>>
        %dma_start3A_2612 = arith.constant 0 : i32
        %dma_start3A_2613 = tpu.memref_slice %arg5[%multiple_of3A_2595, %dma_start3A_2612] : memref<1000000x64xf32, #tpu.memory_space<hbm>> -> memref<8x64xf32, #tpu.memory_space<hbm>>
        %dma_start3A_2614 = arith.constant 0 : i32
        %dma_start3A_2615 = tpu.memref_slice %arg10[%mul3A_2601, %dma_start3A_2614] : memref<128x64xf32, #tpu.memory_space<vmem>> -> memref<8x64xf32, #tpu.memory_space<vmem>>
        %dma_start3A_2616 = arith.constant 0 : i32
        %dma_start3A_2617 = tpu.memref_slice %arg5[%multiple_of3A_2595, %dma_start3A_2616] : memref<1000000x64xf32, #tpu.memory_space<hbm>> -> memref<8x64xf32, #tpu.memory_space<hbm>>
        tpu.enqueue_dma source(%dma_start3A_2617 : memref<8x64xf32, #tpu.memory_space<hbm>>) target(%dma_start3A_2615 : memref<8x64xf32, #tpu.memory_space<vmem>>) target_semaphore(%arg14 : memref<!tpu.dma_semaphore, #tpu.memory_space<semaphore_mem>>)
        %scan3A_2618 = arith.constant 1 : i32
      } else {
      }
      %scan3A_1575 = arith.constant 0 : i32
      %scan3A_1576 = arith.constant 0 : i32
      %scan3A_1577 = arith.constant 16 : i32
      %scan3A_1578 = arith.addi %scan3A_1576, %scan3A_1577 : i32
      %scan3A_1579 = arith.constant 1 : i32
      scf.for %scan3A_2080 = %scan3A_1576 to %scan3A_1578 step %scan3A_1579  : i32 {
        %dma_wait3A = arith.constant 0 : i32
        %dma_wait3A_2081 = arith.constant 0 : i32
        %dma_wait3A_2082 = tpu.memref_slice %arg11[%dma_wait3A, %dma_wait3A_2081] : memref<128x64xf32, #tpu.memory_space<vmem>> -> memref<8x64xf32, #tpu.memory_space<vmem>>
        %dma_wait3A_2083 = arith.constant 0 : i32
        %dma_wait3A_2084 = arith.constant 0 : i32
        %dma_wait3A_2085 = tpu.memref_slice %arg4[%dma_wait3A_2083, %dma_wait3A_2084] : memref<1000000x64xf32, #tpu.memory_space<hbm>> -> memref<8x64xf32, #tpu.memory_space<hbm>>
        %dma_wait3A_2086 = arith.constant 0 : i32
        %dma_wait3A_2087 = arith.constant 0 : i32
        %dma_wait3A_2088 = tpu.memref_slice %arg11[%dma_wait3A_2086, %dma_wait3A_2087] : memref<128x64xf32, #tpu.memory_space<vmem>> -> memref<8x64xf32, #tpu.memory_space<vmem>>
        %dma_wait3A_2089 = arith.constant 0 : i32
        %dma_wait3A_2090 = arith.constant 0 : i32
        %dma_wait3A_2091 = tpu.memref_slice %arg4[%dma_wait3A_2089, %dma_wait3A_2090] : memref<1000000x64xf32, #tpu.memory_space<hbm>> -> memref<8x64xf32, #tpu.memory_space<hbm>>
        tpu.wait_dma2 semaphore(%arg15 : memref<!tpu.dma_semaphore, #tpu.memory_space<semaphore_mem>>) src(%dma_wait3A_2091 : memref<8x64xf32, #tpu.memory_space<hbm>>) dst(%dma_wait3A_2088 : memref<8x64xf32, #tpu.memory_space<vmem>>)
        %dma_wait3A_2092 = arith.constant 0 : i32
        %dma_wait3A_2093 = arith.constant 0 : i32
        %dma_wait3A_2094 = tpu.memref_slice %arg12[%dma_wait3A_2092, %dma_wait3A_2093] : memref<128x64xf32, #tpu.memory_space<vmem>> -> memref<8x64xf32, #tpu.memory_space<vmem>>
        %dma_wait3A_2095 = arith.constant 0 : i32
        %dma_wait3A_2096 = arith.constant 0 : i32
        %dma_wait3A_2097 = tpu.memref_slice %arg4[%dma_wait3A_2095, %dma_wait3A_2096] : memref<1000000x64xf32, #tpu.memory_space<hbm>> -> memref<8x64xf32, #tpu.memory_space<hbm>>
        %dma_wait3A_2098 = arith.constant 0 : i32
        %dma_wait3A_2099 = arith.constant 0 : i32
        %dma_wait3A_2100 = tpu.memref_slice %arg12[%dma_wait3A_2098, %dma_wait3A_2099] : memref<128x64xf32, #tpu.memory_space<vmem>> -> memref<8x64xf32, #tpu.memory_space<vmem>>
        %dma_wait3A_2101 = arith.constant 0 : i32
        %dma_wait3A_2102 = arith.constant 0 : i32
        %dma_wait3A_2103 = tpu.memref_slice %arg4[%dma_wait3A_2101, %dma_wait3A_2102] : memref<1000000x64xf32, #tpu.memory_space<hbm>> -> memref<8x64xf32, #tpu.memory_space<hbm>>
        tpu.wait_dma2 semaphore(%arg15 : memref<!tpu.dma_semaphore, #tpu.memory_space<semaphore_mem>>) src(%dma_wait3A_2103 : memref<8x64xf32, #tpu.memory_space<hbm>>) dst(%dma_wait3A_2100 : memref<8x64xf32, #tpu.memory_space<vmem>>)
      }
      %scan3A_1580 = arith.constant 16 : i32
      %mul3A_1581 = arith.constant 2 : i32
      %mul3A_1582 = arith.muli %mul3A_1581, %scan3A_535 : i32
      %add3A_1583 = arith.constant 1 : i32
      %add3A_1584 = arith.addi %mul3A_1582, %add3A_1583 : i32
      %scan3A_1585 = arith.constant 0 : i32
      %scan3A_1586 = arith.constant 0 : i32
      %mul3A_1587 = arith.constant 16 : i32
      %mul3A_1588 = arith.muli %add3A_1584, %mul3A_1587 : i32
      %mul3A_1589 = arith.constant 16 : i32
      %mul3A_1590 = arith.muli %scan3A_1586, %mul3A_1589 : i32
      %add3A_1591 = arith.addi %mul3A_1588, %mul3A_1590 : i32
      %mul3A_1592 = arith.constant 16 : i32
      %mul3A_1593 = arith.muli %scan3A_1586, %mul3A_1592 : i32
      %iota3A_1594 = tpu.iota {dimensions = array<i32: 0>} : vector<16xi32>
      %add3A_1595 = vector.broadcast %mul3A_1593 : i32 to vector<16xi32>
      %add3A_1596 = arith.addi %add3A_1595, %iota3A_1594 : vector<16xi32>
      %mul3A_1597 = arith.constant 8 : i32
      %mul3A_1598 = vector.broadcast %mul3A_1597 : i32 to vector<16xi32>
      %mul3A_1599 = arith.muli %add3A_1596, %mul3A_1598 : vector<16xi32>
      %get3A_1600 = arith.index_cast %add3A_1591 : i32 to index
      %get3A_1601 = tpu.vector_load %arg7[%get3A_1600] {strides = array<i32>} : memref<512xi32, #tpu.memory_space<vmem>>, vector<16xi32>,
      %and3A_1602 = arith.constant 7 : i32
      %and3A_1603 = vector.broadcast %and3A_1602 : i32 to vector<16xi32>
      %and3A_1604 = arith.andi %get3A_1601, %and3A_1603 : vector<16xi32>
      %add3A_1605 = arith.addi %mul3A_1599, %and3A_1604 : vector<16xi32>
      %mul3A_1606 = arith.constant 16 : i32
      %mul3A_1607 = arith.muli %scan3A_1586, %mul3A_1606 : i32
      %iota3A_1608 = tpu.iota {dimensions = array<i32: 0>} : vector<16xi32>
      %add3A_1609 = vector.broadcast %mul3A_1607 : i32 to vector<16xi32>
      %add3A_1610 = arith.addi %add3A_1609, %iota3A_1608 : vector<16xi32>
      %mul3A_1611 = arith.constant 8 : i32
      %mul3A_1612 = vector.broadcast %mul3A_1611 : i32 to vector<16xi32>
      %mul3A_1613 = arith.muli %add3A_1610, %mul3A_1612 : vector<16xi32>
      %get3A_1614 = arith.index_cast %add3A_1591 : i32 to index
      %get3A_1615 = tpu.vector_load %arg8[%get3A_1614] {strides = array<i32>} : memref<512xi32, #tpu.memory_space<vmem>>, vector<16xi32>,
      %and3A_1616 = arith.constant 7 : i32
      %and3A_1617 = vector.broadcast %and3A_1616 : i32 to vector<16xi32>
      %and3A_1618 = arith.andi %get3A_1615, %and3A_1617 : vector<16xi32>
      %add3A_1619 = arith.addi %mul3A_1613, %and3A_1618 : vector<16xi32>
      %broadcast_in_dim3A_1620 = arith.constant 0 : i32
      %broadcast_in_dim3A_1621 = vector.broadcast %broadcast_in_dim3A_1620 : i32 to vector<16xi32>
      %broadcast_in_dim3A_1622 = arith.constant 0.000000e+00 : f32
      %broadcast_in_dim3A_1623 = vector.broadcast %broadcast_in_dim3A_1622 : f32 to vector<16xf32>
      %broadcast_in_dim3A_1624 = arith.constant 0.000000e+00 : f32
      %broadcast_in_dim3A_1625 = vector.broadcast %broadcast_in_dim3A_1624 : f32 to vector<16xf32>
      %gather3A_1626 = tpu.vector_load_idx %arg11[%add3A_1605, %broadcast_in_dim3A_1621] : memref<128x64xf32, #tpu.memory_space<vmem>>[vector<16xi32>, vector<16xi32>], vector<16xf32>,
      %gather3A_1627 = tpu.vector_load_idx %arg12[%add3A_1619, %broadcast_in_dim3A_1621] : memref<128x64xf32, #tpu.memory_space<vmem>>[vector<16xi32>, vector<16xi32>], vector<16xf32>,
      %mul3A_1628 = arith.mulf %gather3A_1626, %gather3A_1627 : vector<16xf32>
      %add3A_1629 = arith.addf %broadcast_in_dim3A_1623, %mul3A_1628 : vector<16xf32>
      %add3A_1630 = arith.constant 1 : i32
      %add3A_1631 = vector.broadcast %add3A_1630 : i32 to vector<16xi32>
      %add3A_1632 = arith.addi %broadcast_in_dim3A_1621, %add3A_1631 : vector<16xi32>
      %gather3A_1633 = tpu.vector_load_idx %arg11[%add3A_1605, %add3A_1632] : memref<128x64xf32, #tpu.memory_space<vmem>>[vector<16xi32>, vector<16xi32>], vector<16xf32>,
      %gather3A_1634 = tpu.vector_load_idx %arg12[%add3A_1619, %add3A_1632] : memref<128x64xf32, #tpu.memory_space<vmem>>[vector<16xi32>, vector<16xi32>], vector<16xf32>,
      %mul3A_1635 = arith.mulf %gather3A_1633, %gather3A_1634 : vector<16xf32>
      %add3A_1636 = arith.addf %broadcast_in_dim3A_1625, %mul3A_1635 : vector<16xf32>
      %add3A_1637 = arith.constant 1 : i32
      %add3A_1638 = vector.broadcast %add3A_1637 : i32 to vector<16xi32>
      %add3A_1639 = arith.addi %add3A_1632, %add3A_1638 : vector<16xi32>
      %gather3A_1640 = tpu.vector_load_idx %arg11[%add3A_1605, %add3A_1639] : memref<128x64xf32, #tpu.memory_space<vmem>>[vector<16xi32>, vector<16xi32>], vector<16xf32>,
      %gather3A_1641 = tpu.vector_load_idx %arg12[%add3A_1619, %add3A_1639] : memref<128x64xf32, #tpu.memory_space<vmem>>[vector<16xi32>, vector<16xi32>], vector<16xf32>,
      %mul3A_1642 = arith.mulf %gather3A_1640, %gather3A_1641 : vector<16xf32>
      %add3A_1643 = arith.addf %add3A_1629, %mul3A_1642 : vector<16xf32>
      %add3A_1644 = arith.constant 1 : i32
      %add3A_1645 = vector.broadcast %add3A_1644 : i32 to vector<16xi32>
      %add3A_1646 = arith.addi %add3A_1639, %add3A_1645 : vector<16xi32>
      %gather3A_1647 = tpu.vector_load_idx %arg11[%add3A_1605, %add3A_1646] : memref<128x64xf32, #tpu.memory_space<vmem>>[vector<16xi32>, vector<16xi32>], vector<16xf32>,
      %gather3A_1648 = tpu.vector_load_idx %arg12[%add3A_1619, %add3A_1646] : memref<128x64xf32, #tpu.memory_space<vmem>>[vector<16xi32>, vector<16xi32>], vector<16xf32>,
      %mul3A_1649 = arith.mulf %gather3A_1647, %gather3A_1648 : vector<16xf32>
      %add3A_1650 = arith.addf %add3A_1636, %mul3A_1649 : vector<16xf32>
      %add3A_1651 = arith.constant 1 : i32
      %add3A_1652 = vector.broadcast %add3A_1651 : i32 to vector<16xi32>
      %add3A_1653 = arith.addi %add3A_1646, %add3A_1652 : vector<16xi32>
      %gather3A_1654 = tpu.vector_load_idx %arg11[%add3A_1605, %add3A_1653] : memref<128x64xf32, #tpu.memory_space<vmem>>[vector<16xi32>, vector<16xi32>], vector<16xf32>,
      %gather3A_1655 = tpu.vector_load_idx %arg12[%add3A_1619, %add3A_1653] : memref<128x64xf32, #tpu.memory_space<vmem>>[vector<16xi32>, vector<16xi32>], vector<16xf32>,
      %mul3A_1656 = arith.mulf %gather3A_1654, %gather3A_1655 : vector<16xf32>
      %add3A_1657 = arith.addf %add3A_1643, %mul3A_1656 : vector<16xf32>
      %add3A_1658 = arith.constant 1 : i32
      %add3A_1659 = vector.broadcast %add3A_1658 : i32 to vector<16xi32>
      %add3A_1660 = arith.addi %add3A_1653, %add3A_1659 : vector<16xi32>
      %gather3A_1661 = tpu.vector_load_idx %arg11[%add3A_1605, %add3A_1660] : memref<128x64xf32, #tpu.memory_space<vmem>>[vector<16xi32>, vector<16xi32>], vector<16xf32>,
      %gather3A_1662 = tpu.vector_load_idx %arg12[%add3A_1619, %add3A_1660] : memref<128x64xf32, #tpu.memory_space<vmem>>[vector<16xi32>, vector<16xi32>], vector<16xf32>,
      %mul3A_1663 = arith.mulf %gather3A_1661, %gather3A_1662 : vector<16xf32>
      %add3A_1664 = arith.addf %add3A_1650, %mul3A_1663 : vector<16xf32>
      %add3A_1665 = arith.constant 1 : i32
      %add3A_1666 = vector.broadcast %add3A_1665 : i32 to vector<16xi32>
      %add3A_1667 = arith.addi %add3A_1660, %add3A_1666 : vector<16xi32>
      %gather3A_1668 = tpu.vector_load_idx %arg11[%add3A_1605, %add3A_1667] : memref<128x64xf32, #tpu.memory_space<vmem>>[vector<16xi32>, vector<16xi32>], vector<16xf32>,
      %gather3A_1669 = tpu.vector_load_idx %arg12[%add3A_1619, %add3A_1667] : memref<128x64xf32, #tpu.memory_space<vmem>>[vector<16xi32>, vector<16xi32>], vector<16xf32>,
      %mul3A_1670 = arith.mulf %gather3A_1668, %gather3A_1669 : vector<16xf32>
      %add3A_1671 = arith.addf %add3A_1657, %mul3A_1670 : vector<16xf32>
      %add3A_1672 = arith.constant 1 : i32
      %add3A_1673 = vector.broadcast %add3A_1672 : i32 to vector<16xi32>
      %add3A_1674 = arith.addi %add3A_1667, %add3A_1673 : vector<16xi32>
      %gather3A_1675 = tpu.vector_load_idx %arg11[%add3A_1605, %add3A_1674] : memref<128x64xf32, #tpu.memory_space<vmem>>[vector<16xi32>, vector<16xi32>], vector<16xf32>,
      %gather3A_1676 = tpu.vector_load_idx %arg12[%add3A_1619, %add3A_1674] : memref<128x64xf32, #tpu.memory_space<vmem>>[vector<16xi32>, vector<16xi32>], vector<16xf32>,
      %mul3A_1677 = arith.mulf %gather3A_1675, %gather3A_1676 : vector<16xf32>
      %add3A_1678 = arith.addf %add3A_1664, %mul3A_1677 : vector<16xf32>
      %add3A_1679 = arith.constant 1 : i32
      %add3A_1680 = vector.broadcast %add3A_1679 : i32 to vector<16xi32>
      %add3A_1681 = arith.addi %add3A_1674, %add3A_1680 : vector<16xi32>
      %gather3A_1682 = tpu.vector_load_idx %arg11[%add3A_1605, %add3A_1681] : memref<128x64xf32, #tpu.memory_space<vmem>>[vector<16xi32>, vector<16xi32>], vector<16xf32>,
      %gather3A_1683 = tpu.vector_load_idx %arg12[%add3A_1619, %add3A_1681] : memref<128x64xf32, #tpu.memory_space<vmem>>[vector<16xi32>, vector<16xi32>], vector<16xf32>,
      %mul3A_1684 = arith.mulf %gather3A_1682, %gather3A_1683 : vector<16xf32>
      %add3A_1685 = arith.addf %add3A_1671, %mul3A_1684 : vector<16xf32>
      %add3A_1686 = arith.constant 1 : i32
      %add3A_1687 = vector.broadcast %add3A_1686 : i32 to vector<16xi32>
      %add3A_1688 = arith.addi %add3A_1681, %add3A_1687 : vector<16xi32>
      %gather3A_1689 = tpu.vector_load_idx %arg11[%add3A_1605, %add3A_1688] : memref<128x64xf32, #tpu.memory_space<vmem>>[vector<16xi32>, vector<16xi32>], vector<16xf32>,
      %gather3A_1690 = tpu.vector_load_idx %arg12[%add3A_1619, %add3A_1688] : memref<128x64xf32, #tpu.memory_space<vmem>>[vector<16xi32>, vector<16xi32>], vector<16xf32>,
      %mul3A_1691 = arith.mulf %gather3A_1689, %gather3A_1690 : vector<16xf32>
      %add3A_1692 = arith.addf %add3A_1678, %mul3A_1691 : vector<16xf32>
      %add3A_1693 = arith.constant 1 : i32
      %add3A_1694 = vector.broadcast %add3A_1693 : i32 to vector<16xi32>
      %add3A_1695 = arith.addi %add3A_1688, %add3A_1694 : vector<16xi32>
      %gather3A_1696 = tpu.vector_load_idx %arg11[%add3A_1605, %add3A_1695] : memref<128x64xf32, #tpu.memory_space<vmem>>[vector<16xi32>, vector<16xi32>], vector<16xf32>,
      %gather3A_1697 = tpu.vector_load_idx %arg12[%add3A_1619, %add3A_1695] : memref<128x64xf32, #tpu.memory_space<vmem>>[vector<16xi32>, vector<16xi32>], vector<16xf32>,
      %mul3A_1698 = arith.mulf %gather3A_1696, %gather3A_1697 : vector<16xf32>
      %add3A_1699 = arith.addf %add3A_1685, %mul3A_1698 : vector<16xf32>
      %add3A_1700 = arith.constant 1 : i32
      %add3A_1701 = vector.broadcast %add3A_1700 : i32 to vector<16xi32>
      %add3A_1702 = arith.addi %add3A_1695, %add3A_1701 : vector<16xi32>
      %gather3A_1703 = tpu.vector_load_idx %arg11[%add3A_1605, %add3A_1702] : memref<128x64xf32, #tpu.memory_space<vmem>>[vector<16xi32>, vector<16xi32>], vector<16xf32>,
      %gather3A_1704 = tpu.vector_load_idx %arg12[%add3A_1619, %add3A_1702] : memref<128x64xf32, #tpu.memory_space<vmem>>[vector<16xi32>, vector<16xi32>], vector<16xf32>,
      %mul3A_1705 = arith.mulf %gather3A_1703, %gather3A_1704 : vector<16xf32>
      %add3A_1706 = arith.addf %add3A_1692, %mul3A_1705 : vector<16xf32>
      %add3A_1707 = arith.constant 1 : i32
      %add3A_1708 = vector.broadcast %add3A_1707 : i32 to vector<16xi32>
      %add3A_1709 = arith.addi %add3A_1702, %add3A_1708 : vector<16xi32>
      %gather3A_1710 = tpu.vector_load_idx %arg11[%add3A_1605, %add3A_1709] : memref<128x64xf32, #tpu.memory_space<vmem>>[vector<16xi32>, vector<16xi32>], vector<16xf32>,
      %gather3A_1711 = tpu.vector_load_idx %arg12[%add3A_1619, %add3A_1709] : memref<128x64xf32, #tpu.memory_space<vmem>>[vector<16xi32>, vector<16xi32>], vector<16xf32>,
      %mul3A_1712 = arith.mulf %gather3A_1710, %gather3A_1711 : vector<16xf32>
      %add3A_1713 = arith.addf %add3A_1699, %mul3A_1712 : vector<16xf32>
      %add3A_1714 = arith.constant 1 : i32
      %add3A_1715 = vector.broadcast %add3A_1714 : i32 to vector<16xi32>
      %add3A_1716 = arith.addi %add3A_1709, %add3A_1715 : vector<16xi32>
      %gather3A_1717 = tpu.vector_load_idx %arg11[%add3A_1605, %add3A_1716] : memref<128x64xf32, #tpu.memory_space<vmem>>[vector<16xi32>, vector<16xi32>], vector<16xf32>,
      %gather3A_1718 = tpu.vector_load_idx %arg12[%add3A_1619, %add3A_1716] : memref<128x64xf32, #tpu.memory_space<vmem>>[vector<16xi32>, vector<16xi32>], vector<16xf32>,
      %mul3A_1719 = arith.mulf %gather3A_1717, %gather3A_1718 : vector<16xf32>
      %add3A_1720 = arith.addf %add3A_1706, %mul3A_1719 : vector<16xf32>
      %add3A_1721 = arith.constant 1 : i32
      %add3A_1722 = vector.broadcast %add3A_1721 : i32 to vector<16xi32>
      %add3A_1723 = arith.addi %add3A_1716, %add3A_1722 : vector<16xi32>
      %gather3A_1724 = tpu.vector_load_idx %arg11[%add3A_1605, %add3A_1723] : memref<128x64xf32, #tpu.memory_space<vmem>>[vector<16xi32>, vector<16xi32>], vector<16xf32>,
      %gather3A_1725 = tpu.vector_load_idx %arg12[%add3A_1619, %add3A_1723] : memref<128x64xf32, #tpu.memory_space<vmem>>[vector<16xi32>, vector<16xi32>], vector<16xf32>,
      %mul3A_1726 = arith.mulf %gather3A_1724, %gather3A_1725 : vector<16xf32>
      %add3A_1727 = arith.addf %add3A_1713, %mul3A_1726 : vector<16xf32>
      %add3A_1728 = arith.constant 1 : i32
      %add3A_1729 = vector.broadcast %add3A_1728 : i32 to vector<16xi32>
      %add3A_1730 = arith.addi %add3A_1723, %add3A_1729 : vector<16xi32>
      %gather3A_1731 = tpu.vector_load_idx %arg11[%add3A_1605, %add3A_1730] : memref<128x64xf32, #tpu.memory_space<vmem>>[vector<16xi32>, vector<16xi32>], vector<16xf32>,
      %gather3A_1732 = tpu.vector_load_idx %arg12[%add3A_1619, %add3A_1730] : memref<128x64xf32, #tpu.memory_space<vmem>>[vector<16xi32>, vector<16xi32>], vector<16xf32>,
      %mul3A_1733 = arith.mulf %gather3A_1731, %gather3A_1732 : vector<16xf32>
      %add3A_1734 = arith.addf %add3A_1720, %mul3A_1733 : vector<16xf32>
      %add3A_1735 = arith.constant 1 : i32
      %add3A_1736 = vector.broadcast %add3A_1735 : i32 to vector<16xi32>
      %add3A_1737 = arith.addi %add3A_1730, %add3A_1736 : vector<16xi32>
      %gather3A_1738 = tpu.vector_load_idx %arg11[%add3A_1605, %add3A_1737] : memref<128x64xf32, #tpu.memory_space<vmem>>[vector<16xi32>, vector<16xi32>], vector<16xf32>,
      %gather3A_1739 = tpu.vector_load_idx %arg12[%add3A_1619, %add3A_1737] : memref<128x64xf32, #tpu.memory_space<vmem>>[vector<16xi32>, vector<16xi32>], vector<16xf32>,
      %mul3A_1740 = arith.mulf %gather3A_1738, %gather3A_1739 : vector<16xf32>
      %add3A_1741 = arith.addf %add3A_1727, %mul3A_1740 : vector<16xf32>
      %add3A_1742 = arith.constant 1 : i32
      %add3A_1743 = vector.broadcast %add3A_1742 : i32 to vector<16xi32>
      %add3A_1744 = arith.addi %add3A_1737, %add3A_1743 : vector<16xi32>
      %gather3A_1745 = tpu.vector_load_idx %arg11[%add3A_1605, %add3A_1744] : memref<128x64xf32, #tpu.memory_space<vmem>>[vector<16xi32>, vector<16xi32>], vector<16xf32>,
      %gather3A_1746 = tpu.vector_load_idx %arg12[%add3A_1619, %add3A_1744] : memref<128x64xf32, #tpu.memory_space<vmem>>[vector<16xi32>, vector<16xi32>], vector<16xf32>,
      %mul3A_1747 = arith.mulf %gather3A_1745, %gather3A_1746 : vector<16xf32>
      %add3A_1748 = arith.addf %add3A_1734, %mul3A_1747 : vector<16xf32>
      %add3A_1749 = arith.constant 1 : i32
      %add3A_1750 = vector.broadcast %add3A_1749 : i32 to vector<16xi32>
      %add3A_1751 = arith.addi %add3A_1744, %add3A_1750 : vector<16xi32>
      %gather3A_1752 = tpu.vector_load_idx %arg11[%add3A_1605, %add3A_1751] : memref<128x64xf32, #tpu.memory_space<vmem>>[vector<16xi32>, vector<16xi32>], vector<16xf32>,
      %gather3A_1753 = tpu.vector_load_idx %arg12[%add3A_1619, %add3A_1751] : memref<128x64xf32, #tpu.memory_space<vmem>>[vector<16xi32>, vector<16xi32>], vector<16xf32>,
      %mul3A_1754 = arith.mulf %gather3A_1752, %gather3A_1753 : vector<16xf32>
      %add3A_1755 = arith.addf %add3A_1741, %mul3A_1754 : vector<16xf32>
      %add3A_1756 = arith.constant 1 : i32
      %add3A_1757 = vector.broadcast %add3A_1756 : i32 to vector<16xi32>
      %add3A_1758 = arith.addi %add3A_1751, %add3A_1757 : vector<16xi32>
      %gather3A_1759 = tpu.vector_load_idx %arg11[%add3A_1605, %add3A_1758] : memref<128x64xf32, #tpu.memory_space<vmem>>[vector<16xi32>, vector<16xi32>], vector<16xf32>,
      %gather3A_1760 = tpu.vector_load_idx %arg12[%add3A_1619, %add3A_1758] : memref<128x64xf32, #tpu.memory_space<vmem>>[vector<16xi32>, vector<16xi32>], vector<16xf32>,
      %mul3A_1761 = arith.mulf %gather3A_1759, %gather3A_1760 : vector<16xf32>
      %add3A_1762 = arith.addf %add3A_1748, %mul3A_1761 : vector<16xf32>
      %add3A_1763 = arith.constant 1 : i32
      %add3A_1764 = vector.broadcast %add3A_1763 : i32 to vector<16xi32>
      %add3A_1765 = arith.addi %add3A_1758, %add3A_1764 : vector<16xi32>
      %gather3A_1766 = tpu.vector_load_idx %arg11[%add3A_1605, %add3A_1765] : memref<128x64xf32, #tpu.memory_space<vmem>>[vector<16xi32>, vector<16xi32>], vector<16xf32>,
      %gather3A_1767 = tpu.vector_load_idx %arg12[%add3A_1619, %add3A_1765] : memref<128x64xf32, #tpu.memory_space<vmem>>[vector<16xi32>, vector<16xi32>], vector<16xf32>,
      %mul3A_1768 = arith.mulf %gather3A_1766, %gather3A_1767 : vector<16xf32>
      %add3A_1769 = arith.addf %add3A_1755, %mul3A_1768 : vector<16xf32>
      %add3A_1770 = arith.constant 1 : i32
      %add3A_1771 = vector.broadcast %add3A_1770 : i32 to vector<16xi32>
      %add3A_1772 = arith.addi %add3A_1765, %add3A_1771 : vector<16xi32>
      %gather3A_1773 = tpu.vector_load_idx %arg11[%add3A_1605, %add3A_1772] : memref<128x64xf32, #tpu.memory_space<vmem>>[vector<16xi32>, vector<16xi32>], vector<16xf32>,
      %gather3A_1774 = tpu.vector_load_idx %arg12[%add3A_1619, %add3A_1772] : memref<128x64xf32, #tpu.memory_space<vmem>>[vector<16xi32>, vector<16xi32>], vector<16xf32>,
      %mul3A_1775 = arith.mulf %gather3A_1773, %gather3A_1774 : vector<16xf32>
      %add3A_1776 = arith.addf %add3A_1762, %mul3A_1775 : vector<16xf32>
      %add3A_1777 = arith.constant 1 : i32
      %add3A_1778 = vector.broadcast %add3A_1777 : i32 to vector<16xi32>
      %add3A_1779 = arith.addi %add3A_1772, %add3A_1778 : vector<16xi32>
      %gather3A_1780 = tpu.vector_load_idx %arg11[%add3A_1605, %add3A_1779] : memref<128x64xf32, #tpu.memory_space<vmem>>[vector<16xi32>, vector<16xi32>], vector<16xf32>,
      %gather3A_1781 = tpu.vector_load_idx %arg12[%add3A_1619, %add3A_1779] : memref<128x64xf32, #tpu.memory_space<vmem>>[vector<16xi32>, vector<16xi32>], vector<16xf32>,
      %mul3A_1782 = arith.mulf %gather3A_1780, %gather3A_1781 : vector<16xf32>
      %add3A_1783 = arith.addf %add3A_1769, %mul3A_1782 : vector<16xf32>
      %add3A_1784 = arith.constant 1 : i32
      %add3A_1785 = vector.broadcast %add3A_1784 : i32 to vector<16xi32>
      %add3A_1786 = arith.addi %add3A_1779, %add3A_1785 : vector<16xi32>
      %gather3A_1787 = tpu.vector_load_idx %arg11[%add3A_1605, %add3A_1786] : memref<128x64xf32, #tpu.memory_space<vmem>>[vector<16xi32>, vector<16xi32>], vector<16xf32>,
      %gather3A_1788 = tpu.vector_load_idx %arg12[%add3A_1619, %add3A_1786] : memref<128x64xf32, #tpu.memory_space<vmem>>[vector<16xi32>, vector<16xi32>], vector<16xf32>,
      %mul3A_1789 = arith.mulf %gather3A_1787, %gather3A_1788 : vector<16xf32>
      %add3A_1790 = arith.addf %add3A_1776, %mul3A_1789 : vector<16xf32>
      %add3A_1791 = arith.constant 1 : i32
      %add3A_1792 = vector.broadcast %add3A_1791 : i32 to vector<16xi32>
      %add3A_1793 = arith.addi %add3A_1786, %add3A_1792 : vector<16xi32>
      %gather3A_1794 = tpu.vector_load_idx %arg11[%add3A_1605, %add3A_1793] : memref<128x64xf32, #tpu.memory_space<vmem>>[vector<16xi32>, vector<16xi32>], vector<16xf32>,
      %gather3A_1795 = tpu.vector_load_idx %arg12[%add3A_1619, %add3A_1793] : memref<128x64xf32, #tpu.memory_space<vmem>>[vector<16xi32>, vector<16xi32>], vector<16xf32>,
      %mul3A_1796 = arith.mulf %gather3A_1794, %gather3A_1795 : vector<16xf32>
      %add3A_1797 = arith.addf %add3A_1783, %mul3A_1796 : vector<16xf32>
      %add3A_1798 = arith.constant 1 : i32
      %add3A_1799 = vector.broadcast %add3A_1798 : i32 to vector<16xi32>
      %add3A_1800 = arith.addi %add3A_1793, %add3A_1799 : vector<16xi32>
      %gather3A_1801 = tpu.vector_load_idx %arg11[%add3A_1605, %add3A_1800] : memref<128x64xf32, #tpu.memory_space<vmem>>[vector<16xi32>, vector<16xi32>], vector<16xf32>,
      %gather3A_1802 = tpu.vector_load_idx %arg12[%add3A_1619, %add3A_1800] : memref<128x64xf32, #tpu.memory_space<vmem>>[vector<16xi32>, vector<16xi32>], vector<16xf32>,
      %mul3A_1803 = arith.mulf %gather3A_1801, %gather3A_1802 : vector<16xf32>
      %add3A_1804 = arith.addf %add3A_1790, %mul3A_1803 : vector<16xf32>
      %add3A_1805 = arith.constant 1 : i32
      %add3A_1806 = vector.broadcast %add3A_1805 : i32 to vector<16xi32>
      %add3A_1807 = arith.addi %add3A_1800, %add3A_1806 : vector<16xi32>
      %gather3A_1808 = tpu.vector_load_idx %arg11[%add3A_1605, %add3A_1807] : memref<128x64xf32, #tpu.memory_space<vmem>>[vector<16xi32>, vector<16xi32>], vector<16xf32>,
      %gather3A_1809 = tpu.vector_load_idx %arg12[%add3A_1619, %add3A_1807] : memref<128x64xf32, #tpu.memory_space<vmem>>[vector<16xi32>, vector<16xi32>], vector<16xf32>,
      %mul3A_1810 = arith.mulf %gather3A_1808, %gather3A_1809 : vector<16xf32>
      %add3A_1811 = arith.addf %add3A_1797, %mul3A_1810 : vector<16xf32>
      %add3A_1812 = arith.constant 1 : i32
      %add3A_1813 = vector.broadcast %add3A_1812 : i32 to vector<16xi32>
      %add3A_1814 = arith.addi %add3A_1807, %add3A_1813 : vector<16xi32>
      %gather3A_1815 = tpu.vector_load_idx %arg11[%add3A_1605, %add3A_1814] : memref<128x64xf32, #tpu.memory_space<vmem>>[vector<16xi32>, vector<16xi32>], vector<16xf32>,
      %gather3A_1816 = tpu.vector_load_idx %arg12[%add3A_1619, %add3A_1814] : memref<128x64xf32, #tpu.memory_space<vmem>>[vector<16xi32>, vector<16xi32>], vector<16xf32>,
      %mul3A_1817 = arith.mulf %gather3A_1815, %gather3A_1816 : vector<16xf32>
      %add3A_1818 = arith.addf %add3A_1804, %mul3A_1817 : vector<16xf32>
      %add3A_1819 = arith.constant 1 : i32
      %add3A_1820 = vector.broadcast %add3A_1819 : i32 to vector<16xi32>
      %add3A_1821 = arith.addi %add3A_1814, %add3A_1820 : vector<16xi32>
      %gather3A_1822 = tpu.vector_load_idx %arg11[%add3A_1605, %add3A_1821] : memref<128x64xf32, #tpu.memory_space<vmem>>[vector<16xi32>, vector<16xi32>], vector<16xf32>,
      %gather3A_1823 = tpu.vector_load_idx %arg12[%add3A_1619, %add3A_1821] : memref<128x64xf32, #tpu.memory_space<vmem>>[vector<16xi32>, vector<16xi32>], vector<16xf32>,
      %mul3A_1824 = arith.mulf %gather3A_1822, %gather3A_1823 : vector<16xf32>
      %add3A_1825 = arith.addf %add3A_1811, %mul3A_1824 : vector<16xf32>
      %add3A_1826 = arith.constant 1 : i32
      %add3A_1827 = vector.broadcast %add3A_1826 : i32 to vector<16xi32>
      %add3A_1828 = arith.addi %add3A_1821, %add3A_1827 : vector<16xi32>
      %gather3A_1829 = tpu.vector_load_idx %arg11[%add3A_1605, %add3A_1828] : memref<128x64xf32, #tpu.memory_space<vmem>>[vector<16xi32>, vector<16xi32>], vector<16xf32>,
      %gather3A_1830 = tpu.vector_load_idx %arg12[%add3A_1619, %add3A_1828] : memref<128x64xf32, #tpu.memory_space<vmem>>[vector<16xi32>, vector<16xi32>], vector<16xf32>,
      %mul3A_1831 = arith.mulf %gather3A_1829, %gather3A_1830 : vector<16xf32>
      %add3A_1832 = arith.addf %add3A_1818, %mul3A_1831 : vector<16xf32>
      %add3A_1833 = arith.constant 1 : i32
      %add3A_1834 = vector.broadcast %add3A_1833 : i32 to vector<16xi32>
      %add3A_1835 = arith.addi %add3A_1828, %add3A_1834 : vector<16xi32>
      %gather3A_1836 = tpu.vector_load_idx %arg11[%add3A_1605, %add3A_1835] : memref<128x64xf32, #tpu.memory_space<vmem>>[vector<16xi32>, vector<16xi32>], vector<16xf32>,
      %gather3A_1837 = tpu.vector_load_idx %arg12[%add3A_1619, %add3A_1835] : memref<128x64xf32, #tpu.memory_space<vmem>>[vector<16xi32>, vector<16xi32>], vector<16xf32>,
      %mul3A_1838 = arith.mulf %gather3A_1836, %gather3A_1837 : vector<16xf32>
      %add3A_1839 = arith.addf %add3A_1825, %mul3A_1838 : vector<16xf32>
      %add3A_1840 = arith.constant 1 : i32
      %add3A_1841 = vector.broadcast %add3A_1840 : i32 to vector<16xi32>
      %add3A_1842 = arith.addi %add3A_1835, %add3A_1841 : vector<16xi32>
      %gather3A_1843 = tpu.vector_load_idx %arg11[%add3A_1605, %add3A_1842] : memref<128x64xf32, #tpu.memory_space<vmem>>[vector<16xi32>, vector<16xi32>], vector<16xf32>,
      %gather3A_1844 = tpu.vector_load_idx %arg12[%add3A_1619, %add3A_1842] : memref<128x64xf32, #tpu.memory_space<vmem>>[vector<16xi32>, vector<16xi32>], vector<16xf32>,
      %mul3A_1845 = arith.mulf %gather3A_1843, %gather3A_1844 : vector<16xf32>
      %add3A_1846 = arith.addf %add3A_1832, %mul3A_1845 : vector<16xf32>
      %add3A_1847 = arith.constant 1 : i32
      %add3A_1848 = vector.broadcast %add3A_1847 : i32 to vector<16xi32>
      %add3A_1849 = arith.addi %add3A_1842, %add3A_1848 : vector<16xi32>
      %gather3A_1850 = tpu.vector_load_idx %arg11[%add3A_1605, %add3A_1849] : memref<128x64xf32, #tpu.memory_space<vmem>>[vector<16xi32>, vector<16xi32>], vector<16xf32>,
      %gather3A_1851 = tpu.vector_load_idx %arg12[%add3A_1619, %add3A_1849] : memref<128x64xf32, #tpu.memory_space<vmem>>[vector<16xi32>, vector<16xi32>], vector<16xf32>,
      %mul3A_1852 = arith.mulf %gather3A_1850, %gather3A_1851 : vector<16xf32>
      %add3A_1853 = arith.addf %add3A_1839, %mul3A_1852 : vector<16xf32>
      %add3A_1854 = arith.constant 1 : i32
      %add3A_1855 = vector.broadcast %add3A_1854 : i32 to vector<16xi32>
      %add3A_1856 = arith.addi %add3A_1849, %add3A_1855 : vector<16xi32>
      %gather3A_1857 = tpu.vector_load_idx %arg11[%add3A_1605, %add3A_1856] : memref<128x64xf32, #tpu.memory_space<vmem>>[vector<16xi32>, vector<16xi32>], vector<16xf32>,
      %gather3A_1858 = tpu.vector_load_idx %arg12[%add3A_1619, %add3A_1856] : memref<128x64xf32, #tpu.memory_space<vmem>>[vector<16xi32>, vector<16xi32>], vector<16xf32>,
      %mul3A_1859 = arith.mulf %gather3A_1857, %gather3A_1858 : vector<16xf32>
      %add3A_1860 = arith.addf %add3A_1846, %mul3A_1859 : vector<16xf32>
      %add3A_1861 = arith.constant 1 : i32
      %add3A_1862 = vector.broadcast %add3A_1861 : i32 to vector<16xi32>
      %add3A_1863 = arith.addi %add3A_1856, %add3A_1862 : vector<16xi32>
      %gather3A_1864 = tpu.vector_load_idx %arg11[%add3A_1605, %add3A_1863] : memref<128x64xf32, #tpu.memory_space<vmem>>[vector<16xi32>, vector<16xi32>], vector<16xf32>,
      %gather3A_1865 = tpu.vector_load_idx %arg12[%add3A_1619, %add3A_1863] : memref<128x64xf32, #tpu.memory_space<vmem>>[vector<16xi32>, vector<16xi32>], vector<16xf32>,
      %mul3A_1866 = arith.mulf %gather3A_1864, %gather3A_1865 : vector<16xf32>
      %add3A_1867 = arith.addf %add3A_1853, %mul3A_1866 : vector<16xf32>
      %add3A_1868 = arith.constant 1 : i32
      %add3A_1869 = vector.broadcast %add3A_1868 : i32 to vector<16xi32>
      %add3A_1870 = arith.addi %add3A_1863, %add3A_1869 : vector<16xi32>
      %gather3A_1871 = tpu.vector_load_idx %arg11[%add3A_1605, %add3A_1870] : memref<128x64xf32, #tpu.memory_space<vmem>>[vector<16xi32>, vector<16xi32>], vector<16xf32>,
      %gather3A_1872 = tpu.vector_load_idx %arg12[%add3A_1619, %add3A_1870] : memref<128x64xf32, #tpu.memory_space<vmem>>[vector<16xi32>, vector<16xi32>], vector<16xf32>,
      %mul3A_1873 = arith.mulf %gather3A_1871, %gather3A_1872 : vector<16xf32>
      %add3A_1874 = arith.addf %add3A_1860, %mul3A_1873 : vector<16xf32>
      %add3A_1875 = arith.constant 1 : i32
      %add3A_1876 = vector.broadcast %add3A_1875 : i32 to vector<16xi32>
      %add3A_1877 = arith.addi %add3A_1870, %add3A_1876 : vector<16xi32>
      %gather3A_1878 = tpu.vector_load_idx %arg11[%add3A_1605, %add3A_1877] : memref<128x64xf32, #tpu.memory_space<vmem>>[vector<16xi32>, vector<16xi32>], vector<16xf32>,
      %gather3A_1879 = tpu.vector_load_idx %arg12[%add3A_1619, %add3A_1877] : memref<128x64xf32, #tpu.memory_space<vmem>>[vector<16xi32>, vector<16xi32>], vector<16xf32>,
      %mul3A_1880 = arith.mulf %gather3A_1878, %gather3A_1879 : vector<16xf32>
      %add3A_1881 = arith.addf %add3A_1867, %mul3A_1880 : vector<16xf32>
      %add3A_1882 = arith.constant 1 : i32
      %add3A_1883 = vector.broadcast %add3A_1882 : i32 to vector<16xi32>
      %add3A_1884 = arith.addi %add3A_1877, %add3A_1883 : vector<16xi32>
      %gather3A_1885 = tpu.vector_load_idx %arg11[%add3A_1605, %add3A_1884] : memref<128x64xf32, #tpu.memory_space<vmem>>[vector<16xi32>, vector<16xi32>], vector<16xf32>,
      %gather3A_1886 = tpu.vector_load_idx %arg12[%add3A_1619, %add3A_1884] : memref<128x64xf32, #tpu.memory_space<vmem>>[vector<16xi32>, vector<16xi32>], vector<16xf32>,
      %mul3A_1887 = arith.mulf %gather3A_1885, %gather3A_1886 : vector<16xf32>
      %add3A_1888 = arith.addf %add3A_1874, %mul3A_1887 : vector<16xf32>
      %add3A_1889 = arith.constant 1 : i32
      %add3A_1890 = vector.broadcast %add3A_1889 : i32 to vector<16xi32>
      %add3A_1891 = arith.addi %add3A_1884, %add3A_1890 : vector<16xi32>
      %gather3A_1892 = tpu.vector_load_idx %arg11[%add3A_1605, %add3A_1891] : memref<128x64xf32, #tpu.memory_space<vmem>>[vector<16xi32>, vector<16xi32>], vector<16xf32>,
      %gather3A_1893 = tpu.vector_load_idx %arg12[%add3A_1619, %add3A_1891] : memref<128x64xf32, #tpu.memory_space<vmem>>[vector<16xi32>, vector<16xi32>], vector<16xf32>,
      %mul3A_1894 = arith.mulf %gather3A_1892, %gather3A_1893 : vector<16xf32>
      %add3A_1895 = arith.addf %add3A_1881, %mul3A_1894 : vector<16xf32>
      %add3A_1896 = arith.constant 1 : i32
      %add3A_1897 = vector.broadcast %add3A_1896 : i32 to vector<16xi32>
      %add3A_1898 = arith.addi %add3A_1891, %add3A_1897 : vector<16xi32>
      %gather3A_1899 = tpu.vector_load_idx %arg11[%add3A_1605, %add3A_1898] : memref<128x64xf32, #tpu.memory_space<vmem>>[vector<16xi32>, vector<16xi32>], vector<16xf32>,
      %gather3A_1900 = tpu.vector_load_idx %arg12[%add3A_1619, %add3A_1898] : memref<128x64xf32, #tpu.memory_space<vmem>>[vector<16xi32>, vector<16xi32>], vector<16xf32>,
      %mul3A_1901 = arith.mulf %gather3A_1899, %gather3A_1900 : vector<16xf32>
      %add3A_1902 = arith.addf %add3A_1888, %mul3A_1901 : vector<16xf32>
      %add3A_1903 = arith.constant 1 : i32
      %add3A_1904 = vector.broadcast %add3A_1903 : i32 to vector<16xi32>
      %add3A_1905 = arith.addi %add3A_1898, %add3A_1904 : vector<16xi32>
      %gather3A_1906 = tpu.vector_load_idx %arg11[%add3A_1605, %add3A_1905] : memref<128x64xf32, #tpu.memory_space<vmem>>[vector<16xi32>, vector<16xi32>], vector<16xf32>,
      %gather3A_1907 = tpu.vector_load_idx %arg12[%add3A_1619, %add3A_1905] : memref<128x64xf32, #tpu.memory_space<vmem>>[vector<16xi32>, vector<16xi32>], vector<16xf32>,
      %mul3A_1908 = arith.mulf %gather3A_1906, %gather3A_1907 : vector<16xf32>
      %add3A_1909 = arith.addf %add3A_1895, %mul3A_1908 : vector<16xf32>
      %add3A_1910 = arith.constant 1 : i32
      %add3A_1911 = vector.broadcast %add3A_1910 : i32 to vector<16xi32>
      %add3A_1912 = arith.addi %add3A_1905, %add3A_1911 : vector<16xi32>
      %gather3A_1913 = tpu.vector_load_idx %arg11[%add3A_1605, %add3A_1912] : memref<128x64xf32, #tpu.memory_space<vmem>>[vector<16xi32>, vector<16xi32>], vector<16xf32>,
      %gather3A_1914 = tpu.vector_load_idx %arg12[%add3A_1619, %add3A_1912] : memref<128x64xf32, #tpu.memory_space<vmem>>[vector<16xi32>, vector<16xi32>], vector<16xf32>,
      %mul3A_1915 = arith.mulf %gather3A_1913, %gather3A_1914 : vector<16xf32>
      %add3A_1916 = arith.addf %add3A_1902, %mul3A_1915 : vector<16xf32>
      %add3A_1917 = arith.constant 1 : i32
      %add3A_1918 = vector.broadcast %add3A_1917 : i32 to vector<16xi32>
      %add3A_1919 = arith.addi %add3A_1912, %add3A_1918 : vector<16xi32>
      %gather3A_1920 = tpu.vector_load_idx %arg11[%add3A_1605, %add3A_1919] : memref<128x64xf32, #tpu.memory_space<vmem>>[vector<16xi32>, vector<16xi32>], vector<16xf32>,
      %gather3A_1921 = tpu.vector_load_idx %arg12[%add3A_1619, %add3A_1919] : memref<128x64xf32, #tpu.memory_space<vmem>>[vector<16xi32>, vector<16xi32>], vector<16xf32>,
      %mul3A_1922 = arith.mulf %gather3A_1920, %gather3A_1921 : vector<16xf32>
      %add3A_1923 = arith.addf %add3A_1909, %mul3A_1922 : vector<16xf32>
      %add3A_1924 = arith.constant 1 : i32
      %add3A_1925 = vector.broadcast %add3A_1924 : i32 to vector<16xi32>
      %add3A_1926 = arith.addi %add3A_1919, %add3A_1925 : vector<16xi32>
      %gather3A_1927 = tpu.vector_load_idx %arg11[%add3A_1605, %add3A_1926] : memref<128x64xf32, #tpu.memory_space<vmem>>[vector<16xi32>, vector<16xi32>], vector<16xf32>,
      %gather3A_1928 = tpu.vector_load_idx %arg12[%add3A_1619, %add3A_1926] : memref<128x64xf32, #tpu.memory_space<vmem>>[vector<16xi32>, vector<16xi32>], vector<16xf32>,
      %mul3A_1929 = arith.mulf %gather3A_1927, %gather3A_1928 : vector<16xf32>
      %add3A_1930 = arith.addf %add3A_1916, %mul3A_1929 : vector<16xf32>
      %add3A_1931 = arith.constant 1 : i32
      %add3A_1932 = vector.broadcast %add3A_1931 : i32 to vector<16xi32>
      %add3A_1933 = arith.addi %add3A_1926, %add3A_1932 : vector<16xi32>
      %gather3A_1934 = tpu.vector_load_idx %arg11[%add3A_1605, %add3A_1933] : memref<128x64xf32, #tpu.memory_space<vmem>>[vector<16xi32>, vector<16xi32>], vector<16xf32>,
      %gather3A_1935 = tpu.vector_load_idx %arg12[%add3A_1619, %add3A_1933] : memref<128x64xf32, #tpu.memory_space<vmem>>[vector<16xi32>, vector<16xi32>], vector<16xf32>,
      %mul3A_1936 = arith.mulf %gather3A_1934, %gather3A_1935 : vector<16xf32>
      %add3A_1937 = arith.addf %add3A_1923, %mul3A_1936 : vector<16xf32>
      %add3A_1938 = arith.constant 1 : i32
      %add3A_1939 = vector.broadcast %add3A_1938 : i32 to vector<16xi32>
      %add3A_1940 = arith.addi %add3A_1933, %add3A_1939 : vector<16xi32>
      %gather3A_1941 = tpu.vector_load_idx %arg11[%add3A_1605, %add3A_1940] : memref<128x64xf32, #tpu.memory_space<vmem>>[vector<16xi32>, vector<16xi32>], vector<16xf32>,
      %gather3A_1942 = tpu.vector_load_idx %arg12[%add3A_1619, %add3A_1940] : memref<128x64xf32, #tpu.memory_space<vmem>>[vector<16xi32>, vector<16xi32>], vector<16xf32>,
      %mul3A_1943 = arith.mulf %gather3A_1941, %gather3A_1942 : vector<16xf32>
      %add3A_1944 = arith.addf %add3A_1930, %mul3A_1943 : vector<16xf32>
      %add3A_1945 = arith.constant 1 : i32
      %add3A_1946 = vector.broadcast %add3A_1945 : i32 to vector<16xi32>
      %add3A_1947 = arith.addi %add3A_1940, %add3A_1946 : vector<16xi32>
      %gather3A_1948 = tpu.vector_load_idx %arg11[%add3A_1605, %add3A_1947] : memref<128x64xf32, #tpu.memory_space<vmem>>[vector<16xi32>, vector<16xi32>], vector<16xf32>,
      %gather3A_1949 = tpu.vector_load_idx %arg12[%add3A_1619, %add3A_1947] : memref<128x64xf32, #tpu.memory_space<vmem>>[vector<16xi32>, vector<16xi32>], vector<16xf32>,
      %mul3A_1950 = arith.mulf %gather3A_1948, %gather3A_1949 : vector<16xf32>
      %add3A_1951 = arith.addf %add3A_1937, %mul3A_1950 : vector<16xf32>
      %add3A_1952 = arith.constant 1 : i32
      %add3A_1953 = vector.broadcast %add3A_1952 : i32 to vector<16xi32>
      %add3A_1954 = arith.addi %add3A_1947, %add3A_1953 : vector<16xi32>
      %gather3A_1955 = tpu.vector_load_idx %arg11[%add3A_1605, %add3A_1954] : memref<128x64xf32, #tpu.memory_space<vmem>>[vector<16xi32>, vector<16xi32>], vector<16xf32>,
      %gather3A_1956 = tpu.vector_load_idx %arg12[%add3A_1619, %add3A_1954] : memref<128x64xf32, #tpu.memory_space<vmem>>[vector<16xi32>, vector<16xi32>], vector<16xf32>,
      %mul3A_1957 = arith.mulf %gather3A_1955, %gather3A_1956 : vector<16xf32>
      %add3A_1958 = arith.addf %add3A_1944, %mul3A_1957 : vector<16xf32>
      %add3A_1959 = arith.constant 1 : i32
      %add3A_1960 = vector.broadcast %add3A_1959 : i32 to vector<16xi32>
      %add3A_1961 = arith.addi %add3A_1954, %add3A_1960 : vector<16xi32>
      %gather3A_1962 = tpu.vector_load_idx %arg11[%add3A_1605, %add3A_1961] : memref<128x64xf32, #tpu.memory_space<vmem>>[vector<16xi32>, vector<16xi32>], vector<16xf32>,
      %gather3A_1963 = tpu.vector_load_idx %arg12[%add3A_1619, %add3A_1961] : memref<128x64xf32, #tpu.memory_space<vmem>>[vector<16xi32>, vector<16xi32>], vector<16xf32>,
      %mul3A_1964 = arith.mulf %gather3A_1962, %gather3A_1963 : vector<16xf32>
      %add3A_1965 = arith.addf %add3A_1951, %mul3A_1964 : vector<16xf32>
      %add3A_1966 = arith.constant 1 : i32
      %add3A_1967 = vector.broadcast %add3A_1966 : i32 to vector<16xi32>
      %add3A_1968 = arith.addi %add3A_1961, %add3A_1967 : vector<16xi32>
      %gather3A_1969 = tpu.vector_load_idx %arg11[%add3A_1605, %add3A_1968] : memref<128x64xf32, #tpu.memory_space<vmem>>[vector<16xi32>, vector<16xi32>], vector<16xf32>,
      %gather3A_1970 = tpu.vector_load_idx %arg12[%add3A_1619, %add3A_1968] : memref<128x64xf32, #tpu.memory_space<vmem>>[vector<16xi32>, vector<16xi32>], vector<16xf32>,
      %mul3A_1971 = arith.mulf %gather3A_1969, %gather3A_1970 : vector<16xf32>
      %add3A_1972 = arith.addf %add3A_1958, %mul3A_1971 : vector<16xf32>
      %add3A_1973 = arith.constant 1 : i32
      %add3A_1974 = vector.broadcast %add3A_1973 : i32 to vector<16xi32>
      %add3A_1975 = arith.addi %add3A_1968, %add3A_1974 : vector<16xi32>
      %gather3A_1976 = tpu.vector_load_idx %arg11[%add3A_1605, %add3A_1975] : memref<128x64xf32, #tpu.memory_space<vmem>>[vector<16xi32>, vector<16xi32>], vector<16xf32>,
      %gather3A_1977 = tpu.vector_load_idx %arg12[%add3A_1619, %add3A_1975] : memref<128x64xf32, #tpu.memory_space<vmem>>[vector<16xi32>, vector<16xi32>], vector<16xf32>,
      %mul3A_1978 = arith.mulf %gather3A_1976, %gather3A_1977 : vector<16xf32>
      %add3A_1979 = arith.addf %add3A_1965, %mul3A_1978 : vector<16xf32>
      %add3A_1980 = arith.constant 1 : i32
      %add3A_1981 = vector.broadcast %add3A_1980 : i32 to vector<16xi32>
      %add3A_1982 = arith.addi %add3A_1975, %add3A_1981 : vector<16xi32>
      %gather3A_1983 = tpu.vector_load_idx %arg11[%add3A_1605, %add3A_1982] : memref<128x64xf32, #tpu.memory_space<vmem>>[vector<16xi32>, vector<16xi32>], vector<16xf32>,
      %gather3A_1984 = tpu.vector_load_idx %arg12[%add3A_1619, %add3A_1982] : memref<128x64xf32, #tpu.memory_space<vmem>>[vector<16xi32>, vector<16xi32>], vector<16xf32>,
      %mul3A_1985 = arith.mulf %gather3A_1983, %gather3A_1984 : vector<16xf32>
      %add3A_1986 = arith.addf %add3A_1972, %mul3A_1985 : vector<16xf32>
      %add3A_1987 = arith.constant 1 : i32
      %add3A_1988 = vector.broadcast %add3A_1987 : i32 to vector<16xi32>
      %add3A_1989 = arith.addi %add3A_1982, %add3A_1988 : vector<16xi32>
      %gather3A_1990 = tpu.vector_load_idx %arg11[%add3A_1605, %add3A_1989] : memref<128x64xf32, #tpu.memory_space<vmem>>[vector<16xi32>, vector<16xi32>], vector<16xf32>,
      %gather3A_1991 = tpu.vector_load_idx %arg12[%add3A_1619, %add3A_1989] : memref<128x64xf32, #tpu.memory_space<vmem>>[vector<16xi32>, vector<16xi32>], vector<16xf32>,
      %mul3A_1992 = arith.mulf %gather3A_1990, %gather3A_1991 : vector<16xf32>
      %add3A_1993 = arith.addf %add3A_1979, %mul3A_1992 : vector<16xf32>
      %add3A_1994 = arith.constant 1 : i32
      %add3A_1995 = vector.broadcast %add3A_1994 : i32 to vector<16xi32>
      %add3A_1996 = arith.addi %add3A_1989, %add3A_1995 : vector<16xi32>
      %gather3A_1997 = tpu.vector_load_idx %arg11[%add3A_1605, %add3A_1996] : memref<128x64xf32, #tpu.memory_space<vmem>>[vector<16xi32>, vector<16xi32>], vector<16xf32>,
      %gather3A_1998 = tpu.vector_load_idx %arg12[%add3A_1619, %add3A_1996] : memref<128x64xf32, #tpu.memory_space<vmem>>[vector<16xi32>, vector<16xi32>], vector<16xf32>,
      %mul3A_1999 = arith.mulf %gather3A_1997, %gather3A_1998 : vector<16xf32>
      %add3A_2000 = arith.addf %add3A_1986, %mul3A_1999 : vector<16xf32>
      %add3A_2001 = arith.constant 1 : i32
      %add3A_2002 = vector.broadcast %add3A_2001 : i32 to vector<16xi32>
      %add3A_2003 = arith.addi %add3A_1996, %add3A_2002 : vector<16xi32>
      %gather3A_2004 = tpu.vector_load_idx %arg11[%add3A_1605, %add3A_2003] : memref<128x64xf32, #tpu.memory_space<vmem>>[vector<16xi32>, vector<16xi32>], vector<16xf32>,
      %gather3A_2005 = tpu.vector_load_idx %arg12[%add3A_1619, %add3A_2003] : memref<128x64xf32, #tpu.memory_space<vmem>>[vector<16xi32>, vector<16xi32>], vector<16xf32>,
      %mul3A_2006 = arith.mulf %gather3A_2004, %gather3A_2005 : vector<16xf32>
      %add3A_2007 = arith.addf %add3A_1993, %mul3A_2006 : vector<16xf32>
      %add3A_2008 = arith.constant 1 : i32
      %add3A_2009 = vector.broadcast %add3A_2008 : i32 to vector<16xi32>
      %add3A_2010 = arith.addi %add3A_2003, %add3A_2009 : vector<16xi32>
      %gather3A_2011 = tpu.vector_load_idx %arg11[%add3A_1605, %add3A_2010] : memref<128x64xf32, #tpu.memory_space<vmem>>[vector<16xi32>, vector<16xi32>], vector<16xf32>,
      %gather3A_2012 = tpu.vector_load_idx %arg12[%add3A_1619, %add3A_2010] : memref<128x64xf32, #tpu.memory_space<vmem>>[vector<16xi32>, vector<16xi32>], vector<16xf32>,
      %mul3A_2013 = arith.mulf %gather3A_2011, %gather3A_2012 : vector<16xf32>
      %add3A_2014 = arith.addf %add3A_2000, %mul3A_2013 : vector<16xf32>
      %add3A_2015 = arith.constant 1 : i32
      %add3A_2016 = vector.broadcast %add3A_2015 : i32 to vector<16xi32>
      %add3A_2017 = arith.addi %add3A_2010, %add3A_2016 : vector<16xi32>
      %gather3A_2018 = tpu.vector_load_idx %arg11[%add3A_1605, %add3A_2017] : memref<128x64xf32, #tpu.memory_space<vmem>>[vector<16xi32>, vector<16xi32>], vector<16xf32>,
      %gather3A_2019 = tpu.vector_load_idx %arg12[%add3A_1619, %add3A_2017] : memref<128x64xf32, #tpu.memory_space<vmem>>[vector<16xi32>, vector<16xi32>], vector<16xf32>,
      %mul3A_2020 = arith.mulf %gather3A_2018, %gather3A_2019 : vector<16xf32>
      %add3A_2021 = arith.addf %add3A_2007, %mul3A_2020 : vector<16xf32>
      %add3A_2022 = arith.constant 1 : i32
      %add3A_2023 = vector.broadcast %add3A_2022 : i32 to vector<16xi32>
      %add3A_2024 = arith.addi %add3A_2017, %add3A_2023 : vector<16xi32>
      %gather3A_2025 = tpu.vector_load_idx %arg11[%add3A_1605, %add3A_2024] : memref<128x64xf32, #tpu.memory_space<vmem>>[vector<16xi32>, vector<16xi32>], vector<16xf32>,
      %gather3A_2026 = tpu.vector_load_idx %arg12[%add3A_1619, %add3A_2024] : memref<128x64xf32, #tpu.memory_space<vmem>>[vector<16xi32>, vector<16xi32>], vector<16xf32>,
      %mul3A_2027 = arith.mulf %gather3A_2025, %gather3A_2026 : vector<16xf32>
      %add3A_2028 = arith.addf %add3A_2014, %mul3A_2027 : vector<16xf32>
      %add3A_2029 = arith.constant 1 : i32
      %add3A_2030 = vector.broadcast %add3A_2029 : i32 to vector<16xi32>
      %add3A_2031 = arith.addi %add3A_2024, %add3A_2030 : vector<16xi32>
      %gather3A_2032 = tpu.vector_load_idx %arg11[%add3A_1605, %add3A_2031] : memref<128x64xf32, #tpu.memory_space<vmem>>[vector<16xi32>, vector<16xi32>], vector<16xf32>,
      %gather3A_2033 = tpu.vector_load_idx %arg12[%add3A_1619, %add3A_2031] : memref<128x64xf32, #tpu.memory_space<vmem>>[vector<16xi32>, vector<16xi32>], vector<16xf32>,
      %mul3A_2034 = arith.mulf %gather3A_2032, %gather3A_2033 : vector<16xf32>
      %add3A_2035 = arith.addf %add3A_2021, %mul3A_2034 : vector<16xf32>
      %add3A_2036 = arith.constant 1 : i32
      %add3A_2037 = vector.broadcast %add3A_2036 : i32 to vector<16xi32>
      %add3A_2038 = arith.addi %add3A_2031, %add3A_2037 : vector<16xi32>
      %gather3A_2039 = tpu.vector_load_idx %arg11[%add3A_1605, %add3A_2038] : memref<128x64xf32, #tpu.memory_space<vmem>>[vector<16xi32>, vector<16xi32>], vector<16xf32>,
      %gather3A_2040 = tpu.vector_load_idx %arg12[%add3A_1619, %add3A_2038] : memref<128x64xf32, #tpu.memory_space<vmem>>[vector<16xi32>, vector<16xi32>], vector<16xf32>,
      %mul3A_2041 = arith.mulf %gather3A_2039, %gather3A_2040 : vector<16xf32>
      %add3A_2042 = arith.addf %add3A_2028, %mul3A_2041 : vector<16xf32>
      %add3A_2043 = arith.constant 1 : i32
      %add3A_2044 = vector.broadcast %add3A_2043 : i32 to vector<16xi32>
      %add3A_2045 = arith.addi %add3A_2038, %add3A_2044 : vector<16xi32>
      %gather3A_2046 = tpu.vector_load_idx %arg11[%add3A_1605, %add3A_2045] : memref<128x64xf32, #tpu.memory_space<vmem>>[vector<16xi32>, vector<16xi32>], vector<16xf32>,
      %gather3A_2047 = tpu.vector_load_idx %arg12[%add3A_1619, %add3A_2045] : memref<128x64xf32, #tpu.memory_space<vmem>>[vector<16xi32>, vector<16xi32>], vector<16xf32>,
      %mul3A_2048 = arith.mulf %gather3A_2046, %gather3A_2047 : vector<16xf32>
      %add3A_2049 = arith.addf %add3A_2035, %mul3A_2048 : vector<16xf32>
      %add3A_2050 = arith.constant 1 : i32
      %add3A_2051 = vector.broadcast %add3A_2050 : i32 to vector<16xi32>
      %add3A_2052 = arith.addi %add3A_2045, %add3A_2051 : vector<16xi32>
      %gather3A_2053 = tpu.vector_load_idx %arg11[%add3A_1605, %add3A_2052] : memref<128x64xf32, #tpu.memory_space<vmem>>[vector<16xi32>, vector<16xi32>], vector<16xf32>,
      %gather3A_2054 = tpu.vector_load_idx %arg12[%add3A_1619, %add3A_2052] : memref<128x64xf32, #tpu.memory_space<vmem>>[vector<16xi32>, vector<16xi32>], vector<16xf32>,
      %mul3A_2055 = arith.mulf %gather3A_2053, %gather3A_2054 : vector<16xf32>
      %add3A_2056 = arith.addf %add3A_2042, %mul3A_2055 : vector<16xf32>
      %add3A_2057 = arith.constant 1 : i32
      %add3A_2058 = vector.broadcast %add3A_2057 : i32 to vector<16xi32>
      %add3A_2059 = arith.addi %add3A_2052, %add3A_2058 : vector<16xi32>
      %gather3A_2060 = tpu.vector_load_idx %arg11[%add3A_1605, %add3A_2059] : memref<128x64xf32, #tpu.memory_space<vmem>>[vector<16xi32>, vector<16xi32>], vector<16xf32>,
      %gather3A_2061 = tpu.vector_load_idx %arg12[%add3A_1619, %add3A_2059] : memref<128x64xf32, #tpu.memory_space<vmem>>[vector<16xi32>, vector<16xi32>], vector<16xf32>,
      %mul3A_2062 = arith.mulf %gather3A_2060, %gather3A_2061 : vector<16xf32>
      %add3A_2063 = arith.addf %add3A_2049, %mul3A_2062 : vector<16xf32>
      %add3A_2064 = arith.constant 1 : i32
      %add3A_2065 = vector.broadcast %add3A_2064 : i32 to vector<16xi32>
      %add3A_2066 = arith.addi %add3A_2059, %add3A_2065 : vector<16xi32>
      %gather3A_2067 = tpu.vector_load_idx %arg11[%add3A_1605, %add3A_2066] : memref<128x64xf32, #tpu.memory_space<vmem>>[vector<16xi32>, vector<16xi32>], vector<16xf32>,
      %gather3A_2068 = tpu.vector_load_idx %arg12[%add3A_1619, %add3A_2066] : memref<128x64xf32, #tpu.memory_space<vmem>>[vector<16xi32>, vector<16xi32>], vector<16xf32>,
      %mul3A_2069 = arith.mulf %gather3A_2067, %gather3A_2068 : vector<16xf32>
      %add3A_2070 = arith.addf %add3A_2056, %mul3A_2069 : vector<16xf32>
      %add3A_2071 = arith.addf %add3A_2063, %add3A_2070 : vector<16xf32>
      %mul3A_2072 = arith.constant 16 : i32
      %mul3A_2073 = arith.muli %add3A_1584, %mul3A_2072 : i32
      %mul3A_2074 = arith.constant 16 : i32
      %mul3A_2075 = arith.muli %scan3A_1586, %mul3A_2074 : i32
      %add3A_2076 = arith.addi %mul3A_2073, %mul3A_2075 : i32
      %swap3A_2077 = arith.index_cast %add3A_2076 : i32 to index
      %swap3A_2078 = tpu.vector_load %arg13[%swap3A_2077] {strides = array<i32>} : memref<512xf32, #tpu.memory_space<vmem>>, vector<16xf32>,
      tpu.vector_store %arg13[%swap3A_2077], %add3A_2071 {strides = array<i32>} : memref<512xf32, #tpu.memory_space<vmem>>, vector<16xf32>,
      %scan3A_2079 = arith.constant 1 : i32
    }
    %scan3A_534 = arith.constant 16 : i32
    "tpu.region"() ({
      %run_scoped3A = tpu.sem_alloc : memref<!tpu.dma_semaphore, #tpu.memory_space<semaphore_mem>>
      %dma_start3A_535 = tpu.memref_slice %arg6[%mul3A_2] : memref<16384xf32, #tpu.memory_space<hbm>> -> memref<512xf32, #tpu.memory_space<hbm>>
      %dma_start3A_536 = tpu.memref_slice %arg6[%mul3A_2] : memref<16384xf32, #tpu.memory_space<hbm>> -> memref<512xf32, #tpu.memory_space<hbm>>
      tpu.enqueue_dma source(%arg13 : memref<512xf32, #tpu.memory_space<vmem>>) target(%dma_start3A_536 : memref<512xf32, #tpu.memory_space<hbm>>) target_semaphore(%run_scoped3A : memref<!tpu.dma_semaphore, #tpu.memory_space<semaphore_mem>>)
      %dma_wait3A = tpu.memref_slice %arg6[%mul3A_2] : memref<16384xf32, #tpu.memory_space<hbm>> -> memref<512xf32, #tpu.memory_space<hbm>>
      %dma_wait3A_537 = tpu.memref_slice %arg6[%mul3A_2] : memref<16384xf32, #tpu.memory_space<hbm>> -> memref<512xf32, #tpu.memory_space<hbm>>
      tpu.wait_dma2 semaphore(%run_scoped3A : memref<!tpu.dma_semaphore, #tpu.memory_space<semaphore_mem>>) src(%arg13 : memref<512xf32, #tpu.memory_space<vmem>>) dst(%dma_wait3A_537 : memref<512xf32, #tpu.memory_space<hbm>>)
      tpu.yield
    }) : () -> ()
    return
  }
}

</mosaic_0001>

<sc_bundles>
// kernel: kernel.3.cloned.1.call-start
scs
__scs_entry_jumppad:
0x0: {  	(pc) =	sbr.rel $0x88, $3  }
0x1: {  	(tag) =	ssettag $0x0;
	lr =	simm.s32 $0x1  }
0x2: {  	[smem:$0x3F9D] =	sst lr;
	_ =	strace $0xD0000000  }
0x3: {  	_ = 	snop  }
0x4: {  	_ = 	snop  }
0x5: {  	_ = 	snop  }
0x6: {  	_ = 	snop  }
0x7: {  	_ = 	snop  }
__scs_overlays_trampoline_lowered:
0x8: {  	[smem:$0x3FAC] =	sst s0  }
0x9: {  	[smem:$0x3FAD] =	sst s1  }
0xa: {  	[smem:$0x3FAE] =	sst s2  }
0xb: {  	[smem:$0x3FAF] =	sst s3  }
0xc: {  	[smem:$0x3FB0] =	sst s4  }
0xd: {  	[smem:$0x3FB1] =	sst s5  }
0xe: {  	[smem:$0x3FB2] =	sst s6  }
0xf: {  	[smem:$0x3FB3] =	sst s7  }
0x10: {  	[smem:$0x3FB4] =	sst s8  }
0x11: {  	[smem:$0x3FB5] =	sst s9;
	s0 =	simm.s32 @!p0 $0x0  }
0x12: {  	s1 =	sld [smem:$0x3F9B];
	s0 =	simm.s32 @p0 $0x1  }
0x13: {  	[smem:$0x3FB6] =	sst s0;
	s0 =	simm.s32 @!p1 $0x0  }
0x14: {  	s2 =	sld [smem:$0x3F9A];
	s0 =	simm.s32 @p1 $0x1  }
0x15: {  	[smem:$0x3FB7] =	sst s0;
	s0 =	simm.s32 @!p2 $0x0  }
0x16: {  	s3 =	sld [smem:$0x3FDB];
	s0 =	simm.s32 @p2 $0x1  }
0x17: {  	s4 =	simm.s32 $0x1BF5;
	[smem:$0x3FB9] =	sst s0  }
0x18: {  	s0 =	sld [smem:$0x3F9C];
	_ =	swait.ge [sflag:s4], $0x0  }
0x19: {  	s7 =	sld [smem:$0x3F9D]  }
0x1a: {  	s8 =	sadd.s32 $0xFFFFE003, lr  }
0x1b: {  	s9 =	sadd.s32 $0xFFFFFEF7, lr;
	s5 =	simm.s32 $0xFFFFFFFF;
	p2 =	slt.u32 s8, $0xFFFFF086  }
0x1c: {  	p1 =	slt.u32 s9, $0xF7A;
	s5 =	simm.s32 @!p2 $0x0  }
0x1d: {  	s5 =	simm.s32 @p1 $0x1;
	p0 =	seq.s32 s7, s2  }
0x1e: {  	s7 =	smul.u32 @!p0 $0xF7A, s2;
	p2 =	seq.s32 @!p0 s5, $0x0  }
0x1f: {  	s9 =	smul.u32 $0xF7A, s1;
	s8 =	simm.s32 @!p0 $0x1BF5;
	p2 =	por !p2, p0  }
0x20: {  	[sflag:s8] =	ssyncset.s32 @!p0 $0xFFFFF086;
	s6 =	sadd.s32 @!p0 s3, s7;
	s7 =	simm.s32 @!p0 $0x108  }
0x21: {  	s3 =	sadd.s32 s3, s9;
	s6 =	sadd.s32 @!p0 $0x88, s6;
	s7 =	simm.s32 @p2 $0x1082  }
0x22: {  	[simem:s7], [sflag:s8] =	dma.local @!p0 [hbm:s6], $0xF7A  }
0x23: {  	s9 =	sor.u32 $0xD0000000, s2;
	s6 =	simm.s32 $0x108;
	_ =	swait.ge @!p0 [sflag:s8], $0x0  }
0x24: {  	s3 =	sadd.s32 $0x88, s3;
	s6 =	simm.s32 @!p1 $0x1082;
	[sflag:s4] =	ssyncset.s32 $0xFFFFF086  }
0x25: {  	[simem:s6], [sflag:s4] =	dma.local [hbm:s3], $0xF7A  }
0x26: {  	[smem:$0x3F9D] =	sst s1;
	(tag) =	ssettag s2;
	_ =	strace s9  }
0x27: {  	s1 =	sld [smem:$0x3FAD]  }
0x28: {  	s2 =	sld [smem:$0x3FAE]  }
0x29: {  	s4 =	sld [smem:$0x3FB0]  }
0x2a: {  	p0 =	seq.s32 s5, $0x0;
	s5 =	sld [smem:$0x3FB1]  }
0x2b: {  	s6 =	sld [smem:$0x3FB2]  }
0x2c: {  	s7 =	sld [smem:$0x3FB3]  }
0x2d: {  	s3 =	simm.s32 $0x108;
	s8 =	sld [smem:$0x3FB4]  }
0x2e: {  	s3 =	simm.s32 @!p0 $0x1082;
	s9 =	sld [smem:$0x3FB5]  }
0x2f: {  	lr =	sadd.s32 s0, s3;
	s0 =	sld [smem:$0x3FAC]  }
0x30: {  	s3 =	sld [smem:$0x3FAF]  }
0x31: {  	[smem:$0x3FB8] =	sst s10  }
0x32: {  	s10 =	sld [smem:$0x3FB6];
	_ =	sdelay $0x3  }
0x33: {  	p0 =	seq.s32 s10, $0x1;
	s10 =	sld [smem:$0x3FB8];
	_ =	sdelay $0x3  }
0x34: {  	[smem:$0x3FB8] =	sst s10  }
0x35: {  	s10 =	sld [smem:$0x3FB7];
	_ =	sdelay $0x3  }
0x36: {  	p1 =	seq.s32 s10, $0x1;
	s10 =	sld [smem:$0x3FB8];
	_ =	sdelay $0x3  }
0x37: {  	[smem:$0x3FB8] =	sst s10  }
0x38: {  	s10 =	sld [smem:$0x3FB9]  }
0x39: {  	_ = 	snop;
	(pc) =	sbr.ind lr, $3  }
0x3a: {  	_ = 	snop  }
0x3b: {  	_ = 	snop  }
0x3c: {  	p2 =	seq.s32 s10, $0x1;
	s10 =	sld [smem:$0x3FB8]  }
0x3d: {  	_ =	shalt  }
0x3e: {  	_ =	shalt  }
0x3f: {  	_ =	shalt  }
0x40: {  	_ =	shalt  }
0x41: {  	_ =	shalt  }
0x42: {  	_ =	shalt  }
0x43: {  	_ =	shalt  }
0x44: {  	_ =	shalt  }
0x45: {  	_ =	shalt  }
0x46: {  	_ =	shalt  }
0x47: {  	_ =	shalt  }
0x48: {  	_ =	shalt  }
0x49: {  	_ =	shalt  }
0x4a: {  	_ =	shalt  }
0x4b: {  	_ =	shalt  }
0x4c: {  	_ =	shalt  }
0x4d: {  	_ =	shalt  }
0x4e: {  	_ =	shalt  }
0x4f: {  	_ =	shalt  }
0x50: {  	_ =	shalt  }
0x51: {  	_ =	shalt  }
0x52: {  	_ =	shalt  }
0x53: {  	_ =	shalt  }
0x54: {  	_ =	shalt  }
0x55: {  	_ =	shalt  }
0x56: {  	_ =	shalt  }
0x57: {  	_ =	shalt  }
0x58: {  	_ =	shalt  }
0x59: {  	_ =	shalt  }
0x5a: {  	_ =	shalt  }
0x5b: {  	_ =	shalt  }
0x5c: {  	_ =	shalt  }
0x5d: {  	_ =	shalt  }
0x5e: {  	_ =	shalt  }
0x5f: {  	_ =	shalt  }
0x60: {  	_ =	shalt  }
0x61: {  	_ =	shalt  }
0x62: {  	_ =	shalt  }
0x63: {  	_ =	shalt  }
0x64: {  	_ =	shalt  }
0x65: {  	_ =	shalt  }
0x66: {  	_ =	shalt  }
0x67: {  	_ =	shalt  }
0x68: {  	_ =	shalt  }
0x69: {  	_ =	shalt  }
0x6a: {  	_ =	shalt  }
0x6b: {  	_ =	shalt  }
0x6c: {  	_ =	shalt  }
0x6d: {  	_ =	shalt  }
0x6e: {  	_ =	shalt  }
0x6f: {  	_ =	shalt  }
0x70: {  	_ =	shalt  }
0x71: {  	_ =	shalt  }
0x72: {  	_ =	shalt  }
0x73: {  	_ =	shalt  }
0x74: {  	_ =	shalt  }
0x75: {  	_ =	shalt  }
0x76: {  	_ =	shalt  }
0x77: {  	_ =	shalt  }
0x78: {  	_ =	shalt  }
0x79: {  	_ =	shalt  }
0x7a: {  	_ =	shalt  }
0x7b: {  	_ =	shalt  }
0x7c: {  	_ =	shalt  }
0x7d: {  	_ =	shalt  }
0x7e: {  	_ =	shalt  }
0x7f: {  	_ =	shalt  }
0x80: {  	_ =	shalt  }
0x81: {  	_ =	shalt  }
0x82: {  	_ =	shalt  }
0x83: {  	_ =	shalt  }
0x84: {  	_ =	shalt  }
0x85: {  	_ =	shalt  }
0x86: {  	_ =	shalt  }
0x87: {  	_ =	shalt  }
.Lfunc_end0:
.L_simem_size_0:
called_computation_lowered:
.L_overlay_start_0:
0x88: {  	s2 =	sld [smem:$0x3FD9]  }
0x89: {  	s3 =	sld [smem:$0x3FFE];
	_ =	sdelay $0x1  }
0x8a: {  	s1 =	srdreg.scid  }
0x8b: {  	s0 =	sand.u32 $0x1, s1  }
0x8c: {  	s17 =	sshll.u32 s0, $0xA;
	s2 =	sadd.s32 s3, s2  }
0x8d: {  	s2 =	sadd.s32 s2, s17  }
0x8e: {  	[smem:$0x3FC4] =	sst s2  }
0x8f: {  	_ = 	snop  }
0x90: {  	s2 =	sld [smem:$0x3FC9]  }
0x91: {  	s18 =	sld [smem:$0x3FC8]  }
0x92: {  	s4 =	sld [smem:$0x3FD0];
	(tm) =	ssettm $0x1  }
0x93: {  	s5 =	sld [smem:$0x3FFB];
	_ =	sdelay $0x3  }
0x94: {  	_ =	strace s5  }
0x95: {  	s5 =	sld [smem:$0x3FFC];
	_ =	sdelay $0x3  }
0x96: {  	_ =	strace s5  }
0x97: {  	s5 =	sld [smem:$0x3FFD];
	_ =	sdelay $0x3  }
0x98: {  	_ =	strace s5  }
0x99: {  	_ =	strace $0x8FFFFFFF  }
0x9a: {  	s19 =	sld [smem:$0x3FDB];
	_ =	sdelay $0x1  }
0x9b: {  	s6 =	simm.s32 $_scs_section_size  }
0x9c: {  	s7 =	simm.s32 $_size__tile_overlayer_lowered;
	s8 =	simm.s32 $_tile_overlayer_lowered  }
0x9d: {  	s22 =	simm.s32 $0x1BFF;
	s21 =	sshll.u32 s8, $0x1;
	s5 =	sadd.s32 s6, s19  }
0x9e: {  	s9 =	simm.s32 $0x0;
	s20 =	sshll.u32 s7, $0x1;
	s7 =	sadd.s32 s21, s5  }
0x9f: {  	[timem:s9], [sflag:s22] =	dma.local [hbm:s7], s20  }
0xa0: {  	_ =	swait.ge [sflag:s22], s20  }
0xa1: {  	s6 =	ssub.s32 $0x0, s20;
	[sflag:s22] =	ssyncset.done $0x0  }
0xa2: {  	[sflag:s22] =	ssyncadd.s32 s6;
	_ =	sdelay $0x1  }
0xa3: {  	s23 =	simm.s32 $0x1B8B  }
0xa4: {  	_ =	swait.ge [sflag:s23], $0x1  }
0xa5: {  	[sflag:s23] =	ssyncset.done $0x0  }
0xa6: {  	s25 =	simm.s32 $0x1B8E;
	s24 =	sld [smem:$0x3FFE];
	[sflag:s23] =	ssyncadd.s32 $0xFFFFFFFF  }
0xa7: {  	s26 =	simm.s32 $execute0_lowered;
	[smem:$0x3FD2] =	sst s25  }
0xa8: {  	s7 =	sshll.u32 s26, $0x1;
	_ =	strace $0x80000046;
	[dreg:$0x1] =	wrdreg $0xFFFFFFFF  }
0xa9: {  	s28 =	simm.s32 $_size_execute0_lowered;
	s5 =	sadd.s32 s5, s7;
	[dreg:$0x0] =	wrdreg $0x0  }
0xaa: {  	s7 =	sshll.u32 s28, $0x1;
	[dreg:$0x2] =	wrdreg s5  }
0xab: {  	[dreg:$0x3] =	wrdreg s7  }
0xac: {  	[dreg:$0x4] =	wrdreg $0xC0  }
0xad: {  	_ =	task [dreg:s9], $0x5FFFF  }
0xae: {  	[dreg:$0x1] =	wrdreg $0xFFFFFFFF  }
0xaf: {  	[dreg:$0x0] =	wrdreg $0x60  }
0xb0: {  	[dreg:$0x2] =	wrdreg s2  }
0xb1: {  	[dreg:$0x3] =	wrdreg s18  }
0xb2: {  	[dreg:$0x4] =	wrdreg s24  }
0xb3: {  	[dreg:$0x5] =	wrdreg s4  }
0xb4: {  	[dreg:$0x6] =	wrdreg $0x9  }
0xb5: {  	_ =	task.clear_ibuf [dreg:s9], $0x7FFFF;
	_ =	strace $0x90000046  }
0xb6: {  	s29 =	simm.s32 $0x9;
	_ =	strace $0x80000048  }
0xb7: {  	_ =	swait.ge [sflag:s29], $0x1  }
0xb8: {  	[sflag:s29] =	ssyncadd.s32 $0xFFFFFFFF  }
0xb9: {  	_ =	strace $0x90000048  }
0xba: {  	_ =	sfence  }
0xbb: {  	s30 =	sld [smem:$0x0];
	_ =	sdelay $0x2  }
0xbc: {  	s31 =	sshll.u32 s1, $0xD;
	s1 =	sshrl.u32 s1, $0x2  }
0xbd: {  	s3 =	sand.u32 $0x4000, s31;
	s1 =	sadd.s32 s1, s30  }
0xbe: {  	s0 =	sor.u32 s3, s0;
	s1 =	sshll.u32 s1, $0x11  }
0xbf: {  	s0 =	sor.u32 s1, s0  }
0xc0: {  	s0 =	sadd.s32 $0x8F2B, s0  }
0xc1: {  	[sflag:s0] =	ssyncadd.remote.s32 $0x1  }
0xc2: {  	_ =	sfence.sel $0xFFFF  }
0xc3: {  	[dreg:$0x0] =	wrdreg $0xFFFFFFFF;
	(pc) =	sbr.abs _section_cstart, $3  }
0xc4: {  	[dreg:$0x1] =	wrdreg $0xFFFFFFFF  }
0xc5: {  	_ =	task.clear_ibuf [dreg:s9], $0x2FFFF;
	_ =	strace $0x9FFFFFFF  }
0xc6: {  	(tm) =	ssettm $0x7FFFFFFF  }
0xc7: {  	_ =	shalt  }
tec
execute0_lowered:
.L_overlay_start_1:
0x0: {  	(tag) =	ssettag $0x1  }
0x1: {  	s0 =	rddreg [dreg:$0x0]  }
0x2: {  	s2 =	rddreg [dreg:$0x1]  }
0x3: {  	s4 =	rddreg [dreg:$0x2]  }
0x4: {  	s5 =	rddreg [dreg:$0x3];
	s1 =	simm.s32 $0x0  }
0x5: {  	s6 =	srdreg.scid;
	s8 =	stileid.u32;
	s29 =	simm.s32 $0x3  }
0x6: {  	s11 =	simm.s32 $0x400;
	s12 =	simm.s32 $0x4400;
	s17 =	simm.s32 $0x8400  }
0x7: {  	s18 =	simm.s32 $0xC400;
	s31 =	simm.s32 $0x8800;
	s10 =	simm.s32 $0xA400  }
0x8: {  	s13 =	simm.s32 $0xB000;
	s14 =	simm.s32 $0xF000;
	s15 =	simm.s32 $0xB400  }
0x9: {  	s16 =	simm.s32 $0xF400;
	s19 =	simm.s32 $0xB800;
	s20 =	simm.s32 $0xF800  }
0xa: {  	s21 =	simm.s32 $0xBC00;
	s22 =	simm.s32 $0xFC00;
	s23 =	simm.s32 $0xC000  }
0xb: {  	s24 =	simm.s32 $0x10000;
	s25 =	simm.s32 $0x1;
	[smem:$0x7FF] =	sst s1  }
0xc: {  	s3 =	sadd.s32 $0x400, s4;
	s6 =	sand.u32 $0x1, s6;
	s8 =	sshll.u32 s8, $0x7  }
0xd: {  	s4 =	sadd.s32 $0xF42800, s4;
	s7 =	ssub.s32 $0x2, s6;
	s6 =	sshll.u32 s6, $0x6  }
0xe: {  	_ =	strace $0x80000047;
	s9 =	sshrl.u32 s7, $0x1;
	s6 =	sor.u32 s6, s8  }
0xf: {  	s8 =	simm.s32 $0xAC00;
	s7 =	ssub.s32 s7, s9;
	s0 =	sadd.s32 s0, s6  }
.Ltmp0:
0x10: {  	s26 =	sadd.s32 s2, s6;
	s28 =	sadd.s32 s5, s6;
	(pc) =	sbr.rel .LBB2_1-.Ltmp0, $4  }
0x11: {  	v0 =	vlaneseq.u32;
	s2 =	simm.s32 $0xE000;
	s5 =	simm.s32 $0xE400;
	[dreg:$0x5] =	wrdreg s0  }
0x12: {  	v3 =	vmul.u32 $0x400, v0;
	s6 =	simm.s32 $0xA800;
	s9 =	simm.s32 $0xEC00;
	[dreg:$0x6] =	wrdreg s26  }
0x13: {  	[dreg:$0x7] =	wrdreg s28;
	s30 =	smax.u32 s7, $0x1;
	s7 =	simm.s32 $0xE800  }
0x14: {  	[tilespmem:$0x1FFF0] =	vst v3;
	s26 =	simm.s32 $0x2;
	s0 =	simm.s32 $0x0;
	[dreg:$0x8] =	wrdreg s30  }
.LBB2_5:
0x15: {  	s28 =	rddreg [dreg:$0x7];
	s0 =	simm.s32 $0x10400;
	s29 =	simm.s32 $0x3  }
0x16: {  	[hbm4b:s28+s1] =	stream.linear.scatter [tilespmem:s0], [sflag:$0x3], $0x200, $0x38;
	[tilespmem:$0x10600] =	vst v63  }
0x17: {  	_ =	swait.ge [sflag:s29], $0x200  }
0x18: {  	s28 =	rddreg [dreg:$0x9]  }
0x19: {  	s30 =	rddreg [dreg:$0x8];
	s0 =	sadd.s32 $0x1, s28  }
0x1a: {  	p0 =	sne.s32 s0, s30  }
.Ltmp1:
0x1b: {  	_ = 	snop;
	(pc) =	sbr.rel @!p0 .LBB2_6-.Ltmp1, $3  }
0x1c: {  	_ =	sdelay $0x1  }
0x1d: {  	[sflag:s29] =	ssyncset.done $0x0  }
0x1e: {  	[sflag:s29] =	ssyncadd.s32 $0xFFFFFE00  }
.LBB2_1:
0x1f: {  	[dreg:$0x9] =	wrdreg s0  }
0x20: {  	s28 =	rddreg [dreg:$0x5]  }
0x21: {  	[tilespmem:s1], [sflag:$0x3] =	stream.linear.gather [hbm4b:s28+s1], $0x200, $0x38;
	[tilespmem:$0x10600] =	vst v63  }
0x22: {  	_ =	swait.ge [sflag:s29], $0x200  }
0x23: {  	[sflag:s29] =	ssyncset.done $0x0  }
0x24: {  	s30 =	simm.s32 $0x200;
	s28 =	rddreg [dreg:$0x6];
	[sflag:s29] =	ssyncadd.s32 $0xFFFFFE00  }
0x25: {  	[tilespmem:s30], [sflag:$0x3] =	stream.linear.gather [hbm4b:s28+s1], $0x200, $0x38;
	[tilespmem:$0x10600] =	vst v63  }
0x26: {  	_ =	swait.ge [sflag:s29], $0x200  }
0x27: {  	[sflag:s29] =	ssyncset.done $0x0  }
0x28: {  	[sflag:s29] =	ssyncadd.s32 $0xFFFFFE00  }
0x29: {  	v0 =	vld [tilespmem:$0x0];
	_ =	sdelay $0x3  }
0x2a: {  	v1 =	vld [tilespmem:$0x200]  }
0x2b: {  	v0 =	vshrl.u32 v0, $0x3  }
0x2c: {  	v2 =	vshll.u32 v0, $0x7  }
0x2d: {  	(v2sf) =	vpush v2, $0x0;
	_ =	sdelay $0x1  }
0x2e: {  	v0 =	vshrl.u32 v1, $0x3  }
0x2f: {  	v1 =	vshll.u32 v0, $0x7  }
0x30: {  	(v2sf) =	vpush v1, $0x0;
	_ =	sdelay $0x3  }
0x31: {  	(v2sf) =	vpush v2, $0x1;
	_ =	sdelay $0x3  }
0x32: {  	(v2sf) =	vpush v1, $0x1;
	_ =	sdelay $0x2  }
0x33: {  	s28 =	spop (v2sf)  }
0x34: {  	(v2sf) =	vpush v2, $0x2;
	s28 =	sand.u32 $0x1FFFFF80, s28  }
0x35: {  	s28 =	sadd.s32 s3, s28  }
0x36: {  	[tilespmem:s11], [sflag:$0x1] =	stream.linear.gather [hbm4b:s28+s1], $0x400, $0x38;
	[tilespmem:$0x10600] =	vst v63  }
0x37: {  	s28 =	spop (v2sf)  }
0x38: {  	(v2sf) =	vpush v1, $0x2;
	s28 =	sand.u32 $0x1FFFFF80, s28  }
0x39: {  	s28 =	sadd.s32 s4, s28  }
0x3a: {  	[tilespmem:s12], [sflag:$0x1] =	stream.linear.gather [hbm4b:s28+s1], $0x400, $0x38;
	[tilespmem:$0x10600] =	vst v63  }
0x3b: {  	s28 =	spop (v2sf)  }
0x3c: {  	(v2sf) =	vpush v2, $0x3;
	s28 =	sand.u32 $0x1FFFFF80, s28  }
0x3d: {  	s0 =	simm.s32 $0x800;
	s28 =	sadd.s32 s3, s28  }
0x3e: {  	[tilespmem:s0], [sflag:$0x1] =	stream.linear.gather [hbm4b:s28+s1], $0x400, $0x38;
	[tilespmem:$0x10600] =	vst v63  }
0x3f: {  	s28 =	spop (v2sf)  }
0x40: {  	(v2sf) =	vpush v1, $0x3;
	s28 =	sand.u32 $0x1FFFFF80, s28  }
0x41: {  	s30 =	simm.s32 $0x4800;
	s28 =	sadd.s32 s4, s28  }
0x42: {  	[tilespmem:s30], [sflag:$0x1] =	stream.linear.gather [hbm4b:s28+s1], $0x400, $0x38;
	[tilespmem:$0x10600] =	vst v63  }
0x43: {  	s28 =	spop (v2sf)  }
0x44: {  	(v2sf) =	vpush v2, $0x4;
	s28 =	sand.u32 $0x1FFFFF80, s28  }
0x45: {  	s0 =	simm.s32 $0xC00;
	s28 =	sadd.s32 s3, s28  }
0x46: {  	[tilespmem:s0], [sflag:$0x1] =	stream.linear.gather [hbm4b:s28+s1], $0x400, $0x38;
	[tilespmem:$0x10600] =	vst v63  }
0x47: {  	s28 =	spop (v2sf)  }
0x48: {  	(v2sf) =	vpush v1, $0x4;
	s28 =	sand.u32 $0x1FFFFF80, s28  }
0x49: {  	s30 =	simm.s32 $0x4C00;
	s28 =	sadd.s32 s4, s28  }
0x4a: {  	[tilespmem:s30], [sflag:$0x1] =	stream.linear.gather [hbm4b:s28+s1], $0x400, $0x38;
	[tilespmem:$0x10600] =	vst v63  }
0x4b: {  	s28 =	spop (v2sf)  }
0x4c: {  	(v2sf) =	vpush v2, $0x5;
	s28 =	sand.u32 $0x1FFFFF80, s28  }
0x4d: {  	s0 =	simm.s32 $0x1000;
	s28 =	sadd.s32 s3, s28  }
0x4e: {  	[tilespmem:s0], [sflag:$0x1] =	stream.linear.gather [hbm4b:s28+s1], $0x400, $0x38;
	[tilespmem:$0x10600] =	vst v63  }
0x4f: {  	s28 =	spop (v2sf)  }
0x50: {  	(v2sf) =	vpush v1, $0x5;
	s28 =	sand.u32 $0x1FFFFF80, s28  }
0x51: {  	s30 =	simm.s32 $0x5000;
	s28 =	sadd.s32 s4, s28  }
0x52: {  	[tilespmem:s30], [sflag:$0x1] =	stream.linear.gather [hbm4b:s28+s1], $0x400, $0x38;
	[tilespmem:$0x10600] =	vst v63  }
0x53: {  	s28 =	spop (v2sf)  }
0x54: {  	(v2sf) =	vpush v2, $0x6;
	s28 =	sand.u32 $0x1FFFFF80, s28  }
0x55: {  	s0 =	simm.s32 $0x1400;
	s28 =	sadd.s32 s3, s28  }
0x56: {  	[tilespmem:s0], [sflag:$0x1] =	stream.linear.gather [hbm4b:s28+s1], $0x400, $0x38;
	[tilespmem:$0x10600] =	vst v63  }
0x57: {  	s28 =	spop (v2sf)  }
0x58: {  	(v2sf) =	vpush v1, $0x6;
	s28 =	sand.u32 $0x1FFFFF80, s28  }
0x59: {  	s30 =	simm.s32 $0x5400;
	s28 =	sadd.s32 s4, s28  }
0x5a: {  	[tilespmem:s30], [sflag:$0x1] =	stream.linear.gather [hbm4b:s28+s1], $0x400, $0x38;
	[tilespmem:$0x10600] =	vst v63  }
0x5b: {  	s28 =	spop (v2sf)  }
0x5c: {  	(v2sf) =	vpush v2, $0x7;
	s28 =	sand.u32 $0x1FFFFF80, s28  }
0x5d: {  	s0 =	simm.s32 $0x1800;
	s28 =	sadd.s32 s3, s28  }
0x5e: {  	[tilespmem:s0], [sflag:$0x1] =	stream.linear.gather [hbm4b:s28+s1], $0x400, $0x38;
	[tilespmem:$0x10600] =	vst v63  }
0x5f: {  	s28 =	spop (v2sf)  }
0x60: {  	(v2sf) =	vpush v1, $0x7;
	s28 =	sand.u32 $0x1FFFFF80, s28  }
0x61: {  	s30 =	simm.s32 $0x5800;
	s28 =	sadd.s32 s4, s28  }
0x62: {  	[tilespmem:s30], [sflag:$0x1] =	stream.linear.gather [hbm4b:s28+s1], $0x400, $0x38;
	[tilespmem:$0x10600] =	vst v63  }
0x63: {  	s28 =	spop (v2sf)  }
0x64: {  	(v2sf) =	vpush v2, $0x8;
	s28 =	sand.u32 $0x1FFFFF80, s28  }
0x65: {  	s0 =	simm.s32 $0x1C00;
	s28 =	sadd.s32 s3, s28  }
0x66: {  	[tilespmem:s0], [sflag:$0x1] =	stream.linear.gather [hbm4b:s28+s1], $0x400, $0x38;
	[tilespmem:$0x10600] =	vst v63  }
0x67: {  	s28 =	spop (v2sf)  }
0x68: {  	(v2sf) =	vpush v1, $0x8;
	s28 =	sand.u32 $0x1FFFFF80, s28  }
0x69: {  	s30 =	simm.s32 $0x5C00;
	s28 =	sadd.s32 s4, s28  }
0x6a: {  	[tilespmem:s30], [sflag:$0x1] =	stream.linear.gather [hbm4b:s28+s1], $0x400, $0x38;
	[tilespmem:$0x10600] =	vst v63  }
0x6b: {  	s28 =	spop (v2sf)  }
0x6c: {  	(v2sf) =	vpush v2, $0x9;
	s28 =	sand.u32 $0x1FFFFF80, s28  }
0x6d: {  	s0 =	simm.s32 $0x2000;
	s28 =	sadd.s32 s3, s28  }
0x6e: {  	[tilespmem:s0], [sflag:$0x1] =	stream.linear.gather [hbm4b:s28+s1], $0x400, $0x38;
	[tilespmem:$0x10600] =	vst v63  }
0x6f: {  	s28 =	spop (v2sf)  }
0x70: {  	(v2sf) =	vpush v1, $0x9;
	s28 =	sand.u32 $0x1FFFFF80, s28  }
0x71: {  	s30 =	simm.s32 $0x6000;
	s28 =	sadd.s32 s4, s28  }
0x72: {  	[tilespmem:s30], [sflag:$0x1] =	stream.linear.gather [hbm4b:s28+s1], $0x400, $0x38;
	[tilespmem:$0x10600] =	vst v63  }
0x73: {  	s28 =	spop (v2sf)  }
0x74: {  	(v2sf) =	vpush v2, $0xA;
	s28 =	sand.u32 $0x1FFFFF80, s28  }
0x75: {  	s0 =	simm.s32 $0x2400;
	s28 =	sadd.s32 s3, s28  }
0x76: {  	[tilespmem:s0], [sflag:$0x1] =	stream.linear.gather [hbm4b:s28+s1], $0x400, $0x38;
	[tilespmem:$0x10600] =	vst v63  }
0x77: {  	s28 =	spop (v2sf)  }
0x78: {  	(v2sf) =	vpush v1, $0xA;
	s28 =	sand.u32 $0x1FFFFF80, s28  }
0x79: {  	s30 =	simm.s32 $0x6400;
	s28 =	sadd.s32 s4, s28  }
0x7a: {  	[tilespmem:s30], [sflag:$0x1] =	stream.linear.gather [hbm4b:s28+s1], $0x400, $0x38;
	[tilespmem:$0x10600] =	vst v63  }
0x7b: {  	s28 =	spop (v2sf)  }
0x7c: {  	(v2sf) =	vpush v2, $0xB;
	s28 =	sand.u32 $0x1FFFFF80, s28  }
0x7d: {  	s0 =	simm.s32 $0x2800;
	s28 =	sadd.s32 s3, s28  }
0x7e: {  	[tilespmem:s0], [sflag:$0x1] =	stream.linear.gather [hbm4b:s28+s1], $0x400, $0x38;
	[tilespmem:$0x10600] =	vst v63  }
0x7f: {  	s28 =	spop (v2sf)  }
0x80: {  	(v2sf) =	vpush v1, $0xB;
	s28 =	sand.u32 $0x1FFFFF80, s28  }
0x81: {  	s30 =	simm.s32 $0x6800;
	s28 =	sadd.s32 s4, s28  }
0x82: {  	[tilespmem:s30], [sflag:$0x1] =	stream.linear.gather [hbm4b:s28+s1], $0x400, $0x38;
	[tilespmem:$0x10600] =	vst v63  }
0x83: {  	s28 =	spop (v2sf)  }
0x84: {  	(v2sf) =	vpush v2, $0xC;
	s28 =	sand.u32 $0x1FFFFF80, s28  }
0x85: {  	s0 =	simm.s32 $0x2C00;
	s28 =	sadd.s32 s3, s28  }
0x86: {  	[tilespmem:s0], [sflag:$0x1] =	stream.linear.gather [hbm4b:s28+s1], $0x400, $0x38;
	[tilespmem:$0x10600] =	vst v63  }
0x87: {  	s28 =	spop (v2sf)  }
0x88: {  	(v2sf) =	vpush v1, $0xC;
	s28 =	sand.u32 $0x1FFFFF80, s28  }
0x89: {  	s30 =	simm.s32 $0x6C00;
	s28 =	sadd.s32 s4, s28  }
0x8a: {  	[tilespmem:s30], [sflag:$0x1] =	stream.linear.gather [hbm4b:s28+s1], $0x400, $0x38;
	[tilespmem:$0x10600] =	vst v63  }
0x8b: {  	s28 =	spop (v2sf)  }
0x8c: {  	(v2sf) =	vpush v2, $0xD;
	s28 =	sand.u32 $0x1FFFFF80, s28  }
0x8d: {  	s0 =	simm.s32 $0x3000;
	s28 =	sadd.s32 s3, s28  }
0x8e: {  	[tilespmem:s0], [sflag:$0x1] =	stream.linear.gather [hbm4b:s28+s1], $0x400, $0x38;
	[tilespmem:$0x10600] =	vst v63  }
0x8f: {  	s28 =	spop (v2sf)  }
0x90: {  	(v2sf) =	vpush v1, $0xD;
	s28 =	sand.u32 $0x1FFFFF80, s28  }
0x91: {  	s30 =	simm.s32 $0x7000;
	s28 =	sadd.s32 s4, s28  }
0x92: {  	[tilespmem:s30], [sflag:$0x1] =	stream.linear.gather [hbm4b:s28+s1], $0x400, $0x38;
	[tilespmem:$0x10600] =	vst v63  }
0x93: {  	s28 =	spop (v2sf)  }
0x94: {  	(v2sf) =	vpush v2, $0xE;
	s28 =	sand.u32 $0x1FFFFF80, s28  }
0x95: {  	s0 =	simm.s32 $0x3400;
	s28 =	sadd.s32 s3, s28  }
0x96: {  	[tilespmem:s0], [sflag:$0x1] =	stream.linear.gather [hbm4b:s28+s1], $0x400, $0x38;
	[tilespmem:$0x10600] =	vst v63  }
0x97: {  	s28 =	spop (v2sf)  }
0x98: {  	(v2sf) =	vpush v1, $0xE;
	s28 =	sand.u32 $0x1FFFFF80, s28  }
0x99: {  	s30 =	simm.s32 $0x7400;
	s28 =	sadd.s32 s4, s28  }
0x9a: {  	[tilespmem:s30], [sflag:$0x1] =	stream.linear.gather [hbm4b:s28+s1], $0x400, $0x38;
	[tilespmem:$0x10600] =	vst v63  }
0x9b: {  	s28 =	spop (v2sf)  }
0x9c: {  	(v2sf) =	vpush v2, $0xF;
	s28 =	sand.u32 $0x1FFFFF80, s28  }
0x9d: {  	s0 =	simm.s32 $0x3800;
	s28 =	sadd.s32 s3, s28  }
0x9e: {  	[tilespmem:s0], [sflag:$0x1] =	stream.linear.gather [hbm4b:s28+s1], $0x400, $0x38;
	[tilespmem:$0x10600] =	vst v63  }
0x9f: {  	s28 =	spop (v2sf)  }
0xa0: {  	(v2sf) =	vpush v1, $0xF;
	s28 =	sand.u32 $0x1FFFFF80, s28  }
0xa1: {  	s30 =	simm.s32 $0x7800;
	s28 =	sadd.s32 s4, s28  }
0xa2: {  	[tilespmem:s30], [sflag:$0x1] =	stream.linear.gather [hbm4b:s28+s1], $0x400, $0x38;
	[tilespmem:$0x10600] =	vst v63  }
0xa3: {  	s28 =	spop (v2sf)  }
0xa4: {  	s28 =	sand.u32 $0x1FFFFF80, s28  }
0xa5: {  	s0 =	simm.s32 $0x3C00;
	s28 =	sadd.s32 s3, s28  }
0xa6: {  	[tilespmem:s0], [sflag:$0x1] =	stream.linear.gather [hbm4b:s28+s1], $0x400, $0x38;
	[tilespmem:$0x10600] =	vst v63  }
0xa7: {  	s28 =	spop (v2sf)  }
0xa8: {  	s28 =	sand.u32 $0x1FFFFF80, s28  }
0xa9: {  	s30 =	simm.s32 $0x7C00;
	s28 =	sadd.s32 s4, s28  }
0xaa: {  	[tilespmem:s30], [sflag:$0x1] =	stream.linear.gather [hbm4b:s28+s1], $0x400, $0x38;
	[tilespmem:$0x10600] =	vst v63  }
0xab: {  	s28 =	spop (v2sf)  }
0xac: {  	s28 =	sand.u32 $0x1FFFFF80, s28  }
0xad: {  	s0 =	simm.s32 $0x4000;
	s28 =	sadd.s32 s3, s28  }
0xae: {  	[tilespmem:s0], [sflag:$0x1] =	stream.linear.gather [hbm4b:s28+s1], $0x400, $0x38;
	[tilespmem:$0x10600] =	vst v63  }
.Ltmp2:
0xaf: {  	s28 =	spop (v2sf);
	(pc) =	sbr.rel .LBB2_2-.Ltmp2, $4  }
0xb0: {  	s28 =	sand.u32 $0x1FFFFF80, s28  }
0xb1: {  	s30 =	simm.s32 $0x8000;
	s28 =	sadd.s32 s4, s28  }
0xb2: {  	[tilespmem:s30], [sflag:$0x1] =	stream.linear.gather [hbm4b:s28+s1], $0x400, $0x38;
	[tilespmem:$0x10600] =	vst v63  }
0xb3: {  	s28 =	simm.s32 $0x0  }
.LBB2_4:
0xb4: {  	_ =	swait.ge [sflag:s26], $0x400  }
0xb5: {  	[sflag:s26] =	ssyncset.done $0x0  }
0xb6: {  	[sflag:s26] =	ssyncadd.s32 $0xFFFFFC00  }
0xb7: {  	_ =	swait.ge [sflag:s26], $0x400  }
0xb8: {  	[sflag:s26] =	ssyncset.done $0x0  }
0xb9: {  	[sflag:s26] =	ssyncadd.s32 $0xFFFFFC00  }
0xba: {  	_ =	swait.ge [sflag:s26], $0x400  }
0xbb: {  	[sflag:s26] =	ssyncset.done $0x0  }
0xbc: {  	[sflag:s26] =	ssyncadd.s32 $0xFFFFFC00  }
0xbd: {  	_ =	swait.ge [sflag:s26], $0x400  }
0xbe: {  	[sflag:s26] =	ssyncset.done $0x0  }
0xbf: {  	[sflag:s26] =	ssyncadd.s32 $0xFFFFFC00  }
0xc0: {  	_ =	swait.ge [sflag:s26], $0x400  }
0xc1: {  	[sflag:s26] =	ssyncset.done $0x0  }
0xc2: {  	[sflag:s26] =	ssyncadd.s32 $0xFFFFFC00  }
0xc3: {  	_ =	swait.ge [sflag:s26], $0x400  }
0xc4: {  	[sflag:s26] =	ssyncset.done $0x0  }
0xc5: {  	[sflag:s26] =	ssyncadd.s32 $0xFFFFFC00  }
0xc6: {  	_ =	swait.ge [sflag:s26], $0x400  }
0xc7: {  	[sflag:s26] =	ssyncset.done $0x0  }
0xc8: {  	[sflag:s26] =	ssyncadd.s32 $0xFFFFFC00  }
0xc9: {  	_ =	swait.ge [sflag:s26], $0x400  }
0xca: {  	[sflag:s26] =	ssyncset.done $0x0  }
0xcb: {  	[sflag:s26] =	ssyncadd.s32 $0xFFFFFC00  }
0xcc: {  	_ =	swait.ge [sflag:s26], $0x400  }
0xcd: {  	[sflag:s26] =	ssyncset.done $0x0  }
0xce: {  	[sflag:s26] =	ssyncadd.s32 $0xFFFFFC00  }
0xcf: {  	_ =	swait.ge [sflag:s26], $0x400  }
0xd0: {  	[sflag:s26] =	ssyncset.done $0x0  }
0xd1: {  	[sflag:s26] =	ssyncadd.s32 $0xFFFFFC00  }
0xd2: {  	_ =	swait.ge [sflag:s26], $0x400  }
0xd3: {  	[sflag:s26] =	ssyncset.done $0x0  }
0xd4: {  	[sflag:s26] =	ssyncadd.s32 $0xFFFFFC00  }
0xd5: {  	_ =	swait.ge [sflag:s26], $0x400  }
0xd6: {  	[sflag:s26] =	ssyncset.done $0x0  }
0xd7: {  	[sflag:s26] =	ssyncadd.s32 $0xFFFFFC00  }
0xd8: {  	_ =	swait.ge [sflag:s26], $0x400  }
0xd9: {  	[sflag:s26] =	ssyncset.done $0x0  }
0xda: {  	[sflag:s26] =	ssyncadd.s32 $0xFFFFFC00  }
0xdb: {  	_ =	swait.ge [sflag:s26], $0x400  }
0xdc: {  	[sflag:s26] =	ssyncset.done $0x0  }
0xdd: {  	[sflag:s26] =	ssyncadd.s32 $0xFFFFFC00  }
0xde: {  	_ =	swait.ge [sflag:s26], $0x400  }
0xdf: {  	[sflag:s26] =	ssyncset.done $0x0  }
0xe0: {  	[sflag:s26] =	ssyncadd.s32 $0xFFFFFC00  }
0xe1: {  	_ =	swait.ge [sflag:s26], $0x400  }
0xe2: {  	[sflag:s26] =	ssyncset.done $0x0  }
0xe3: {  	[sflag:s26] =	ssyncadd.s32 $0xFFFFFC00  }
0xe4: {  	_ =	swait.ge [sflag:s26], $0x400  }
0xe5: {  	[sflag:s26] =	ssyncset.done $0x0  }
0xe6: {  	[sflag:s26] =	ssyncadd.s32 $0xFFFFFC00  }
0xe7: {  	_ =	swait.ge [sflag:s26], $0x400  }
0xe8: {  	[sflag:s26] =	ssyncset.done $0x0  }
0xe9: {  	[sflag:s26] =	ssyncadd.s32 $0xFFFFFC00  }
0xea: {  	_ =	swait.ge [sflag:s26], $0x400  }
0xeb: {  	[sflag:s26] =	ssyncset.done $0x0  }
0xec: {  	[sflag:s26] =	ssyncadd.s32 $0xFFFFFC00  }
0xed: {  	_ =	swait.ge [sflag:s26], $0x400  }
0xee: {  	[sflag:s26] =	ssyncset.done $0x0  }
0xef: {  	[sflag:s26] =	ssyncadd.s32 $0xFFFFFC00  }
0xf0: {  	_ =	swait.ge [sflag:s26], $0x400  }
0xf1: {  	[sflag:s26] =	ssyncset.done $0x0  }
0xf2: {  	[sflag:s26] =	ssyncadd.s32 $0xFFFFFC00  }
0xf3: {  	_ =	swait.ge [sflag:s26], $0x400  }
0xf4: {  	[sflag:s26] =	ssyncset.done $0x0  }
0xf5: {  	[sflag:s26] =	ssyncadd.s32 $0xFFFFFC00  }
0xf6: {  	_ =	swait.ge [sflag:s26], $0x400  }
0xf7: {  	[sflag:s26] =	ssyncset.done $0x0  }
0xf8: {  	[sflag:s26] =	ssyncadd.s32 $0xFFFFFC00  }
0xf9: {  	_ =	swait.ge [sflag:s26], $0x400  }
0xfa: {  	[sflag:s26] =	ssyncset.done $0x0  }
0xfb: {  	[sflag:s26] =	ssyncadd.s32 $0xFFFFFC00  }
0xfc: {  	_ =	swait.ge [sflag:s26], $0x400  }
0xfd: {  	[sflag:s26] =	ssyncset.done $0x0  }
0xfe: {  	[sflag:s26] =	ssyncadd.s32 $0xFFFFFC00  }
0xff: {  	_ =	swait.ge [sflag:s26], $0x400  }
0x100: {  	[sflag:s26] =	ssyncset.done $0x0  }
0x101: {  	[sflag:s26] =	ssyncadd.s32 $0xFFFFFC00  }
0x102: {  	_ =	swait.ge [sflag:s26], $0x400  }
0x103: {  	[sflag:s26] =	ssyncset.done $0x0  }
0x104: {  	[sflag:s26] =	ssyncadd.s32 $0xFFFFFC00  }
0x105: {  	_ =	swait.ge [sflag:s26], $0x400  }
0x106: {  	[sflag:s26] =	ssyncset.done $0x0  }
0x107: {  	[sflag:s26] =	ssyncadd.s32 $0xFFFFFC00  }
0x108: {  	_ =	swait.ge [sflag:s26], $0x400  }
0x109: {  	[sflag:s26] =	ssyncset.done $0x0  }
0x10a: {  	[sflag:s26] =	ssyncadd.s32 $0xFFFFFC00  }
0x10b: {  	_ =	swait.ge [sflag:s26], $0x400  }
0x10c: {  	[sflag:s26] =	ssyncset.done $0x0  }
0x10d: {  	[sflag:s26] =	ssyncadd.s32 $0xFFFFFC00  }
0x10e: {  	_ =	swait.ge [sflag:s26], $0x400  }
0x10f: {  	[sflag:s26] =	ssyncset.done $0x0  }
0x110: {  	[sflag:s26] =	ssyncadd.s32 $0xFFFFFC00  }
0x111: {  	_ =	swait.ge [sflag:s26], $0x400  }
0x112: {  	[sflag:s26] =	ssyncset.done $0x0  }
0x113: {  	[sflag:s26] =	ssyncadd.s32 $0xFFFFFC00  }
0x114: {  	v0 =	vld [tilespmem:s29+$0x10]  }
0x115: {  	v1 =	vld [tilespmem:s29+$0x210]  }
0x116: {  	v3 =	vld [tilespmem:$0x1FFF0];
	_ =	sdelay $0x2  }
0x117: {  	v0 =	vand.u32 $0x7, v0  }
0x118: {  	v1 =	vand.u32 $0x7, v1;
	v0 =	vshll.u32 v0, $0x7  }
0x119: {  	v1 =	vshll.u32 v1, $0x7;
	v2 =	vor.u32 v3, v0  }
0x11a: {  	v1 =	vor.u32 v3, v1;
	v0 =	vor.u32 $0x1, v2  }
0x11b: {  	v3 =	vor.u32 $0x1, v1  }
0x11c: {  	v4 =	vor.u32 $0x2, v2  }
0x11d: {  	v5 =	vor.u32 $0x2, v1  }
0x11e: {  	v8 =	vor.u32 $0x3, v2;
	v7 =	vld.idx.msk [tilespmem:v2+s17+$0x0], $0xffff  }
0x11f: {  	v9 =	vor.u32 $0x5, v2;
	v0 =	vld.idx.msk [tilespmem:v0+s17+$0x0], $0xffff  }
0x120: {  	v25 =	vor.u32 $0x5, v1;
	v16 =	vld.idx.msk [tilespmem:v3+s18+$0x0], $0xffff  }
0x121: {  	v10 =	vor.u32 $0x7, v1;
	v34 =	vld.idx.msk [tilespmem:v4+s17+$0x0], $0xffff  }
0x122: {  	v27 =	vor.u32 $0xA, v1;
	v13 =	vld.idx.msk [tilespmem:v5+s18+$0x0], $0xffff  }
0x123: {  	v15 =	vor.u32 $0xC, v1;
	v35 =	vld.idx.msk [tilespmem:v8+s17+$0x0], $0xffff  }
0x124: {  	v17 =	vor.u32 $0xF, v2;
	v5 =	vld.idx.msk [tilespmem:v9+s17+$0x0], $0xffff  }
0x125: {  	v29 =	vor.u32 $0xF, v1;
	v38 =	vld.idx.msk [tilespmem:v25+s18+$0x0], $0xffff  }
0x126: {  	v26 =	vor.u32 $0x8, v2;
	v40 =	vld.idx.msk [tilespmem:v10+s18+$0x0], $0xffff  }
0x127: {  	v20 =	vor.u32 $0x11, v1;
	v43 =	vld.idx.msk [tilespmem:v27+s18+$0x0], $0xffff  }
0x128: {  	v3 =	vor.u32 $0x4, v2;
	v45 =	vld.idx.msk [tilespmem:v15+s18+$0x0], $0xffff  }
0x129: {  	v4 =	vor.u32 $0x4, v1;
	v17 =	vld.idx.msk [tilespmem:v17+s17+$0x0], $0xffff  }
0x12a: {  	v30 =	vor.u32 $0x12, v2;
	v48 =	vld.idx.msk [tilespmem:v29+s18+$0x0], $0xffff  }
0x12b: {  	v12 =	vor.u32 $0xA, v2;
	[tilespmem:$0x1FE50] =	vst v5;
	v5 =	vld.idx.msk [tilespmem:v26+s17+$0x0], $0xffff  }
0x12c: {  	v50 =	vld.idx.msk [tilespmem:v20+s18+$0x0], $0xffff;
	[tilespmem:$0x1FE30] =	vst v0;
	v0 =	vor.u32 $0x3, v1  }
0x12d: {  	v22 =	vor.u32 $0x14, v2;
	v3 =	vld.idx.msk [tilespmem:v3+s17+$0x0], $0xffff  }
0x12e: {  	v37 =	vld.idx.msk [tilespmem:v4+s18+$0x0], $0xffff;
	v4 =	vor.u32 $0x7, v2  }
0x12f: {  	v31 =	vor.u32 $0x14, v1;
	v20 =	vld.idx.msk [tilespmem:v30+s17+$0x0], $0xffff  }
0x130: {  	v28 =	vor.u32 $0xD, v2;
	[tilespmem:$0x1FE80] =	vst v5;
	v5 =	vld.idx.msk [tilespmem:v12+s17+$0x0], $0xffff  }
0x131: {  	v14 =	vld.idx.msk [tilespmem:v0+s18+$0x0], $0xffff;
	v0 =	vor.u32 $0x6, v2  }
0x132: {  	v22 =	vld.idx.msk [tilespmem:v22+s17+$0x0], $0xffff;
	[tilespmem:$0x1FE40] =	vst v3;
	v3 =	vor.u32 $0x6, v1  }
0x133: {  	v33 =	vor.u32 $0x19, v1;
	v4 =	vld.idx.msk [tilespmem:v4+s17+$0x0], $0xffff  }
0x134: {  	v6 =	vor.u32 $0x22, v1;
	v53 =	vld.idx.msk [tilespmem:v31+s18+$0x0], $0xffff  }
0x135: {  	[tilespmem:$0x1FEA0] =	vst v5;
	v5 =	vld.idx.msk [tilespmem:v28+s17+$0x0], $0xffff  }
0x136: {  	v25 =	vor.u32 $0x16, v1;
	v0 =	vld.idx.msk [tilespmem:v0+s17+$0x0], $0xffff  }
0x137: {  	v39 =	vld.idx.msk [tilespmem:v3+s18+$0x0], $0xffff;
	v3 =	vor.u32 $0x9, v2  }
0x138: {  	v58 =	vld.idx.msk [tilespmem:v33+s18+$0x0], $0xffff;
	[tilespmem:$0x1FE70] =	vst v4;
	v4 =	vor.u32 $0x9, v1  }
0x139: {  	v30 =	vor.u32 $0x1B, v1;
	v9 =	vld.idx.msk [tilespmem:v6+s18+$0x0], $0xffff  }
0x13a: {  	v36 =	vor.u32 $0x1C, v2;
	[tilespmem:$0x1FED0] =	vst v5;
	v5 =	vld.idx.msk [tilespmem:v1+s18+$0x0], $0xffff  }
0x13b: {  	v55 =	vld.idx.msk [tilespmem:v25+s18+$0x0], $0xffff;
	[tilespmem:$0x1FE60] =	vst v0;
	v0 =	vor.u32 $0x8, v1  }
0x13c: {  	v12 =	vor.u32 $0x1E, v1;
	v3 =	vld.idx.msk [tilespmem:v3+s17+$0x0], $0xffff  }
0x13d: {  	v42 =	vld.idx.msk [tilespmem:v4+s18+$0x0], $0xffff;
	v4 =	vor.u32 $0xC, v2  }
0x13e: {  	v60 =	vld.idx.msk [tilespmem:v30+s18+$0x0], $0xffff  }
0x13f: {  	v30 =	vld.idx.msk [tilespmem:v36+s17+$0x0], $0xffff;
	v5 =	vmul.f32 v5, v7  }
0x140: {  	v41 =	vld.idx.msk [tilespmem:v0+s18+$0x0], $0xffff;
	v0 =	vor.u32 $0xB, v2  }
0x141: {  	v13 =	vmul.f32 v13, v34;
	v36 =	vld.idx.msk [tilespmem:v12+s18+$0x0], $0xffff;
	[tilespmem:$0x1FE90] =	vst v3;
	v3 =	vor.u32 $0xB, v1;
	v34 =	vadd.f32 $0.0e+00, v5  }
0x142: {  	v32 =	vor.u32 $0x17, v2;
	v4 =	vld.idx.msk [tilespmem:v4+s17+$0x0], $0xffff  }
0x143: {  	v13 =	vadd.f32 v13, v34;
	v34 =	vld [tilespmem:$0x1FE40]  }
0x144: {  	v27 =	vor.u32 $0x19, v2;
	v12 =	vld [tilespmem:$0x1FE30]  }
0x145: {  	v15 =	vor.u32 $0x21, v1;
	v0 =	vld.idx.msk [tilespmem:v0+s17+$0x0], $0xffff  }
0x146: {  	v44 =	vld.idx.msk [tilespmem:v3+s18+$0x0], $0xffff;
	v3 =	vor.u32 $0xE, v2  }
0x147: {  	v25 =	vld.idx.msk [tilespmem:v32+s17+$0x0], $0xffff;
	[tilespmem:$0x1FEC0] =	vst v4;
	v4 =	vor.u32 $0xE, v1  }
0x148: {  	v34 =	vmul.f32 v37, v34;
	v37 =	vld [tilespmem:$0x1FE50]  }
0x149: {  	v6 =	vor.u32 $0x25, v2;
	v27 =	vld.idx.msk [tilespmem:v27+s17+$0x0], $0xffff;
	v16 =	vmul.f32 v16, v12  }
0x14a: {  	v10 =	vld.idx.msk [tilespmem:v15+s18+$0x0], $0xffff;
	[tilespmem:$0x1FEB0] =	vst v0;
	v0 =	vor.u32 $0xD, v1  }
0x14b: {  	v32 =	vor.u32 $0x1E, v2;
	v14 =	vmul.f32 v14, v35;
	v16 =	vadd.f32 $0.0e+00, v16;
	v3 =	vld.idx.msk [tilespmem:v3+s17+$0x0], $0xffff  }
0x14c: {  	v47 =	vld.idx.msk [tilespmem:v4+s18+$0x0], $0xffff;
	v4 =	vor.u32 $0x11, v2  }
0x14d: {  	v14 =	vadd.f32 v14, v16;
	v16 =	vmul.f32 v38, v37;
	v38 =	vld [tilespmem:$0x1FE60]  }
0x14e: {  	v6 =	vld.idx.msk [tilespmem:v6+s17+$0x0], $0xffff;
	v35 =	vor.u32 $0x27, v2  }
0x14f: {  	v46 =	vld.idx.msk [tilespmem:v0+s18+$0x0], $0xffff;
	v0 =	vor.u32 $0x10, v2  }
0x150: {  	v32 =	vld.idx.msk [tilespmem:v32+s17+$0x0], $0xffff;
	[tilespmem:$0x1FEE0] =	vst v3;
	v3 =	vor.u32 $0x10, v1  }
0x151: {  	v19 =	vld.idx.msk [tilespmem:v4+s17+$0x0], $0xffff;
	v4 =	vor.u32 $0x13, v1  }
0x152: {  	v13 =	vadd.f32 v34, v13;
	v34 =	vmul.f32 v39, v38;
	v39 =	vld [tilespmem:$0x1FE70]  }
0x153: {  	v8 =	vor.u32 $0x24, v2;
	v35 =	vld.idx.msk [tilespmem:v35+s17+$0x0], $0xffff  }
0x154: {  	v18 =	vld.idx.msk [tilespmem:v0+s17+$0x0], $0xffff;
	v0 =	vor.u32 $0x12, v1  }
0x155: {  	v49 =	vld.idx.msk [tilespmem:v3+s18+$0x0], $0xffff;
	v3 =	vor.u32 $0x13, v2  }
0x156: {  	v52 =	vld.idx.msk [tilespmem:v4+s18+$0x0], $0xffff;
	v4 =	vor.u32 $0x16, v2  }
0x157: {  	v14 =	vadd.f32 v16, v14;
	v16 =	vmul.f32 v40, v39;
	v40 =	vld [tilespmem:$0x1FE80]  }
0x158: {  	v5 =	vld.idx.msk [tilespmem:v8+s17+$0x0], $0xffff;
	v8 =	vor.u32 $0x26, v1  }
0x159: {  	v51 =	vld.idx.msk [tilespmem:v0+s18+$0x0], $0xffff;
	v0 =	vor.u32 $0x15, v2  }
0x15a: {  	v21 =	vld.idx.msk [tilespmem:v3+s17+$0x0], $0xffff;
	v3 =	vor.u32 $0x15, v1  }
0x15b: {  	v24 =	vld.idx.msk [tilespmem:v4+s17+$0x0], $0xffff;
	v4 =	vor.u32 $0x18, v1  }
0x15c: {  	v13 =	vadd.f32 v34, v13;
	v34 =	vmul.f32 v41, v40;
	v41 =	vld [tilespmem:$0x1FE90]  }
0x15d: {  	v8 =	vld.idx.msk [tilespmem:v8+s18+$0x0], $0xffff;
	v37 =	vor.u32 $0x27, v1  }
0x15e: {  	v23 =	vld.idx.msk [tilespmem:v0+s17+$0x0], $0xffff;
	v0 =	vor.u32 $0x17, v1  }
0x15f: {  	v54 =	vld.idx.msk [tilespmem:v3+s18+$0x0], $0xffff;
	v3 =	vor.u32 $0x18, v2  }
0x160: {  	v57 =	vld.idx.msk [tilespmem:v4+s18+$0x0], $0xffff;
	v4 =	vor.u32 $0x1B, v2  }
0x161: {  	v14 =	vadd.f32 v16, v14;
	v16 =	vmul.f32 v42, v41;
	v42 =	vld [tilespmem:$0x1FEA0]  }
0x162: {  	v38 =	vor.u32 $0x28, v2;
	v37 =	vld.idx.msk [tilespmem:v37+s18+$0x0], $0xffff  }
0x163: {  	v56 =	vld.idx.msk [tilespmem:v0+s18+$0x0], $0xffff;
	v0 =	vor.u32 $0x1A, v2  }
0x164: {  	v26 =	vld.idx.msk [tilespmem:v3+s17+$0x0], $0xffff;
	v3 =	vor.u32 $0x1A, v1  }
0x165: {  	v29 =	vld.idx.msk [tilespmem:v4+s17+$0x0], $0xffff;
	v4 =	vor.u32 $0x1D, v1  }
0x166: {  	v13 =	vadd.f32 v34, v13;
	v34 =	vmul.f32 v43, v42;
	v43 =	vld [tilespmem:$0x1FEB0]  }
0x167: {  	v39 =	vor.u32 $0x28, v1;
	v38 =	vld.idx.msk [tilespmem:v38+s17+$0x0], $0xffff  }
0x168: {  	v28 =	vld.idx.msk [tilespmem:v0+s17+$0x0], $0xffff;
	v0 =	vor.u32 $0x1C, v1  }
0x169: {  	v59 =	vld.idx.msk [tilespmem:v3+s18+$0x0], $0xffff;
	v3 =	vor.u32 $0x1D, v2  }
0x16a: {  	v62 =	vld.idx.msk [tilespmem:v4+s18+$0x0], $0xffff;
	v4 =	vor.u32 $0x20, v2  }
0x16b: {  	v14 =	vadd.f32 v16, v14;
	v16 =	vmul.f32 v44, v43;
	v44 =	vld [tilespmem:$0x1FEC0]  }
0x16c: {  	v40 =	vor.u32 $0x29, v2;
	v39 =	vld.idx.msk [tilespmem:v39+s18+$0x0], $0xffff  }
0x16d: {  	v61 =	vld.idx.msk [tilespmem:v0+s18+$0x0], $0xffff;
	v0 =	vor.u32 $0x1F, v2  }
0x16e: {  	v31 =	vld.idx.msk [tilespmem:v3+s17+$0x0], $0xffff;
	v3 =	vor.u32 $0x1F, v1  }
0x16f: {  	v41 =	vor.u32 $0x29, v1;
	v4 =	vld.idx.msk [tilespmem:v4+s17+$0x0], $0xffff  }
0x170: {  	v42 =	vor.u32 $0x2A, v2;
	v13 =	vadd.f32 v34, v13;
	v34 =	vmul.f32 v45, v44;
	v45 =	vld [tilespmem:$0x1FED0]  }
0x171: {  	v40 =	vld.idx.msk [tilespmem:v40+s17+$0x0], $0xffff;
	v44 =	vor.u32 $0x2B, v2  }
0x172: {  	v0 =	vld.idx.msk [tilespmem:v0+s17+$0x0], $0xffff  }
0x173: {  	v33 =	vld.idx.msk [tilespmem:v3+s18+$0x0], $0xffff;
	v3 =	vor.u32 $0x21, v2  }
0x174: {  	v48 =	vmul.f32 v48, v17;
	v41 =	vld.idx.msk [tilespmem:v41+s18+$0x0], $0xffff;
	[tilespmem:$0x1FF00] =	vst v4;
	v4 =	vor.u32 $0x22, v2  }
0x175: {  	v17 =	vld.idx.msk [tilespmem:v42+s17+$0x0], $0xffff;
	v14 =	vadd.f32 v16, v14;
	v16 =	vmul.f32 v46, v45;
	v45 =	vor.u32 $0x2B, v1  }
0x176: {  	v50 =	vmul.f32 v50, v19;
	v19 =	vld.idx.msk [tilespmem:v44+s17+$0x0], $0xffff;
	v44 =	vor.u32 $0x2D, v1  }
0x177: {  	v46 =	vld [tilespmem:$0x1FEE0];
	[tilespmem:$0x1FEF0] =	vst v0;
	v0 =	vor.u32 $0x20, v1  }
0x178: {  	v63 =	vld.idx.msk [tilespmem:v3+s17+$0x0], $0xffff;
	v3 =	vor.u32 $0x23, v1  }
0x179: {  	v15 =	vld.idx.msk [tilespmem:v4+s17+$0x0], $0xffff;
	v4 =	vor.u32 $0x24, v1;
	v14 =	vadd.f32 v16, v14  }
0x17a: {  	v51 =	vmul.f32 v51, v20;
	v43 =	vor.u32 $0x2A, v1;
	v20 =	vld.idx.msk [tilespmem:v45+s18+$0x0], $0xffff  }
0x17b: {  	v55 =	vmul.f32 v55, v24;
	v14 =	vadd.f32 v48, v14;
	v48 =	vor.u32 $0x2E, v2;
	v24 =	vld.idx.msk [tilespmem:v44+s18+$0x0], $0xffff  }
0x17c: {  	v13 =	vadd.f32 v34, v13;
	v34 =	vmul.f32 v47, v46;
	v46 =	vor.u32 $0x2C, v2;
	v11 =	vld.idx.msk [tilespmem:v0+s18+$0x0], $0xffff  }
0x17d: {  	v0 =	vor.u32 $0x23, v2;
	v7 =	vld.idx.msk [tilespmem:v3+s18+$0x0], $0xffff  }
0x17e: {  	v3 =	vor.u32 $0x26, v2;
	v4 =	vld.idx.msk [tilespmem:v4+s18+$0x0], $0xffff  }
0x17f: {  	v18 =	vmul.f32 v49, v18;
	v42 =	vor.u32 $0x2C, v1;
	v13 =	vadd.f32 v34, v13;
	v34 =	vld.idx.msk [tilespmem:v43+s18+$0x0], $0xffff  }
0x180: {  	v56 =	vmul.f32 v56, v25;
	v14 =	vadd.f32 v50, v14;
	v50 =	vor.u32 $0x2E, v1;
	v25 =	vld.idx.msk [tilespmem:v48+s17+$0x0], $0xffff  }
0x181: {  	v49 =	vmul.f32 v52, v21;
	v10 =	vmul.f32 v10, v63;
	v63 =	vor.u32 $0x39, v1;
	v21 =	vld.idx.msk [tilespmem:v46+s17+$0x0], $0xffff  }
0x182: {  	v43 =	vor.u32 $0x2D, v2;
	v13 =	vadd.f32 v18, v13;
	v12 =	vld.idx.msk [tilespmem:v0+s17+$0x0], $0xffff  }
0x183: {  	v52 =	vor.u32 $0x2F, v2;
	v3 =	vld.idx.msk [tilespmem:v3+s17+$0x0], $0xffff  }
0x184: {  	v48 =	vor.u32 $0x30, v1;
	v13 =	vadd.f32 v51, v13;
	v51 =	vmul.f32 v53, v22;
	v22 =	vld.idx.msk [tilespmem:v42+s18+$0x0], $0xffff  }
0x185: {  	v14 =	vadd.f32 v49, v14;
	v49 =	vmul.f32 v57, v26;
	v26 =	vld.idx.msk [tilespmem:v50+s18+$0x0], $0xffff  }
0x186: {  	v53 =	vmul.f32 v54, v23;
	v50 =	vor.u32 $0x31, v2;
	v45 =	vld.idx.msk [tilespmem:v63+s18+$0x0], $0xffff  }
0x187: {  	v23 =	vld.idx.msk [tilespmem:v43+s17+$0x0], $0xffff;
	v13 =	vadd.f32 v51, v13  }
0x188: {  	v44 =	vor.u32 $0x30, v2;
	v14 =	vadd.f32 v53, v14;
	v51 =	vmul.f32 v58, v27;
	v27 =	vld.idx.msk [tilespmem:v52+s17+$0x0], $0xffff  }
0x189: {  	v57 =	vmul.f32 v61, v30;
	v54 =	vor.u32 $0x2F, v1;
	v30 =	vld.idx.msk [tilespmem:v48+s18+$0x0], $0xffff;
	v13 =	vadd.f32 v55, v13  }
0x18a: {  	v0 =	vor.u32 $0x25, v1;
	v52 =	vor.u32 $0x31, v1;
	v48 =	vld [tilespmem:$0x1FEF0];
	v14 =	vadd.f32 v56, v14  }
0x18b: {  	v53 =	vmul.f32 v59, v28;
	v59 =	vmul.f32 v62, v31;
	v31 =	vld.idx.msk [tilespmem:v50+s17+$0x0], $0xffff;
	v13 =	vadd.f32 v49, v13  }
0x18c: {  	v62 =	vor.u32 $0x34, v2;
	v55 =	vmul.f32 v60, v29;
	v50 =	vld [tilespmem:$0x1FF00];
	v14 =	vadd.f32 v51, v14  }
0x18d: {  	v9 =	vmul.f32 v9, v15;
	v29 =	vld.idx.msk [tilespmem:v44+s17+$0x0], $0xffff;
	v56 =	vor.u32 $0x32, v1;
	v13 =	vadd.f32 v53, v13  }
0x18e: {  	v61 =	vmul.f32 v36, v32;
	v28 =	vld.idx.msk [tilespmem:v54+s18+$0x0], $0xffff;
	v54 =	vor.u32 $0x32, v2;
	v14 =	vadd.f32 v55, v14  }
0x18f: {  	v58 =	vor.u32 $0x33, v2;
	v0 =	vld.idx.msk [tilespmem:v0+s18+$0x0], $0xffff;
	v49 =	vor.u32 $0x34, v1;
	v13 =	vadd.f32 v57, v13  }
0x190: {  	v51 =	vor.u32 $0x35, v2;
	v32 =	vld.idx.msk [tilespmem:v52+s18+$0x0], $0xffff;
	v16 =	vmul.f32 v33, v48;
	v14 =	vadd.f32 v59, v14  }
0x191: {  	v7 =	vmul.f32 v7, v12;
	v12 =	vld.idx.msk [tilespmem:v62+s17+$0x0], $0xffff;
	v11 =	vmul.f32 v11, v50;
	v13 =	vadd.f32 v61, v13  }
0x192: {  	v46 =	vor.u32 $0x3C, v2;
	v52 =	vor.u32 $0x35, v1;
	v18 =	vld.idx.msk [tilespmem:v56+s18+$0x0], $0xffff;
	v14 =	vadd.f32 v16, v14  }
0x193: {  	v4 =	vmul.f32 v4, v5;
	v44 =	vor.u32 $0x3B, v1;
	v33 =	vld.idx.msk [tilespmem:v54+s17+$0x0], $0xffff;
	v11 =	vadd.f32 v11, v13  }
0x194: {  	v60 =	vor.u32 $0x33, v1;
	v53 =	vor.u32 $0x36, v2;
	v5 =	vld.idx.msk [tilespmem:v49+s18+$0x0], $0xffff;
	v10 =	vadd.f32 v10, v14  }
0x195: {  	v3 =	vmul.f32 v8, v3;
	v0 =	vmul.f32 v0, v6;
	v6 =	vld.idx.msk [tilespmem:v51+s17+$0x0], $0xffff;
	v9 =	vadd.f32 v9, v11  }
0x196: {  	v42 =	vmul.f32 v24, v23;
	v54 =	vor.u32 $0x36, v1;
	v16 =	vld.idx.msk [tilespmem:v58+s17+$0x0], $0xffff;
	v7 =	vadd.f32 v7, v10  }
0x197: {  	v62 =	vmul.f32 v41, v40;
	v55 =	vor.u32 $0x37, v2;
	v57 =	vld.idx.msk [tilespmem:v52+s18+$0x0], $0xffff;
	v4 =	vadd.f32 v4, v9  }
0x198: {  	v56 =	vor.u32 $0x37, v1;
	v59 =	vmul.f32 v37, v35;
	v52 =	vld.idx.msk [tilespmem:v44+s18+$0x0], $0xffff;
	v0 =	vadd.f32 v0, v7  }
0x199: {  	v41 =	vor.u32 $0x3B, v2;
	v15 =	vld.idx.msk [tilespmem:v53+s17+$0x0], $0xffff;
	v3 =	vadd.f32 v3, v4;
	v4 =	vmul.f32 v39, v38  }
0x19a: {  	v48 =	vor.u32 $0x3C, v1;
	v61 =	vor.u32 $0x39, v2;
	v13 =	vld.idx.msk [tilespmem:v60+s18+$0x0], $0xffff;
	v0 =	vadd.f32 v59, v0  }
0x19b: {  	v49 =	vor.u32 $0x3D, v2;
	v14 =	vld.idx.msk [tilespmem:v54+s18+$0x0], $0xffff;
	v3 =	vadd.f32 v4, v3;
	v4 =	vmul.f32 v34, v17  }
0x19c: {  	v58 =	vor.u32 $0x38, v2;
	v11 =	vld.idx.msk [tilespmem:v55+s17+$0x0], $0xffff;
	v38 =	vmul.f32 v20, v19;
	v0 =	vadd.f32 v62, v0  }
0x19d: {  	v51 =	vor.u32 $0x3D, v1;
	v10 =	vld.idx.msk [tilespmem:v56+s18+$0x0], $0xffff;
	v3 =	vadd.f32 v4, v3;
	v4 =	vmul.f32 v22, v21  }
0x19e: {  	v47 =	vmul.f32 v28, v27;
	v60 =	vor.u32 $0x38, v1;
	v55 =	vld.idx.msk [tilespmem:v46+s17+$0x0], $0xffff;
	v0 =	vadd.f32 v38, v0  }
0x19f: {  	v53 =	vor.u32 $0x3E, v2;
	v43 =	vld.idx.msk [tilespmem:v61+s17+$0x0], $0xffff;
	v3 =	vadd.f32 v4, v3;
	v4 =	vmul.f32 v26, v25  }
0x1a0: {  	v6 =	vmul.f32 v57, v6;
	v57 =	vld.idx.msk [tilespmem:v49+s17+$0x0], $0xffff;
	v39 =	vor.u32 $0x3A, v1;
	v0 =	vadd.f32 v42, v0  }
0x1a1: {  	v9 =	vld.idx.msk [tilespmem:v58+s17+$0x0], $0xffff;
	v34 =	vor.u32 $0x3A, v2;
	v3 =	vadd.f32 v4, v3;
	v4 =	vmul.f32 v30, v29  }
0x1a2: {  	v50 =	vmul.f32 v32, v31;
	v56 =	vor.u32 $0x3E, v1;
	v58 =	vld.idx.msk [tilespmem:v51+s18+$0x0], $0xffff;
	v0 =	vadd.f32 v47, v0  }
0x1a3: {  	v40 =	vld.idx.msk [tilespmem:v60+s18+$0x0], $0xffff;
	v1 =	vor.u32 $0x3F, v1;
	v3 =	vadd.f32 v4, v3;
	v4 =	vmul.f32 v18, v33  }
0x1a4: {  	v54 =	vmul.f32 v13, v16;
	v60 =	vld.idx.msk [tilespmem:v53+s17+$0x0], $0xffff;
	v0 =	vadd.f32 v50, v0  }
0x1a5: {  	v2 =	vor.u32 $0x3F, v2;
	v19 =	vld.idx.msk [tilespmem:v39+s18+$0x0], $0xffff;
	v3 =	vadd.f32 v4, v3;
	v4 =	vmul.f32 v5, v12  }
0x1a6: {  	v17 =	vld.idx.msk [tilespmem:v34+s17+$0x0], $0xffff;
	v0 =	vadd.f32 v54, v0  }
0x1a7: {  	v21 =	vld.idx.msk [tilespmem:v41+s17+$0x0], $0xffff;
	v3 =	vadd.f32 v4, v3;
	v4 =	vmul.f32 v14, v15  }
0x1a8: {  	v59 =	vmul.f32 v10, v11;
	v1 =	vld.idx.msk [tilespmem:v1+s18+$0x0], $0xffff;
	v0 =	vadd.f32 v6, v0  }
0x1a9: {  	v5 =	vld.idx.msk [tilespmem:v48+s18+$0x0], $0xffff;
	v3 =	vadd.f32 v4, v3;
	v4 =	vmul.f32 v40, v9  }
0x1aa: {  	v62 =	vmul.f32 v45, v43;
	v2 =	vld.idx.msk [tilespmem:v2+s17+$0x0], $0xffff;
	v0 =	vadd.f32 v59, v0  }
0x1ab: {  	v61 =	vld.idx.msk [tilespmem:v56+s18+$0x0], $0xffff;
	v3 =	vadd.f32 v4, v3;
	v4 =	vmul.f32 v19, v17  }
0x1ac: {  	v63 =	vmul.f32 v52, v21;
	v0 =	vadd.f32 v62, v0  }
0x1ad: {  	v3 =	vadd.f32 v4, v3  }
0x1ae: {  	v4 =	vmul.f32 v5, v55;
	v0 =	vadd.f32 v63, v0;
	v5 =	vmul.f32 v58, v57  }
0x1af: {  	v1 =	vmul.f32 v1, v2  }
0x1b0: {  	s28 =	sadd.s32 $0x80, s28;
	v3 =	vadd.f32 v4, v3;
	v0 =	vadd.f32 v5, v0;
	v4 =	vmul.f32 v61, v60  }
0x1b1: {  	p0 =	sne.s32 s28, $0x800  }
.Ltmp3:
0x1b2: {  	v2 =	vadd.f32 v4, v3;
	v0 =	vadd.f32 v1, v0;
	(pc) =	sbr.rel @!p0 .LBB2_5-.Ltmp3, $3  }
0x1b3: {  	_ = 	snop  }
0x1b4: {  	v0 =	vadd.f32 v0, v2;
	_ =	sdelay $0x1  }
0x1b5: {  	v3 =	vld [tilespmem:$0x1FFF0];
	[tilespmem:s29+$0x10410] =	vst v0  }
.LBB2_2:
0x1b6: {  	s29 =	sshra.s32 s28, $0x2  }
0x1b7: {  	v0 =	vld [tilespmem:s29+$0x10];
	_ =	sdelay $0x3  }
0x1b8: {  	v1 =	vld [tilespmem:s29+$0x210]  }
0x1b9: {  	v0 =	vshrl.u32 v0, $0x3  }
0x1ba: {  	v2 =	vshll.u32 v0, $0x7  }
0x1bb: {  	(v2sf) =	vpush v2, $0x0;
	_ =	sdelay $0x1  }
0x1bc: {  	v52 =	vshrl.u32 v1, $0x3  }
0x1bd: {  	v1 =	vshll.u32 v52, $0x7  }
0x1be: {  	(v2sf) =	vpush v1, $0x0;
	_ =	sdelay $0x2  }
0x1bf: {  	(v2sf) =	vpush v2, $0x1;
	_ =	sdelay $0x2  }
0x1c0: {  	(v2sf) =	vpush v1, $0x1;
	_ =	sdelay $0x4  }
0x1c1: {  	s30 =	spop (v2sf);
	(v2sf) =	vpush v2, $0x2;
	_ =	sdelay $0x2  }
0x1c2: {  	s30 =	sand.u32 $0x1FFFFF80, s30  }
0x1c3: {  	s0 =	spop (v2sf);
	(v2sf) =	vpush v1, $0x2;
	s30 =	sadd.s32 s3, s30  }
0x1c4: {  	[tilespmem:s17], [sflag:$0x2] =	stream.linear.gather [hbm4b:s30+s1], $0x400, $0x38;
	[tilespmem:$0x10600] =	vst v63  }
0x1c5: {  	s30 =	sand.u32 $0x1FFFFF80, s0  }
0x1c6: {  	s0 =	spop (v2sf);
	s30 =	sadd.s32 s4, s30  }
0x1c7: {  	(v2sf) =	vpush v2, $0x3;
	[tilespmem:s18], [sflag:$0x2] =	stream.linear.gather [hbm4b:s30+s1], $0x400, $0x38;
	[tilespmem:$0x10600] =	vst v63  }
0x1c8: {  	s30 =	sand.u32 $0x1FFFFF80, s0  }
0x1c9: {  	s0 =	spop (v2sf);
	s30 =	sadd.s32 s3, s30  }
0x1ca: {  	[tilespmem:s31], [sflag:$0x2] =	stream.linear.gather [hbm4b:s30+s1], $0x400, $0x38;
	[tilespmem:$0x10600] =	vst v63  }
0x1cb: {  	(v2sf) =	vpush v1, $0x3;
	s30 =	sand.u32 $0x1FFFFF80, s0  }
0x1cc: {  	s0 =	simm.s32 $0xC800;
	s30 =	sadd.s32 s4, s30  }
0x1cd: {  	[tilespmem:s0], [sflag:$0x2] =	stream.linear.gather [hbm4b:s30+s1], $0x400, $0x38;
	[tilespmem:$0x10600] =	vst v63  }
0x1ce: {  	s0 =	spop (v2sf)  }
0x1cf: {  	(v2sf) =	vpush v2, $0x4;
	s30 =	sand.u32 $0x1FFFFF80, s0  }
0x1d0: {  	s0 =	simm.s32 $0x8C00;
	s30 =	sadd.s32 s3, s30  }
0x1d1: {  	[tilespmem:s0], [sflag:$0x2] =	stream.linear.gather [hbm4b:s30+s1], $0x400, $0x38;
	[tilespmem:$0x10600] =	vst v63  }
0x1d2: {  	s0 =	spop (v2sf)  }
0x1d3: {  	(v2sf) =	vpush v1, $0x4;
	s30 =	sand.u32 $0x1FFFFF80, s0  }
0x1d4: {  	s0 =	simm.s32 $0xCC00;
	s30 =	sadd.s32 s4, s30  }
0x1d5: {  	[tilespmem:s0], [sflag:$0x2] =	stream.linear.gather [hbm4b:s30+s1], $0x400, $0x38;
	[tilespmem:$0x10600] =	vst v63  }
0x1d6: {  	s0 =	spop (v2sf)  }
0x1d7: {  	(v2sf) =	vpush v2, $0x5;
	s30 =	sand.u32 $0x1FFFFF80, s0  }
0x1d8: {  	s0 =	simm.s32 $0x9000;
	s30 =	sadd.s32 s3, s30  }
0x1d9: {  	[tilespmem:s0], [sflag:$0x2] =	stream.linear.gather [hbm4b:s30+s1], $0x400, $0x38;
	[tilespmem:$0x10600] =	vst v63  }
0x1da: {  	s0 =	spop (v2sf)  }
0x1db: {  	(v2sf) =	vpush v1, $0x5;
	s30 =	sand.u32 $0x1FFFFF80, s0  }
0x1dc: {  	s0 =	simm.s32 $0xD000;
	s30 =	sadd.s32 s4, s30  }
0x1dd: {  	[tilespmem:s0], [sflag:$0x2] =	stream.linear.gather [hbm4b:s30+s1], $0x400, $0x38;
	[tilespmem:$0x10600] =	vst v63  }
0x1de: {  	s0 =	spop (v2sf)  }
0x1df: {  	(v2sf) =	vpush v2, $0x6;
	s30 =	sand.u32 $0x1FFFFF80, s0  }
0x1e0: {  	s0 =	simm.s32 $0x9400;
	s30 =	sadd.s32 s3, s30  }
0x1e1: {  	[tilespmem:s0], [sflag:$0x2] =	stream.linear.gather [hbm4b:s30+s1], $0x400, $0x38;
	[tilespmem:$0x10600] =	vst v63  }
0x1e2: {  	s0 =	spop (v2sf)  }
0x1e3: {  	(v2sf) =	vpush v1, $0x6;
	s30 =	sand.u32 $0x1FFFFF80, s0  }
0x1e4: {  	s0 =	simm.s32 $0xD400;
	s30 =	sadd.s32 s4, s30  }
0x1e5: {  	[tilespmem:s0], [sflag:$0x2] =	stream.linear.gather [hbm4b:s30+s1], $0x400, $0x38;
	[tilespmem:$0x10600] =	vst v63  }
0x1e6: {  	s0 =	spop (v2sf)  }
0x1e7: {  	(v2sf) =	vpush v2, $0x7;
	s30 =	sand.u32 $0x1FFFFF80, s0  }
0x1e8: {  	s0 =	simm.s32 $0x9800;
	s30 =	sadd.s32 s3, s30  }
0x1e9: {  	[tilespmem:s0], [sflag:$0x2] =	stream.linear.gather [hbm4b:s30+s1], $0x400, $0x38;
	[tilespmem:$0x10600] =	vst v63  }
0x1ea: {  	s0 =	spop (v2sf)  }
0x1eb: {  	(v2sf) =	vpush v1, $0x7;
	s30 =	sand.u32 $0x1FFFFF80, s0  }
0x1ec: {  	s0 =	simm.s32 $0xD800;
	s30 =	sadd.s32 s4, s30  }
0x1ed: {  	[tilespmem:s0], [sflag:$0x2] =	stream.linear.gather [hbm4b:s30+s1], $0x400, $0x38;
	[tilespmem:$0x10600] =	vst v63  }
0x1ee: {  	s0 =	spop (v2sf)  }
0x1ef: {  	(v2sf) =	vpush v2, $0x8;
	s30 =	sand.u32 $0x1FFFFF80, s0  }
0x1f0: {  	s0 =	simm.s32 $0x9C00;
	s30 =	sadd.s32 s3, s30  }
0x1f1: {  	[tilespmem:s0], [sflag:$0x2] =	stream.linear.gather [hbm4b:s30+s1], $0x400, $0x38;
	[tilespmem:$0x10600] =	vst v63  }
0x1f2: {  	s0 =	spop (v2sf)  }
0x1f3: {  	(v2sf) =	vpush v1, $0x8;
	s30 =	sand.u32 $0x1FFFFF80, s0  }
0x1f4: {  	s0 =	simm.s32 $0xDC00;
	s30 =	sadd.s32 s4, s30  }
0x1f5: {  	[tilespmem:s0], [sflag:$0x2] =	stream.linear.gather [hbm4b:s30+s1], $0x400, $0x38;
	[tilespmem:$0x10600] =	vst v63  }
0x1f6: {  	s0 =	spop (v2sf)  }
0x1f7: {  	(v2sf) =	vpush v2, $0x9;
	s30 =	sand.u32 $0x1FFFFF80, s0  }
0x1f8: {  	s0 =	simm.s32 $0xA000;
	s30 =	sadd.s32 s3, s30  }
0x1f9: {  	[tilespmem:s0], [sflag:$0x2] =	stream.linear.gather [hbm4b:s30+s1], $0x400, $0x38;
	[tilespmem:$0x10600] =	vst v63  }
0x1fa: {  	s0 =	spop (v2sf)  }
0x1fb: {  	(v2sf) =	vpush v1, $0x9;
	s30 =	sand.u32 $0x1FFFFF80, s0  }
0x1fc: {  	s30 =	sadd.s32 s4, s30  }
0x1fd: {  	[tilespmem:s2], [sflag:$0x2] =	stream.linear.gather [hbm4b:s30+s1], $0x400, $0x38;
	[tilespmem:$0x10600] =	vst v63  }
0x1fe: {  	s0 =	spop (v2sf)  }
0x1ff: {  	(v2sf) =	vpush v2, $0xA;
	s30 =	sand.u32 $0x1FFFFF80, s0  }
0x200: {  	s30 =	sadd.s32 s3, s30  }
0x201: {  	[tilespmem:s10], [sflag:$0x2] =	stream.linear.gather [hbm4b:s30+s1], $0x400, $0x38;
	[tilespmem:$0x10600] =	vst v63  }
0x202: {  	s0 =	spop (v2sf)  }
0x203: {  	(v2sf) =	vpush v1, $0xA;
	s30 =	sand.u32 $0x1FFFFF80, s0  }
0x204: {  	s30 =	sadd.s32 s4, s30  }
0x205: {  	[tilespmem:s5], [sflag:$0x2] =	stream.linear.gather [hbm4b:s30+s1], $0x400, $0x38;
	[tilespmem:$0x10600] =	vst v63  }
0x206: {  	s0 =	spop (v2sf)  }
0x207: {  	(v2sf) =	vpush v2, $0xB;
	s30 =	sand.u32 $0x1FFFFF80, s0  }
0x208: {  	s30 =	sadd.s32 s3, s30  }
0x209: {  	[tilespmem:s6], [sflag:$0x2] =	stream.linear.gather [hbm4b:s30+s1], $0x400, $0x38;
	[tilespmem:$0x10600] =	vst v63  }
0x20a: {  	s0 =	spop (v2sf)  }
0x20b: {  	(v2sf) =	vpush v1, $0xB;
	s30 =	sand.u32 $0x1FFFFF80, s0  }
0x20c: {  	s30 =	sadd.s32 s4, s30  }
0x20d: {  	[tilespmem:s7], [sflag:$0x2] =	stream.linear.gather [hbm4b:s30+s1], $0x400, $0x38;
	[tilespmem:$0x10600] =	vst v63  }
0x20e: {  	s0 =	spop (v2sf)  }
0x20f: {  	(v2sf) =	vpush v2, $0xC;
	s30 =	sand.u32 $0x1FFFFF80, s0  }
0x210: {  	s30 =	sadd.s32 s3, s30  }
0x211: {  	[tilespmem:s8], [sflag:$0x2] =	stream.linear.gather [hbm4b:s30+s1], $0x400, $0x38;
	[tilespmem:$0x10600] =	vst v63  }
0x212: {  	s0 =	spop (v2sf)  }
0x213: {  	(v2sf) =	vpush v1, $0xC;
	s30 =	sand.u32 $0x1FFFFF80, s0  }
0x214: {  	s30 =	sadd.s32 s4, s30  }
0x215: {  	[tilespmem:s9], [sflag:$0x2] =	stream.linear.gather [hbm4b:s30+s1], $0x400, $0x38;
	[tilespmem:$0x10600] =	vst v63  }
0x216: {  	s0 =	spop (v2sf)  }
0x217: {  	(v2sf) =	vpush v2, $0xD;
	s30 =	sand.u32 $0x1FFFFF80, s0  }
0x218: {  	s30 =	sadd.s32 s3, s30  }
0x219: {  	[tilespmem:s13], [sflag:$0x2] =	stream.linear.gather [hbm4b:s30+s1], $0x400, $0x38;
	[tilespmem:$0x10600] =	vst v63  }
0x21a: {  	s0 =	spop (v2sf)  }
0x21b: {  	(v2sf) =	vpush v1, $0xD;
	s30 =	sand.u32 $0x1FFFFF80, s0  }
0x21c: {  	s30 =	sadd.s32 s4, s30  }
0x21d: {  	[tilespmem:s14], [sflag:$0x2] =	stream.linear.gather [hbm4b:s30+s1], $0x400, $0x38;
	[tilespmem:$0x10600] =	vst v63  }
0x21e: {  	s0 =	spop (v2sf)  }
0x21f: {  	(v2sf) =	vpush v2, $0xE;
	s30 =	sand.u32 $0x1FFFFF80, s0  }
0x220: {  	s30 =	sadd.s32 s3, s30  }
0x221: {  	[tilespmem:s15], [sflag:$0x2] =	stream.linear.gather [hbm4b:s30+s1], $0x400, $0x38;
	[tilespmem:$0x10600] =	vst v63  }
0x222: {  	s0 =	spop (v2sf)  }
0x223: {  	(v2sf) =	vpush v1, $0xE;
	s30 =	sand.u32 $0x1FFFFF80, s0  }
0x224: {  	s30 =	sadd.s32 s4, s30  }
0x225: {  	[tilespmem:s16], [sflag:$0x2] =	stream.linear.gather [hbm4b:s30+s1], $0x400, $0x38;
	[tilespmem:$0x10600] =	vst v63  }
0x226: {  	s0 =	spop (v2sf)  }
0x227: {  	(v2sf) =	vpush v2, $0xF;
	s30 =	sand.u32 $0x1FFFFF80, s0  }
0x228: {  	s30 =	sadd.s32 s3, s30  }
0x229: {  	[tilespmem:s19], [sflag:$0x2] =	stream.linear.gather [hbm4b:s30+s1], $0x400, $0x38;
	[tilespmem:$0x10600] =	vst v63  }
0x22a: {  	s0 =	spop (v2sf)  }
0x22b: {  	(v2sf) =	vpush v1, $0xF;
	s30 =	sand.u32 $0x1FFFFF80, s0  }
0x22c: {  	s30 =	sadd.s32 s4, s30  }
0x22d: {  	[tilespmem:s20], [sflag:$0x2] =	stream.linear.gather [hbm4b:s30+s1], $0x400, $0x38;
	[tilespmem:$0x10600] =	vst v63  }
0x22e: {  	s0 =	spop (v2sf)  }
0x22f: {  	s30 =	sand.u32 $0x1FFFFF80, s0  }
0x230: {  	s30 =	sadd.s32 s3, s30  }
0x231: {  	[tilespmem:s21], [sflag:$0x2] =	stream.linear.gather [hbm4b:s30+s1], $0x400, $0x38;
	[tilespmem:$0x10600] =	vst v63  }
0x232: {  	s0 =	spop (v2sf)  }
0x233: {  	s30 =	sand.u32 $0x1FFFFF80, s0  }
0x234: {  	s30 =	sadd.s32 s4, s30  }
0x235: {  	[tilespmem:s22], [sflag:$0x2] =	stream.linear.gather [hbm4b:s30+s1], $0x400, $0x38;
	[tilespmem:$0x10600] =	vst v63  }
0x236: {  	s0 =	spop (v2sf)  }
0x237: {  	s30 =	sand.u32 $0x1FFFFF80, s0  }
0x238: {  	s30 =	sadd.s32 s3, s30  }
0x239: {  	[tilespmem:s23], [sflag:$0x2] =	stream.linear.gather [hbm4b:s30+s1], $0x400, $0x38;
	[tilespmem:$0x10600] =	vst v63  }
0x23a: {  	s0 =	spop (v2sf)  }
0x23b: {  	s30 =	sand.u32 $0x1FFFFF80, s0  }
0x23c: {  	s30 =	sadd.s32 s4, s30  }
0x23d: {  	[tilespmem:s24], [sflag:$0x2] =	stream.linear.gather [hbm4b:s30+s1], $0x400, $0x38;
	[tilespmem:$0x10600] =	vst v63  }
0x23e: {  	_ =	swait.ge [sflag:s25], $0x400  }
0x23f: {  	[sflag:s25] =	ssyncset.done $0x0  }
0x240: {  	[sflag:s25] =	ssyncadd.s32 $0xFFFFFC00  }
0x241: {  	_ =	swait.ge [sflag:s25], $0x400  }
0x242: {  	[sflag:s25] =	ssyncset.done $0x0  }
0x243: {  	[sflag:s25] =	ssyncadd.s32 $0xFFFFFC00  }
0x244: {  	_ =	swait.ge [sflag:s25], $0x400  }
0x245: {  	[sflag:s25] =	ssyncset.done $0x0  }
0x246: {  	[sflag:s25] =	ssyncadd.s32 $0xFFFFFC00  }
0x247: {  	_ =	swait.ge [sflag:s25], $0x400  }
0x248: {  	[sflag:s25] =	ssyncset.done $0x0  }
0x249: {  	[sflag:s25] =	ssyncadd.s32 $0xFFFFFC00  }
0x24a: {  	_ =	swait.ge [sflag:s25], $0x400  }
0x24b: {  	[sflag:s25] =	ssyncset.done $0x0  }
0x24c: {  	[sflag:s25] =	ssyncadd.s32 $0xFFFFFC00  }
0x24d: {  	_ =	swait.ge [sflag:s25], $0x400  }
0x24e: {  	[sflag:s25] =	ssyncset.done $0x0  }
0x24f: {  	[sflag:s25] =	ssyncadd.s32 $0xFFFFFC00  }
0x250: {  	_ =	swait.ge [sflag:s25], $0x400  }
0x251: {  	[sflag:s25] =	ssyncset.done $0x0  }
0x252: {  	[sflag:s25] =	ssyncadd.s32 $0xFFFFFC00  }
0x253: {  	_ =	swait.ge [sflag:s25], $0x400  }
0x254: {  	[sflag:s25] =	ssyncset.done $0x0  }
0x255: {  	[sflag:s25] =	ssyncadd.s32 $0xFFFFFC00  }
0x256: {  	_ =	swait.ge [sflag:s25], $0x400  }
0x257: {  	[sflag:s25] =	ssyncset.done $0x0  }
0x258: {  	[sflag:s25] =	ssyncadd.s32 $0xFFFFFC00  }
0x259: {  	_ =	swait.ge [sflag:s25], $0x400  }
0x25a: {  	[sflag:s25] =	ssyncset.done $0x0  }
0x25b: {  	[sflag:s25] =	ssyncadd.s32 $0xFFFFFC00  }
0x25c: {  	_ =	swait.ge [sflag:s25], $0x400  }
0x25d: {  	[sflag:s25] =	ssyncset.done $0x0  }
0x25e: {  	[sflag:s25] =	ssyncadd.s32 $0xFFFFFC00  }
0x25f: {  	_ =	swait.ge [sflag:s25], $0x400  }
0x260: {  	[sflag:s25] =	ssyncset.done $0x0  }
0x261: {  	[sflag:s25] =	ssyncadd.s32 $0xFFFFFC00  }
0x262: {  	_ =	swait.ge [sflag:s25], $0x400  }
0x263: {  	[sflag:s25] =	ssyncset.done $0x0  }
0x264: {  	[sflag:s25] =	ssyncadd.s32 $0xFFFFFC00  }
0x265: {  	_ =	swait.ge [sflag:s25], $0x400  }
0x266: {  	[sflag:s25] =	ssyncset.done $0x0  }
0x267: {  	[sflag:s25] =	ssyncadd.s32 $0xFFFFFC00  }
0x268: {  	_ =	swait.ge [sflag:s25], $0x400  }
0x269: {  	[sflag:s25] =	ssyncset.done $0x0  }
0x26a: {  	[sflag:s25] =	ssyncadd.s32 $0xFFFFFC00  }
0x26b: {  	_ =	swait.ge [sflag:s25], $0x400  }
0x26c: {  	[sflag:s25] =	ssyncset.done $0x0  }
0x26d: {  	[sflag:s25] =	ssyncadd.s32 $0xFFFFFC00  }
0x26e: {  	_ =	swait.ge [sflag:s25], $0x400  }
0x26f: {  	[sflag:s25] =	ssyncset.done $0x0  }
0x270: {  	[sflag:s25] =	ssyncadd.s32 $0xFFFFFC00  }
0x271: {  	_ =	swait.ge [sflag:s25], $0x400  }
0x272: {  	[sflag:s25] =	ssyncset.done $0x0  }
0x273: {  	[sflag:s25] =	ssyncadd.s32 $0xFFFFFC00  }
0x274: {  	_ =	swait.ge [sflag:s25], $0x400  }
0x275: {  	[sflag:s25] =	ssyncset.done $0x0  }
0x276: {  	[sflag:s25] =	ssyncadd.s32 $0xFFFFFC00  }
0x277: {  	_ =	swait.ge [sflag:s25], $0x400  }
0x278: {  	[sflag:s25] =	ssyncset.done $0x0  }
0x279: {  	[sflag:s25] =	ssyncadd.s32 $0xFFFFFC00  }
0x27a: {  	_ =	swait.ge [sflag:s25], $0x400  }
0x27b: {  	[sflag:s25] =	ssyncset.done $0x0  }
0x27c: {  	[sflag:s25] =	ssyncadd.s32 $0xFFFFFC00  }
0x27d: {  	_ =	swait.ge [sflag:s25], $0x400  }
0x27e: {  	[sflag:s25] =	ssyncset.done $0x0  }
0x27f: {  	[sflag:s25] =	ssyncadd.s32 $0xFFFFFC00  }
0x280: {  	_ =	swait.ge [sflag:s25], $0x400  }
0x281: {  	[sflag:s25] =	ssyncset.done $0x0  }
0x282: {  	[sflag:s25] =	ssyncadd.s32 $0xFFFFFC00  }
0x283: {  	_ =	swait.ge [sflag:s25], $0x400  }
0x284: {  	[sflag:s25] =	ssyncset.done $0x0  }
0x285: {  	[sflag:s25] =	ssyncadd.s32 $0xFFFFFC00  }
0x286: {  	_ =	swait.ge [sflag:s25], $0x400  }
0x287: {  	[sflag:s25] =	ssyncset.done $0x0  }
0x288: {  	[sflag:s25] =	ssyncadd.s32 $0xFFFFFC00  }
0x289: {  	_ =	swait.ge [sflag:s25], $0x400  }
0x28a: {  	[sflag:s25] =	ssyncset.done $0x0  }
0x28b: {  	[sflag:s25] =	ssyncadd.s32 $0xFFFFFC00  }
0x28c: {  	_ =	swait.ge [sflag:s25], $0x400  }
0x28d: {  	[sflag:s25] =	ssyncset.done $0x0  }
0x28e: {  	[sflag:s25] =	ssyncadd.s32 $0xFFFFFC00  }
0x28f: {  	_ =	swait.ge [sflag:s25], $0x400  }
0x290: {  	[sflag:s25] =	ssyncset.done $0x0  }
0x291: {  	[sflag:s25] =	ssyncadd.s32 $0xFFFFFC00  }
0x292: {  	_ =	swait.ge [sflag:s25], $0x400  }
0x293: {  	[sflag:s25] =	ssyncset.done $0x0  }
0x294: {  	[sflag:s25] =	ssyncadd.s32 $0xFFFFFC00  }
0x295: {  	_ =	swait.ge [sflag:s25], $0x400  }
0x296: {  	[sflag:s25] =	ssyncset.done $0x0  }
0x297: {  	[sflag:s25] =	ssyncadd.s32 $0xFFFFFC00  }
0x298: {  	_ =	swait.ge [sflag:s25], $0x400  }
0x299: {  	[sflag:s25] =	ssyncset.done $0x0  }
0x29a: {  	[sflag:s25] =	ssyncadd.s32 $0xFFFFFC00  }
0x29b: {  	_ =	swait.ge [sflag:s25], $0x400  }
0x29c: {  	[sflag:s25] =	ssyncset.done $0x0  }
0x29d: {  	[sflag:s25] =	ssyncadd.s32 $0xFFFFFC00  }
0x29e: {  	v53 =	vld [tilespmem:s29+$0x0]  }
0x29f: {  	v54 =	vld [tilespmem:s29+$0x200];
	_ =	sdelay $0x3  }
0x2a0: {  	v0 =	vand.u32 $0x7, v53  }
0x2a1: {  	v1 =	vand.u32 $0x7, v54;
	v0 =	vshll.u32 v0, $0x7  }
0x2a2: {  	v1 =	vshll.u32 v1, $0x7;
	v2 =	vor.u32 v3, v0  }
0x2a3: {  	v1 =	vor.u32 v3, v1;
	v0 =	vor.u32 $0x1, v2  }
0x2a4: {  	v3 =	vor.u32 $0x1, v1  }
0x2a5: {  	v4 =	vor.u32 $0x2, v2  }
0x2a6: {  	v5 =	vor.u32 $0x2, v1  }
0x2a7: {  	v7 =	vor.u32 $0x3, v2  }
0x2a8: {  	v55 =	vor.u32 $0x3, v1;
	v0 =	vld.idx.msk [tilespmem:v0+s11+$0x0], $0xffff  }
0x2a9: {  	v56 =	vor.u32 $0x4, v2;
	v37 =	vld.idx.msk [tilespmem:v3+s12+$0x0], $0xffff  }
0x2aa: {  	v57 =	vor.u32 $0x4, v1;
	v34 =	vld.idx.msk [tilespmem:v4+s11+$0x0], $0xffff  }
0x2ab: {  	v8 =	vor.u32 $0x5, v2;
	v12 =	vld.idx.msk [tilespmem:v5+s12+$0x0], $0xffff  }
0x2ac: {  	v58 =	vor.u32 $0x5, v1;
	v35 =	vld.idx.msk [tilespmem:v7+s11+$0x0], $0xffff  }
0x2ad: {  	v60 =	vor.u32 $0x6, v1;
	v14 =	vld.idx.msk [tilespmem:v55+s12+$0x0], $0xffff  }
0x2ae: {  	v61 =	vor.u32 $0x7, v2;
	v3 =	vld.idx.msk [tilespmem:v56+s11+$0x0], $0xffff  }
0x2af: {  	v63 =	vor.u32 $0x7, v1;
	v38 =	vld.idx.msk [tilespmem:v57+s12+$0x0], $0xffff  }
0x2b0: {  	v13 =	vor.u32 $0x8, v2;
	v62 =	vld.idx.msk [tilespmem:v8+s11+$0x0], $0xffff  }
0x2b1: {  	v15 =	vor.u32 $0x8, v1;
	v39 =	vld.idx.msk [tilespmem:v58+s12+$0x0], $0xffff  }
0x2b2: {  	v17 =	vor.u32 $0x9, v1;
	v40 =	vld.idx.msk [tilespmem:v60+s12+$0x0], $0xffff  }
0x2b3: {  	v18 =	vor.u32 $0xA, v2;
	v4 =	vld.idx.msk [tilespmem:v61+s11+$0x0], $0xffff  }
0x2b4: {  	v20 =	vor.u32 $0xA, v1;
	v41 =	vld.idx.msk [tilespmem:v63+s12+$0x0], $0xffff  }
0x2b5: {  	v32 =	vor.u32 $0xF, v1;
	v19 =	vld.idx.msk [tilespmem:v13+s11+$0x0], $0xffff  }
0x2b6: {  	v36 =	vor.u32 $0x10, v1;
	v42 =	vld.idx.msk [tilespmem:v15+s12+$0x0], $0xffff  }
0x2b7: {  	v43 =	vld.idx.msk [tilespmem:v17+s12+$0x0], $0xffff  }
0x2b8: {  	v52 =	vor.u32 $0x11, v2;
	v24 =	vld.idx.msk [tilespmem:v18+s11+$0x0], $0xffff  }
0x2b9: {  	v44 =	vld.idx.msk [tilespmem:v20+s12+$0x0], $0xffff;
	v55 =	vor.u32 $0x12, v1  }
0x2ba: {  	v49 =	vld.idx.msk [tilespmem:v32+s12+$0x0], $0xffff;
	v61 =	vor.u32 $0x15, v1  }
0x2bb: {  	v50 =	vld.idx.msk [tilespmem:v36+s12+$0x0], $0xffff;
	v36 =	vor.u32 $0x1B, v1  }
0x2bc: {  	v59 =	vor.u32 $0x6, v2;
	v5 =	vld.idx.msk [tilespmem:v1+s12+$0x0], $0xffff  }
0x2bd: {  	v23 =	vor.u32 $0xC, v2;
	[tilespmem:$0x1FF60] =	vst v19;
	v19 =	vld.idx.msk [tilespmem:v52+s11+$0x0], $0xffff  }
0x2be: {  	v60 =	vor.u32 $0x15, v2;
	v52 =	vld.idx.msk [tilespmem:v55+s12+$0x0], $0xffff  }
0x2bf: {  	v32 =	vor.u32 $0x1A, v1;
	v55 =	vld.idx.msk [tilespmem:v61+s12+$0x0], $0xffff  }
0x2c0: {  	v61 =	vld.idx.msk [tilespmem:v36+s12+$0x0], $0xffff;
	v36 =	vor.u32 $0x1E, v2  }
0x2c1: {  	v9 =	vor.u32 $0x1E, v1;
	[tilespmem:$0x1FF10] =	vst v0;
	v0 =	vld.idx.msk [tilespmem:v59+s11+$0x0], $0xffff  }
0x2c2: {  	[tilespmem:$0x1FF50] =	vst v4;
	v4 =	vld.idx.msk [tilespmem:v23+s11+$0x0], $0xffff  }
0x2c3: {  	v22 =	vor.u32 $0xB, v1;
	v23 =	vld.idx.msk [tilespmem:v60+s11+$0x0], $0xffff  }
0x2c4: {  	v25 =	vor.u32 $0xC, v1;
	v60 =	vld.idx.msk [tilespmem:v32+s12+$0x0], $0xffff  }
0x2c5: {  	v21 =	vor.u32 $0xB, v2;
	v32 =	vld.idx.msk [tilespmem:v36+s11+$0x0], $0xffff  }
0x2c6: {  	v26 =	vor.u32 $0xD, v2;
	v36 =	vld.idx.msk [tilespmem:v9+s12+$0x0], $0xffff  }
0x2c7: {  	v27 =	vor.u32 $0xD, v1;
	v9 =	vld.idx.msk [tilespmem:v2+s11+$0x0], $0xffff  }
0x2c8: {  	v29 =	vor.u32 $0xE, v1;
	v45 =	vld.idx.msk [tilespmem:v22+s12+$0x0], $0xffff  }
0x2c9: {  	v30 =	vor.u32 $0xF, v2;
	v46 =	vld.idx.msk [tilespmem:v25+s12+$0x0], $0xffff  }
0x2ca: {  	v10 =	vor.u32 $0x1F, v2;
	[tilespmem:$0x1FF40] =	vst v0;
	v0 =	vld.idx.msk [tilespmem:v21+s11+$0x0], $0xffff  }
0x2cb: {  	v31 =	vld.idx.msk [tilespmem:v26+s11+$0x0], $0xffff  }
0x2cc: {  	v47 =	vld.idx.msk [tilespmem:v27+s12+$0x0], $0xffff;
	v5 =	vmul.f32 v5, v9  }
0x2cd: {  	v33 =	vor.u32 $0x10, v2;
	v48 =	vld.idx.msk [tilespmem:v29+s12+$0x0], $0xffff  }
0x2ce: {  	v53 =	vor.u32 $0x11, v1;
	v17 =	vld.idx.msk [tilespmem:v30+s11+$0x0], $0xffff;
	[tilespmem:$0x1FF20] =	vst v3;
	v12 =	vmul.f32 v12, v34;
	v34 =	vadd.f32 $0.0e+00, v5  }
0x2cf: {  	v54 =	vor.u32 $0x12, v2;
	[tilespmem:$0x1FF90] =	vst v0;
	v0 =	vld.idx.msk [tilespmem:v10+s11+$0x0], $0xffff  }
0x2d0: {  	v12 =	vadd.f32 v12, v34;
	v34 =	vld [tilespmem:$0x1FF20]  }
0x2d1: {  	v16 =	vor.u32 $0x9, v2;
	v9 =	vld [tilespmem:$0x1FF10]  }
0x2d2: {  	v18 =	vld.idx.msk [tilespmem:v33+s11+$0x0], $0xffff;
	v57 =	vor.u32 $0x13, v1  }
0x2d3: {  	v51 =	vld.idx.msk [tilespmem:v53+s12+$0x0], $0xffff;
	v58 =	vor.u32 $0x14, v2  }
0x2d4: {  	v20 =	vld.idx.msk [tilespmem:v54+s11+$0x0], $0xffff;
	v13 =	vor.u32 $0x17, v2;
	[tilespmem:$0x1FF30] =	vst v62  }
0x2d5: {  	v34 =	vmul.f32 v38, v34;
	v38 =	vld [tilespmem:$0x1FF30]  }
0x2d6: {  	v15 =	vor.u32 $0x17, v1;
	v3 =	vld.idx.msk [tilespmem:v16+s11+$0x0], $0xffff;
	[tilespmem:$0x1FFD0] =	vst v0;
	v0 =	vmul.f32 v37, v9  }
0x2d7: {  	v29 =	vor.u32 $0x19, v2;
	v53 =	vld.idx.msk [tilespmem:v57+s12+$0x0], $0xffff  }
0x2d8: {  	v33 =	vor.u32 $0x1B, v2;
	v22 =	vld.idx.msk [tilespmem:v58+s11+$0x0], $0xffff;
	v14 =	vmul.f32 v14, v35;
	v0 =	vadd.f32 $0.0e+00, v0  }
0x2d9: {  	v28 =	vor.u32 $0xE, v2;
	v25 =	vld.idx.msk [tilespmem:v13+s11+$0x0], $0xffff  }
0x2da: {  	v0 =	vadd.f32 v14, v0;
	v14 =	vmul.f32 v39, v38;
	v39 =	vld [tilespmem:$0x1FF40]  }
0x2db: {  	v56 =	vor.u32 $0x13, v2;
	v57 =	vld.idx.msk [tilespmem:v15+s12+$0x0], $0xffff  }
0x2dc: {  	v59 =	vor.u32 $0x14, v1;
	v27 =	vld.idx.msk [tilespmem:v29+s11+$0x0], $0xffff  }
0x2dd: {  	v62 =	vor.u32 $0x16, v2;
	v29 =	vld.idx.msk [tilespmem:v33+s11+$0x0], $0xffff  }
0x2de: {  	v63 =	vor.u32 $0x16, v1;
	[tilespmem:$0x1FF70] =	vst v3;
	v3 =	vld.idx.msk [tilespmem:v28+s11+$0x0], $0xffff  }
0x2df: {  	v12 =	vadd.f32 v34, v12;
	v34 =	vmul.f32 v40, v39;
	v40 =	vld [tilespmem:$0x1FF50]  }
0x2e0: {  	v16 =	vor.u32 $0x18, v2;
	v21 =	vld.idx.msk [tilespmem:v56+s11+$0x0], $0xffff  }
0x2e1: {  	v30 =	vor.u32 $0x19, v1;
	v54 =	vld.idx.msk [tilespmem:v59+s12+$0x0], $0xffff  }
0x2e2: {  	[tilespmem:$0x1FF80] =	vst v24;
	v13 =	vor.u32 $0x1C, v2;
	v24 =	vld.idx.msk [tilespmem:v62+s11+$0x0], $0xffff  }
0x2e3: {  	v15 =	vor.u32 $0x1C, v1;
	v56 =	vld.idx.msk [tilespmem:v63+s12+$0x0], $0xffff  }
0x2e4: {  	v0 =	vadd.f32 v14, v0;
	v14 =	vmul.f32 v41, v40;
	v41 =	vld [tilespmem:$0x1FF60]  }
0x2e5: {  	v33 =	vor.u32 $0x1D, v1;
	v26 =	vld.idx.msk [tilespmem:v16+s11+$0x0], $0xffff  }
0x2e6: {  	v11 =	vor.u32 $0x1F, v1;
	v59 =	vld.idx.msk [tilespmem:v30+s12+$0x0], $0xffff  }
0x2e7: {  	v35 =	vor.u32 $0x27, v2;
	v30 =	vld.idx.msk [tilespmem:v13+s11+$0x0], $0xffff  }
0x2e8: {  	v28 =	vor.u32 $0x18, v1;
	v62 =	vld.idx.msk [tilespmem:v15+s12+$0x0], $0xffff  }
0x2e9: {  	v12 =	vadd.f32 v34, v12;
	v34 =	vmul.f32 v42, v41;
	v42 =	vld [tilespmem:$0x1FF70]  }
0x2ea: {  	[tilespmem:$0x1FFB0] =	vst v31;
	v31 =	vor.u32 $0x1A, v2;
	v63 =	vld.idx.msk [tilespmem:v33+s12+$0x0], $0xffff  }
0x2eb: {  	v16 =	vor.u32 $0x1D, v2;
	v33 =	vld.idx.msk [tilespmem:v11+s12+$0x0], $0xffff  }
0x2ec: {  	v13 =	vor.u32 $0x20, v2;
	v35 =	vld.idx.msk [tilespmem:v35+s11+$0x0], $0xffff  }
0x2ed: {  	v15 =	vor.u32 $0x20, v1;
	v58 =	vld.idx.msk [tilespmem:v28+s12+$0x0], $0xffff  }
0x2ee: {  	v0 =	vadd.f32 v14, v0;
	v14 =	vmul.f32 v43, v42;
	v43 =	vld [tilespmem:$0x1FF80]  }
0x2ef: {  	v6 =	vor.u32 $0x22, v1;
	v28 =	vld.idx.msk [tilespmem:v31+s11+$0x0], $0xffff  }
0x2f0: {  	v7 =	vor.u32 $0x24, v2;
	v31 =	vld.idx.msk [tilespmem:v16+s11+$0x0], $0xffff  }
0x2f1: {  	[tilespmem:$0x1FFA0] =	vst v4;
	v16 =	vor.u32 $0x21, v2;
	v4 =	vld.idx.msk [tilespmem:v13+s11+$0x0], $0xffff  }
0x2f2: {  	v13 =	vor.u32 $0x21, v1;
	v11 =	vld.idx.msk [tilespmem:v15+s12+$0x0], $0xffff  }
0x2f3: {  	v12 =	vadd.f32 v34, v12;
	v34 =	vmul.f32 v44, v43;
	v44 =	vld [tilespmem:$0x1FF90]  }
0x2f4: {  	v8 =	vor.u32 $0x23, v2;
	v10 =	vld.idx.msk [tilespmem:v6+s12+$0x0], $0xffff  }
0x2f5: {  	[tilespmem:$0x1FFC0] =	vst v3;
	v3 =	vor.u32 $0x23, v1;
	v5 =	vld.idx.msk [tilespmem:v7+s11+$0x0], $0xffff  }
0x2f6: {  	v6 =	vor.u32 $0x25, v2;
	v16 =	vld.idx.msk [tilespmem:v16+s11+$0x0], $0xffff  }
0x2f7: {  	[tilespmem:$0x1FFE0] =	vst v4;
	v4 =	vor.u32 $0x22, v2;
	v13 =	vld.idx.msk [tilespmem:v13+s12+$0x0], $0xffff  }
0x2f8: {  	v0 =	vadd.f32 v14, v0;
	v14 =	vmul.f32 v45, v44;
	v45 =	vld [tilespmem:$0x1FFA0]  }
0x2f9: {  	v7 =	vor.u32 $0x26, v1;
	v37 =	vld.idx.msk [tilespmem:v8+s11+$0x0], $0xffff  }
0x2fa: {  	v8 =	vor.u32 $0x25, v1;
	v9 =	vld.idx.msk [tilespmem:v3+s12+$0x0], $0xffff  }
0x2fb: {  	v3 =	vor.u32 $0x26, v2;
	v6 =	vld.idx.msk [tilespmem:v6+s11+$0x0], $0xffff  }
0x2fc: {  	v15 =	vld.idx.msk [tilespmem:v4+s11+$0x0], $0xffff;
	v4 =	vor.u32 $0x24, v1  }
0x2fd: {  	v12 =	vadd.f32 v34, v12;
	v34 =	vmul.f32 v46, v45;
	v46 =	vld [tilespmem:$0x1FFB0]  }
0x2fe: {  	v7 =	vld.idx.msk [tilespmem:v7+s12+$0x0], $0xffff;
	v38 =	vor.u32 $0x27, v1  }
0x2ff: {  	v8 =	vld.idx.msk [tilespmem:v8+s12+$0x0], $0xffff;
	v39 =	vor.u32 $0x28, v2  }
0x300: {  	v3 =	vld.idx.msk [tilespmem:v3+s11+$0x0], $0xffff;
	v40 =	vor.u32 $0x28, v1  }
0x301: {  	v4 =	vld.idx.msk [tilespmem:v4+s12+$0x0], $0xffff;
	v41 =	vor.u32 $0x29, v2  }
0x302: {  	v42 =	vor.u32 $0x29, v1;
	v0 =	vadd.f32 v14, v0;
	v14 =	vmul.f32 v47, v46;
	v47 =	vld [tilespmem:$0x1FFC0]  }
0x303: {  	v38 =	vld.idx.msk [tilespmem:v38+s12+$0x0], $0xffff;
	v45 =	vor.u32 $0x2B, v2  }
0x304: {  	v39 =	vld.idx.msk [tilespmem:v39+s11+$0x0], $0xffff;
	v46 =	vor.u32 $0x2B, v1  }
0x305: {  	v40 =	vld.idx.msk [tilespmem:v40+s12+$0x0], $0xffff;
	v43 =	vor.u32 $0x2A, v2  }
0x306: {  	v41 =	vld.idx.msk [tilespmem:v41+s11+$0x0], $0xffff;
	v44 =	vor.u32 $0x2A, v1;
	v12 =	vadd.f32 v34, v12;
	v0 =	vadd.f32 v14, v0  }
0x307: {  	v42 =	vld.idx.msk [tilespmem:v42+s12+$0x0], $0xffff;
	v34 =	vmul.f32 v48, v47;
	v47 =	vor.u32 $0x2C, v2;
	v48 =	vmul.f32 v49, v17  }
0x308: {  	v51 =	vmul.f32 v51, v19;
	v19 =	vld.idx.msk [tilespmem:v45+s11+$0x0], $0xffff;
	v49 =	vor.u32 $0x2C, v1  }
0x309: {  	v52 =	vmul.f32 v52, v20;
	v20 =	vld.idx.msk [tilespmem:v46+s12+$0x0], $0xffff;
	v46 =	vor.u32 $0x2E, v2;
	v0 =	vadd.f32 v48, v0  }
0x30a: {  	v18 =	vmul.f32 v50, v18;
	v45 =	vor.u32 $0x2D, v1;
	v17 =	vld.idx.msk [tilespmem:v43+s11+$0x0], $0xffff  }
0x30b: {  	v12 =	vadd.f32 v34, v12;
	v34 =	vld.idx.msk [tilespmem:v44+s12+$0x0], $0xffff;
	v0 =	vadd.f32 v51, v0;
	v51 =	vor.u32 $0x2F, v1  }
0x30c: {  	v50 =	vmul.f32 v55, v23;
	v55 =	vor.u32 $0x30, v1;
	v53 =	vmul.f32 v53, v21;
	v21 =	vld.idx.msk [tilespmem:v47+s11+$0x0], $0xffff  }
0x30d: {  	v48 =	vmul.f32 v54, v22;
	v12 =	vadd.f32 v18, v12;
	v22 =	vld.idx.msk [tilespmem:v49+s12+$0x0], $0xffff;
	v49 =	vor.u32 $0x2F, v2  }
0x30e: {  	v54 =	vmul.f32 v57, v25;
	v25 =	vld.idx.msk [tilespmem:v46+s11+$0x0], $0xffff;
	v0 =	vadd.f32 v53, v0;
	v53 =	vor.u32 $0x30, v2  }
0x30f: {  	v57 =	vor.u32 $0x31, v2;
	v12 =	vadd.f32 v52, v12;
	v52 =	vmul.f32 v56, v24;
	v24 =	vld.idx.msk [tilespmem:v45+s12+$0x0], $0xffff  }
0x310: {  	v60 =	vmul.f32 v60, v28;
	v56 =	vmul.f32 v58, v26;
	v28 =	vld.idx.msk [tilespmem:v51+s12+$0x0], $0xffff  }
0x311: {  	v58 =	vmul.f32 v59, v27;
	v59 =	vor.u32 $0x31, v1;
	v51 =	vmul.f32 v62, v30;
	v30 =	vld.idx.msk [tilespmem:v55+s12+$0x0], $0xffff  }
0x312: {  	v12 =	vadd.f32 v48, v12;
	v0 =	vadd.f32 v50, v0;
	v27 =	vld.idx.msk [tilespmem:v49+s11+$0x0], $0xffff  }
0x313: {  	v44 =	vor.u32 $0x2D, v2;
	v47 =	vor.u32 $0x2E, v1;
	v49 =	vmul.f32 v61, v29;
	v29 =	vld.idx.msk [tilespmem:v53+s11+$0x0], $0xffff  }
0x314: {  	v12 =	vadd.f32 v52, v12;
	v0 =	vadd.f32 v54, v0;
	v53 =	vmul.f32 v63, v31;
	v31 =	vld.idx.msk [tilespmem:v57+s11+$0x0], $0xffff  }
0x315: {  	v50 =	vor.u32 $0x32, v1;
	v55 =	vmul.f32 v36, v32;
	v57 =	vld [tilespmem:$0x1FFD0]  }
0x316: {  	v62 =	vor.u32 $0x36, v2;
	v32 =	vld.idx.msk [tilespmem:v59+s12+$0x0], $0xffff;
	v12 =	vadd.f32 v56, v12;
	v0 =	vadd.f32 v58, v0  }
0x317: {  	v13 =	vmul.f32 v13, v16;
	v61 =	vor.u32 $0x35, v1;
	v59 =	vld [tilespmem:$0x1FFE0]  }
0x318: {  	v26 =	vld.idx.msk [tilespmem:v47+s12+$0x0], $0xffff;
	v47 =	vor.u32 $0x38, v1;
	v12 =	vadd.f32 v60, v12;
	v0 =	vadd.f32 v49, v0  }
0x319: {  	v10 =	vmul.f32 v10, v15;
	v23 =	vld.idx.msk [tilespmem:v44+s11+$0x0], $0xffff;
	v48 =	vor.u32 $0x32, v2;
	v63 =	vor.u32 $0x36, v1  }
0x31a: {  	v18 =	vld.idx.msk [tilespmem:v50+s12+$0x0], $0xffff;
	v12 =	vadd.f32 v51, v12;
	v0 =	vadd.f32 v53, v0;
	v14 =	vmul.f32 v33, v57  }
0x31b: {  	v3 =	vmul.f32 v7, v3;
	v52 =	vor.u32 $0x33, v2;
	v58 =	vor.u32 $0x34, v1;
	v15 =	vld.idx.msk [tilespmem:v62+s11+$0x0], $0xffff  }
0x31c: {  	v7 =	vld.idx.msk [tilespmem:v61+s12+$0x0], $0xffff;
	v11 =	vmul.f32 v11, v59;
	v12 =	vadd.f32 v55, v12;
	v0 =	vadd.f32 v14, v0  }
0x31d: {  	v9 =	vmul.f32 v9, v37;
	v6 =	vmul.f32 v8, v6;
	v60 =	vor.u32 $0x35, v2;
	v16 =	vld.idx.msk [tilespmem:v47+s12+$0x0], $0xffff  }
0x31e: {  	v49 =	vor.u32 $0x39, v2;
	v33 =	vld.idx.msk [tilespmem:v48+s11+$0x0], $0xffff;
	v11 =	vadd.f32 v11, v12;
	v0 =	vadd.f32 v13, v0  }
0x31f: {  	v4 =	vmul.f32 v4, v5;
	v46 =	vmul.f32 v38, v35;
	v54 =	vor.u32 $0x33, v1;
	v35 =	vld.idx.msk [tilespmem:v63+s12+$0x0], $0xffff  }
0x320: {  	v56 =	vor.u32 $0x34, v2;
	v5 =	vld.idx.msk [tilespmem:v58+s12+$0x0], $0xffff;
	v10 =	vadd.f32 v10, v11;
	v0 =	vadd.f32 v9, v0  }
0x321: {  	v43 =	vor.u32 $0x37, v2;
	v38 =	vor.u32 $0x3D, v2;
	v51 =	vor.u32 $0x39, v1;
	v14 =	vld.idx.msk [tilespmem:v52+s11+$0x0], $0xffff  }
0x322: {  	v53 =	vor.u32 $0x3A, v2;
	v8 =	vld.idx.msk [tilespmem:v60+s11+$0x0], $0xffff;
	v4 =	vadd.f32 v4, v10;
	v0 =	vadd.f32 v6, v0  }
0x323: {  	v45 =	vor.u32 $0x38, v2;
	v50 =	vmul.f32 v42, v41;
	v57 =	vor.u32 $0x3B, v2;
	v59 =	vld.idx.msk [tilespmem:v49+s11+$0x0], $0xffff  }
0x324: {  	v48 =	vmul.f32 v40, v39;
	v12 =	vld.idx.msk [tilespmem:v54+s12+$0x0], $0xffff;
	v3 =	vadd.f32 v3, v4;
	v0 =	vadd.f32 v46, v0  }
0x325: {  	v44 =	vor.u32 $0x37, v1;
	v52 =	vmul.f32 v34, v17;
	v55 =	vor.u32 $0x3A, v1;
	v13 =	vld.idx.msk [tilespmem:v56+s11+$0x0], $0xffff  }
0x326: {  	v54 =	vmul.f32 v20, v19;
	v62 =	vld.idx.msk [tilespmem:v51+s12+$0x0], $0xffff;
	v3 =	vadd.f32 v48, v3;
	v0 =	vadd.f32 v50, v0  }
0x327: {  	v61 =	vmul.f32 v26, v25;
	v58 =	vmul.f32 v24, v23;
	v60 =	vor.u32 $0x3B, v1;
	v17 =	vld.idx.msk [tilespmem:v53+s11+$0x0], $0xffff  }
0x328: {  	v56 =	vmul.f32 v22, v21;
	v20 =	vld.idx.msk [tilespmem:v57+s11+$0x0], $0xffff;
	v3 =	vadd.f32 v52, v3;
	v0 =	vadd.f32 v54, v0  }
0x329: {  	v63 =	vor.u32 $0x3C, v2;
	v34 =	vmul.f32 v28, v27;
	v11 =	vld.idx.msk [tilespmem:v43+s11+$0x0], $0xffff;
	v43 =	vor.u32 $0x3E, v2  }
0x32a: {  	v9 =	vld.idx.msk [tilespmem:v44+s12+$0x0], $0xffff;
	v2 =	vor.u32 $0x3F, v2;
	v3 =	vadd.f32 v56, v3;
	v0 =	vadd.f32 v58, v0  }
0x32b: {  	v36 =	vor.u32 $0x3C, v1;
	v37 =	vmul.f32 v30, v29;
	v19 =	vld.idx.msk [tilespmem:v55+s12+$0x0], $0xffff  }
0x32c: {  	v39 =	vmul.f32 v32, v31;
	v10 =	vld.idx.msk [tilespmem:v45+s11+$0x0], $0xffff;
	v3 =	vadd.f32 v61, v3;
	v0 =	vadd.f32 v34, v0  }
0x32d: {  	v40 =	vor.u32 $0x3D, v1;
	v41 =	vmul.f32 v18, v33;
	v42 =	vld.idx.msk [tilespmem:v60+s12+$0x0], $0xffff  }
0x32e: {  	v45 =	vld.idx.msk [tilespmem:v63+s11+$0x0], $0xffff;
	v44 =	vmul.f32 v12, v14;
	v3 =	vadd.f32 v37, v3;
	v0 =	vadd.f32 v39, v0  }
0x32f: {  	v49 =	vmul.f32 v7, v8;
	v46 =	vor.u32 $0x3E, v1;
	v1 =	vor.u32 $0x3F, v1;
	v2 =	vld.idx.msk [tilespmem:v2+s11+$0x0], $0xffff  }
0x330: {  	v47 =	vmul.f32 v5, v13;
	v48 =	vld.idx.msk [tilespmem:v36+s12+$0x0], $0xffff;
	v3 =	vadd.f32 v41, v3;
	v0 =	vadd.f32 v44, v0  }
0x331: {  	v51 =	vmul.f32 v35, v15;
	v50 =	vld.idx.msk [tilespmem:v38+s11+$0x0], $0xffff  }
0x332: {  	v53 =	vmul.f32 v9, v11;
	v52 =	vld.idx.msk [tilespmem:v40+s12+$0x0], $0xffff;
	v3 =	vadd.f32 v47, v3;
	v0 =	vadd.f32 v49, v0  }
0x333: {  	v57 =	vmul.f32 v62, v59;
	v54 =	vld.idx.msk [tilespmem:v43+s11+$0x0], $0xffff  }
0x334: {  	v55 =	vmul.f32 v16, v10;
	v1 =	vld.idx.msk [tilespmem:v1+s12+$0x0], $0xffff;
	v3 =	vadd.f32 v51, v3;
	v0 =	vadd.f32 v53, v0  }
0x335: {  	v59 =	vmul.f32 v42, v20;
	v56 =	vld.idx.msk [tilespmem:v46+s12+$0x0], $0xffff  }
0x336: {  	v58 =	vmul.f32 v19, v17;
	v3 =	vadd.f32 v55, v3;
	v0 =	vadd.f32 v57, v0  }
0x337: {  	v60 =	vmul.f32 v48, v45  }
0x338: {  	v61 =	vmul.f32 v52, v50;
	v3 =	vadd.f32 v58, v3;
	v0 =	vadd.f32 v59, v0  }
0x339: {  	v1 =	vmul.f32 v1, v2  }
0x33a: {  	v62 =	vmul.f32 v56, v54;
	v3 =	vadd.f32 v60, v3;
	v0 =	vadd.f32 v61, v0  }
0x33b: {  	p0 =	seq.s32 s28, $0x780  }
.Ltmp4:
0x33c: {  	v63 =	vadd.f32 v62, v3;
	v0 =	vadd.f32 v1, v0;
	(pc) =	sbr.rel @p0 .LBB2_4-.Ltmp4, $3  }
0x33d: {  	_ = 	snop  }
0x33e: {  	v0 =	vadd.f32 v0, v63;
	_ =	sdelay $0x1  }
0x33f: {  	[tilespmem:s29+$0x10400] =	vst v0  }
0x340: {  	v0 =	vld [tilespmem:s29+$0x20];
	_ =	sdelay $0x1  }
0x341: {  	v1 =	vld [tilespmem:s29+$0x220];
	_ =	sdelay $0x2  }
0x342: {  	v0 =	vshrl.u32 v0, $0x3  }
0x343: {  	v2 =	vshll.u32 v0, $0x7  }
0x344: {  	v63 =	vshrl.u32 v1, $0x3;
	(v2sf) =	vpush v2, $0x0  }
0x345: {  	v1 =	vshll.u32 v63, $0x7  }
0x346: {  	(v2sf) =	vpush v1, $0x0;
	_ =	sdelay $0x2  }
0x347: {  	(v2sf) =	vpush v2, $0x1;
	_ =	sdelay $0x4  }
0x348: {  	(v2sf) =	vpush v1, $0x1;
	_ =	sdelay $0x4  }
0x349: {  	s30 =	spop (v2sf);
	(v2sf) =	vpush v2, $0x2;
	_ =	sdelay $0x1  }
0x34a: {  	s30 =	sand.u32 $0x1FFFFF80, s30;
	s0 =	spop (v2sf);
	(v2sf) =	vpush v1, $0x2  }
0x34b: {  	s30 =	sadd.s32 s3, s30  }
0x34c: {  	[tilespmem:s11], [sflag:$0x1] =	stream.linear.gather [hbm4b:s30+s1], $0x400, $0x38;
	[tilespmem:$0x10600] =	vst v63  }
0x34d: {  	s30 =	sand.u32 $0x1FFFFF80, s0;
	s0 =	spop (v2sf);
	(v2sf) =	vpush v2, $0x3;
	_ =	sdelay $0x2  }
0x34e: {  	s30 =	sadd.s32 s4, s30  }
0x34f: {  	[tilespmem:s12], [sflag:$0x1] =	stream.linear.gather [hbm4b:s30+s1], $0x400, $0x38;
	[tilespmem:$0x10600] =	vst v63  }
0x350: {  	s30 =	sand.u32 $0x1FFFFF80, s0;
	s0 =	spop (v2sf);
	(v2sf) =	vpush v1, $0x3;
	_ =	sdelay $0x1  }
0x351: {  	s31 =	simm.s32 $0x800;
	s30 =	sadd.s32 s3, s30  }
0x352: {  	[tilespmem:s31], [sflag:$0x1] =	stream.linear.gather [hbm4b:s30+s1], $0x400, $0x38;
	[tilespmem:$0x10600] =	vst v63  }
0x353: {  	s30 =	sand.u32 $0x1FFFFF80, s0  }
0x354: {  	s31 =	simm.s32 $0x4800;
	s30 =	sadd.s32 s4, s30;
	s0 =	spop (v2sf);
	(v2sf) =	vpush v2, $0x4  }
0x355: {  	[tilespmem:s31], [sflag:$0x1] =	stream.linear.gather [hbm4b:s30+s1], $0x400, $0x38;
	[tilespmem:$0x10600] =	vst v63  }
0x356: {  	s30 =	sand.u32 $0x1FFFFF80, s0;
	s0 =	spop (v2sf);
	(v2sf) =	vpush v1, $0x4  }
0x357: {  	s31 =	simm.s32 $0xC00;
	s30 =	sadd.s32 s3, s30  }
0x358: {  	[tilespmem:s31], [sflag:$0x1] =	stream.linear.gather [hbm4b:s30+s1], $0x400, $0x38;
	[tilespmem:$0x10600] =	vst v63  }
0x359: {  	s30 =	sand.u32 $0x1FFFFF80, s0;
	s0 =	spop (v2sf);
	(v2sf) =	vpush v2, $0x5;
	_ =	sdelay $0x2  }
0x35a: {  	s31 =	simm.s32 $0x4C00;
	s30 =	sadd.s32 s4, s30  }
0x35b: {  	[tilespmem:s31], [sflag:$0x1] =	stream.linear.gather [hbm4b:s30+s1], $0x400, $0x38;
	[tilespmem:$0x10600] =	vst v63  }
0x35c: {  	s30 =	sand.u32 $0x1FFFFF80, s0;
	s0 =	spop (v2sf);
	(v2sf) =	vpush v1, $0x5;
	_ =	sdelay $0x1  }
0x35d: {  	s31 =	simm.s32 $0x1000;
	s30 =	sadd.s32 s3, s30  }
0x35e: {  	[tilespmem:s31], [sflag:$0x1] =	stream.linear.gather [hbm4b:s30+s1], $0x400, $0x38;
	[tilespmem:$0x10600] =	vst v63  }
0x35f: {  	s30 =	sand.u32 $0x1FFFFF80, s0  }
0x360: {  	s31 =	simm.s32 $0x5000;
	s30 =	sadd.s32 s4, s30;
	s0 =	spop (v2sf);
	(v2sf) =	vpush v2, $0x6  }
0x361: {  	[tilespmem:s31], [sflag:$0x1] =	stream.linear.gather [hbm4b:s30+s1], $0x400, $0x38;
	[tilespmem:$0x10600] =	vst v63  }
0x362: {  	s30 =	sand.u32 $0x1FFFFF80, s0;
	s0 =	spop (v2sf);
	(v2sf) =	vpush v1, $0x6  }
0x363: {  	s31 =	simm.s32 $0x1400;
	s30 =	sadd.s32 s3, s30  }
0x364: {  	[tilespmem:s31], [sflag:$0x1] =	stream.linear.gather [hbm4b:s30+s1], $0x400, $0x38;
	[tilespmem:$0x10600] =	vst v63  }
0x365: {  	s30 =	sand.u32 $0x1FFFFF80, s0;
	s0 =	spop (v2sf);
	(v2sf) =	vpush v2, $0x7;
	_ =	sdelay $0x2  }
0x366: {  	s31 =	simm.s32 $0x5400;
	s30 =	sadd.s32 s4, s30  }
0x367: {  	[tilespmem:s31], [sflag:$0x1] =	stream.linear.gather [hbm4b:s30+s1], $0x400, $0x38;
	[tilespmem:$0x10600] =	vst v63  }
0x368: {  	s30 =	sand.u32 $0x1FFFFF80, s0;
	s0 =	spop (v2sf);
	(v2sf) =	vpush v1, $0x7;
	_ =	sdelay $0x1  }
0x369: {  	s31 =	simm.s32 $0x1800;
	s30 =	sadd.s32 s3, s30  }
0x36a: {  	[tilespmem:s31], [sflag:$0x1] =	stream.linear.gather [hbm4b:s30+s1], $0x400, $0x38;
	[tilespmem:$0x10600] =	vst v63  }
0x36b: {  	s30 =	sand.u32 $0x1FFFFF80, s0  }
0x36c: {  	s31 =	simm.s32 $0x5800;
	s30 =	sadd.s32 s4, s30;
	s0 =	spop (v2sf);
	(v2sf) =	vpush v2, $0x8  }
0x36d: {  	[tilespmem:s31], [sflag:$0x1] =	stream.linear.gather [hbm4b:s30+s1], $0x400, $0x38;
	[tilespmem:$0x10600] =	vst v63  }
0x36e: {  	s30 =	sand.u32 $0x1FFFFF80, s0;
	s0 =	spop (v2sf);
	(v2sf) =	vpush v1, $0x8  }
0x36f: {  	s31 =	simm.s32 $0x1C00;
	s30 =	sadd.s32 s3, s30  }
0x370: {  	[tilespmem:s31], [sflag:$0x1] =	stream.linear.gather [hbm4b:s30+s1], $0x400, $0x38;
	[tilespmem:$0x10600] =	vst v63  }
0x371: {  	s30 =	sand.u32 $0x1FFFFF80, s0;
	s0 =	spop (v2sf);
	(v2sf) =	vpush v2, $0x9;
	_ =	sdelay $0x2  }
0x372: {  	s31 =	simm.s32 $0x5C00;
	s30 =	sadd.s32 s4, s30  }
0x373: {  	[tilespmem:s31], [sflag:$0x1] =	stream.linear.gather [hbm4b:s30+s1], $0x400, $0x38;
	[tilespmem:$0x10600] =	vst v63  }
0x374: {  	s30 =	sand.u32 $0x1FFFFF80, s0;
	s0 =	spop (v2sf);
	(v2sf) =	vpush v1, $0x9;
	_ =	sdelay $0x1  }
0x375: {  	s31 =	simm.s32 $0x2000;
	s30 =	sadd.s32 s3, s30  }
0x376: {  	[tilespmem:s31], [sflag:$0x1] =	stream.linear.gather [hbm4b:s30+s1], $0x400, $0x38;
	[tilespmem:$0x10600] =	vst v63  }
0x377: {  	s30 =	sand.u32 $0x1FFFFF80, s0  }
0x378: {  	s31 =	simm.s32 $0x6000;
	s30 =	sadd.s32 s4, s30;
	s0 =	spop (v2sf);
	(v2sf) =	vpush v2, $0xA  }
0x379: {  	[tilespmem:s31], [sflag:$0x1] =	stream.linear.gather [hbm4b:s30+s1], $0x400, $0x38;
	[tilespmem:$0x10600] =	vst v63  }
0x37a: {  	s30 =	sand.u32 $0x1FFFFF80, s0;
	s0 =	spop (v2sf);
	(v2sf) =	vpush v1, $0xA  }
0x37b: {  	s31 =	simm.s32 $0x2400;
	s30 =	sadd.s32 s3, s30  }
0x37c: {  	[tilespmem:s31], [sflag:$0x1] =	stream.linear.gather [hbm4b:s30+s1], $0x400, $0x38;
	[tilespmem:$0x10600] =	vst v63  }
0x37d: {  	s30 =	sand.u32 $0x1FFFFF80, s0;
	s0 =	spop (v2sf);
	(v2sf) =	vpush v2, $0xB;
	_ =	sdelay $0x2  }
0x37e: {  	s31 =	simm.s32 $0x6400;
	s30 =	sadd.s32 s4, s30  }
0x37f: {  	[tilespmem:s31], [sflag:$0x1] =	stream.linear.gather [hbm4b:s30+s1], $0x400, $0x38;
	[tilespmem:$0x10600] =	vst v63  }
0x380: {  	s30 =	sand.u32 $0x1FFFFF80, s0;
	s0 =	spop (v2sf);
	(v2sf) =	vpush v1, $0xB;
	_ =	sdelay $0x1  }
0x381: {  	s31 =	simm.s32 $0x2800;
	s30 =	sadd.s32 s3, s30  }
0x382: {  	[tilespmem:s31], [sflag:$0x1] =	stream.linear.gather [hbm4b:s30+s1], $0x400, $0x38;
	[tilespmem:$0x10600] =	vst v63  }
0x383: {  	s30 =	sand.u32 $0x1FFFFF80, s0  }
0x384: {  	s31 =	simm.s32 $0x6800;
	s30 =	sadd.s32 s4, s30;
	s0 =	spop (v2sf);
	(v2sf) =	vpush v2, $0xC  }
0x385: {  	[tilespmem:s31], [sflag:$0x1] =	stream.linear.gather [hbm4b:s30+s1], $0x400, $0x38;
	[tilespmem:$0x10600] =	vst v63  }
0x386: {  	s30 =	sand.u32 $0x1FFFFF80, s0;
	s0 =	spop (v2sf);
	(v2sf) =	vpush v1, $0xC  }
0x387: {  	s31 =	simm.s32 $0x2C00;
	s30 =	sadd.s32 s3, s30  }
0x388: {  	[tilespmem:s31], [sflag:$0x1] =	stream.linear.gather [hbm4b:s30+s1], $0x400, $0x38;
	[tilespmem:$0x10600] =	vst v63  }
0x389: {  	s30 =	sand.u32 $0x1FFFFF80, s0;
	s0 =	spop (v2sf);
	(v2sf) =	vpush v2, $0xD;
	_ =	sdelay $0x2  }
0x38a: {  	s31 =	simm.s32 $0x6C00;
	s30 =	sadd.s32 s4, s30  }
0x38b: {  	[tilespmem:s31], [sflag:$0x1] =	stream.linear.gather [hbm4b:s30+s1], $0x400, $0x38;
	[tilespmem:$0x10600] =	vst v63  }
0x38c: {  	s30 =	sand.u32 $0x1FFFFF80, s0;
	s0 =	spop (v2sf);
	(v2sf) =	vpush v1, $0xD;
	_ =	sdelay $0x1  }
0x38d: {  	s31 =	simm.s32 $0x3000;
	s30 =	sadd.s32 s3, s30  }
0x38e: {  	[tilespmem:s31], [sflag:$0x1] =	stream.linear.gather [hbm4b:s30+s1], $0x400, $0x38;
	[tilespmem:$0x10600] =	vst v63  }
0x38f: {  	s30 =	sand.u32 $0x1FFFFF80, s0  }
0x390: {  	s31 =	simm.s32 $0x7000;
	s30 =	sadd.s32 s4, s30;
	s0 =	spop (v2sf);
	(v2sf) =	vpush v2, $0xE  }
0x391: {  	[tilespmem:s31], [sflag:$0x1] =	stream.linear.gather [hbm4b:s30+s1], $0x400, $0x38;
	[tilespmem:$0x10600] =	vst v63  }
0x392: {  	s30 =	sand.u32 $0x1FFFFF80, s0;
	s0 =	spop (v2sf);
	(v2sf) =	vpush v1, $0xE  }
0x393: {  	s31 =	simm.s32 $0x3400;
	s30 =	sadd.s32 s3, s30  }
0x394: {  	[tilespmem:s31], [sflag:$0x1] =	stream.linear.gather [hbm4b:s30+s1], $0x400, $0x38;
	[tilespmem:$0x10600] =	vst v63  }
0x395: {  	s30 =	sand.u32 $0x1FFFFF80, s0;
	s0 =	spop (v2sf);
	(v2sf) =	vpush v2, $0xF;
	_ =	sdelay $0x1  }
0x396: {  	s31 =	simm.s32 $0x7400;
	s30 =	sadd.s32 s4, s30  }
0x397: {  	[tilespmem:s31], [sflag:$0x1] =	stream.linear.gather [hbm4b:s30+s1], $0x400, $0x38;
	[tilespmem:$0x10600] =	vst v63  }
0x398: {  	s30 =	sand.u32 $0x1FFFFF80, s0  }
0x399: {  	s31 =	simm.s32 $0x3800;
	s0 =	spop (v2sf);
	(v2sf) =	vpush v1, $0xF;
	s30 =	sadd.s32 s3, s30  }
0x39a: {  	[tilespmem:s31], [sflag:$0x1] =	stream.linear.gather [hbm4b:s30+s1], $0x400, $0x38;
	[tilespmem:$0x10600] =	vst v63  }
0x39b: {  	s30 =	sand.u32 $0x1FFFFF80, s0  }
0x39c: {  	s31 =	simm.s32 $0x7800;
	s30 =	sadd.s32 s4, s30  }
0x39d: {  	[tilespmem:s31], [sflag:$0x1] =	stream.linear.gather [hbm4b:s30+s1], $0x400, $0x38;
	[tilespmem:$0x10600] =	vst v63  }
0x39e: {  	s0 =	spop (v2sf)  }
0x39f: {  	s30 =	sand.u32 $0x1FFFFF80, s0  }
0x3a0: {  	s31 =	simm.s32 $0x3C00;
	s0 =	spop (v2sf);
	s30 =	sadd.s32 s3, s30  }
0x3a1: {  	[tilespmem:s31], [sflag:$0x1] =	stream.linear.gather [hbm4b:s30+s1], $0x400, $0x38;
	[tilespmem:$0x10600] =	vst v63  }
0x3a2: {  	s30 =	sand.u32 $0x1FFFFF80, s0  }
0x3a3: {  	s31 =	simm.s32 $0x7C00;
	s0 =	spop (v2sf);
	s30 =	sadd.s32 s4, s30  }
0x3a4: {  	[tilespmem:s31], [sflag:$0x1] =	stream.linear.gather [hbm4b:s30+s1], $0x400, $0x38;
	[tilespmem:$0x10600] =	vst v63  }
0x3a5: {  	s30 =	sand.u32 $0x1FFFFF80, s0  }
0x3a6: {  	s31 =	simm.s32 $0x4000;
	s30 =	sadd.s32 s3, s30  }
0x3a7: {  	[tilespmem:s31], [sflag:$0x1] =	stream.linear.gather [hbm4b:s30+s1], $0x400, $0x38;
	[tilespmem:$0x10600] =	vst v63  }
.Ltmp5:
0x3a8: {  	s0 =	spop (v2sf);
	(pc) =	sbr.rel .LBB2_4-.Ltmp5, $4  }
0x3a9: {  	s30 =	sand.u32 $0x1FFFFF80, s0  }
0x3aa: {  	s31 =	simm.s32 $0x8000;
	s30 =	sadd.s32 s4, s30  }
0x3ab: {  	[tilespmem:s31], [sflag:$0x1] =	stream.linear.gather [hbm4b:s30+s1], $0x400, $0x38;
	[tilespmem:$0x10600] =	vst v63  }
0x3ac: {  	s31 =	simm.s32 $0x8800  }
.LBB2_6:
0x3ad: {  	_ =	sfence.sel $0x180000  }
0x3ae: {  	[bflag:$0x0] =	sbarrier.arrive $0xFFFF  }
0x3af: {  	_ =	strace $0x90000047  }
0x3b0: {  	s0 =	stileid.u32;
	[bflag:$0x2] =	sbarrier.arrive $0xFFFF  }
0x3b1: {  	p0 =	sne.s32 s0, $0x0;
	s0 =	rddreg [dreg:$0x4]  }
0x3b2: {  	s0 =	sadd.s32 @!p0 $0x100000, s0  }
0x3b3: {  	[sflag:s0] =	ssyncadd.tile.s32 @!p0 $0x1;
	_ =	shalt  }
.Lfunc_end2:
_tile_overlayer_lowered:
.L_overlay_start_2:
0x3b4: {  	(tag) =	ssettag $0x2  }
0x3b5: {  	s0 =	rddreg [dreg:$0x0];
	s2 =	stileid.u32  }
0x3b6: {  	s1 =	rddreg [dreg:$0x1];
	p0 =	sne.s32 s2, $0x0  }
0x3b7: {  	s3 =	rddreg [dreg:$0x2];
	[bflag:$0x3] =	sbarrier.arrive $0xFFFF;
	s2 =	simm.s32 @!p0 $0x1C03  }
0x3b8: {  	[timem:s3], [sflag:s2] =	dma.local @!p0 [hbm:s0], s1  }
0x3b9: {  	s0 =	simm.s32 @!p0 $0x3  }
0x3ba: {  	_ =	swait.ge @!p0 [sflag:s0], s1  }
0x3bb: {  	s1 =	ssub.s32 @!p0 $0x0, s1;
	[sflag:s0] =	ssyncset.done @!p0 $0x0  }
0x3bc: {  	[sflag:s0] =	ssyncadd.s32 @!p0 s1  }
0x3bd: {  	[bflag:$0x3] =	sbarrier.arrive $0xFFFF  }
0x3be: {  	_ =	shalt  }

</sc_bundles>
